<compile_context>
chip_gen: v7x
topology: tpu7x:2x2x1
jax: 0.10.2.dev20260603
libtpu: 0.0.44.dev20260713+nightly
codegen_flags: <defaults>
</compile_context>

<pallas_src>
import functools

import jax
import jax.numpy as jnp
from jax import lax
from jax.experimental import pallas as pl
from jax.experimental.pallas import tpu as pltpu
from jax.experimental.pallas import tpu_sc as plsc

N_RATE = 6
N_GENRE = 25
N_DIRECTOR = 2186
N_YEAR = 81
EMB = 32
D = 2 + N_GENRE + N_DIRECTOR
B = 16384
BT = 1024

C0 = 2048
NJ = D - C0
NJP = ((NJ + 15) // 16) * 16
NW = 32
RW = B // NW
RC = 8


def _tc_main(x_ref, w_big_ref, w_rate_ref, w_year_ref, out_ref):
    xf = x_ref[...].astype(jnp.float32)
    big = jax.lax.dot_general(
        xf, w_big_ref[...],
        (((1,), (0,)), ((), ())),
        preferred_element_type=jnp.float32,
    )
    genre_sig = jax.nn.sigmoid(big[:, 0:EMB])
    dir_logits = big[:, EMB:2 * EMB]

    rate_idx = x_ref[:, 0:1]
    year_idx = x_ref[:, 1:2]
    oh_rate = (rate_idx == jax.lax.broadcasted_iota(jnp.int32, (1, N_RATE), 1)
               ).astype(jnp.float32)
    oh_year = (year_idx == jax.lax.broadcasted_iota(jnp.int32, (1, N_YEAR), 1)
               ).astype(jnp.float32)
    rate_emb = jax.lax.dot_general(
        oh_rate, w_rate_ref[...], (((1,), (0,)), ((), ())),
        preferred_element_type=jnp.float32)
    year_emb = jax.lax.dot_general(
        oh_year, w_year_ref[...], (((1,), (0,)), ((), ())),
        preferred_element_type=jnp.float32)

    out_ref[...] = jnp.concatenate(
        [rate_emb, year_emb, genre_sig, dir_logits], axis=1)


def _merge(a_ref, b_ref, out_ref):
    a = a_ref[...]
    dir_sig = jax.nn.sigmoid(a[:, 96:128] + b_ref[...])
    out_ref[...] = jnp.concatenate([a[:, 0:96], dir_sig], axis=1)


def _sc_body(x_hbm, wt_hbm, out_hbm, xbuf, wbuf, obuf):
    wid = lax.axis_index("s") * 2 + lax.axis_index("c")
    pltpu.sync_copy(wt_hbm, wbuf)

    def chunk(c, carry):
        b0 = wid * RW + c * RC
        start = b0 * D
        pltpu.sync_copy(x_hbm.at[pl.ds(start, RC * D)],
                        xbuf.at[pl.ds(0, RC * D)])
        for r in range(RC):
            rbase = r * D + C0

            def jloop(jc, accs, rbase=rbase):
                a0, a1 = accs
                xv = xbuf[pl.ds(rbase + jc * 16, 16)].astype(jnp.float32)
                wb = jc * 16 * 2 * 16
                for l in range(16):
                    xs = xv[l]
                    w0 = wbuf[pl.ds(wb + l * 32, 16)]
                    w1 = wbuf[pl.ds(wb + l * 32 + 16, 16)]
                    a0 = a0 + xs * w0
                    a1 = a1 + xs * w1
                return a0, a1

            acc0, acc1 = lax.fori_loop(
                0, NJP // 16, jloop,
                (jnp.zeros((16,), jnp.float32), jnp.zeros((16,), jnp.float32)))
            obuf[pl.ds(r * 32, 16)] = acc0
            obuf[pl.ds(r * 32 + 16, 16)] = acc1
        pltpu.sync_copy(obuf, out_hbm.at[pl.ds(b0 * 32, RC * 32)])
        return carry

    lax.fori_loop(0, RW // RC, chunk, 0)


def kernel(x, W_rate, W_year, W_genre, W_director):
    W_big = jnp.zeros((C0, 2 * EMB), jnp.float32)
    W_big = W_big.at[2:2 + N_GENRE, 0:EMB].set(W_genre)
    W_big = W_big.at[2 + N_GENRE:C0, EMB:].set(W_director[:C0 - 2 - N_GENRE])

    W_tail = jnp.zeros((NJP, EMB), jnp.float32)
    W_tail = W_tail.at[:NJ].set(W_director[C0 - 2 - N_GENRE:])
    w_tail_flat = W_tail.reshape(-1)

    x_flat = x.reshape(-1)

    mesh = plsc.VectorSubcoreMesh(
        core_axis_name="c", subcore_axis_name="s",
        num_cores=2, num_subcores=16)
    sc_fn = pl.kernel(
        _sc_body,
        out_type=jax.ShapeDtypeStruct((B * EMB,), jnp.float32),
        mesh=mesh,
        scratch_types=[
            pltpu.VMEM((RC * D + 32,), jnp.int32),
            pltpu.VMEM((NJP * EMB,), jnp.float32),
            pltpu.VMEM((RC * EMB,), jnp.float32),
        ],
    )
    sc_partial = sc_fn(x_flat, w_tail_flat).reshape(B, EMB)

    tc_out = pl.pallas_call(
        _tc_main,
        grid=(B // BT,),
        in_specs=[
            pl.BlockSpec((BT, C0), lambda i: (i, 0)),
            pl.BlockSpec((C0, 2 * EMB), lambda i: (0, 0)),
            pl.BlockSpec((N_RATE, EMB), lambda i: (0, 0)),
            pl.BlockSpec((N_YEAR, EMB), lambda i: (0, 0)),
        ],
        out_specs=pl.BlockSpec((BT, 4 * EMB), lambda i: (i, 0)),
        out_shape=jax.ShapeDtypeStruct((B, 4 * EMB), jnp.float32),
    )(x, W_big, W_rate, W_year)

    return pl.pallas_call(
        _merge,
        grid=(B // BT,),
        in_specs=[
            pl.BlockSpec((BT, 4 * EMB), lambda i: (i, 0)),
            pl.BlockSpec((BT, EMB), lambda i: (i, 0)),
        ],
        out_specs=pl.BlockSpec((BT, 4 * EMB), lambda i: (i, 0)),
        out_shape=jax.ShapeDtypeStruct((B, 4 * EMB), jnp.float32),
        input_output_aliases={0: 0},
    )(tc_out, sc_partial)

# --- scband reference (transcript-rebuilt; emitter-appended) ---
"""Pipeline reference for scband-item-emb-66065186947546 (READ-ONLY COPY).

The authoritative reference and input builder live on the scoring server;
editing this copy changes nothing except your own understanding.
"""

import jax, jax.numpy as jnp
import numpy as np

B = 16384
N_RATE = 6
N_GENRE = 25
N_DIRECTOR = 2186
N_YEAR = 81
EMB = 32


def setup_inputs(seed: int = 0) -> dict:
    key = jax.random.key(seed)
    k1, k2, k3, k4, k5 = jax.random.split(key, 5)
    # x packs [rate_idx, year_idx, genre multi-hot (25), director multi-hot (2186)].
    # Values in {0,1} are valid both as multi-hot indicators and as in-range
    # embedding indices for the rate/year tables.
    x = jax.random.randint(k1, (B, 2 + N_GENRE + N_DIRECTOR), 0, 2)
    W_rate = jax.random.normal(k2, (N_RATE, EMB), dtype=jnp.float32) * 0.05
    W_year = jax.random.normal(k3, (N_YEAR, EMB), dtype=jnp.float32) * 0.05
    W_genre = jax.random.normal(k4, (N_GENRE, EMB), dtype=jnp.float32) * 0.05
    W_director = jax.random.normal(k5, (N_DIRECTOR, EMB), dtype=jnp.float32) * 0.05
    return {"x": x, "W_rate": W_rate, "W_year": W_year, "W_genre": W_genre, "W_director": W_director}


def reference(x, W_rate, W_year, W_genre, W_director):
    rate_idx = x[:, 0]
    year_idx = x[:, 1]
    genre_idx = x[:, 2:2 + N_GENRE].astype(jnp.float32)
    director_idx = x[:, 2 + N_GENRE:].astype(jnp.float32)
    rate_emb = jnp.take(W_rate, rate_idx, axis=0)
    year_emb = jnp.take(W_year, year_idx, axis=0)
    genre_emb = jax.nn.sigmoid(genre_idx @ W_genre)
    director_emb = jax.nn.sigmoid(director_idx @ W_director)
    concat_emb = jnp.concatenate((rate_emb, year_emb, genre_emb, director_emb), axis=1)
    return concat_emb

if __name__ == "__main__":
    import jax
    _d = setup_inputs()
    print(jax.jit(kernel)(*tuple(_d.values())))

</pallas_src>

<mosaic_0001>
#map = affine_map<(d0, d1) -> (0)>
module attributes {stable_mosaic.version = 14 : i64} {
  func.func @_sc_body(%arg0: i32, %arg1: i32, %arg2: memref<36257792xi32, #tpu.memory_space<hbm>>, %arg3: memref<5632xf32, #tpu.memory_space<hbm>>, %arg4: memref<524288xf32, #tpu.memory_space<hbm>>, %arg5: memref<17736xi32, #tpu.memory_space<vmem>>, %arg6: memref<5632xf32, #tpu.memory_space<vmem>>, %arg7: memref<256xf32, #tpu.memory_space<vmem>>) attributes {dimension_semantics = [#tpu.dimension_semantics<core_parallel>, #tpu.dimension_semantics<subcore_parallel>], iteration_bounds = array<i64: 2, 16>, scalar_prefetch = 0 : i64, scratch_operands = 3 : i64, tpu.core_type = #tpu.core_type<sc_vector_subcore>, window_params = [{transform_indices = #map}, {transform_indices = #map}, {transform_indices = #map}]} {
    %mul3A = arith.constant 2 : i32
    %mul3A_0 = arith.muli %arg1, %mul3A : i32
    %add3A = arith.addi %mul3A_0, %arg0 : i32
    "tpu.region"() ({
      %run_scoped3A = tpu.sem_alloc : memref<!tpu.dma_semaphore, #tpu.memory_space<semaphore_mem>>
      tpu.enqueue_dma source(%arg3 : memref<5632xf32, #tpu.memory_space<hbm>>) target(%arg6 : memref<5632xf32, #tpu.memory_space<vmem>>) target_semaphore(%run_scoped3A : memref<!tpu.dma_semaphore, #tpu.memory_space<semaphore_mem>>)
      tpu.wait_dma2 semaphore(%run_scoped3A : memref<!tpu.dma_semaphore, #tpu.memory_space<semaphore_mem>>) src(%arg3 : memref<5632xf32, #tpu.memory_space<hbm>>) dst(%arg6 : memref<5632xf32, #tpu.memory_space<vmem>>)
      tpu.yield
    }) : () -> ()
    %scan3A = arith.constant 0 : i32
    %scan3A_1 = arith.constant 0 : i32
    %scan3A_2 = arith.constant 64 : i32
    %scan3A_3 = arith.addi %scan3A_1, %scan3A_2 : i32
    %scan3A_4 = arith.constant 1 : i32
    scf.for %scan3A_6 = %scan3A_1 to %scan3A_3 step %scan3A_4  : i32 {
      %mul3A_7 = arith.constant 512 : i32
      %mul3A_8 = arith.muli %add3A, %mul3A_7 : i32
      %mul3A_9 = arith.constant 8 : i32
      %mul3A_10 = arith.muli %scan3A_6, %mul3A_9 : i32
      %add3A_11 = arith.addi %mul3A_8, %mul3A_10 : i32
      %mul3A_12 = arith.constant 2213 : i32
      %mul3A_13 = arith.muli %add3A_11, %mul3A_12 : i32
      "tpu.region"() ({
        %run_scoped3A = tpu.sem_alloc : memref<!tpu.dma_semaphore, #tpu.memory_space<semaphore_mem>>
        %dma_start3A = arith.constant 0 : i32
        %dma_start3A_158 = tpu.memref_slice %arg5[%dma_start3A] : memref<17736xi32, #tpu.memory_space<vmem>> -> memref<17704xi32, #tpu.memory_space<vmem>>
        %dma_start3A_159 = tpu.memref_slice %arg2[%mul3A_13] : memref<36257792xi32, #tpu.memory_space<hbm>> -> memref<17704xi32, #tpu.memory_space<hbm>>
        %dma_start3A_160 = arith.constant 0 : i32
        %dma_start3A_161 = tpu.memref_slice %arg5[%dma_start3A_160] : memref<17736xi32, #tpu.memory_space<vmem>> -> memref<17704xi32, #tpu.memory_space<vmem>>
        %dma_start3A_162 = tpu.memref_slice %arg2[%mul3A_13] : memref<36257792xi32, #tpu.memory_space<hbm>> -> memref<17704xi32, #tpu.memory_space<hbm>>
        tpu.enqueue_dma source(%dma_start3A_162 : memref<17704xi32, #tpu.memory_space<hbm>>) target(%dma_start3A_161 : memref<17704xi32, #tpu.memory_space<vmem>>) target_semaphore(%run_scoped3A : memref<!tpu.dma_semaphore, #tpu.memory_space<semaphore_mem>>)
        %dma_wait3A = arith.constant 0 : i32
        %dma_wait3A_163 = tpu.memref_slice %arg5[%dma_wait3A] : memref<17736xi32, #tpu.memory_space<vmem>> -> memref<17704xi32, #tpu.memory_space<vmem>>
        %dma_wait3A_164 = tpu.memref_slice %arg2[%mul3A_13] : memref<36257792xi32, #tpu.memory_space<hbm>> -> memref<17704xi32, #tpu.memory_space<hbm>>
        %dma_wait3A_165 = arith.constant 0 : i32
        %dma_wait3A_166 = tpu.memref_slice %arg5[%dma_wait3A_165] : memref<17736xi32, #tpu.memory_space<vmem>> -> memref<17704xi32, #tpu.memory_space<vmem>>
        %dma_wait3A_167 = tpu.memref_slice %arg2[%mul3A_13] : memref<36257792xi32, #tpu.memory_space<hbm>> -> memref<17704xi32, #tpu.memory_space<hbm>>
        tpu.wait_dma2 semaphore(%run_scoped3A : memref<!tpu.dma_semaphore, #tpu.memory_space<semaphore_mem>>) src(%dma_wait3A_167 : memref<17704xi32, #tpu.memory_space<hbm>>) dst(%dma_wait3A_166 : memref<17704xi32, #tpu.memory_space<vmem>>)
        tpu.yield
      }) : () -> ()
      %broadcast_in_dim3A = arith.constant 0.000000e+00 : f32
      %broadcast_in_dim3A_14 = vector.broadcast %broadcast_in_dim3A : f32 to vector<16xf32>
      %broadcast_in_dim3A_15 = arith.constant 0.000000e+00 : f32
      %broadcast_in_dim3A_16 = vector.broadcast %broadcast_in_dim3A_15 : f32 to vector<16xf32>
      %scan3A_17 = arith.constant 0 : i32
      %scan3A_18 = arith.constant 11 : i32
      %scan3A_19 = arith.addi %scan3A_17, %scan3A_18 : i32
      %scan3A_20 = arith.constant 1 : i32
      %scan3A_21:2 = scf.for %scan3A_158 = %scan3A_17 to %scan3A_19 step %scan3A_20 iter_args(%scan3A_159 = %broadcast_in_dim3A_14, %scan3A_160 = %broadcast_in_dim3A_16) -> (vector<16xf32>, vector<16xf32>)  : i32 {
        %mul3A_161 = arith.constant 16 : i32
        %mul3A_162 = arith.muli %scan3A_158, %mul3A_161 : i32
        %add3A_163 = arith.constant 2048 : i32
        %add3A_164 = arith.addi %add3A_163, %mul3A_162 : i32
        %get3A = arith.index_cast %add3A_164 : i32 to index
        %get3A_165 = tpu.vector_load %arg5[%get3A] {strides = array<i32>} : memref<17736xi32, #tpu.memory_space<vmem>>, vector<16xi32>,
        %get3A_166 = vector.shape_cast %get3A_165 : vector<16xi32> to vector<16xi32>
        %convert_element_type3A = arith.sitofp %get3A_166 : vector<16xi32> to vector<16xf32>
        %mul3A_167 = arith.constant 16 : i32
        %mul3A_168 = arith.muli %scan3A_158, %mul3A_167 : i32
        %mul3A_169 = arith.constant 2 : i32
        %mul3A_170 = arith.muli %mul3A_168, %mul3A_169 : i32
        %mul3A_171 = arith.constant 16 : i32
        %mul3A_172 = arith.muli %mul3A_170, %mul3A_171 : i32
        %slice3A = vector.extract_strided_slice %convert_element_type3A {offsets = [0], sizes = [1], strides = [1]} : vector<16xf32> to vector<1xf32>
        %squeeze3A = vector.extract %slice3A[0] : f32 from vector<1xf32>
        %add3A_173 = arith.constant 0 : i32
        %add3A_174 = arith.addi %mul3A_172, %add3A_173 : i32
        %get3A_175 = arith.index_cast %add3A_174 : i32 to index
        %get3A_176 = tpu.vector_load %arg6[%get3A_175] {strides = array<i32>} : memref<5632xf32, #tpu.memory_space<vmem>>, vector<16xf32>,
        %get3A_177 = vector.shape_cast %get3A_176 : vector<16xf32> to vector<16xf32>
        %add3A_178 = arith.constant 0 : i32
        %add3A_179 = arith.addi %mul3A_172, %add3A_178 : i32
        %add3A_180 = arith.constant 16 : i32
        %add3A_181 = arith.addi %add3A_179, %add3A_180 : i32
        %get3A_182 = arith.index_cast %add3A_181 : i32 to index
        %get3A_183 = tpu.vector_load %arg6[%get3A_182] {strides = array<i32>} : memref<5632xf32, #tpu.memory_space<vmem>>, vector<16xf32>,
        %get3A_184 = vector.shape_cast %get3A_183 : vector<16xf32> to vector<16xf32>
        %mul3A_185 = vector.broadcast %squeeze3A : f32 to vector<16xf32>
        %mul3A_186 = arith.mulf %mul3A_185, %get3A_177 : vector<16xf32>
        %add3A_187 = arith.addf %scan3A_159, %mul3A_186 : vector<16xf32>
        %mul3A_188 = vector.broadcast %squeeze3A : f32 to vector<16xf32>
        %mul3A_189 = arith.mulf %mul3A_188, %get3A_184 : vector<16xf32>
        %add3A_190 = arith.addf %scan3A_160, %mul3A_189 : vector<16xf32>
        %slice3A_191 = vector.extract_strided_slice %convert_element_type3A {offsets = [1], sizes = [1], strides = [1]} : vector<16xf32> to vector<1xf32>
        %squeeze3A_192 = vector.extract %slice3A_191[0] : f32 from vector<1xf32>
        %add3A_193 = arith.constant 32 : i32
        %add3A_194 = arith.addi %mul3A_172, %add3A_193 : i32
        %get3A_195 = arith.index_cast %add3A_194 : i32 to index
        %get3A_196 = tpu.vector_load %arg6[%get3A_195] {strides = array<i32>} : memref<5632xf32, #tpu.memory_space<vmem>>, vector<16xf32>,
        %get3A_197 = vector.shape_cast %get3A_196 : vector<16xf32> to vector<16xf32>
        %add3A_198 = arith.constant 32 : i32
        %add3A_199 = arith.addi %mul3A_172, %add3A_198 : i32
        %add3A_200 = arith.constant 16 : i32
        %add3A_201 = arith.addi %add3A_199, %add3A_200 : i32
        %get3A_202 = arith.index_cast %add3A_201 : i32 to index
        %get3A_203 = tpu.vector_load %arg6[%get3A_202] {strides = array<i32>} : memref<5632xf32, #tpu.memory_space<vmem>>, vector<16xf32>,
        %get3A_204 = vector.shape_cast %get3A_203 : vector<16xf32> to vector<16xf32>
        %mul3A_205 = vector.broadcast %squeeze3A_192 : f32 to vector<16xf32>
        %mul3A_206 = arith.mulf %mul3A_205, %get3A_197 : vector<16xf32>
        %add3A_207 = arith.addf %add3A_187, %mul3A_206 : vector<16xf32>
        %mul3A_208 = vector.broadcast %squeeze3A_192 : f32 to vector<16xf32>
        %mul3A_209 = arith.mulf %mul3A_208, %get3A_204 : vector<16xf32>
        %add3A_210 = arith.addf %add3A_190, %mul3A_209 : vector<16xf32>
        %slice3A_211 = vector.extract_strided_slice %convert_element_type3A {offsets = [2], sizes = [1], strides = [1]} : vector<16xf32> to vector<1xf32>
        %squeeze3A_212 = vector.extract %slice3A_211[0] : f32 from vector<1xf32>
        %add3A_213 = arith.constant 64 : i32
        %add3A_214 = arith.addi %mul3A_172, %add3A_213 : i32
        %get3A_215 = arith.index_cast %add3A_214 : i32 to index
        %get3A_216 = tpu.vector_load %arg6[%get3A_215] {strides = array<i32>} : memref<5632xf32, #tpu.memory_space<vmem>>, vector<16xf32>,
        %get3A_217 = vector.shape_cast %get3A_216 : vector<16xf32> to vector<16xf32>
        %add3A_218 = arith.constant 64 : i32
        %add3A_219 = arith.addi %mul3A_172, %add3A_218 : i32
        %add3A_220 = arith.constant 16 : i32
        %add3A_221 = arith.addi %add3A_219, %add3A_220 : i32
        %get3A_222 = arith.index_cast %add3A_221 : i32 to index
        %get3A_223 = tpu.vector_load %arg6[%get3A_222] {strides = array<i32>} : memref<5632xf32, #tpu.memory_space<vmem>>, vector<16xf32>,
        %get3A_224 = vector.shape_cast %get3A_223 : vector<16xf32> to vector<16xf32>
        %mul3A_225 = vector.broadcast %squeeze3A_212 : f32 to vector<16xf32>
        %mul3A_226 = arith.mulf %mul3A_225, %get3A_217 : vector<16xf32>
        %add3A_227 = arith.addf %add3A_207, %mul3A_226 : vector<16xf32>
        %mul3A_228 = vector.broadcast %squeeze3A_212 : f32 to vector<16xf32>
        %mul3A_229 = arith.mulf %mul3A_228, %get3A_224 : vector<16xf32>
        %add3A_230 = arith.addf %add3A_210, %mul3A_229 : vector<16xf32>
        %slice3A_231 = vector.extract_strided_slice %convert_element_type3A {offsets = [3], sizes = [1], strides = [1]} : vector<16xf32> to vector<1xf32>
        %squeeze3A_232 = vector.extract %slice3A_231[0] : f32 from vector<1xf32>
        %add3A_233 = arith.constant 96 : i32
        %add3A_234 = arith.addi %mul3A_172, %add3A_233 : i32
        %get3A_235 = arith.index_cast %add3A_234 : i32 to index
        %get3A_236 = tpu.vector_load %arg6[%get3A_235] {strides = array<i32>} : memref<5632xf32, #tpu.memory_space<vmem>>, vector<16xf32>,
        %get3A_237 = vector.shape_cast %get3A_236 : vector<16xf32> to vector<16xf32>
        %add3A_238 = arith.constant 96 : i32
        %add3A_239 = arith.addi %mul3A_172, %add3A_238 : i32
        %add3A_240 = arith.constant 16 : i32
        %add3A_241 = arith.addi %add3A_239, %add3A_240 : i32
        %get3A_242 = arith.index_cast %add3A_241 : i32 to index
        %get3A_243 = tpu.vector_load %arg6[%get3A_242] {strides = array<i32>} : memref<5632xf32, #tpu.memory_space<vmem>>, vector<16xf32>,
        %get3A_244 = vector.shape_cast %get3A_243 : vector<16xf32> to vector<16xf32>
        %mul3A_245 = vector.broadcast %squeeze3A_232 : f32 to vector<16xf32>
        %mul3A_246 = arith.mulf %mul3A_245, %get3A_237 : vector<16xf32>
        %add3A_247 = arith.addf %add3A_227, %mul3A_246 : vector<16xf32>
        %mul3A_248 = vector.broadcast %squeeze3A_232 : f32 to vector<16xf32>
        %mul3A_249 = arith.mulf %mul3A_248, %get3A_244 : vector<16xf32>
        %add3A_250 = arith.addf %add3A_230, %mul3A_249 : vector<16xf32>
        %slice3A_251 = vector.extract_strided_slice %convert_element_type3A {offsets = [4], sizes = [1], strides = [1]} : vector<16xf32> to vector<1xf32>
        %squeeze3A_252 = vector.extract %slice3A_251[0] : f32 from vector<1xf32>
        %add3A_253 = arith.constant 128 : i32
        %add3A_254 = arith.addi %mul3A_172, %add3A_253 : i32
        %get3A_255 = arith.index_cast %add3A_254 : i32 to index
        %get3A_256 = tpu.vector_load %arg6[%get3A_255] {strides = array<i32>} : memref<5632xf32, #tpu.memory_space<vmem>>, vector<16xf32>,
        %get3A_257 = vector.shape_cast %get3A_256 : vector<16xf32> to vector<16xf32>
        %add3A_258 = arith.constant 128 : i32
        %add3A_259 = arith.addi %mul3A_172, %add3A_258 : i32
        %add3A_260 = arith.constant 16 : i32
        %add3A_261 = arith.addi %add3A_259, %add3A_260 : i32
        %get3A_262 = arith.index_cast %add3A_261 : i32 to index
        %get3A_263 = tpu.vector_load %arg6[%get3A_262] {strides = array<i32>} : memref<5632xf32, #tpu.memory_space<vmem>>, vector<16xf32>,
        %get3A_264 = vector.shape_cast %get3A_263 : vector<16xf32> to vector<16xf32>
        %mul3A_265 = vector.broadcast %squeeze3A_252 : f32 to vector<16xf32>
        %mul3A_266 = arith.mulf %mul3A_265, %get3A_257 : vector<16xf32>
        %add3A_267 = arith.addf %add3A_247, %mul3A_266 : vector<16xf32>
        %mul3A_268 = vector.broadcast %squeeze3A_252 : f32 to vector<16xf32>
        %mul3A_269 = arith.mulf %mul3A_268, %get3A_264 : vector<16xf32>
        %add3A_270 = arith.addf %add3A_250, %mul3A_269 : vector<16xf32>
        %slice3A_271 = vector.extract_strided_slice %convert_element_type3A {offsets = [5], sizes = [1], strides = [1]} : vector<16xf32> to vector<1xf32>
        %squeeze3A_272 = vector.extract %slice3A_271[0] : f32 from vector<1xf32>
        %add3A_273 = arith.constant 160 : i32
        %add3A_274 = arith.addi %mul3A_172, %add3A_273 : i32
        %get3A_275 = arith.index_cast %add3A_274 : i32 to index
        %get3A_276 = tpu.vector_load %arg6[%get3A_275] {strides = array<i32>} : memref<5632xf32, #tpu.memory_space<vmem>>, vector<16xf32>,
        %get3A_277 = vector.shape_cast %get3A_276 : vector<16xf32> to vector<16xf32>
        %add3A_278 = arith.constant 160 : i32
        %add3A_279 = arith.addi %mul3A_172, %add3A_278 : i32
        %add3A_280 = arith.constant 16 : i32
        %add3A_281 = arith.addi %add3A_279, %add3A_280 : i32
        %get3A_282 = arith.index_cast %add3A_281 : i32 to index
        %get3A_283 = tpu.vector_load %arg6[%get3A_282] {strides = array<i32>} : memref<5632xf32, #tpu.memory_space<vmem>>, vector<16xf32>,
        %get3A_284 = vector.shape_cast %get3A_283 : vector<16xf32> to vector<16xf32>
        %mul3A_285 = vector.broadcast %squeeze3A_272 : f32 to vector<16xf32>
        %mul3A_286 = arith.mulf %mul3A_285, %get3A_277 : vector<16xf32>
        %add3A_287 = arith.addf %add3A_267, %mul3A_286 : vector<16xf32>
        %mul3A_288 = vector.broadcast %squeeze3A_272 : f32 to vector<16xf32>
        %mul3A_289 = arith.mulf %mul3A_288, %get3A_284 : vector<16xf32>
        %add3A_290 = arith.addf %add3A_270, %mul3A_289 : vector<16xf32>
        %slice3A_291 = vector.extract_strided_slice %convert_element_type3A {offsets = [6], sizes = [1], strides = [1]} : vector<16xf32> to vector<1xf32>
        %squeeze3A_292 = vector.extract %slice3A_291[0] : f32 from vector<1xf32>
        %add3A_293 = arith.constant 192 : i32
        %add3A_294 = arith.addi %mul3A_172, %add3A_293 : i32
        %get3A_295 = arith.index_cast %add3A_294 : i32 to index
        %get3A_296 = tpu.vector_load %arg6[%get3A_295] {strides = array<i32>} : memref<5632xf32, #tpu.memory_space<vmem>>, vector<16xf32>,
        %get3A_297 = vector.shape_cast %get3A_296 : vector<16xf32> to vector<16xf32>
        %add3A_298 = arith.constant 192 : i32
        %add3A_299 = arith.addi %mul3A_172, %add3A_298 : i32
        %add3A_300 = arith.constant 16 : i32
        %add3A_301 = arith.addi %add3A_299, %add3A_300 : i32
        %get3A_302 = arith.index_cast %add3A_301 : i32 to index
        %get3A_303 = tpu.vector_load %arg6[%get3A_302] {strides = array<i32>} : memref<5632xf32, #tpu.memory_space<vmem>>, vector<16xf32>,
        %get3A_304 = vector.shape_cast %get3A_303 : vector<16xf32> to vector<16xf32>
        %mul3A_305 = vector.broadcast %squeeze3A_292 : f32 to vector<16xf32>
        %mul3A_306 = arith.mulf %mul3A_305, %get3A_297 : vector<16xf32>
        %add3A_307 = arith.addf %add3A_287, %mul3A_306 : vector<16xf32>
        %mul3A_308 = vector.broadcast %squeeze3A_292 : f32 to vector<16xf32>
        %mul3A_309 = arith.mulf %mul3A_308, %get3A_304 : vector<16xf32>
        %add3A_310 = arith.addf %add3A_290, %mul3A_309 : vector<16xf32>
        %slice3A_311 = vector.extract_strided_slice %convert_element_type3A {offsets = [7], sizes = [1], strides = [1]} : vector<16xf32> to vector<1xf32>
        %squeeze3A_312 = vector.extract %slice3A_311[0] : f32 from vector<1xf32>
        %add3A_313 = arith.constant 224 : i32
        %add3A_314 = arith.addi %mul3A_172, %add3A_313 : i32
        %get3A_315 = arith.index_cast %add3A_314 : i32 to index
        %get3A_316 = tpu.vector_load %arg6[%get3A_315] {strides = array<i32>} : memref<5632xf32, #tpu.memory_space<vmem>>, vector<16xf32>,
        %get3A_317 = vector.shape_cast %get3A_316 : vector<16xf32> to vector<16xf32>
        %add3A_318 = arith.constant 224 : i32
        %add3A_319 = arith.addi %mul3A_172, %add3A_318 : i32
        %add3A_320 = arith.constant 16 : i32
        %add3A_321 = arith.addi %add3A_319, %add3A_320 : i32
        %get3A_322 = arith.index_cast %add3A_321 : i32 to index
        %get3A_323 = tpu.vector_load %arg6[%get3A_322] {strides = array<i32>} : memref<5632xf32, #tpu.memory_space<vmem>>, vector<16xf32>,
        %get3A_324 = vector.shape_cast %get3A_323 : vector<16xf32> to vector<16xf32>
        %mul3A_325 = vector.broadcast %squeeze3A_312 : f32 to vector<16xf32>
        %mul3A_326 = arith.mulf %mul3A_325, %get3A_317 : vector<16xf32>
        %add3A_327 = arith.addf %add3A_307, %mul3A_326 : vector<16xf32>
        %mul3A_328 = vector.broadcast %squeeze3A_312 : f32 to vector<16xf32>
        %mul3A_329 = arith.mulf %mul3A_328, %get3A_324 : vector<16xf32>
        %add3A_330 = arith.addf %add3A_310, %mul3A_329 : vector<16xf32>
        %slice3A_331 = vector.extract_strided_slice %convert_element_type3A {offsets = [8], sizes = [1], strides = [1]} : vector<16xf32> to vector<1xf32>
        %squeeze3A_332 = vector.extract %slice3A_331[0] : f32 from vector<1xf32>
        %add3A_333 = arith.constant 256 : i32
        %add3A_334 = arith.addi %mul3A_172, %add3A_333 : i32
        %get3A_335 = arith.index_cast %add3A_334 : i32 to index
        %get3A_336 = tpu.vector_load %arg6[%get3A_335] {strides = array<i32>} : memref<5632xf32, #tpu.memory_space<vmem>>, vector<16xf32>,
        %get3A_337 = vector.shape_cast %get3A_336 : vector<16xf32> to vector<16xf32>
        %add3A_338 = arith.constant 256 : i32
        %add3A_339 = arith.addi %mul3A_172, %add3A_338 : i32
        %add3A_340 = arith.constant 16 : i32
        %add3A_341 = arith.addi %add3A_339, %add3A_340 : i32
        %get3A_342 = arith.index_cast %add3A_341 : i32 to index
        %get3A_343 = tpu.vector_load %arg6[%get3A_342] {strides = array<i32>} : memref<5632xf32, #tpu.memory_space<vmem>>, vector<16xf32>,
        %get3A_344 = vector.shape_cast %get3A_343 : vector<16xf32> to vector<16xf32>
        %mul3A_345 = vector.broadcast %squeeze3A_332 : f32 to vector<16xf32>
        %mul3A_346 = arith.mulf %mul3A_345, %get3A_337 : vector<16xf32>
        %add3A_347 = arith.addf %add3A_327, %mul3A_346 : vector<16xf32>
        %mul3A_348 = vector.broadcast %squeeze3A_332 : f32 to vector<16xf32>
        %mul3A_349 = arith.mulf %mul3A_348, %get3A_344 : vector<16xf32>
        %add3A_350 = arith.addf %add3A_330, %mul3A_349 : vector<16xf32>
        %slice3A_351 = vector.extract_strided_slice %convert_element_type3A {offsets = [9], sizes = [1], strides = [1]} : vector<16xf32> to vector<1xf32>
        %squeeze3A_352 = vector.extract %slice3A_351[0] : f32 from vector<1xf32>
        %add3A_353 = arith.constant 288 : i32
        %add3A_354 = arith.addi %mul3A_172, %add3A_353 : i32
        %get3A_355 = arith.index_cast %add3A_354 : i32 to index
        %get3A_356 = tpu.vector_load %arg6[%get3A_355] {strides = array<i32>} : memref<5632xf32, #tpu.memory_space<vmem>>, vector<16xf32>,
        %get3A_357 = vector.shape_cast %get3A_356 : vector<16xf32> to vector<16xf32>
        %add3A_358 = arith.constant 288 : i32
        %add3A_359 = arith.addi %mul3A_172, %add3A_358 : i32
        %add3A_360 = arith.constant 16 : i32
        %add3A_361 = arith.addi %add3A_359, %add3A_360 : i32
        %get3A_362 = arith.index_cast %add3A_361 : i32 to index
        %get3A_363 = tpu.vector_load %arg6[%get3A_362] {strides = array<i32>} : memref<5632xf32, #tpu.memory_space<vmem>>, vector<16xf32>,
        %get3A_364 = vector.shape_cast %get3A_363 : vector<16xf32> to vector<16xf32>
        %mul3A_365 = vector.broadcast %squeeze3A_352 : f32 to vector<16xf32>
        %mul3A_366 = arith.mulf %mul3A_365, %get3A_357 : vector<16xf32>
        %add3A_367 = arith.addf %add3A_347, %mul3A_366 : vector<16xf32>
        %mul3A_368 = vector.broadcast %squeeze3A_352 : f32 to vector<16xf32>
        %mul3A_369 = arith.mulf %mul3A_368, %get3A_364 : vector<16xf32>
        %add3A_370 = arith.addf %add3A_350, %mul3A_369 : vector<16xf32>
        %slice3A_371 = vector.extract_strided_slice %convert_element_type3A {offsets = [10], sizes = [1], strides = [1]} : vector<16xf32> to vector<1xf32>
        %squeeze3A_372 = vector.extract %slice3A_371[0] : f32 from vector<1xf32>
        %add3A_373 = arith.constant 320 : i32
        %add3A_374 = arith.addi %mul3A_172, %add3A_373 : i32
        %get3A_375 = arith.index_cast %add3A_374 : i32 to index
        %get3A_376 = tpu.vector_load %arg6[%get3A_375] {strides = array<i32>} : memref<5632xf32, #tpu.memory_space<vmem>>, vector<16xf32>,
        %get3A_377 = vector.shape_cast %get3A_376 : vector<16xf32> to vector<16xf32>
        %add3A_378 = arith.constant 320 : i32
        %add3A_379 = arith.addi %mul3A_172, %add3A_378 : i32
        %add3A_380 = arith.constant 16 : i32
        %add3A_381 = arith.addi %add3A_379, %add3A_380 : i32
        %get3A_382 = arith.index_cast %add3A_381 : i32 to index
        %get3A_383 = tpu.vector_load %arg6[%get3A_382] {strides = array<i32>} : memref<5632xf32, #tpu.memory_space<vmem>>, vector<16xf32>,
        %get3A_384 = vector.shape_cast %get3A_383 : vector<16xf32> to vector<16xf32>
        %mul3A_385 = vector.broadcast %squeeze3A_372 : f32 to vector<16xf32>
        %mul3A_386 = arith.mulf %mul3A_385, %get3A_377 : vector<16xf32>
        %add3A_387 = arith.addf %add3A_367, %mul3A_386 : vector<16xf32>
        %mul3A_388 = vector.broadcast %squeeze3A_372 : f32 to vector<16xf32>
        %mul3A_389 = arith.mulf %mul3A_388, %get3A_384 : vector<16xf32>
        %add3A_390 = arith.addf %add3A_370, %mul3A_389 : vector<16xf32>
        %slice3A_391 = vector.extract_strided_slice %convert_element_type3A {offsets = [11], sizes = [1], strides = [1]} : vector<16xf32> to vector<1xf32>
        %squeeze3A_392 = vector.extract %slice3A_391[0] : f32 from vector<1xf32>
        %add3A_393 = arith.constant 352 : i32
        %add3A_394 = arith.addi %mul3A_172, %add3A_393 : i32
        %get3A_395 = arith.index_cast %add3A_394 : i32 to index
        %get3A_396 = tpu.vector_load %arg6[%get3A_395] {strides = array<i32>} : memref<5632xf32, #tpu.memory_space<vmem>>, vector<16xf32>,
        %get3A_397 = vector.shape_cast %get3A_396 : vector<16xf32> to vector<16xf32>
        %add3A_398 = arith.constant 352 : i32
        %add3A_399 = arith.addi %mul3A_172, %add3A_398 : i32
        %add3A_400 = arith.constant 16 : i32
        %add3A_401 = arith.addi %add3A_399, %add3A_400 : i32
        %get3A_402 = arith.index_cast %add3A_401 : i32 to index
        %get3A_403 = tpu.vector_load %arg6[%get3A_402] {strides = array<i32>} : memref<5632xf32, #tpu.memory_space<vmem>>, vector<16xf32>,
        %get3A_404 = vector.shape_cast %get3A_403 : vector<16xf32> to vector<16xf32>
        %mul3A_405 = vector.broadcast %squeeze3A_392 : f32 to vector<16xf32>
        %mul3A_406 = arith.mulf %mul3A_405, %get3A_397 : vector<16xf32>
        %add3A_407 = arith.addf %add3A_387, %mul3A_406 : vector<16xf32>
        %mul3A_408 = vector.broadcast %squeeze3A_392 : f32 to vector<16xf32>
        %mul3A_409 = arith.mulf %mul3A_408, %get3A_404 : vector<16xf32>
        %add3A_410 = arith.addf %add3A_390, %mul3A_409 : vector<16xf32>
        %slice3A_411 = vector.extract_strided_slice %convert_element_type3A {offsets = [12], sizes = [1], strides = [1]} : vector<16xf32> to vector<1xf32>
        %squeeze3A_412 = vector.extract %slice3A_411[0] : f32 from vector<1xf32>
        %add3A_413 = arith.constant 384 : i32
        %add3A_414 = arith.addi %mul3A_172, %add3A_413 : i32
        %get3A_415 = arith.index_cast %add3A_414 : i32 to index
        %get3A_416 = tpu.vector_load %arg6[%get3A_415] {strides = array<i32>} : memref<5632xf32, #tpu.memory_space<vmem>>, vector<16xf32>,
        %get3A_417 = vector.shape_cast %get3A_416 : vector<16xf32> to vector<16xf32>
        %add3A_418 = arith.constant 384 : i32
        %add3A_419 = arith.addi %mul3A_172, %add3A_418 : i32
        %add3A_420 = arith.constant 16 : i32
        %add3A_421 = arith.addi %add3A_419, %add3A_420 : i32
        %get3A_422 = arith.index_cast %add3A_421 : i32 to index
        %get3A_423 = tpu.vector_load %arg6[%get3A_422] {strides = array<i32>} : memref<5632xf32, #tpu.memory_space<vmem>>, vector<16xf32>,
        %get3A_424 = vector.shape_cast %get3A_423 : vector<16xf32> to vector<16xf32>
        %mul3A_425 = vector.broadcast %squeeze3A_412 : f32 to vector<16xf32>
        %mul3A_426 = arith.mulf %mul3A_425, %get3A_417 : vector<16xf32>
        %add3A_427 = arith.addf %add3A_407, %mul3A_426 : vector<16xf32>
        %mul3A_428 = vector.broadcast %squeeze3A_412 : f32 to vector<16xf32>
        %mul3A_429 = arith.mulf %mul3A_428, %get3A_424 : vector<16xf32>
        %add3A_430 = arith.addf %add3A_410, %mul3A_429 : vector<16xf32>
        %slice3A_431 = vector.extract_strided_slice %convert_element_type3A {offsets = [13], sizes = [1], strides = [1]} : vector<16xf32> to vector<1xf32>
        %squeeze3A_432 = vector.extract %slice3A_431[0] : f32 from vector<1xf32>
        %add3A_433 = arith.constant 416 : i32
        %add3A_434 = arith.addi %mul3A_172, %add3A_433 : i32
        %get3A_435 = arith.index_cast %add3A_434 : i32 to index
        %get3A_436 = tpu.vector_load %arg6[%get3A_435] {strides = array<i32>} : memref<5632xf32, #tpu.memory_space<vmem>>, vector<16xf32>,
        %get3A_437 = vector.shape_cast %get3A_436 : vector<16xf32> to vector<16xf32>
        %add3A_438 = arith.constant 416 : i32
        %add3A_439 = arith.addi %mul3A_172, %add3A_438 : i32
        %add3A_440 = arith.constant 16 : i32
        %add3A_441 = arith.addi %add3A_439, %add3A_440 : i32
        %get3A_442 = arith.index_cast %add3A_441 : i32 to index
        %get3A_443 = tpu.vector_load %arg6[%get3A_442] {strides = array<i32>} : memref<5632xf32, #tpu.memory_space<vmem>>, vector<16xf32>,
        %get3A_444 = vector.shape_cast %get3A_443 : vector<16xf32> to vector<16xf32>
        %mul3A_445 = vector.broadcast %squeeze3A_432 : f32 to vector<16xf32>
        %mul3A_446 = arith.mulf %mul3A_445, %get3A_437 : vector<16xf32>
        %add3A_447 = arith.addf %add3A_427, %mul3A_446 : vector<16xf32>
        %mul3A_448 = vector.broadcast %squeeze3A_432 : f32 to vector<16xf32>
        %mul3A_449 = arith.mulf %mul3A_448, %get3A_444 : vector<16xf32>
        %add3A_450 = arith.addf %add3A_430, %mul3A_449 : vector<16xf32>
        %slice3A_451 = vector.extract_strided_slice %convert_element_type3A {offsets = [14], sizes = [1], strides = [1]} : vector<16xf32> to vector<1xf32>
        %squeeze3A_452 = vector.extract %slice3A_451[0] : f32 from vector<1xf32>
        %add3A_453 = arith.constant 448 : i32
        %add3A_454 = arith.addi %mul3A_172, %add3A_453 : i32
        %get3A_455 = arith.index_cast %add3A_454 : i32 to index
        %get3A_456 = tpu.vector_load %arg6[%get3A_455] {strides = array<i32>} : memref<5632xf32, #tpu.memory_space<vmem>>, vector<16xf32>,
        %get3A_457 = vector.shape_cast %get3A_456 : vector<16xf32> to vector<16xf32>
        %add3A_458 = arith.constant 448 : i32
        %add3A_459 = arith.addi %mul3A_172, %add3A_458 : i32
        %add3A_460 = arith.constant 16 : i32
        %add3A_461 = arith.addi %add3A_459, %add3A_460 : i32
        %get3A_462 = arith.index_cast %add3A_461 : i32 to index
        %get3A_463 = tpu.vector_load %arg6[%get3A_462] {strides = array<i32>} : memref<5632xf32, #tpu.memory_space<vmem>>, vector<16xf32>,
        %get3A_464 = vector.shape_cast %get3A_463 : vector<16xf32> to vector<16xf32>
        %mul3A_465 = vector.broadcast %squeeze3A_452 : f32 to vector<16xf32>
        %mul3A_466 = arith.mulf %mul3A_465, %get3A_457 : vector<16xf32>
        %add3A_467 = arith.addf %add3A_447, %mul3A_466 : vector<16xf32>
        %mul3A_468 = vector.broadcast %squeeze3A_452 : f32 to vector<16xf32>
        %mul3A_469 = arith.mulf %mul3A_468, %get3A_464 : vector<16xf32>
        %add3A_470 = arith.addf %add3A_450, %mul3A_469 : vector<16xf32>
        %slice3A_471 = vector.extract_strided_slice %convert_element_type3A {offsets = [15], sizes = [1], strides = [1]} : vector<16xf32> to vector<1xf32>
        %squeeze3A_472 = vector.extract %slice3A_471[0] : f32 from vector<1xf32>
        %add3A_473 = arith.constant 480 : i32
        %add3A_474 = arith.addi %mul3A_172, %add3A_473 : i32
        %get3A_475 = arith.index_cast %add3A_474 : i32 to index
        %get3A_476 = tpu.vector_load %arg6[%get3A_475] {strides = array<i32>} : memref<5632xf32, #tpu.memory_space<vmem>>, vector<16xf32>,
        %get3A_477 = vector.shape_cast %get3A_476 : vector<16xf32> to vector<16xf32>
        %add3A_478 = arith.constant 480 : i32
        %add3A_479 = arith.addi %mul3A_172, %add3A_478 : i32
        %add3A_480 = arith.constant 16 : i32
        %add3A_481 = arith.addi %add3A_479, %add3A_480 : i32
        %get3A_482 = arith.index_cast %add3A_481 : i32 to index
        %get3A_483 = tpu.vector_load %arg6[%get3A_482] {strides = array<i32>} : memref<5632xf32, #tpu.memory_space<vmem>>, vector<16xf32>,
        %get3A_484 = vector.shape_cast %get3A_483 : vector<16xf32> to vector<16xf32>
        %mul3A_485 = vector.broadcast %squeeze3A_472 : f32 to vector<16xf32>
        %mul3A_486 = arith.mulf %mul3A_485, %get3A_477 : vector<16xf32>
        %add3A_487 = arith.addf %add3A_467, %mul3A_486 : vector<16xf32>
        %mul3A_488 = vector.broadcast %squeeze3A_472 : f32 to vector<16xf32>
        %mul3A_489 = arith.mulf %mul3A_488, %get3A_484 : vector<16xf32>
        %add3A_490 = arith.addf %add3A_470, %mul3A_489 : vector<16xf32>
        scf.yield %add3A_487, %add3A_490 : vector<16xf32>, vector<16xf32>
      }
      %scan3A_22 = arith.constant 11 : i32
      %swap3A = arith.constant 0 : index
      %swap3A_23 = tpu.vector_load %arg7[%swap3A] {strides = array<i32>} : memref<256xf32, #tpu.memory_space<vmem>>, vector<16xf32>,
      %swap3A_24 = vector.shape_cast %swap3A_23 : vector<16xf32> to vector<16xf32>
      %swap3A_25 = vector.shape_cast %scan3A_21#0 : vector<16xf32> to vector<16xf32>
      tpu.vector_store %arg7[%swap3A], %swap3A_25 {strides = array<i32>} : memref<256xf32, #tpu.memory_space<vmem>>, vector<16xf32>,
      %swap3A_26 = arith.constant 16 : index
      %swap3A_27 = tpu.vector_load %arg7[%swap3A_26] {strides = array<i32>} : memref<256xf32, #tpu.memory_space<vmem>>, vector<16xf32>,
      %swap3A_28 = vector.shape_cast %swap3A_27 : vector<16xf32> to vector<16xf32>
      %swap3A_29 = vector.shape_cast %scan3A_21#1 : vector<16xf32> to vector<16xf32>
      tpu.vector_store %arg7[%swap3A_26], %swap3A_29 {strides = array<i32>} : memref<256xf32, #tpu.memory_space<vmem>>, vector<16xf32>,
      %broadcast_in_dim3A_30 = arith.constant 0.000000e+00 : f32
      %broadcast_in_dim3A_31 = vector.broadcast %broadcast_in_dim3A_30 : f32 to vector<16xf32>
      %broadcast_in_dim3A_32 = arith.constant 0.000000e+00 : f32
      %broadcast_in_dim3A_33 = vector.broadcast %broadcast_in_dim3A_32 : f32 to vector<16xf32>
      %scan3A_34 = arith.constant 0 : i32
      %scan3A_35 = arith.constant 11 : i32
      %scan3A_36 = arith.addi %scan3A_34, %scan3A_35 : i32
      %scan3A_37 = arith.constant 1 : i32
      %scan3A_38:2 = scf.for %scan3A_158 = %scan3A_34 to %scan3A_36 step %scan3A_37 iter_args(%scan3A_159 = %broadcast_in_dim3A_31, %scan3A_160 = %broadcast_in_dim3A_33) -> (vector<16xf32>, vector<16xf32>)  : i32 {
        %mul3A_161 = arith.constant 16 : i32
        %mul3A_162 = arith.muli %scan3A_158, %mul3A_161 : i32
        %add3A_163 = arith.constant 4261 : i32
        %add3A_164 = arith.addi %add3A_163, %mul3A_162 : i32
        %get3A = arith.index_cast %add3A_164 : i32 to index
        %get3A_165 = tpu.vector_load %arg5[%get3A] {strides = array<i32>} : memref<17736xi32, #tpu.memory_space<vmem>>, vector<16xi32>,
        %get3A_166 = vector.shape_cast %get3A_165 : vector<16xi32> to vector<16xi32>
        %convert_element_type3A = arith.sitofp %get3A_166 : vector<16xi32> to vector<16xf32>
        %mul3A_167 = arith.constant 16 : i32
        %mul3A_168 = arith.muli %scan3A_158, %mul3A_167 : i32
        %mul3A_169 = arith.constant 2 : i32
        %mul3A_170 = arith.muli %mul3A_168, %mul3A_169 : i32
        %mul3A_171 = arith.constant 16 : i32
        %mul3A_172 = arith.muli %mul3A_170, %mul3A_171 : i32
        %slice3A = vector.extract_strided_slice %convert_element_type3A {offsets = [0], sizes = [1], strides = [1]} : vector<16xf32> to vector<1xf32>
        %squeeze3A = vector.extract %slice3A[0] : f32 from vector<1xf32>
        %add3A_173 = arith.constant 0 : i32
        %add3A_174 = arith.addi %mul3A_172, %add3A_173 : i32
        %get3A_175 = arith.index_cast %add3A_174 : i32 to index
        %get3A_176 = tpu.vector_load %arg6[%get3A_175] {strides = array<i32>} : memref<5632xf32, #tpu.memory_space<vmem>>, vector<16xf32>,
        %get3A_177 = vector.shape_cast %get3A_176 : vector<16xf32> to vector<16xf32>
        %add3A_178 = arith.constant 0 : i32
        %add3A_179 = arith.addi %mul3A_172, %add3A_178 : i32
        %add3A_180 = arith.constant 16 : i32
        %add3A_181 = arith.addi %add3A_179, %add3A_180 : i32
        %get3A_182 = arith.index_cast %add3A_181 : i32 to index
        %get3A_183 = tpu.vector_load %arg6[%get3A_182] {strides = array<i32>} : memref<5632xf32, #tpu.memory_space<vmem>>, vector<16xf32>,
        %get3A_184 = vector.shape_cast %get3A_183 : vector<16xf32> to vector<16xf32>
        %mul3A_185 = vector.broadcast %squeeze3A : f32 to vector<16xf32>
        %mul3A_186 = arith.mulf %mul3A_185, %get3A_177 : vector<16xf32>
        %add3A_187 = arith.addf %scan3A_159, %mul3A_186 : vector<16xf32>
        %mul3A_188 = vector.broadcast %squeeze3A : f32 to vector<16xf32>
        %mul3A_189 = arith.mulf %mul3A_188, %get3A_184 : vector<16xf32>
        %add3A_190 = arith.addf %scan3A_160, %mul3A_189 : vector<16xf32>
        %slice3A_191 = vector.extract_strided_slice %convert_element_type3A {offsets = [1], sizes = [1], strides = [1]} : vector<16xf32> to vector<1xf32>
        %squeeze3A_192 = vector.extract %slice3A_191[0] : f32 from vector<1xf32>
        %add3A_193 = arith.constant 32 : i32
        %add3A_194 = arith.addi %mul3A_172, %add3A_193 : i32
        %get3A_195 = arith.index_cast %add3A_194 : i32 to index
        %get3A_196 = tpu.vector_load %arg6[%get3A_195] {strides = array<i32>} : memref<5632xf32, #tpu.memory_space<vmem>>, vector<16xf32>,
        %get3A_197 = vector.shape_cast %get3A_196 : vector<16xf32> to vector<16xf32>
        %add3A_198 = arith.constant 32 : i32
        %add3A_199 = arith.addi %mul3A_172, %add3A_198 : i32
        %add3A_200 = arith.constant 16 : i32
        %add3A_201 = arith.addi %add3A_199, %add3A_200 : i32
        %get3A_202 = arith.index_cast %add3A_201 : i32 to index
        %get3A_203 = tpu.vector_load %arg6[%get3A_202] {strides = array<i32>} : memref<5632xf32, #tpu.memory_space<vmem>>, vector<16xf32>,
        %get3A_204 = vector.shape_cast %get3A_203 : vector<16xf32> to vector<16xf32>
        %mul3A_205 = vector.broadcast %squeeze3A_192 : f32 to vector<16xf32>
        %mul3A_206 = arith.mulf %mul3A_205, %get3A_197 : vector<16xf32>
        %add3A_207 = arith.addf %add3A_187, %mul3A_206 : vector<16xf32>
        %mul3A_208 = vector.broadcast %squeeze3A_192 : f32 to vector<16xf32>
        %mul3A_209 = arith.mulf %mul3A_208, %get3A_204 : vector<16xf32>
        %add3A_210 = arith.addf %add3A_190, %mul3A_209 : vector<16xf32>
        %slice3A_211 = vector.extract_strided_slice %convert_element_type3A {offsets = [2], sizes = [1], strides = [1]} : vector<16xf32> to vector<1xf32>
        %squeeze3A_212 = vector.extract %slice3A_211[0] : f32 from vector<1xf32>
        %add3A_213 = arith.constant 64 : i32
        %add3A_214 = arith.addi %mul3A_172, %add3A_213 : i32
        %get3A_215 = arith.index_cast %add3A_214 : i32 to index
        %get3A_216 = tpu.vector_load %arg6[%get3A_215] {strides = array<i32>} : memref<5632xf32, #tpu.memory_space<vmem>>, vector<16xf32>,
        %get3A_217 = vector.shape_cast %get3A_216 : vector<16xf32> to vector<16xf32>
        %add3A_218 = arith.constant 64 : i32
        %add3A_219 = arith.addi %mul3A_172, %add3A_218 : i32
        %add3A_220 = arith.constant 16 : i32
        %add3A_221 = arith.addi %add3A_219, %add3A_220 : i32
        %get3A_222 = arith.index_cast %add3A_221 : i32 to index
        %get3A_223 = tpu.vector_load %arg6[%get3A_222] {strides = array<i32>} : memref<5632xf32, #tpu.memory_space<vmem>>, vector<16xf32>,
        %get3A_224 = vector.shape_cast %get3A_223 : vector<16xf32> to vector<16xf32>
        %mul3A_225 = vector.broadcast %squeeze3A_212 : f32 to vector<16xf32>
        %mul3A_226 = arith.mulf %mul3A_225, %get3A_217 : vector<16xf32>
        %add3A_227 = arith.addf %add3A_207, %mul3A_226 : vector<16xf32>
        %mul3A_228 = vector.broadcast %squeeze3A_212 : f32 to vector<16xf32>
        %mul3A_229 = arith.mulf %mul3A_228, %get3A_224 : vector<16xf32>
        %add3A_230 = arith.addf %add3A_210, %mul3A_229 : vector<16xf32>
        %slice3A_231 = vector.extract_strided_slice %convert_element_type3A {offsets = [3], sizes = [1], strides = [1]} : vector<16xf32> to vector<1xf32>
        %squeeze3A_232 = vector.extract %slice3A_231[0] : f32 from vector<1xf32>
        %add3A_233 = arith.constant 96 : i32
        %add3A_234 = arith.addi %mul3A_172, %add3A_233 : i32
        %get3A_235 = arith.index_cast %add3A_234 : i32 to index
        %get3A_236 = tpu.vector_load %arg6[%get3A_235] {strides = array<i32>} : memref<5632xf32, #tpu.memory_space<vmem>>, vector<16xf32>,
        %get3A_237 = vector.shape_cast %get3A_236 : vector<16xf32> to vector<16xf32>
        %add3A_238 = arith.constant 96 : i32
        %add3A_239 = arith.addi %mul3A_172, %add3A_238 : i32
        %add3A_240 = arith.constant 16 : i32
        %add3A_241 = arith.addi %add3A_239, %add3A_240 : i32
        %get3A_242 = arith.index_cast %add3A_241 : i32 to index
        %get3A_243 = tpu.vector_load %arg6[%get3A_242] {strides = array<i32>} : memref<5632xf32, #tpu.memory_space<vmem>>, vector<16xf32>,
        %get3A_244 = vector.shape_cast %get3A_243 : vector<16xf32> to vector<16xf32>
        %mul3A_245 = vector.broadcast %squeeze3A_232 : f32 to vector<16xf32>
        %mul3A_246 = arith.mulf %mul3A_245, %get3A_237 : vector<16xf32>
        %add3A_247 = arith.addf %add3A_227, %mul3A_246 : vector<16xf32>
        %mul3A_248 = vector.broadcast %squeeze3A_232 : f32 to vector<16xf32>
        %mul3A_249 = arith.mulf %mul3A_248, %get3A_244 : vector<16xf32>
        %add3A_250 = arith.addf %add3A_230, %mul3A_249 : vector<16xf32>
        %slice3A_251 = vector.extract_strided_slice %convert_element_type3A {offsets = [4], sizes = [1], strides = [1]} : vector<16xf32> to vector<1xf32>
        %squeeze3A_252 = vector.extract %slice3A_251[0] : f32 from vector<1xf32>
        %add3A_253 = arith.constant 128 : i32
        %add3A_254 = arith.addi %mul3A_172, %add3A_253 : i32
        %get3A_255 = arith.index_cast %add3A_254 : i32 to index
        %get3A_256 = tpu.vector_load %arg6[%get3A_255] {strides = array<i32>} : memref<5632xf32, #tpu.memory_space<vmem>>, vector<16xf32>,
        %get3A_257 = vector.shape_cast %get3A_256 : vector<16xf32> to vector<16xf32>
        %add3A_258 = arith.constant 128 : i32
        %add3A_259 = arith.addi %mul3A_172, %add3A_258 : i32
        %add3A_260 = arith.constant 16 : i32
        %add3A_261 = arith.addi %add3A_259, %add3A_260 : i32
        %get3A_262 = arith.index_cast %add3A_261 : i32 to index
        %get3A_263 = tpu.vector_load %arg6[%get3A_262] {strides = array<i32>} : memref<5632xf32, #tpu.memory_space<vmem>>, vector<16xf32>,
        %get3A_264 = vector.shape_cast %get3A_263 : vector<16xf32> to vector<16xf32>
        %mul3A_265 = vector.broadcast %squeeze3A_252 : f32 to vector<16xf32>
        %mul3A_266 = arith.mulf %mul3A_265, %get3A_257 : vector<16xf32>
        %add3A_267 = arith.addf %add3A_247, %mul3A_266 : vector<16xf32>
        %mul3A_268 = vector.broadcast %squeeze3A_252 : f32 to vector<16xf32>
        %mul3A_269 = arith.mulf %mul3A_268, %get3A_264 : vector<16xf32>
        %add3A_270 = arith.addf %add3A_250, %mul3A_269 : vector<16xf32>
        %slice3A_271 = vector.extract_strided_slice %convert_element_type3A {offsets = [5], sizes = [1], strides = [1]} : vector<16xf32> to vector<1xf32>
        %squeeze3A_272 = vector.extract %slice3A_271[0] : f32 from vector<1xf32>
        %add3A_273 = arith.constant 160 : i32
        %add3A_274 = arith.addi %mul3A_172, %add3A_273 : i32
        %get3A_275 = arith.index_cast %add3A_274 : i32 to index
        %get3A_276 = tpu.vector_load %arg6[%get3A_275] {strides = array<i32>} : memref<5632xf32, #tpu.memory_space<vmem>>, vector<16xf32>,
        %get3A_277 = vector.shape_cast %get3A_276 : vector<16xf32> to vector<16xf32>
        %add3A_278 = arith.constant 160 : i32
        %add3A_279 = arith.addi %mul3A_172, %add3A_278 : i32
        %add3A_280 = arith.constant 16 : i32
        %add3A_281 = arith.addi %add3A_279, %add3A_280 : i32
        %get3A_282 = arith.index_cast %add3A_281 : i32 to index
        %get3A_283 = tpu.vector_load %arg6[%get3A_282] {strides = array<i32>} : memref<5632xf32, #tpu.memory_space<vmem>>, vector<16xf32>,
        %get3A_284 = vector.shape_cast %get3A_283 : vector<16xf32> to vector<16xf32>
        %mul3A_285 = vector.broadcast %squeeze3A_272 : f32 to vector<16xf32>
        %mul3A_286 = arith.mulf %mul3A_285, %get3A_277 : vector<16xf32>
        %add3A_287 = arith.addf %add3A_267, %mul3A_286 : vector<16xf32>
        %mul3A_288 = vector.broadcast %squeeze3A_272 : f32 to vector<16xf32>
        %mul3A_289 = arith.mulf %mul3A_288, %get3A_284 : vector<16xf32>
        %add3A_290 = arith.addf %add3A_270, %mul3A_289 : vector<16xf32>
        %slice3A_291 = vector.extract_strided_slice %convert_element_type3A {offsets = [6], sizes = [1], strides = [1]} : vector<16xf32> to vector<1xf32>
        %squeeze3A_292 = vector.extract %slice3A_291[0] : f32 from vector<1xf32>
        %add3A_293 = arith.constant 192 : i32
        %add3A_294 = arith.addi %mul3A_172, %add3A_293 : i32
        %get3A_295 = arith.index_cast %add3A_294 : i32 to index
        %get3A_296 = tpu.vector_load %arg6[%get3A_295] {strides = array<i32>} : memref<5632xf32, #tpu.memory_space<vmem>>, vector<16xf32>,
        %get3A_297 = vector.shape_cast %get3A_296 : vector<16xf32> to vector<16xf32>
        %add3A_298 = arith.constant 192 : i32
        %add3A_299 = arith.addi %mul3A_172, %add3A_298 : i32
        %add3A_300 = arith.constant 16 : i32
        %add3A_301 = arith.addi %add3A_299, %add3A_300 : i32
        %get3A_302 = arith.index_cast %add3A_301 : i32 to index
        %get3A_303 = tpu.vector_load %arg6[%get3A_302] {strides = array<i32>} : memref<5632xf32, #tpu.memory_space<vmem>>, vector<16xf32>,
        %get3A_304 = vector.shape_cast %get3A_303 : vector<16xf32> to vector<16xf32>
        %mul3A_305 = vector.broadcast %squeeze3A_292 : f32 to vector<16xf32>
        %mul3A_306 = arith.mulf %mul3A_305, %get3A_297 : vector<16xf32>
        %add3A_307 = arith.addf %add3A_287, %mul3A_306 : vector<16xf32>
        %mul3A_308 = vector.broadcast %squeeze3A_292 : f32 to vector<16xf32>
        %mul3A_309 = arith.mulf %mul3A_308, %get3A_304 : vector<16xf32>
        %add3A_310 = arith.addf %add3A_290, %mul3A_309 : vector<16xf32>
        %slice3A_311 = vector.extract_strided_slice %convert_element_type3A {offsets = [7], sizes = [1], strides = [1]} : vector<16xf32> to vector<1xf32>
        %squeeze3A_312 = vector.extract %slice3A_311[0] : f32 from vector<1xf32>
        %add3A_313 = arith.constant 224 : i32
        %add3A_314 = arith.addi %mul3A_172, %add3A_313 : i32
        %get3A_315 = arith.index_cast %add3A_314 : i32 to index
        %get3A_316 = tpu.vector_load %arg6[%get3A_315] {strides = array<i32>} : memref<5632xf32, #tpu.memory_space<vmem>>, vector<16xf32>,
        %get3A_317 = vector.shape_cast %get3A_316 : vector<16xf32> to vector<16xf32>
        %add3A_318 = arith.constant 224 : i32
        %add3A_319 = arith.addi %mul3A_172, %add3A_318 : i32
        %add3A_320 = arith.constant 16 : i32
        %add3A_321 = arith.addi %add3A_319, %add3A_320 : i32
        %get3A_322 = arith.index_cast %add3A_321 : i32 to index
        %get3A_323 = tpu.vector_load %arg6[%get3A_322] {strides = array<i32>} : memref<5632xf32, #tpu.memory_space<vmem>>, vector<16xf32>,
        %get3A_324 = vector.shape_cast %get3A_323 : vector<16xf32> to vector<16xf32>
        %mul3A_325 = vector.broadcast %squeeze3A_312 : f32 to vector<16xf32>
        %mul3A_326 = arith.mulf %mul3A_325, %get3A_317 : vector<16xf32>
        %add3A_327 = arith.addf %add3A_307, %mul3A_326 : vector<16xf32>
        %mul3A_328 = vector.broadcast %squeeze3A_312 : f32 to vector<16xf32>
        %mul3A_329 = arith.mulf %mul3A_328, %get3A_324 : vector<16xf32>
        %add3A_330 = arith.addf %add3A_310, %mul3A_329 : vector<16xf32>
        %slice3A_331 = vector.extract_strided_slice %convert_element_type3A {offsets = [8], sizes = [1], strides = [1]} : vector<16xf32> to vector<1xf32>
        %squeeze3A_332 = vector.extract %slice3A_331[0] : f32 from vector<1xf32>
        %add3A_333 = arith.constant 256 : i32
        %add3A_334 = arith.addi %mul3A_172, %add3A_333 : i32
        %get3A_335 = arith.index_cast %add3A_334 : i32 to index
        %get3A_336 = tpu.vector_load %arg6[%get3A_335] {strides = array<i32>} : memref<5632xf32, #tpu.memory_space<vmem>>, vector<16xf32>,
        %get3A_337 = vector.shape_cast %get3A_336 : vector<16xf32> to vector<16xf32>
        %add3A_338 = arith.constant 256 : i32
        %add3A_339 = arith.addi %mul3A_172, %add3A_338 : i32
        %add3A_340 = arith.constant 16 : i32
        %add3A_341 = arith.addi %add3A_339, %add3A_340 : i32
        %get3A_342 = arith.index_cast %add3A_341 : i32 to index
        %get3A_343 = tpu.vector_load %arg6[%get3A_342] {strides = array<i32>} : memref<5632xf32, #tpu.memory_space<vmem>>, vector<16xf32>,
        %get3A_344 = vector.shape_cast %get3A_343 : vector<16xf32> to vector<16xf32>
        %mul3A_345 = vector.broadcast %squeeze3A_332 : f32 to vector<16xf32>
        %mul3A_346 = arith.mulf %mul3A_345, %get3A_337 : vector<16xf32>
        %add3A_347 = arith.addf %add3A_327, %mul3A_346 : vector<16xf32>
        %mul3A_348 = vector.broadcast %squeeze3A_332 : f32 to vector<16xf32>
        %mul3A_349 = arith.mulf %mul3A_348, %get3A_344 : vector<16xf32>
        %add3A_350 = arith.addf %add3A_330, %mul3A_349 : vector<16xf32>
        %slice3A_351 = vector.extract_strided_slice %convert_element_type3A {offsets = [9], sizes = [1], strides = [1]} : vector<16xf32> to vector<1xf32>
        %squeeze3A_352 = vector.extract %slice3A_351[0] : f32 from vector<1xf32>
        %add3A_353 = arith.constant 288 : i32
        %add3A_354 = arith.addi %mul3A_172, %add3A_353 : i32
        %get3A_355 = arith.index_cast %add3A_354 : i32 to index
        %get3A_356 = tpu.vector_load %arg6[%get3A_355] {strides = array<i32>} : memref<5632xf32, #tpu.memory_space<vmem>>, vector<16xf32>,
        %get3A_357 = vector.shape_cast %get3A_356 : vector<16xf32> to vector<16xf32>
        %add3A_358 = arith.constant 288 : i32
        %add3A_359 = arith.addi %mul3A_172, %add3A_358 : i32
        %add3A_360 = arith.constant 16 : i32
        %add3A_361 = arith.addi %add3A_359, %add3A_360 : i32
        %get3A_362 = arith.index_cast %add3A_361 : i32 to index
        %get3A_363 = tpu.vector_load %arg6[%get3A_362] {strides = array<i32>} : memref<5632xf32, #tpu.memory_space<vmem>>, vector<16xf32>,
        %get3A_364 = vector.shape_cast %get3A_363 : vector<16xf32> to vector<16xf32>
        %mul3A_365 = vector.broadcast %squeeze3A_352 : f32 to vector<16xf32>
        %mul3A_366 = arith.mulf %mul3A_365, %get3A_357 : vector<16xf32>
        %add3A_367 = arith.addf %add3A_347, %mul3A_366 : vector<16xf32>
        %mul3A_368 = vector.broadcast %squeeze3A_352 : f32 to vector<16xf32>
        %mul3A_369 = arith.mulf %mul3A_368, %get3A_364 : vector<16xf32>
        %add3A_370 = arith.addf %add3A_350, %mul3A_369 : vector<16xf32>
        %slice3A_371 = vector.extract_strided_slice %convert_element_type3A {offsets = [10], sizes = [1], strides = [1]} : vector<16xf32> to vector<1xf32>
        %squeeze3A_372 = vector.extract %slice3A_371[0] : f32 from vector<1xf32>
        %add3A_373 = arith.constant 320 : i32
        %add3A_374 = arith.addi %mul3A_172, %add3A_373 : i32
        %get3A_375 = arith.index_cast %add3A_374 : i32 to index
        %get3A_376 = tpu.vector_load %arg6[%get3A_375] {strides = array<i32>} : memref<5632xf32, #tpu.memory_space<vmem>>, vector<16xf32>,
        %get3A_377 = vector.shape_cast %get3A_376 : vector<16xf32> to vector<16xf32>
        %add3A_378 = arith.constant 320 : i32
        %add3A_379 = arith.addi %mul3A_172, %add3A_378 : i32
        %add3A_380 = arith.constant 16 : i32
        %add3A_381 = arith.addi %add3A_379, %add3A_380 : i32
        %get3A_382 = arith.index_cast %add3A_381 : i32 to index
        %get3A_383 = tpu.vector_load %arg6[%get3A_382] {strides = array<i32>} : memref<5632xf32, #tpu.memory_space<vmem>>, vector<16xf32>,
        %get3A_384 = vector.shape_cast %get3A_383 : vector<16xf32> to vector<16xf32>
        %mul3A_385 = vector.broadcast %squeeze3A_372 : f32 to vector<16xf32>
        %mul3A_386 = arith.mulf %mul3A_385, %get3A_377 : vector<16xf32>
        %add3A_387 = arith.addf %add3A_367, %mul3A_386 : vector<16xf32>
        %mul3A_388 = vector.broadcast %squeeze3A_372 : f32 to vector<16xf32>
        %mul3A_389 = arith.mulf %mul3A_388, %get3A_384 : vector<16xf32>
        %add3A_390 = arith.addf %add3A_370, %mul3A_389 : vector<16xf32>
        %slice3A_391 = vector.extract_strided_slice %convert_element_type3A {offsets = [11], sizes = [1], strides = [1]} : vector<16xf32> to vector<1xf32>
        %squeeze3A_392 = vector.extract %slice3A_391[0] : f32 from vector<1xf32>
        %add3A_393 = arith.constant 352 : i32
        %add3A_394 = arith.addi %mul3A_172, %add3A_393 : i32
        %get3A_395 = arith.index_cast %add3A_394 : i32 to index
        %get3A_396 = tpu.vector_load %arg6[%get3A_395] {strides = array<i32>} : memref<5632xf32, #tpu.memory_space<vmem>>, vector<16xf32>,
        %get3A_397 = vector.shape_cast %get3A_396 : vector<16xf32> to vector<16xf32>
        %add3A_398 = arith.constant 352 : i32
        %add3A_399 = arith.addi %mul3A_172, %add3A_398 : i32
        %add3A_400 = arith.constant 16 : i32
        %add3A_401 = arith.addi %add3A_399, %add3A_400 : i32
        %get3A_402 = arith.index_cast %add3A_401 : i32 to index
        %get3A_403 = tpu.vector_load %arg6[%get3A_402] {strides = array<i32>} : memref<5632xf32, #tpu.memory_space<vmem>>, vector<16xf32>,
        %get3A_404 = vector.shape_cast %get3A_403 : vector<16xf32> to vector<16xf32>
        %mul3A_405 = vector.broadcast %squeeze3A_392 : f32 to vector<16xf32>
        %mul3A_406 = arith.mulf %mul3A_405, %get3A_397 : vector<16xf32>
        %add3A_407 = arith.addf %add3A_387, %mul3A_406 : vector<16xf32>
        %mul3A_408 = vector.broadcast %squeeze3A_392 : f32 to vector<16xf32>
        %mul3A_409 = arith.mulf %mul3A_408, %get3A_404 : vector<16xf32>
        %add3A_410 = arith.addf %add3A_390, %mul3A_409 : vector<16xf32>
        %slice3A_411 = vector.extract_strided_slice %convert_element_type3A {offsets = [12], sizes = [1], strides = [1]} : vector<16xf32> to vector<1xf32>
        %squeeze3A_412 = vector.extract %slice3A_411[0] : f32 from vector<1xf32>
        %add3A_413 = arith.constant 384 : i32
        %add3A_414 = arith.addi %mul3A_172, %add3A_413 : i32
        %get3A_415 = arith.index_cast %add3A_414 : i32 to index
        %get3A_416 = tpu.vector_load %arg6[%get3A_415] {strides = array<i32>} : memref<5632xf32, #tpu.memory_space<vmem>>, vector<16xf32>,
        %get3A_417 = vector.shape_cast %get3A_416 : vector<16xf32> to vector<16xf32>
        %add3A_418 = arith.constant 384 : i32
        %add3A_419 = arith.addi %mul3A_172, %add3A_418 : i32
        %add3A_420 = arith.constant 16 : i32
        %add3A_421 = arith.addi %add3A_419, %add3A_420 : i32
        %get3A_422 = arith.index_cast %add3A_421 : i32 to index
        %get3A_423 = tpu.vector_load %arg6[%get3A_422] {strides = array<i32>} : memref<5632xf32, #tpu.memory_space<vmem>>, vector<16xf32>,
        %get3A_424 = vector.shape_cast %get3A_423 : vector<16xf32> to vector<16xf32>
        %mul3A_425 = vector.broadcast %squeeze3A_412 : f32 to vector<16xf32>
        %mul3A_426 = arith.mulf %mul3A_425, %get3A_417 : vector<16xf32>
        %add3A_427 = arith.addf %add3A_407, %mul3A_426 : vector<16xf32>
        %mul3A_428 = vector.broadcast %squeeze3A_412 : f32 to vector<16xf32>
        %mul3A_429 = arith.mulf %mul3A_428, %get3A_424 : vector<16xf32>
        %add3A_430 = arith.addf %add3A_410, %mul3A_429 : vector<16xf32>
        %slice3A_431 = vector.extract_strided_slice %convert_element_type3A {offsets = [13], sizes = [1], strides = [1]} : vector<16xf32> to vector<1xf32>
        %squeeze3A_432 = vector.extract %slice3A_431[0] : f32 from vector<1xf32>
        %add3A_433 = arith.constant 416 : i32
        %add3A_434 = arith.addi %mul3A_172, %add3A_433 : i32
        %get3A_435 = arith.index_cast %add3A_434 : i32 to index
        %get3A_436 = tpu.vector_load %arg6[%get3A_435] {strides = array<i32>} : memref<5632xf32, #tpu.memory_space<vmem>>, vector<16xf32>,
        %get3A_437 = vector.shape_cast %get3A_436 : vector<16xf32> to vector<16xf32>
        %add3A_438 = arith.constant 416 : i32
        %add3A_439 = arith.addi %mul3A_172, %add3A_438 : i32
        %add3A_440 = arith.constant 16 : i32
        %add3A_441 = arith.addi %add3A_439, %add3A_440 : i32
        %get3A_442 = arith.index_cast %add3A_441 : i32 to index
        %get3A_443 = tpu.vector_load %arg6[%get3A_442] {strides = array<i32>} : memref<5632xf32, #tpu.memory_space<vmem>>, vector<16xf32>,
        %get3A_444 = vector.shape_cast %get3A_443 : vector<16xf32> to vector<16xf32>
        %mul3A_445 = vector.broadcast %squeeze3A_432 : f32 to vector<16xf32>
        %mul3A_446 = arith.mulf %mul3A_445, %get3A_437 : vector<16xf32>
        %add3A_447 = arith.addf %add3A_427, %mul3A_446 : vector<16xf32>
        %mul3A_448 = vector.broadcast %squeeze3A_432 : f32 to vector<16xf32>
        %mul3A_449 = arith.mulf %mul3A_448, %get3A_444 : vector<16xf32>
        %add3A_450 = arith.addf %add3A_430, %mul3A_449 : vector<16xf32>
        %slice3A_451 = vector.extract_strided_slice %convert_element_type3A {offsets = [14], sizes = [1], strides = [1]} : vector<16xf32> to vector<1xf32>
        %squeeze3A_452 = vector.extract %slice3A_451[0] : f32 from vector<1xf32>
        %add3A_453 = arith.constant 448 : i32
        %add3A_454 = arith.addi %mul3A_172, %add3A_453 : i32
        %get3A_455 = arith.index_cast %add3A_454 : i32 to index
        %get3A_456 = tpu.vector_load %arg6[%get3A_455] {strides = array<i32>} : memref<5632xf32, #tpu.memory_space<vmem>>, vector<16xf32>,
        %get3A_457 = vector.shape_cast %get3A_456 : vector<16xf32> to vector<16xf32>
        %add3A_458 = arith.constant 448 : i32
        %add3A_459 = arith.addi %mul3A_172, %add3A_458 : i32
        %add3A_460 = arith.constant 16 : i32
        %add3A_461 = arith.addi %add3A_459, %add3A_460 : i32
        %get3A_462 = arith.index_cast %add3A_461 : i32 to index
        %get3A_463 = tpu.vector_load %arg6[%get3A_462] {strides = array<i32>} : memref<5632xf32, #tpu.memory_space<vmem>>, vector<16xf32>,
        %get3A_464 = vector.shape_cast %get3A_463 : vector<16xf32> to vector<16xf32>
        %mul3A_465 = vector.broadcast %squeeze3A_452 : f32 to vector<16xf32>
        %mul3A_466 = arith.mulf %mul3A_465, %get3A_457 : vector<16xf32>
        %add3A_467 = arith.addf %add3A_447, %mul3A_466 : vector<16xf32>
        %mul3A_468 = vector.broadcast %squeeze3A_452 : f32 to vector<16xf32>
        %mul3A_469 = arith.mulf %mul3A_468, %get3A_464 : vector<16xf32>
        %add3A_470 = arith.addf %add3A_450, %mul3A_469 : vector<16xf32>
        %slice3A_471 = vector.extract_strided_slice %convert_element_type3A {offsets = [15], sizes = [1], strides = [1]} : vector<16xf32> to vector<1xf32>
        %squeeze3A_472 = vector.extract %slice3A_471[0] : f32 from vector<1xf32>
        %add3A_473 = arith.constant 480 : i32
        %add3A_474 = arith.addi %mul3A_172, %add3A_473 : i32
        %get3A_475 = arith.index_cast %add3A_474 : i32 to index
        %get3A_476 = tpu.vector_load %arg6[%get3A_475] {strides = array<i32>} : memref<5632xf32, #tpu.memory_space<vmem>>, vector<16xf32>,
        %get3A_477 = vector.shape_cast %get3A_476 : vector<16xf32> to vector<16xf32>
        %add3A_478 = arith.constant 480 : i32
        %add3A_479 = arith.addi %mul3A_172, %add3A_478 : i32
        %add3A_480 = arith.constant 16 : i32
        %add3A_481 = arith.addi %add3A_479, %add3A_480 : i32
        %get3A_482 = arith.index_cast %add3A_481 : i32 to index
        %get3A_483 = tpu.vector_load %arg6[%get3A_482] {strides = array<i32>} : memref<5632xf32, #tpu.memory_space<vmem>>, vector<16xf32>,
        %get3A_484 = vector.shape_cast %get3A_483 : vector<16xf32> to vector<16xf32>
        %mul3A_485 = vector.broadcast %squeeze3A_472 : f32 to vector<16xf32>
        %mul3A_486 = arith.mulf %mul3A_485, %get3A_477 : vector<16xf32>
        %add3A_487 = arith.addf %add3A_467, %mul3A_486 : vector<16xf32>
        %mul3A_488 = vector.broadcast %squeeze3A_472 : f32 to vector<16xf32>
        %mul3A_489 = arith.mulf %mul3A_488, %get3A_484 : vector<16xf32>
        %add3A_490 = arith.addf %add3A_470, %mul3A_489 : vector<16xf32>
        scf.yield %add3A_487, %add3A_490 : vector<16xf32>, vector<16xf32>
      }
      %scan3A_39 = arith.constant 11 : i32
      %swap3A_40 = arith.constant 32 : index
      %swap3A_41 = tpu.vector_load %arg7[%swap3A_40] {strides = array<i32>} : memref<256xf32, #tpu.memory_space<vmem>>, vector<16xf32>,
      %swap3A_42 = vector.shape_cast %swap3A_41 : vector<16xf32> to vector<16xf32>
      %swap3A_43 = vector.shape_cast %scan3A_38#0 : vector<16xf32> to vector<16xf32>
      tpu.vector_store %arg7[%swap3A_40], %swap3A_43 {strides = array<i32>} : memref<256xf32, #tpu.memory_space<vmem>>, vector<16xf32>,
      %swap3A_44 = arith.constant 48 : index
      %swap3A_45 = tpu.vector_load %arg7[%swap3A_44] {strides = array<i32>} : memref<256xf32, #tpu.memory_space<vmem>>, vector<16xf32>,
      %swap3A_46 = vector.shape_cast %swap3A_45 : vector<16xf32> to vector<16xf32>
      %swap3A_47 = vector.shape_cast %scan3A_38#1 : vector<16xf32> to vector<16xf32>
      tpu.vector_store %arg7[%swap3A_44], %swap3A_47 {strides = array<i32>} : memref<256xf32, #tpu.memory_space<vmem>>, vector<16xf32>,
      %broadcast_in_dim3A_48 = arith.constant 0.000000e+00 : f32
      %broadcast_in_dim3A_49 = vector.broadcast %broadcast_in_dim3A_48 : f32 to vector<16xf32>
      %broadcast_in_dim3A_50 = arith.constant 0.000000e+00 : f32
      %broadcast_in_dim3A_51 = vector.broadcast %broadcast_in_dim3A_50 : f32 to vector<16xf32>
      %scan3A_52 = arith.constant 0 : i32
      %scan3A_53 = arith.constant 11 : i32
      %scan3A_54 = arith.addi %scan3A_52, %scan3A_53 : i32
      %scan3A_55 = arith.constant 1 : i32
      %scan3A_56:2 = scf.for %scan3A_158 = %scan3A_52 to %scan3A_54 step %scan3A_55 iter_args(%scan3A_159 = %broadcast_in_dim3A_49, %scan3A_160 = %broadcast_in_dim3A_51) -> (vector<16xf32>, vector<16xf32>)  : i32 {
        %mul3A_161 = arith.constant 16 : i32
        %mul3A_162 = arith.muli %scan3A_158, %mul3A_161 : i32
        %add3A_163 = arith.constant 6474 : i32
        %add3A_164 = arith.addi %add3A_163, %mul3A_162 : i32
        %get3A = arith.index_cast %add3A_164 : i32 to index
        %get3A_165 = tpu.vector_load %arg5[%get3A] {strides = array<i32>} : memref<17736xi32, #tpu.memory_space<vmem>>, vector<16xi32>,
        %get3A_166 = vector.shape_cast %get3A_165 : vector<16xi32> to vector<16xi32>
        %convert_element_type3A = arith.sitofp %get3A_166 : vector<16xi32> to vector<16xf32>
        %mul3A_167 = arith.constant 16 : i32
        %mul3A_168 = arith.muli %scan3A_158, %mul3A_167 : i32
        %mul3A_169 = arith.constant 2 : i32
        %mul3A_170 = arith.muli %mul3A_168, %mul3A_169 : i32
        %mul3A_171 = arith.constant 16 : i32
        %mul3A_172 = arith.muli %mul3A_170, %mul3A_171 : i32
        %slice3A = vector.extract_strided_slice %convert_element_type3A {offsets = [0], sizes = [1], strides = [1]} : vector<16xf32> to vector<1xf32>
        %squeeze3A = vector.extract %slice3A[0] : f32 from vector<1xf32>
        %add3A_173 = arith.constant 0 : i32
        %add3A_174 = arith.addi %mul3A_172, %add3A_173 : i32
        %get3A_175 = arith.index_cast %add3A_174 : i32 to index
        %get3A_176 = tpu.vector_load %arg6[%get3A_175] {strides = array<i32>} : memref<5632xf32, #tpu.memory_space<vmem>>, vector<16xf32>,
        %get3A_177 = vector.shape_cast %get3A_176 : vector<16xf32> to vector<16xf32>
        %add3A_178 = arith.constant 0 : i32
        %add3A_179 = arith.addi %mul3A_172, %add3A_178 : i32
        %add3A_180 = arith.constant 16 : i32
        %add3A_181 = arith.addi %add3A_179, %add3A_180 : i32
        %get3A_182 = arith.index_cast %add3A_181 : i32 to index
        %get3A_183 = tpu.vector_load %arg6[%get3A_182] {strides = array<i32>} : memref<5632xf32, #tpu.memory_space<vmem>>, vector<16xf32>,
        %get3A_184 = vector.shape_cast %get3A_183 : vector<16xf32> to vector<16xf32>
        %mul3A_185 = vector.broadcast %squeeze3A : f32 to vector<16xf32>
        %mul3A_186 = arith.mulf %mul3A_185, %get3A_177 : vector<16xf32>
        %add3A_187 = arith.addf %scan3A_159, %mul3A_186 : vector<16xf32>
        %mul3A_188 = vector.broadcast %squeeze3A : f32 to vector<16xf32>
        %mul3A_189 = arith.mulf %mul3A_188, %get3A_184 : vector<16xf32>
        %add3A_190 = arith.addf %scan3A_160, %mul3A_189 : vector<16xf32>
        %slice3A_191 = vector.extract_strided_slice %convert_element_type3A {offsets = [1], sizes = [1], strides = [1]} : vector<16xf32> to vector<1xf32>
        %squeeze3A_192 = vector.extract %slice3A_191[0] : f32 from vector<1xf32>
        %add3A_193 = arith.constant 32 : i32
        %add3A_194 = arith.addi %mul3A_172, %add3A_193 : i32
        %get3A_195 = arith.index_cast %add3A_194 : i32 to index
        %get3A_196 = tpu.vector_load %arg6[%get3A_195] {strides = array<i32>} : memref<5632xf32, #tpu.memory_space<vmem>>, vector<16xf32>,
        %get3A_197 = vector.shape_cast %get3A_196 : vector<16xf32> to vector<16xf32>
        %add3A_198 = arith.constant 32 : i32
        %add3A_199 = arith.addi %mul3A_172, %add3A_198 : i32
        %add3A_200 = arith.constant 16 : i32
        %add3A_201 = arith.addi %add3A_199, %add3A_200 : i32
        %get3A_202 = arith.index_cast %add3A_201 : i32 to index
        %get3A_203 = tpu.vector_load %arg6[%get3A_202] {strides = array<i32>} : memref<5632xf32, #tpu.memory_space<vmem>>, vector<16xf32>,
        %get3A_204 = vector.shape_cast %get3A_203 : vector<16xf32> to vector<16xf32>
        %mul3A_205 = vector.broadcast %squeeze3A_192 : f32 to vector<16xf32>
        %mul3A_206 = arith.mulf %mul3A_205, %get3A_197 : vector<16xf32>
        %add3A_207 = arith.addf %add3A_187, %mul3A_206 : vector<16xf32>
        %mul3A_208 = vector.broadcast %squeeze3A_192 : f32 to vector<16xf32>
        %mul3A_209 = arith.mulf %mul3A_208, %get3A_204 : vector<16xf32>
        %add3A_210 = arith.addf %add3A_190, %mul3A_209 : vector<16xf32>
        %slice3A_211 = vector.extract_strided_slice %convert_element_type3A {offsets = [2], sizes = [1], strides = [1]} : vector<16xf32> to vector<1xf32>
        %squeeze3A_212 = vector.extract %slice3A_211[0] : f32 from vector<1xf32>
        %add3A_213 = arith.constant 64 : i32
        %add3A_214 = arith.addi %mul3A_172, %add3A_213 : i32
        %get3A_215 = arith.index_cast %add3A_214 : i32 to index
        %get3A_216 = tpu.vector_load %arg6[%get3A_215] {strides = array<i32>} : memref<5632xf32, #tpu.memory_space<vmem>>, vector<16xf32>,
        %get3A_217 = vector.shape_cast %get3A_216 : vector<16xf32> to vector<16xf32>
        %add3A_218 = arith.constant 64 : i32
        %add3A_219 = arith.addi %mul3A_172, %add3A_218 : i32
        %add3A_220 = arith.constant 16 : i32
        %add3A_221 = arith.addi %add3A_219, %add3A_220 : i32
        %get3A_222 = arith.index_cast %add3A_221 : i32 to index
        %get3A_223 = tpu.vector_load %arg6[%get3A_222] {strides = array<i32>} : memref<5632xf32, #tpu.memory_space<vmem>>, vector<16xf32>,
        %get3A_224 = vector.shape_cast %get3A_223 : vector<16xf32> to vector<16xf32>
        %mul3A_225 = vector.broadcast %squeeze3A_212 : f32 to vector<16xf32>
        %mul3A_226 = arith.mulf %mul3A_225, %get3A_217 : vector<16xf32>
        %add3A_227 = arith.addf %add3A_207, %mul3A_226 : vector<16xf32>
        %mul3A_228 = vector.broadcast %squeeze3A_212 : f32 to vector<16xf32>
        %mul3A_229 = arith.mulf %mul3A_228, %get3A_224 : vector<16xf32>
        %add3A_230 = arith.addf %add3A_210, %mul3A_229 : vector<16xf32>
        %slice3A_231 = vector.extract_strided_slice %convert_element_type3A {offsets = [3], sizes = [1], strides = [1]} : vector<16xf32> to vector<1xf32>
        %squeeze3A_232 = vector.extract %slice3A_231[0] : f32 from vector<1xf32>
        %add3A_233 = arith.constant 96 : i32
        %add3A_234 = arith.addi %mul3A_172, %add3A_233 : i32
        %get3A_235 = arith.index_cast %add3A_234 : i32 to index
        %get3A_236 = tpu.vector_load %arg6[%get3A_235] {strides = array<i32>} : memref<5632xf32, #tpu.memory_space<vmem>>, vector<16xf32>,
        %get3A_237 = vector.shape_cast %get3A_236 : vector<16xf32> to vector<16xf32>
        %add3A_238 = arith.constant 96 : i32
        %add3A_239 = arith.addi %mul3A_172, %add3A_238 : i32
        %add3A_240 = arith.constant 16 : i32
        %add3A_241 = arith.addi %add3A_239, %add3A_240 : i32
        %get3A_242 = arith.index_cast %add3A_241 : i32 to index
        %get3A_243 = tpu.vector_load %arg6[%get3A_242] {strides = array<i32>} : memref<5632xf32, #tpu.memory_space<vmem>>, vector<16xf32>,
        %get3A_244 = vector.shape_cast %get3A_243 : vector<16xf32> to vector<16xf32>
        %mul3A_245 = vector.broadcast %squeeze3A_232 : f32 to vector<16xf32>
        %mul3A_246 = arith.mulf %mul3A_245, %get3A_237 : vector<16xf32>
        %add3A_247 = arith.addf %add3A_227, %mul3A_246 : vector<16xf32>
        %mul3A_248 = vector.broadcast %squeeze3A_232 : f32 to vector<16xf32>
        %mul3A_249 = arith.mulf %mul3A_248, %get3A_244 : vector<16xf32>
        %add3A_250 = arith.addf %add3A_230, %mul3A_249 : vector<16xf32>
        %slice3A_251 = vector.extract_strided_slice %convert_element_type3A {offsets = [4], sizes = [1], strides = [1]} : vector<16xf32> to vector<1xf32>
        %squeeze3A_252 = vector.extract %slice3A_251[0] : f32 from vector<1xf32>
        %add3A_253 = arith.constant 128 : i32
        %add3A_254 = arith.addi %mul3A_172, %add3A_253 : i32
        %get3A_255 = arith.index_cast %add3A_254 : i32 to index
        %get3A_256 = tpu.vector_load %arg6[%get3A_255] {strides = array<i32>} : memref<5632xf32, #tpu.memory_space<vmem>>, vector<16xf32>,
        %get3A_257 = vector.shape_cast %get3A_256 : vector<16xf32> to vector<16xf32>
        %add3A_258 = arith.constant 128 : i32
        %add3A_259 = arith.addi %mul3A_172, %add3A_258 : i32
        %add3A_260 = arith.constant 16 : i32
        %add3A_261 = arith.addi %add3A_259, %add3A_260 : i32
        %get3A_262 = arith.index_cast %add3A_261 : i32 to index
        %get3A_263 = tpu.vector_load %arg6[%get3A_262] {strides = array<i32>} : memref<5632xf32, #tpu.memory_space<vmem>>, vector<16xf32>,
        %get3A_264 = vector.shape_cast %get3A_263 : vector<16xf32> to vector<16xf32>
        %mul3A_265 = vector.broadcast %squeeze3A_252 : f32 to vector<16xf32>
        %mul3A_266 = arith.mulf %mul3A_265, %get3A_257 : vector<16xf32>
        %add3A_267 = arith.addf %add3A_247, %mul3A_266 : vector<16xf32>
        %mul3A_268 = vector.broadcast %squeeze3A_252 : f32 to vector<16xf32>
        %mul3A_269 = arith.mulf %mul3A_268, %get3A_264 : vector<16xf32>
        %add3A_270 = arith.addf %add3A_250, %mul3A_269 : vector<16xf32>
        %slice3A_271 = vector.extract_strided_slice %convert_element_type3A {offsets = [5], sizes = [1], strides = [1]} : vector<16xf32> to vector<1xf32>
        %squeeze3A_272 = vector.extract %slice3A_271[0] : f32 from vector<1xf32>
        %add3A_273 = arith.constant 160 : i32
        %add3A_274 = arith.addi %mul3A_172, %add3A_273 : i32
        %get3A_275 = arith.index_cast %add3A_274 : i32 to index
        %get3A_276 = tpu.vector_load %arg6[%get3A_275] {strides = array<i32>} : memref<5632xf32, #tpu.memory_space<vmem>>, vector<16xf32>,
        %get3A_277 = vector.shape_cast %get3A_276 : vector<16xf32> to vector<16xf32>
        %add3A_278 = arith.constant 160 : i32
        %add3A_279 = arith.addi %mul3A_172, %add3A_278 : i32
        %add3A_280 = arith.constant 16 : i32
        %add3A_281 = arith.addi %add3A_279, %add3A_280 : i32
        %get3A_282 = arith.index_cast %add3A_281 : i32 to index
        %get3A_283 = tpu.vector_load %arg6[%get3A_282] {strides = array<i32>} : memref<5632xf32, #tpu.memory_space<vmem>>, vector<16xf32>,
        %get3A_284 = vector.shape_cast %get3A_283 : vector<16xf32> to vector<16xf32>
        %mul3A_285 = vector.broadcast %squeeze3A_272 : f32 to vector<16xf32>
        %mul3A_286 = arith.mulf %mul3A_285, %get3A_277 : vector<16xf32>
        %add3A_287 = arith.addf %add3A_267, %mul3A_286 : vector<16xf32>
        %mul3A_288 = vector.broadcast %squeeze3A_272 : f32 to vector<16xf32>
        %mul3A_289 = arith.mulf %mul3A_288, %get3A_284 : vector<16xf32>
        %add3A_290 = arith.addf %add3A_270, %mul3A_289 : vector<16xf32>
        %slice3A_291 = vector.extract_strided_slice %convert_element_type3A {offsets = [6], sizes = [1], strides = [1]} : vector<16xf32> to vector<1xf32>
        %squeeze3A_292 = vector.extract %slice3A_291[0] : f32 from vector<1xf32>
        %add3A_293 = arith.constant 192 : i32
        %add3A_294 = arith.addi %mul3A_172, %add3A_293 : i32
        %get3A_295 = arith.index_cast %add3A_294 : i32 to index
        %get3A_296 = tpu.vector_load %arg6[%get3A_295] {strides = array<i32>} : memref<5632xf32, #tpu.memory_space<vmem>>, vector<16xf32>,
        %get3A_297 = vector.shape_cast %get3A_296 : vector<16xf32> to vector<16xf32>
        %add3A_298 = arith.constant 192 : i32
        %add3A_299 = arith.addi %mul3A_172, %add3A_298 : i32
        %add3A_300 = arith.constant 16 : i32
        %add3A_301 = arith.addi %add3A_299, %add3A_300 : i32
        %get3A_302 = arith.index_cast %add3A_301 : i32 to index
        %get3A_303 = tpu.vector_load %arg6[%get3A_302] {strides = array<i32>} : memref<5632xf32, #tpu.memory_space<vmem>>, vector<16xf32>,
        %get3A_304 = vector.shape_cast %get3A_303 : vector<16xf32> to vector<16xf32>
        %mul3A_305 = vector.broadcast %squeeze3A_292 : f32 to vector<16xf32>
        %mul3A_306 = arith.mulf %mul3A_305, %get3A_297 : vector<16xf32>
        %add3A_307 = arith.addf %add3A_287, %mul3A_306 : vector<16xf32>
        %mul3A_308 = vector.broadcast %squeeze3A_292 : f32 to vector<16xf32>
        %mul3A_309 = arith.mulf %mul3A_308, %get3A_304 : vector<16xf32>
        %add3A_310 = arith.addf %add3A_290, %mul3A_309 : vector<16xf32>
        %slice3A_311 = vector.extract_strided_slice %convert_element_type3A {offsets = [7], sizes = [1], strides = [1]} : vector<16xf32> to vector<1xf32>
        %squeeze3A_312 = vector.extract %slice3A_311[0] : f32 from vector<1xf32>
        %add3A_313 = arith.constant 224 : i32
        %add3A_314 = arith.addi %mul3A_172, %add3A_313 : i32
        %get3A_315 = arith.index_cast %add3A_314 : i32 to index
        %get3A_316 = tpu.vector_load %arg6[%get3A_315] {strides = array<i32>} : memref<5632xf32, #tpu.memory_space<vmem>>, vector<16xf32>,
        %get3A_317 = vector.shape_cast %get3A_316 : vector<16xf32> to vector<16xf32>
        %add3A_318 = arith.constant 224 : i32
        %add3A_319 = arith.addi %mul3A_172, %add3A_318 : i32
        %add3A_320 = arith.constant 16 : i32
        %add3A_321 = arith.addi %add3A_319, %add3A_320 : i32
        %get3A_322 = arith.index_cast %add3A_321 : i32 to index
        %get3A_323 = tpu.vector_load %arg6[%get3A_322] {strides = array<i32>} : memref<5632xf32, #tpu.memory_space<vmem>>, vector<16xf32>,
        %get3A_324 = vector.shape_cast %get3A_323 : vector<16xf32> to vector<16xf32>
        %mul3A_325 = vector.broadcast %squeeze3A_312 : f32 to vector<16xf32>
        %mul3A_326 = arith.mulf %mul3A_325, %get3A_317 : vector<16xf32>
        %add3A_327 = arith.addf %add3A_307, %mul3A_326 : vector<16xf32>
        %mul3A_328 = vector.broadcast %squeeze3A_312 : f32 to vector<16xf32>
        %mul3A_329 = arith.mulf %mul3A_328, %get3A_324 : vector<16xf32>
        %add3A_330 = arith.addf %add3A_310, %mul3A_329 : vector<16xf32>
        %slice3A_331 = vector.extract_strided_slice %convert_element_type3A {offsets = [8], sizes = [1], strides = [1]} : vector<16xf32> to vector<1xf32>
        %squeeze3A_332 = vector.extract %slice3A_331[0] : f32 from vector<1xf32>
        %add3A_333 = arith.constant 256 : i32
        %add3A_334 = arith.addi %mul3A_172, %add3A_333 : i32
        %get3A_335 = arith.index_cast %add3A_334 : i32 to index
        %get3A_336 = tpu.vector_load %arg6[%get3A_335] {strides = array<i32>} : memref<5632xf32, #tpu.memory_space<vmem>>, vector<16xf32>,
        %get3A_337 = vector.shape_cast %get3A_336 : vector<16xf32> to vector<16xf32>
        %add3A_338 = arith.constant 256 : i32
        %add3A_339 = arith.addi %mul3A_172, %add3A_338 : i32
        %add3A_340 = arith.constant 16 : i32
        %add3A_341 = arith.addi %add3A_339, %add3A_340 : i32
        %get3A_342 = arith.index_cast %add3A_341 : i32 to index
        %get3A_343 = tpu.vector_load %arg6[%get3A_342] {strides = array<i32>} : memref<5632xf32, #tpu.memory_space<vmem>>, vector<16xf32>,
        %get3A_344 = vector.shape_cast %get3A_343 : vector<16xf32> to vector<16xf32>
        %mul3A_345 = vector.broadcast %squeeze3A_332 : f32 to vector<16xf32>
        %mul3A_346 = arith.mulf %mul3A_345, %get3A_337 : vector<16xf32>
        %add3A_347 = arith.addf %add3A_327, %mul3A_346 : vector<16xf32>
        %mul3A_348 = vector.broadcast %squeeze3A_332 : f32 to vector<16xf32>
        %mul3A_349 = arith.mulf %mul3A_348, %get3A_344 : vector<16xf32>
        %add3A_350 = arith.addf %add3A_330, %mul3A_349 : vector<16xf32>
        %slice3A_351 = vector.extract_strided_slice %convert_element_type3A {offsets = [9], sizes = [1], strides = [1]} : vector<16xf32> to vector<1xf32>
        %squeeze3A_352 = vector.extract %slice3A_351[0] : f32 from vector<1xf32>
        %add3A_353 = arith.constant 288 : i32
        %add3A_354 = arith.addi %mul3A_172, %add3A_353 : i32
        %get3A_355 = arith.index_cast %add3A_354 : i32 to index
        %get3A_356 = tpu.vector_load %arg6[%get3A_355] {strides = array<i32>} : memref<5632xf32, #tpu.memory_space<vmem>>, vector<16xf32>,
        %get3A_357 = vector.shape_cast %get3A_356 : vector<16xf32> to vector<16xf32>
        %add3A_358 = arith.constant 288 : i32
        %add3A_359 = arith.addi %mul3A_172, %add3A_358 : i32
        %add3A_360 = arith.constant 16 : i32
        %add3A_361 = arith.addi %add3A_359, %add3A_360 : i32
        %get3A_362 = arith.index_cast %add3A_361 : i32 to index
        %get3A_363 = tpu.vector_load %arg6[%get3A_362] {strides = array<i32>} : memref<5632xf32, #tpu.memory_space<vmem>>, vector<16xf32>,
        %get3A_364 = vector.shape_cast %get3A_363 : vector<16xf32> to vector<16xf32>
        %mul3A_365 = vector.broadcast %squeeze3A_352 : f32 to vector<16xf32>
        %mul3A_366 = arith.mulf %mul3A_365, %get3A_357 : vector<16xf32>
        %add3A_367 = arith.addf %add3A_347, %mul3A_366 : vector<16xf32>
        %mul3A_368 = vector.broadcast %squeeze3A_352 : f32 to vector<16xf32>
        %mul3A_369 = arith.mulf %mul3A_368, %get3A_364 : vector<16xf32>
        %add3A_370 = arith.addf %add3A_350, %mul3A_369 : vector<16xf32>
        %slice3A_371 = vector.extract_strided_slice %convert_element_type3A {offsets = [10], sizes = [1], strides = [1]} : vector<16xf32> to vector<1xf32>
        %squeeze3A_372 = vector.extract %slice3A_371[0] : f32 from vector<1xf32>
        %add3A_373 = arith.constant 320 : i32
        %add3A_374 = arith.addi %mul3A_172, %add3A_373 : i32
        %get3A_375 = arith.index_cast %add3A_374 : i32 to index
        %get3A_376 = tpu.vector_load %arg6[%get3A_375] {strides = array<i32>} : memref<5632xf32, #tpu.memory_space<vmem>>, vector<16xf32>,
        %get3A_377 = vector.shape_cast %get3A_376 : vector<16xf32> to vector<16xf32>
        %add3A_378 = arith.constant 320 : i32
        %add3A_379 = arith.addi %mul3A_172, %add3A_378 : i32
        %add3A_380 = arith.constant 16 : i32
        %add3A_381 = arith.addi %add3A_379, %add3A_380 : i32
        %get3A_382 = arith.index_cast %add3A_381 : i32 to index
        %get3A_383 = tpu.vector_load %arg6[%get3A_382] {strides = array<i32>} : memref<5632xf32, #tpu.memory_space<vmem>>, vector<16xf32>,
        %get3A_384 = vector.shape_cast %get3A_383 : vector<16xf32> to vector<16xf32>
        %mul3A_385 = vector.broadcast %squeeze3A_372 : f32 to vector<16xf32>
        %mul3A_386 = arith.mulf %mul3A_385, %get3A_377 : vector<16xf32>
        %add3A_387 = arith.addf %add3A_367, %mul3A_386 : vector<16xf32>
        %mul3A_388 = vector.broadcast %squeeze3A_372 : f32 to vector<16xf32>
        %mul3A_389 = arith.mulf %mul3A_388, %get3A_384 : vector<16xf32>
        %add3A_390 = arith.addf %add3A_370, %mul3A_389 : vector<16xf32>
        %slice3A_391 = vector.extract_strided_slice %convert_element_type3A {offsets = [11], sizes = [1], strides = [1]} : vector<16xf32> to vector<1xf32>
        %squeeze3A_392 = vector.extract %slice3A_391[0] : f32 from vector<1xf32>
        %add3A_393 = arith.constant 352 : i32
        %add3A_394 = arith.addi %mul3A_172, %add3A_393 : i32
        %get3A_395 = arith.index_cast %add3A_394 : i32 to index
        %get3A_396 = tpu.vector_load %arg6[%get3A_395] {strides = array<i32>} : memref<5632xf32, #tpu.memory_space<vmem>>, vector<16xf32>,
        %get3A_397 = vector.shape_cast %get3A_396 : vector<16xf32> to vector<16xf32>
        %add3A_398 = arith.constant 352 : i32
        %add3A_399 = arith.addi %mul3A_172, %add3A_398 : i32
        %add3A_400 = arith.constant 16 : i32
        %add3A_401 = arith.addi %add3A_399, %add3A_400 : i32
        %get3A_402 = arith.index_cast %add3A_401 : i32 to index
        %get3A_403 = tpu.vector_load %arg6[%get3A_402] {strides = array<i32>} : memref<5632xf32, #tpu.memory_space<vmem>>, vector<16xf32>,
        %get3A_404 = vector.shape_cast %get3A_403 : vector<16xf32> to vector<16xf32>
        %mul3A_405 = vector.broadcast %squeeze3A_392 : f32 to vector<16xf32>
        %mul3A_406 = arith.mulf %mul3A_405, %get3A_397 : vector<16xf32>
        %add3A_407 = arith.addf %add3A_387, %mul3A_406 : vector<16xf32>
        %mul3A_408 = vector.broadcast %squeeze3A_392 : f32 to vector<16xf32>
        %mul3A_409 = arith.mulf %mul3A_408, %get3A_404 : vector<16xf32>
        %add3A_410 = arith.addf %add3A_390, %mul3A_409 : vector<16xf32>
        %slice3A_411 = vector.extract_strided_slice %convert_element_type3A {offsets = [12], sizes = [1], strides = [1]} : vector<16xf32> to vector<1xf32>
        %squeeze3A_412 = vector.extract %slice3A_411[0] : f32 from vector<1xf32>
        %add3A_413 = arith.constant 384 : i32
        %add3A_414 = arith.addi %mul3A_172, %add3A_413 : i32
        %get3A_415 = arith.index_cast %add3A_414 : i32 to index
        %get3A_416 = tpu.vector_load %arg6[%get3A_415] {strides = array<i32>} : memref<5632xf32, #tpu.memory_space<vmem>>, vector<16xf32>,
        %get3A_417 = vector.shape_cast %get3A_416 : vector<16xf32> to vector<16xf32>
        %add3A_418 = arith.constant 384 : i32
        %add3A_419 = arith.addi %mul3A_172, %add3A_418 : i32
        %add3A_420 = arith.constant 16 : i32
        %add3A_421 = arith.addi %add3A_419, %add3A_420 : i32
        %get3A_422 = arith.index_cast %add3A_421 : i32 to index
        %get3A_423 = tpu.vector_load %arg6[%get3A_422] {strides = array<i32>} : memref<5632xf32, #tpu.memory_space<vmem>>, vector<16xf32>,
        %get3A_424 = vector.shape_cast %get3A_423 : vector<16xf32> to vector<16xf32>
        %mul3A_425 = vector.broadcast %squeeze3A_412 : f32 to vector<16xf32>
        %mul3A_426 = arith.mulf %mul3A_425, %get3A_417 : vector<16xf32>
        %add3A_427 = arith.addf %add3A_407, %mul3A_426 : vector<16xf32>
        %mul3A_428 = vector.broadcast %squeeze3A_412 : f32 to vector<16xf32>
        %mul3A_429 = arith.mulf %mul3A_428, %get3A_424 : vector<16xf32>
        %add3A_430 = arith.addf %add3A_410, %mul3A_429 : vector<16xf32>
        %slice3A_431 = vector.extract_strided_slice %convert_element_type3A {offsets = [13], sizes = [1], strides = [1]} : vector<16xf32> to vector<1xf32>
        %squeeze3A_432 = vector.extract %slice3A_431[0] : f32 from vector<1xf32>
        %add3A_433 = arith.constant 416 : i32
        %add3A_434 = arith.addi %mul3A_172, %add3A_433 : i32
        %get3A_435 = arith.index_cast %add3A_434 : i32 to index
        %get3A_436 = tpu.vector_load %arg6[%get3A_435] {strides = array<i32>} : memref<5632xf32, #tpu.memory_space<vmem>>, vector<16xf32>,
        %get3A_437 = vector.shape_cast %get3A_436 : vector<16xf32> to vector<16xf32>
        %add3A_438 = arith.constant 416 : i32
        %add3A_439 = arith.addi %mul3A_172, %add3A_438 : i32
        %add3A_440 = arith.constant 16 : i32
        %add3A_441 = arith.addi %add3A_439, %add3A_440 : i32
        %get3A_442 = arith.index_cast %add3A_441 : i32 to index
        %get3A_443 = tpu.vector_load %arg6[%get3A_442] {strides = array<i32>} : memref<5632xf32, #tpu.memory_space<vmem>>, vector<16xf32>,
        %get3A_444 = vector.shape_cast %get3A_443 : vector<16xf32> to vector<16xf32>
        %mul3A_445 = vector.broadcast %squeeze3A_432 : f32 to vector<16xf32>
        %mul3A_446 = arith.mulf %mul3A_445, %get3A_437 : vector<16xf32>
        %add3A_447 = arith.addf %add3A_427, %mul3A_446 : vector<16xf32>
        %mul3A_448 = vector.broadcast %squeeze3A_432 : f32 to vector<16xf32>
        %mul3A_449 = arith.mulf %mul3A_448, %get3A_444 : vector<16xf32>
        %add3A_450 = arith.addf %add3A_430, %mul3A_449 : vector<16xf32>
        %slice3A_451 = vector.extract_strided_slice %convert_element_type3A {offsets = [14], sizes = [1], strides = [1]} : vector<16xf32> to vector<1xf32>
        %squeeze3A_452 = vector.extract %slice3A_451[0] : f32 from vector<1xf32>
        %add3A_453 = arith.constant 448 : i32
        %add3A_454 = arith.addi %mul3A_172, %add3A_453 : i32
        %get3A_455 = arith.index_cast %add3A_454 : i32 to index
        %get3A_456 = tpu.vector_load %arg6[%get3A_455] {strides = array<i32>} : memref<5632xf32, #tpu.memory_space<vmem>>, vector<16xf32>,
        %get3A_457 = vector.shape_cast %get3A_456 : vector<16xf32> to vector<16xf32>
        %add3A_458 = arith.constant 448 : i32
        %add3A_459 = arith.addi %mul3A_172, %add3A_458 : i32
        %add3A_460 = arith.constant 16 : i32
        %add3A_461 = arith.addi %add3A_459, %add3A_460 : i32
        %get3A_462 = arith.index_cast %add3A_461 : i32 to index
        %get3A_463 = tpu.vector_load %arg6[%get3A_462] {strides = array<i32>} : memref<5632xf32, #tpu.memory_space<vmem>>, vector<16xf32>,
        %get3A_464 = vector.shape_cast %get3A_463 : vector<16xf32> to vector<16xf32>
        %mul3A_465 = vector.broadcast %squeeze3A_452 : f32 to vector<16xf32>
        %mul3A_466 = arith.mulf %mul3A_465, %get3A_457 : vector<16xf32>
        %add3A_467 = arith.addf %add3A_447, %mul3A_466 : vector<16xf32>
        %mul3A_468 = vector.broadcast %squeeze3A_452 : f32 to vector<16xf32>
        %mul3A_469 = arith.mulf %mul3A_468, %get3A_464 : vector<16xf32>
        %add3A_470 = arith.addf %add3A_450, %mul3A_469 : vector<16xf32>
        %slice3A_471 = vector.extract_strided_slice %convert_element_type3A {offsets = [15], sizes = [1], strides = [1]} : vector<16xf32> to vector<1xf32>
        %squeeze3A_472 = vector.extract %slice3A_471[0] : f32 from vector<1xf32>
        %add3A_473 = arith.constant 480 : i32
        %add3A_474 = arith.addi %mul3A_172, %add3A_473 : i32
        %get3A_475 = arith.index_cast %add3A_474 : i32 to index
        %get3A_476 = tpu.vector_load %arg6[%get3A_475] {strides = array<i32>} : memref<5632xf32, #tpu.memory_space<vmem>>, vector<16xf32>,
        %get3A_477 = vector.shape_cast %get3A_476 : vector<16xf32> to vector<16xf32>
        %add3A_478 = arith.constant 480 : i32
        %add3A_479 = arith.addi %mul3A_172, %add3A_478 : i32
        %add3A_480 = arith.constant 16 : i32
        %add3A_481 = arith.addi %add3A_479, %add3A_480 : i32
        %get3A_482 = arith.index_cast %add3A_481 : i32 to index
        %get3A_483 = tpu.vector_load %arg6[%get3A_482] {strides = array<i32>} : memref<5632xf32, #tpu.memory_space<vmem>>, vector<16xf32>,
        %get3A_484 = vector.shape_cast %get3A_483 : vector<16xf32> to vector<16xf32>
        %mul3A_485 = vector.broadcast %squeeze3A_472 : f32 to vector<16xf32>
        %mul3A_486 = arith.mulf %mul3A_485, %get3A_477 : vector<16xf32>
        %add3A_487 = arith.addf %add3A_467, %mul3A_486 : vector<16xf32>
        %mul3A_488 = vector.broadcast %squeeze3A_472 : f32 to vector<16xf32>
        %mul3A_489 = arith.mulf %mul3A_488, %get3A_484 : vector<16xf32>
        %add3A_490 = arith.addf %add3A_470, %mul3A_489 : vector<16xf32>
        scf.yield %add3A_487, %add3A_490 : vector<16xf32>, vector<16xf32>
      }
      %scan3A_57 = arith.constant 11 : i32
      %swap3A_58 = arith.constant 64 : index
      %swap3A_59 = tpu.vector_load %arg7[%swap3A_58] {strides = array<i32>} : memref<256xf32, #tpu.memory_space<vmem>>, vector<16xf32>,
      %swap3A_60 = vector.shape_cast %swap3A_59 : vector<16xf32> to vector<16xf32>
      %swap3A_61 = vector.shape_cast %scan3A_56#0 : vector<16xf32> to vector<16xf32>
      tpu.vector_store %arg7[%swap3A_58], %swap3A_61 {strides = array<i32>} : memref<256xf32, #tpu.memory_space<vmem>>, vector<16xf32>,
      %swap3A_62 = arith.constant 80 : index
      %swap3A_63 = tpu.vector_load %arg7[%swap3A_62] {strides = array<i32>} : memref<256xf32, #tpu.memory_space<vmem>>, vector<16xf32>,
      %swap3A_64 = vector.shape_cast %swap3A_63 : vector<16xf32> to vector<16xf32>
      %swap3A_65 = vector.shape_cast %scan3A_56#1 : vector<16xf32> to vector<16xf32>
      tpu.vector_store %arg7[%swap3A_62], %swap3A_65 {strides = array<i32>} : memref<256xf32, #tpu.memory_space<vmem>>, vector<16xf32>,
      %broadcast_in_dim3A_66 = arith.constant 0.000000e+00 : f32
      %broadcast_in_dim3A_67 = vector.broadcast %broadcast_in_dim3A_66 : f32 to vector<16xf32>
      %broadcast_in_dim3A_68 = arith.constant 0.000000e+00 : f32
      %broadcast_in_dim3A_69 = vector.broadcast %broadcast_in_dim3A_68 : f32 to vector<16xf32>
      %scan3A_70 = arith.constant 0 : i32
      %scan3A_71 = arith.constant 11 : i32
      %scan3A_72 = arith.addi %scan3A_70, %scan3A_71 : i32
      %scan3A_73 = arith.constant 1 : i32
      %scan3A_74:2 = scf.for %scan3A_158 = %scan3A_70 to %scan3A_72 step %scan3A_73 iter_args(%scan3A_159 = %broadcast_in_dim3A_67, %scan3A_160 = %broadcast_in_dim3A_69) -> (vector<16xf32>, vector<16xf32>)  : i32 {
        %mul3A_161 = arith.constant 16 : i32
        %mul3A_162 = arith.muli %scan3A_158, %mul3A_161 : i32
        %add3A_163 = arith.constant 8687 : i32
        %add3A_164 = arith.addi %add3A_163, %mul3A_162 : i32
        %get3A = arith.index_cast %add3A_164 : i32 to index
        %get3A_165 = tpu.vector_load %arg5[%get3A] {strides = array<i32>} : memref<17736xi32, #tpu.memory_space<vmem>>, vector<16xi32>,
        %get3A_166 = vector.shape_cast %get3A_165 : vector<16xi32> to vector<16xi32>
        %convert_element_type3A = arith.sitofp %get3A_166 : vector<16xi32> to vector<16xf32>
        %mul3A_167 = arith.constant 16 : i32
        %mul3A_168 = arith.muli %scan3A_158, %mul3A_167 : i32
        %mul3A_169 = arith.constant 2 : i32
        %mul3A_170 = arith.muli %mul3A_168, %mul3A_169 : i32
        %mul3A_171 = arith.constant 16 : i32
        %mul3A_172 = arith.muli %mul3A_170, %mul3A_171 : i32
        %slice3A = vector.extract_strided_slice %convert_element_type3A {offsets = [0], sizes = [1], strides = [1]} : vector<16xf32> to vector<1xf32>
        %squeeze3A = vector.extract %slice3A[0] : f32 from vector<1xf32>
        %add3A_173 = arith.constant 0 : i32
        %add3A_174 = arith.addi %mul3A_172, %add3A_173 : i32
        %get3A_175 = arith.index_cast %add3A_174 : i32 to index
        %get3A_176 = tpu.vector_load %arg6[%get3A_175] {strides = array<i32>} : memref<5632xf32, #tpu.memory_space<vmem>>, vector<16xf32>,
        %get3A_177 = vector.shape_cast %get3A_176 : vector<16xf32> to vector<16xf32>
        %add3A_178 = arith.constant 0 : i32
        %add3A_179 = arith.addi %mul3A_172, %add3A_178 : i32
        %add3A_180 = arith.constant 16 : i32
        %add3A_181 = arith.addi %add3A_179, %add3A_180 : i32
        %get3A_182 = arith.index_cast %add3A_181 : i32 to index
        %get3A_183 = tpu.vector_load %arg6[%get3A_182] {strides = array<i32>} : memref<5632xf32, #tpu.memory_space<vmem>>, vector<16xf32>,
        %get3A_184 = vector.shape_cast %get3A_183 : vector<16xf32> to vector<16xf32>
        %mul3A_185 = vector.broadcast %squeeze3A : f32 to vector<16xf32>
        %mul3A_186 = arith.mulf %mul3A_185, %get3A_177 : vector<16xf32>
        %add3A_187 = arith.addf %scan3A_159, %mul3A_186 : vector<16xf32>
        %mul3A_188 = vector.broadcast %squeeze3A : f32 to vector<16xf32>
        %mul3A_189 = arith.mulf %mul3A_188, %get3A_184 : vector<16xf32>
        %add3A_190 = arith.addf %scan3A_160, %mul3A_189 : vector<16xf32>
        %slice3A_191 = vector.extract_strided_slice %convert_element_type3A {offsets = [1], sizes = [1], strides = [1]} : vector<16xf32> to vector<1xf32>
        %squeeze3A_192 = vector.extract %slice3A_191[0] : f32 from vector<1xf32>
        %add3A_193 = arith.constant 32 : i32
        %add3A_194 = arith.addi %mul3A_172, %add3A_193 : i32
        %get3A_195 = arith.index_cast %add3A_194 : i32 to index
        %get3A_196 = tpu.vector_load %arg6[%get3A_195] {strides = array<i32>} : memref<5632xf32, #tpu.memory_space<vmem>>, vector<16xf32>,
        %get3A_197 = vector.shape_cast %get3A_196 : vector<16xf32> to vector<16xf32>
        %add3A_198 = arith.constant 32 : i32
        %add3A_199 = arith.addi %mul3A_172, %add3A_198 : i32
        %add3A_200 = arith.constant 16 : i32
        %add3A_201 = arith.addi %add3A_199, %add3A_200 : i32
        %get3A_202 = arith.index_cast %add3A_201 : i32 to index
        %get3A_203 = tpu.vector_load %arg6[%get3A_202] {strides = array<i32>} : memref<5632xf32, #tpu.memory_space<vmem>>, vector<16xf32>,
        %get3A_204 = vector.shape_cast %get3A_203 : vector<16xf32> to vector<16xf32>
        %mul3A_205 = vector.broadcast %squeeze3A_192 : f32 to vector<16xf32>
        %mul3A_206 = arith.mulf %mul3A_205, %get3A_197 : vector<16xf32>
        %add3A_207 = arith.addf %add3A_187, %mul3A_206 : vector<16xf32>
        %mul3A_208 = vector.broadcast %squeeze3A_192 : f32 to vector<16xf32>
        %mul3A_209 = arith.mulf %mul3A_208, %get3A_204 : vector<16xf32>
        %add3A_210 = arith.addf %add3A_190, %mul3A_209 : vector<16xf32>
        %slice3A_211 = vector.extract_strided_slice %convert_element_type3A {offsets = [2], sizes = [1], strides = [1]} : vector<16xf32> to vector<1xf32>
        %squeeze3A_212 = vector.extract %slice3A_211[0] : f32 from vector<1xf32>
        %add3A_213 = arith.constant 64 : i32
        %add3A_214 = arith.addi %mul3A_172, %add3A_213 : i32
        %get3A_215 = arith.index_cast %add3A_214 : i32 to index
        %get3A_216 = tpu.vector_load %arg6[%get3A_215] {strides = array<i32>} : memref<5632xf32, #tpu.memory_space<vmem>>, vector<16xf32>,
        %get3A_217 = vector.shape_cast %get3A_216 : vector<16xf32> to vector<16xf32>
        %add3A_218 = arith.constant 64 : i32
        %add3A_219 = arith.addi %mul3A_172, %add3A_218 : i32
        %add3A_220 = arith.constant 16 : i32
        %add3A_221 = arith.addi %add3A_219, %add3A_220 : i32
        %get3A_222 = arith.index_cast %add3A_221 : i32 to index
        %get3A_223 = tpu.vector_load %arg6[%get3A_222] {strides = array<i32>} : memref<5632xf32, #tpu.memory_space<vmem>>, vector<16xf32>,
        %get3A_224 = vector.shape_cast %get3A_223 : vector<16xf32> to vector<16xf32>
        %mul3A_225 = vector.broadcast %squeeze3A_212 : f32 to vector<16xf32>
        %mul3A_226 = arith.mulf %mul3A_225, %get3A_217 : vector<16xf32>
        %add3A_227 = arith.addf %add3A_207, %mul3A_226 : vector<16xf32>
        %mul3A_228 = vector.broadcast %squeeze3A_212 : f32 to vector<16xf32>
        %mul3A_229 = arith.mulf %mul3A_228, %get3A_224 : vector<16xf32>
        %add3A_230 = arith.addf %add3A_210, %mul3A_229 : vector<16xf32>
        %slice3A_231 = vector.extract_strided_slice %convert_element_type3A {offsets = [3], sizes = [1], strides = [1]} : vector<16xf32> to vector<1xf32>
        %squeeze3A_232 = vector.extract %slice3A_231[0] : f32 from vector<1xf32>
        %add3A_233 = arith.constant 96 : i32
        %add3A_234 = arith.addi %mul3A_172, %add3A_233 : i32
        %get3A_235 = arith.index_cast %add3A_234 : i32 to index
        %get3A_236 = tpu.vector_load %arg6[%get3A_235] {strides = array<i32>} : memref<5632xf32, #tpu.memory_space<vmem>>, vector<16xf32>,
        %get3A_237 = vector.shape_cast %get3A_236 : vector<16xf32> to vector<16xf32>
        %add3A_238 = arith.constant 96 : i32
        %add3A_239 = arith.addi %mul3A_172, %add3A_238 : i32
        %add3A_240 = arith.constant 16 : i32
        %add3A_241 = arith.addi %add3A_239, %add3A_240 : i32
        %get3A_242 = arith.index_cast %add3A_241 : i32 to index
        %get3A_243 = tpu.vector_load %arg6[%get3A_242] {strides = array<i32>} : memref<5632xf32, #tpu.memory_space<vmem>>, vector<16xf32>,
        %get3A_244 = vector.shape_cast %get3A_243 : vector<16xf32> to vector<16xf32>
        %mul3A_245 = vector.broadcast %squeeze3A_232 : f32 to vector<16xf32>
        %mul3A_246 = arith.mulf %mul3A_245, %get3A_237 : vector<16xf32>
        %add3A_247 = arith.addf %add3A_227, %mul3A_246 : vector<16xf32>
        %mul3A_248 = vector.broadcast %squeeze3A_232 : f32 to vector<16xf32>
        %mul3A_249 = arith.mulf %mul3A_248, %get3A_244 : vector<16xf32>
        %add3A_250 = arith.addf %add3A_230, %mul3A_249 : vector<16xf32>
        %slice3A_251 = vector.extract_strided_slice %convert_element_type3A {offsets = [4], sizes = [1], strides = [1]} : vector<16xf32> to vector<1xf32>
        %squeeze3A_252 = vector.extract %slice3A_251[0] : f32 from vector<1xf32>
        %add3A_253 = arith.constant 128 : i32
        %add3A_254 = arith.addi %mul3A_172, %add3A_253 : i32
        %get3A_255 = arith.index_cast %add3A_254 : i32 to index
        %get3A_256 = tpu.vector_load %arg6[%get3A_255] {strides = array<i32>} : memref<5632xf32, #tpu.memory_space<vmem>>, vector<16xf32>,
        %get3A_257 = vector.shape_cast %get3A_256 : vector<16xf32> to vector<16xf32>
        %add3A_258 = arith.constant 128 : i32
        %add3A_259 = arith.addi %mul3A_172, %add3A_258 : i32
        %add3A_260 = arith.constant 16 : i32
        %add3A_261 = arith.addi %add3A_259, %add3A_260 : i32
        %get3A_262 = arith.index_cast %add3A_261 : i32 to index
        %get3A_263 = tpu.vector_load %arg6[%get3A_262] {strides = array<i32>} : memref<5632xf32, #tpu.memory_space<vmem>>, vector<16xf32>,
        %get3A_264 = vector.shape_cast %get3A_263 : vector<16xf32> to vector<16xf32>
        %mul3A_265 = vector.broadcast %squeeze3A_252 : f32 to vector<16xf32>
        %mul3A_266 = arith.mulf %mul3A_265, %get3A_257 : vector<16xf32>
        %add3A_267 = arith.addf %add3A_247, %mul3A_266 : vector<16xf32>
        %mul3A_268 = vector.broadcast %squeeze3A_252 : f32 to vector<16xf32>
        %mul3A_269 = arith.mulf %mul3A_268, %get3A_264 : vector<16xf32>
        %add3A_270 = arith.addf %add3A_250, %mul3A_269 : vector<16xf32>
        %slice3A_271 = vector.extract_strided_slice %convert_element_type3A {offsets = [5], sizes = [1], strides = [1]} : vector<16xf32> to vector<1xf32>
        %squeeze3A_272 = vector.extract %slice3A_271[0] : f32 from vector<1xf32>
        %add3A_273 = arith.constant 160 : i32
        %add3A_274 = arith.addi %mul3A_172, %add3A_273 : i32
        %get3A_275 = arith.index_cast %add3A_274 : i32 to index
        %get3A_276 = tpu.vector_load %arg6[%get3A_275] {strides = array<i32>} : memref<5632xf32, #tpu.memory_space<vmem>>, vector<16xf32>,
        %get3A_277 = vector.shape_cast %get3A_276 : vector<16xf32> to vector<16xf32>
        %add3A_278 = arith.constant 160 : i32
        %add3A_279 = arith.addi %mul3A_172, %add3A_278 : i32
        %add3A_280 = arith.constant 16 : i32
        %add3A_281 = arith.addi %add3A_279, %add3A_280 : i32
        %get3A_282 = arith.index_cast %add3A_281 : i32 to index
        %get3A_283 = tpu.vector_load %arg6[%get3A_282] {strides = array<i32>} : memref<5632xf32, #tpu.memory_space<vmem>>, vector<16xf32>,
        %get3A_284 = vector.shape_cast %get3A_283 : vector<16xf32> to vector<16xf32>
        %mul3A_285 = vector.broadcast %squeeze3A_272 : f32 to vector<16xf32>
        %mul3A_286 = arith.mulf %mul3A_285, %get3A_277 : vector<16xf32>
        %add3A_287 = arith.addf %add3A_267, %mul3A_286 : vector<16xf32>
        %mul3A_288 = vector.broadcast %squeeze3A_272 : f32 to vector<16xf32>
        %mul3A_289 = arith.mulf %mul3A_288, %get3A_284 : vector<16xf32>
        %add3A_290 = arith.addf %add3A_270, %mul3A_289 : vector<16xf32>
        %slice3A_291 = vector.extract_strided_slice %convert_element_type3A {offsets = [6], sizes = [1], strides = [1]} : vector<16xf32> to vector<1xf32>
        %squeeze3A_292 = vector.extract %slice3A_291[0] : f32 from vector<1xf32>
        %add3A_293 = arith.constant 192 : i32
        %add3A_294 = arith.addi %mul3A_172, %add3A_293 : i32
        %get3A_295 = arith.index_cast %add3A_294 : i32 to index
        %get3A_296 = tpu.vector_load %arg6[%get3A_295] {strides = array<i32>} : memref<5632xf32, #tpu.memory_space<vmem>>, vector<16xf32>,
        %get3A_297 = vector.shape_cast %get3A_296 : vector<16xf32> to vector<16xf32>
        %add3A_298 = arith.constant 192 : i32
        %add3A_299 = arith.addi %mul3A_172, %add3A_298 : i32
        %add3A_300 = arith.constant 16 : i32
        %add3A_301 = arith.addi %add3A_299, %add3A_300 : i32
        %get3A_302 = arith.index_cast %add3A_301 : i32 to index
        %get3A_303 = tpu.vector_load %arg6[%get3A_302] {strides = array<i32>} : memref<5632xf32, #tpu.memory_space<vmem>>, vector<16xf32>,
        %get3A_304 = vector.shape_cast %get3A_303 : vector<16xf32> to vector<16xf32>
        %mul3A_305 = vector.broadcast %squeeze3A_292 : f32 to vector<16xf32>
        %mul3A_306 = arith.mulf %mul3A_305, %get3A_297 : vector<16xf32>
        %add3A_307 = arith.addf %add3A_287, %mul3A_306 : vector<16xf32>
        %mul3A_308 = vector.broadcast %squeeze3A_292 : f32 to vector<16xf32>
        %mul3A_309 = arith.mulf %mul3A_308, %get3A_304 : vector<16xf32>
        %add3A_310 = arith.addf %add3A_290, %mul3A_309 : vector<16xf32>
        %slice3A_311 = vector.extract_strided_slice %convert_element_type3A {offsets = [7], sizes = [1], strides = [1]} : vector<16xf32> to vector<1xf32>
        %squeeze3A_312 = vector.extract %slice3A_311[0] : f32 from vector<1xf32>
        %add3A_313 = arith.constant 224 : i32
        %add3A_314 = arith.addi %mul3A_172, %add3A_313 : i32
        %get3A_315 = arith.index_cast %add3A_314 : i32 to index
        %get3A_316 = tpu.vector_load %arg6[%get3A_315] {strides = array<i32>} : memref<5632xf32, #tpu.memory_space<vmem>>, vector<16xf32>,
        %get3A_317 = vector.shape_cast %get3A_316 : vector<16xf32> to vector<16xf32>
        %add3A_318 = arith.constant 224 : i32
        %add3A_319 = arith.addi %mul3A_172, %add3A_318 : i32
        %add3A_320 = arith.constant 16 : i32
        %add3A_321 = arith.addi %add3A_319, %add3A_320 : i32
        %get3A_322 = arith.index_cast %add3A_321 : i32 to index
        %get3A_323 = tpu.vector_load %arg6[%get3A_322] {strides = array<i32>} : memref<5632xf32, #tpu.memory_space<vmem>>, vector<16xf32>,
        %get3A_324 = vector.shape_cast %get3A_323 : vector<16xf32> to vector<16xf32>
        %mul3A_325 = vector.broadcast %squeeze3A_312 : f32 to vector<16xf32>
        %mul3A_326 = arith.mulf %mul3A_325, %get3A_317 : vector<16xf32>
        %add3A_327 = arith.addf %add3A_307, %mul3A_326 : vector<16xf32>
        %mul3A_328 = vector.broadcast %squeeze3A_312 : f32 to vector<16xf32>
        %mul3A_329 = arith.mulf %mul3A_328, %get3A_324 : vector<16xf32>
        %add3A_330 = arith.addf %add3A_310, %mul3A_329 : vector<16xf32>
        %slice3A_331 = vector.extract_strided_slice %convert_element_type3A {offsets = [8], sizes = [1], strides = [1]} : vector<16xf32> to vector<1xf32>
        %squeeze3A_332 = vector.extract %slice3A_331[0] : f32 from vector<1xf32>
        %add3A_333 = arith.constant 256 : i32
        %add3A_334 = arith.addi %mul3A_172, %add3A_333 : i32
        %get3A_335 = arith.index_cast %add3A_334 : i32 to index
        %get3A_336 = tpu.vector_load %arg6[%get3A_335] {strides = array<i32>} : memref<5632xf32, #tpu.memory_space<vmem>>, vector<16xf32>,
        %get3A_337 = vector.shape_cast %get3A_336 : vector<16xf32> to vector<16xf32>
        %add3A_338 = arith.constant 256 : i32
        %add3A_339 = arith.addi %mul3A_172, %add3A_338 : i32
        %add3A_340 = arith.constant 16 : i32
        %add3A_341 = arith.addi %add3A_339, %add3A_340 : i32
        %get3A_342 = arith.index_cast %add3A_341 : i32 to index
        %get3A_343 = tpu.vector_load %arg6[%get3A_342] {strides = array<i32>} : memref<5632xf32, #tpu.memory_space<vmem>>, vector<16xf32>,
        %get3A_344 = vector.shape_cast %get3A_343 : vector<16xf32> to vector<16xf32>
        %mul3A_345 = vector.broadcast %squeeze3A_332 : f32 to vector<16xf32>
        %mul3A_346 = arith.mulf %mul3A_345, %get3A_337 : vector<16xf32>
        %add3A_347 = arith.addf %add3A_327, %mul3A_346 : vector<16xf32>
        %mul3A_348 = vector.broadcast %squeeze3A_332 : f32 to vector<16xf32>
        %mul3A_349 = arith.mulf %mul3A_348, %get3A_344 : vector<16xf32>
        %add3A_350 = arith.addf %add3A_330, %mul3A_349 : vector<16xf32>
        %slice3A_351 = vector.extract_strided_slice %convert_element_type3A {offsets = [9], sizes = [1], strides = [1]} : vector<16xf32> to vector<1xf32>
        %squeeze3A_352 = vector.extract %slice3A_351[0] : f32 from vector<1xf32>
        %add3A_353 = arith.constant 288 : i32
        %add3A_354 = arith.addi %mul3A_172, %add3A_353 : i32
        %get3A_355 = arith.index_cast %add3A_354 : i32 to index
        %get3A_356 = tpu.vector_load %arg6[%get3A_355] {strides = array<i32>} : memref<5632xf32, #tpu.memory_space<vmem>>, vector<16xf32>,
        %get3A_357 = vector.shape_cast %get3A_356 : vector<16xf32> to vector<16xf32>
        %add3A_358 = arith.constant 288 : i32
        %add3A_359 = arith.addi %mul3A_172, %add3A_358 : i32
        %add3A_360 = arith.constant 16 : i32
        %add3A_361 = arith.addi %add3A_359, %add3A_360 : i32
        %get3A_362 = arith.index_cast %add3A_361 : i32 to index
        %get3A_363 = tpu.vector_load %arg6[%get3A_362] {strides = array<i32>} : memref<5632xf32, #tpu.memory_space<vmem>>, vector<16xf32>,
        %get3A_364 = vector.shape_cast %get3A_363 : vector<16xf32> to vector<16xf32>
        %mul3A_365 = vector.broadcast %squeeze3A_352 : f32 to vector<16xf32>
        %mul3A_366 = arith.mulf %mul3A_365, %get3A_357 : vector<16xf32>
        %add3A_367 = arith.addf %add3A_347, %mul3A_366 : vector<16xf32>
        %mul3A_368 = vector.broadcast %squeeze3A_352 : f32 to vector<16xf32>
        %mul3A_369 = arith.mulf %mul3A_368, %get3A_364 : vector<16xf32>
        %add3A_370 = arith.addf %add3A_350, %mul3A_369 : vector<16xf32>
        %slice3A_371 = vector.extract_strided_slice %convert_element_type3A {offsets = [10], sizes = [1], strides = [1]} : vector<16xf32> to vector<1xf32>
        %squeeze3A_372 = vector.extract %slice3A_371[0] : f32 from vector<1xf32>
        %add3A_373 = arith.constant 320 : i32
        %add3A_374 = arith.addi %mul3A_172, %add3A_373 : i32
        %get3A_375 = arith.index_cast %add3A_374 : i32 to index
        %get3A_376 = tpu.vector_load %arg6[%get3A_375] {strides = array<i32>} : memref<5632xf32, #tpu.memory_space<vmem>>, vector<16xf32>,
        %get3A_377 = vector.shape_cast %get3A_376 : vector<16xf32> to vector<16xf32>
        %add3A_378 = arith.constant 320 : i32
        %add3A_379 = arith.addi %mul3A_172, %add3A_378 : i32
        %add3A_380 = arith.constant 16 : i32
        %add3A_381 = arith.addi %add3A_379, %add3A_380 : i32
        %get3A_382 = arith.index_cast %add3A_381 : i32 to index
        %get3A_383 = tpu.vector_load %arg6[%get3A_382] {strides = array<i32>} : memref<5632xf32, #tpu.memory_space<vmem>>, vector<16xf32>,
        %get3A_384 = vector.shape_cast %get3A_383 : vector<16xf32> to vector<16xf32>
        %mul3A_385 = vector.broadcast %squeeze3A_372 : f32 to vector<16xf32>
        %mul3A_386 = arith.mulf %mul3A_385, %get3A_377 : vector<16xf32>
        %add3A_387 = arith.addf %add3A_367, %mul3A_386 : vector<16xf32>
        %mul3A_388 = vector.broadcast %squeeze3A_372 : f32 to vector<16xf32>
        %mul3A_389 = arith.mulf %mul3A_388, %get3A_384 : vector<16xf32>
        %add3A_390 = arith.addf %add3A_370, %mul3A_389 : vector<16xf32>
        %slice3A_391 = vector.extract_strided_slice %convert_element_type3A {offsets = [11], sizes = [1], strides = [1]} : vector<16xf32> to vector<1xf32>
        %squeeze3A_392 = vector.extract %slice3A_391[0] : f32 from vector<1xf32>
        %add3A_393 = arith.constant 352 : i32
        %add3A_394 = arith.addi %mul3A_172, %add3A_393 : i32
        %get3A_395 = arith.index_cast %add3A_394 : i32 to index
        %get3A_396 = tpu.vector_load %arg6[%get3A_395] {strides = array<i32>} : memref<5632xf32, #tpu.memory_space<vmem>>, vector<16xf32>,
        %get3A_397 = vector.shape_cast %get3A_396 : vector<16xf32> to vector<16xf32>
        %add3A_398 = arith.constant 352 : i32
        %add3A_399 = arith.addi %mul3A_172, %add3A_398 : i32
        %add3A_400 = arith.constant 16 : i32
        %add3A_401 = arith.addi %add3A_399, %add3A_400 : i32
        %get3A_402 = arith.index_cast %add3A_401 : i32 to index
        %get3A_403 = tpu.vector_load %arg6[%get3A_402] {strides = array<i32>} : memref<5632xf32, #tpu.memory_space<vmem>>, vector<16xf32>,
        %get3A_404 = vector.shape_cast %get3A_403 : vector<16xf32> to vector<16xf32>
        %mul3A_405 = vector.broadcast %squeeze3A_392 : f32 to vector<16xf32>
        %mul3A_406 = arith.mulf %mul3A_405, %get3A_397 : vector<16xf32>
        %add3A_407 = arith.addf %add3A_387, %mul3A_406 : vector<16xf32>
        %mul3A_408 = vector.broadcast %squeeze3A_392 : f32 to vector<16xf32>
        %mul3A_409 = arith.mulf %mul3A_408, %get3A_404 : vector<16xf32>
        %add3A_410 = arith.addf %add3A_390, %mul3A_409 : vector<16xf32>
        %slice3A_411 = vector.extract_strided_slice %convert_element_type3A {offsets = [12], sizes = [1], strides = [1]} : vector<16xf32> to vector<1xf32>
        %squeeze3A_412 = vector.extract %slice3A_411[0] : f32 from vector<1xf32>
        %add3A_413 = arith.constant 384 : i32
        %add3A_414 = arith.addi %mul3A_172, %add3A_413 : i32
        %get3A_415 = arith.index_cast %add3A_414 : i32 to index
        %get3A_416 = tpu.vector_load %arg6[%get3A_415] {strides = array<i32>} : memref<5632xf32, #tpu.memory_space<vmem>>, vector<16xf32>,
        %get3A_417 = vector.shape_cast %get3A_416 : vector<16xf32> to vector<16xf32>
        %add3A_418 = arith.constant 384 : i32
        %add3A_419 = arith.addi %mul3A_172, %add3A_418 : i32
        %add3A_420 = arith.constant 16 : i32
        %add3A_421 = arith.addi %add3A_419, %add3A_420 : i32
        %get3A_422 = arith.index_cast %add3A_421 : i32 to index
        %get3A_423 = tpu.vector_load %arg6[%get3A_422] {strides = array<i32>} : memref<5632xf32, #tpu.memory_space<vmem>>, vector<16xf32>,
        %get3A_424 = vector.shape_cast %get3A_423 : vector<16xf32> to vector<16xf32>
        %mul3A_425 = vector.broadcast %squeeze3A_412 : f32 to vector<16xf32>
        %mul3A_426 = arith.mulf %mul3A_425, %get3A_417 : vector<16xf32>
        %add3A_427 = arith.addf %add3A_407, %mul3A_426 : vector<16xf32>
        %mul3A_428 = vector.broadcast %squeeze3A_412 : f32 to vector<16xf32>
        %mul3A_429 = arith.mulf %mul3A_428, %get3A_424 : vector<16xf32>
        %add3A_430 = arith.addf %add3A_410, %mul3A_429 : vector<16xf32>
        %slice3A_431 = vector.extract_strided_slice %convert_element_type3A {offsets = [13], sizes = [1], strides = [1]} : vector<16xf32> to vector<1xf32>
        %squeeze3A_432 = vector.extract %slice3A_431[0] : f32 from vector<1xf32>
        %add3A_433 = arith.constant 416 : i32
        %add3A_434 = arith.addi %mul3A_172, %add3A_433 : i32
        %get3A_435 = arith.index_cast %add3A_434 : i32 to index
        %get3A_436 = tpu.vector_load %arg6[%get3A_435] {strides = array<i32>} : memref<5632xf32, #tpu.memory_space<vmem>>, vector<16xf32>,
        %get3A_437 = vector.shape_cast %get3A_436 : vector<16xf32> to vector<16xf32>
        %add3A_438 = arith.constant 416 : i32
        %add3A_439 = arith.addi %mul3A_172, %add3A_438 : i32
        %add3A_440 = arith.constant 16 : i32
        %add3A_441 = arith.addi %add3A_439, %add3A_440 : i32
        %get3A_442 = arith.index_cast %add3A_441 : i32 to index
        %get3A_443 = tpu.vector_load %arg6[%get3A_442] {strides = array<i32>} : memref<5632xf32, #tpu.memory_space<vmem>>, vector<16xf32>,
        %get3A_444 = vector.shape_cast %get3A_443 : vector<16xf32> to vector<16xf32>
        %mul3A_445 = vector.broadcast %squeeze3A_432 : f32 to vector<16xf32>
        %mul3A_446 = arith.mulf %mul3A_445, %get3A_437 : vector<16xf32>
        %add3A_447 = arith.addf %add3A_427, %mul3A_446 : vector<16xf32>
        %mul3A_448 = vector.broadcast %squeeze3A_432 : f32 to vector<16xf32>
        %mul3A_449 = arith.mulf %mul3A_448, %get3A_444 : vector<16xf32>
        %add3A_450 = arith.addf %add3A_430, %mul3A_449 : vector<16xf32>
        %slice3A_451 = vector.extract_strided_slice %convert_element_type3A {offsets = [14], sizes = [1], strides = [1]} : vector<16xf32> to vector<1xf32>
        %squeeze3A_452 = vector.extract %slice3A_451[0] : f32 from vector<1xf32>
        %add3A_453 = arith.constant 448 : i32
        %add3A_454 = arith.addi %mul3A_172, %add3A_453 : i32
        %get3A_455 = arith.index_cast %add3A_454 : i32 to index
        %get3A_456 = tpu.vector_load %arg6[%get3A_455] {strides = array<i32>} : memref<5632xf32, #tpu.memory_space<vmem>>, vector<16xf32>,
        %get3A_457 = vector.shape_cast %get3A_456 : vector<16xf32> to vector<16xf32>
        %add3A_458 = arith.constant 448 : i32
        %add3A_459 = arith.addi %mul3A_172, %add3A_458 : i32
        %add3A_460 = arith.constant 16 : i32
        %add3A_461 = arith.addi %add3A_459, %add3A_460 : i32
        %get3A_462 = arith.index_cast %add3A_461 : i32 to index
        %get3A_463 = tpu.vector_load %arg6[%get3A_462] {strides = array<i32>} : memref<5632xf32, #tpu.memory_space<vmem>>, vector<16xf32>,
        %get3A_464 = vector.shape_cast %get3A_463 : vector<16xf32> to vector<16xf32>
        %mul3A_465 = vector.broadcast %squeeze3A_452 : f32 to vector<16xf32>
        %mul3A_466 = arith.mulf %mul3A_465, %get3A_457 : vector<16xf32>
        %add3A_467 = arith.addf %add3A_447, %mul3A_466 : vector<16xf32>
        %mul3A_468 = vector.broadcast %squeeze3A_452 : f32 to vector<16xf32>
        %mul3A_469 = arith.mulf %mul3A_468, %get3A_464 : vector<16xf32>
        %add3A_470 = arith.addf %add3A_450, %mul3A_469 : vector<16xf32>
        %slice3A_471 = vector.extract_strided_slice %convert_element_type3A {offsets = [15], sizes = [1], strides = [1]} : vector<16xf32> to vector<1xf32>
        %squeeze3A_472 = vector.extract %slice3A_471[0] : f32 from vector<1xf32>
        %add3A_473 = arith.constant 480 : i32
        %add3A_474 = arith.addi %mul3A_172, %add3A_473 : i32
        %get3A_475 = arith.index_cast %add3A_474 : i32 to index
        %get3A_476 = tpu.vector_load %arg6[%get3A_475] {strides = array<i32>} : memref<5632xf32, #tpu.memory_space<vmem>>, vector<16xf32>,
        %get3A_477 = vector.shape_cast %get3A_476 : vector<16xf32> to vector<16xf32>
        %add3A_478 = arith.constant 480 : i32
        %add3A_479 = arith.addi %mul3A_172, %add3A_478 : i32
        %add3A_480 = arith.constant 16 : i32
        %add3A_481 = arith.addi %add3A_479, %add3A_480 : i32
        %get3A_482 = arith.index_cast %add3A_481 : i32 to index
        %get3A_483 = tpu.vector_load %arg6[%get3A_482] {strides = array<i32>} : memref<5632xf32, #tpu.memory_space<vmem>>, vector<16xf32>,
        %get3A_484 = vector.shape_cast %get3A_483 : vector<16xf32> to vector<16xf32>
        %mul3A_485 = vector.broadcast %squeeze3A_472 : f32 to vector<16xf32>
        %mul3A_486 = arith.mulf %mul3A_485, %get3A_477 : vector<16xf32>
        %add3A_487 = arith.addf %add3A_467, %mul3A_486 : vector<16xf32>
        %mul3A_488 = vector.broadcast %squeeze3A_472 : f32 to vector<16xf32>
        %mul3A_489 = arith.mulf %mul3A_488, %get3A_484 : vector<16xf32>
        %add3A_490 = arith.addf %add3A_470, %mul3A_489 : vector<16xf32>
        scf.yield %add3A_487, %add3A_490 : vector<16xf32>, vector<16xf32>
      }
      %scan3A_75 = arith.constant 11 : i32
      %swap3A_76 = arith.constant 96 : index
      %swap3A_77 = tpu.vector_load %arg7[%swap3A_76] {strides = array<i32>} : memref<256xf32, #tpu.memory_space<vmem>>, vector<16xf32>,
      %swap3A_78 = vector.shape_cast %swap3A_77 : vector<16xf32> to vector<16xf32>
      %swap3A_79 = vector.shape_cast %scan3A_74#0 : vector<16xf32> to vector<16xf32>
      tpu.vector_store %arg7[%swap3A_76], %swap3A_79 {strides = array<i32>} : memref<256xf32, #tpu.memory_space<vmem>>, vector<16xf32>,
      %swap3A_80 = arith.constant 112 : index
      %swap3A_81 = tpu.vector_load %arg7[%swap3A_80] {strides = array<i32>} : memref<256xf32, #tpu.memory_space<vmem>>, vector<16xf32>,
      %swap3A_82 = vector.shape_cast %swap3A_81 : vector<16xf32> to vector<16xf32>
      %swap3A_83 = vector.shape_cast %scan3A_74#1 : vector<16xf32> to vector<16xf32>
      tpu.vector_store %arg7[%swap3A_80], %swap3A_83 {strides = array<i32>} : memref<256xf32, #tpu.memory_space<vmem>>, vector<16xf32>,
      %broadcast_in_dim3A_84 = arith.constant 0.000000e+00 : f32
      %broadcast_in_dim3A_85 = vector.broadcast %broadcast_in_dim3A_84 : f32 to vector<16xf32>
      %broadcast_in_dim3A_86 = arith.constant 0.000000e+00 : f32
      %broadcast_in_dim3A_87 = vector.broadcast %broadcast_in_dim3A_86 : f32 to vector<16xf32>
      %scan3A_88 = arith.constant 0 : i32
      %scan3A_89 = arith.constant 11 : i32
      %scan3A_90 = arith.addi %scan3A_88, %scan3A_89 : i32
      %scan3A_91 = arith.constant 1 : i32
      %scan3A_92:2 = scf.for %scan3A_158 = %scan3A_88 to %scan3A_90 step %scan3A_91 iter_args(%scan3A_159 = %broadcast_in_dim3A_85, %scan3A_160 = %broadcast_in_dim3A_87) -> (vector<16xf32>, vector<16xf32>)  : i32 {
        %mul3A_161 = arith.constant 16 : i32
        %mul3A_162 = arith.muli %scan3A_158, %mul3A_161 : i32
        %add3A_163 = arith.constant 10900 : i32
        %add3A_164 = arith.addi %add3A_163, %mul3A_162 : i32
        %get3A = arith.index_cast %add3A_164 : i32 to index
        %get3A_165 = tpu.vector_load %arg5[%get3A] {strides = array<i32>} : memref<17736xi32, #tpu.memory_space<vmem>>, vector<16xi32>,
        %get3A_166 = vector.shape_cast %get3A_165 : vector<16xi32> to vector<16xi32>
        %convert_element_type3A = arith.sitofp %get3A_166 : vector<16xi32> to vector<16xf32>
        %mul3A_167 = arith.constant 16 : i32
        %mul3A_168 = arith.muli %scan3A_158, %mul3A_167 : i32
        %mul3A_169 = arith.constant 2 : i32
        %mul3A_170 = arith.muli %mul3A_168, %mul3A_169 : i32
        %mul3A_171 = arith.constant 16 : i32
        %mul3A_172 = arith.muli %mul3A_170, %mul3A_171 : i32
        %slice3A = vector.extract_strided_slice %convert_element_type3A {offsets = [0], sizes = [1], strides = [1]} : vector<16xf32> to vector<1xf32>
        %squeeze3A = vector.extract %slice3A[0] : f32 from vector<1xf32>
        %add3A_173 = arith.constant 0 : i32
        %add3A_174 = arith.addi %mul3A_172, %add3A_173 : i32
        %get3A_175 = arith.index_cast %add3A_174 : i32 to index
        %get3A_176 = tpu.vector_load %arg6[%get3A_175] {strides = array<i32>} : memref<5632xf32, #tpu.memory_space<vmem>>, vector<16xf32>,
        %get3A_177 = vector.shape_cast %get3A_176 : vector<16xf32> to vector<16xf32>
        %add3A_178 = arith.constant 0 : i32
        %add3A_179 = arith.addi %mul3A_172, %add3A_178 : i32
        %add3A_180 = arith.constant 16 : i32
        %add3A_181 = arith.addi %add3A_179, %add3A_180 : i32
        %get3A_182 = arith.index_cast %add3A_181 : i32 to index
        %get3A_183 = tpu.vector_load %arg6[%get3A_182] {strides = array<i32>} : memref<5632xf32, #tpu.memory_space<vmem>>, vector<16xf32>,
        %get3A_184 = vector.shape_cast %get3A_183 : vector<16xf32> to vector<16xf32>
        %mul3A_185 = vector.broadcast %squeeze3A : f32 to vector<16xf32>
        %mul3A_186 = arith.mulf %mul3A_185, %get3A_177 : vector<16xf32>
        %add3A_187 = arith.addf %scan3A_159, %mul3A_186 : vector<16xf32>
        %mul3A_188 = vector.broadcast %squeeze3A : f32 to vector<16xf32>
        %mul3A_189 = arith.mulf %mul3A_188, %get3A_184 : vector<16xf32>
        %add3A_190 = arith.addf %scan3A_160, %mul3A_189 : vector<16xf32>
        %slice3A_191 = vector.extract_strided_slice %convert_element_type3A {offsets = [1], sizes = [1], strides = [1]} : vector<16xf32> to vector<1xf32>
        %squeeze3A_192 = vector.extract %slice3A_191[0] : f32 from vector<1xf32>
        %add3A_193 = arith.constant 32 : i32
        %add3A_194 = arith.addi %mul3A_172, %add3A_193 : i32
        %get3A_195 = arith.index_cast %add3A_194 : i32 to index
        %get3A_196 = tpu.vector_load %arg6[%get3A_195] {strides = array<i32>} : memref<5632xf32, #tpu.memory_space<vmem>>, vector<16xf32>,
        %get3A_197 = vector.shape_cast %get3A_196 : vector<16xf32> to vector<16xf32>
        %add3A_198 = arith.constant 32 : i32
        %add3A_199 = arith.addi %mul3A_172, %add3A_198 : i32
        %add3A_200 = arith.constant 16 : i32
        %add3A_201 = arith.addi %add3A_199, %add3A_200 : i32
        %get3A_202 = arith.index_cast %add3A_201 : i32 to index
        %get3A_203 = tpu.vector_load %arg6[%get3A_202] {strides = array<i32>} : memref<5632xf32, #tpu.memory_space<vmem>>, vector<16xf32>,
        %get3A_204 = vector.shape_cast %get3A_203 : vector<16xf32> to vector<16xf32>
        %mul3A_205 = vector.broadcast %squeeze3A_192 : f32 to vector<16xf32>
        %mul3A_206 = arith.mulf %mul3A_205, %get3A_197 : vector<16xf32>
        %add3A_207 = arith.addf %add3A_187, %mul3A_206 : vector<16xf32>
        %mul3A_208 = vector.broadcast %squeeze3A_192 : f32 to vector<16xf32>
        %mul3A_209 = arith.mulf %mul3A_208, %get3A_204 : vector<16xf32>
        %add3A_210 = arith.addf %add3A_190, %mul3A_209 : vector<16xf32>
        %slice3A_211 = vector.extract_strided_slice %convert_element_type3A {offsets = [2], sizes = [1], strides = [1]} : vector<16xf32> to vector<1xf32>
        %squeeze3A_212 = vector.extract %slice3A_211[0] : f32 from vector<1xf32>
        %add3A_213 = arith.constant 64 : i32
        %add3A_214 = arith.addi %mul3A_172, %add3A_213 : i32
        %get3A_215 = arith.index_cast %add3A_214 : i32 to index
        %get3A_216 = tpu.vector_load %arg6[%get3A_215] {strides = array<i32>} : memref<5632xf32, #tpu.memory_space<vmem>>, vector<16xf32>,
        %get3A_217 = vector.shape_cast %get3A_216 : vector<16xf32> to vector<16xf32>
        %add3A_218 = arith.constant 64 : i32
        %add3A_219 = arith.addi %mul3A_172, %add3A_218 : i32
        %add3A_220 = arith.constant 16 : i32
        %add3A_221 = arith.addi %add3A_219, %add3A_220 : i32
        %get3A_222 = arith.index_cast %add3A_221 : i32 to index
        %get3A_223 = tpu.vector_load %arg6[%get3A_222] {strides = array<i32>} : memref<5632xf32, #tpu.memory_space<vmem>>, vector<16xf32>,
        %get3A_224 = vector.shape_cast %get3A_223 : vector<16xf32> to vector<16xf32>
        %mul3A_225 = vector.broadcast %squeeze3A_212 : f32 to vector<16xf32>
        %mul3A_226 = arith.mulf %mul3A_225, %get3A_217 : vector<16xf32>
        %add3A_227 = arith.addf %add3A_207, %mul3A_226 : vector<16xf32>
        %mul3A_228 = vector.broadcast %squeeze3A_212 : f32 to vector<16xf32>
        %mul3A_229 = arith.mulf %mul3A_228, %get3A_224 : vector<16xf32>
        %add3A_230 = arith.addf %add3A_210, %mul3A_229 : vector<16xf32>
        %slice3A_231 = vector.extract_strided_slice %convert_element_type3A {offsets = [3], sizes = [1], strides = [1]} : vector<16xf32> to vector<1xf32>
        %squeeze3A_232 = vector.extract %slice3A_231[0] : f32 from vector<1xf32>
        %add3A_233 = arith.constant 96 : i32
        %add3A_234 = arith.addi %mul3A_172, %add3A_233 : i32
        %get3A_235 = arith.index_cast %add3A_234 : i32 to index
        %get3A_236 = tpu.vector_load %arg6[%get3A_235] {strides = array<i32>} : memref<5632xf32, #tpu.memory_space<vmem>>, vector<16xf32>,
        %get3A_237 = vector.shape_cast %get3A_236 : vector<16xf32> to vector<16xf32>
        %add3A_238 = arith.constant 96 : i32
        %add3A_239 = arith.addi %mul3A_172, %add3A_238 : i32
        %add3A_240 = arith.constant 16 : i32
        %add3A_241 = arith.addi %add3A_239, %add3A_240 : i32
        %get3A_242 = arith.index_cast %add3A_241 : i32 to index
        %get3A_243 = tpu.vector_load %arg6[%get3A_242] {strides = array<i32>} : memref<5632xf32, #tpu.memory_space<vmem>>, vector<16xf32>,
        %get3A_244 = vector.shape_cast %get3A_243 : vector<16xf32> to vector<16xf32>
        %mul3A_245 = vector.broadcast %squeeze3A_232 : f32 to vector<16xf32>
        %mul3A_246 = arith.mulf %mul3A_245, %get3A_237 : vector<16xf32>
        %add3A_247 = arith.addf %add3A_227, %mul3A_246 : vector<16xf32>
        %mul3A_248 = vector.broadcast %squeeze3A_232 : f32 to vector<16xf32>
        %mul3A_249 = arith.mulf %mul3A_248, %get3A_244 : vector<16xf32>
        %add3A_250 = arith.addf %add3A_230, %mul3A_249 : vector<16xf32>
        %slice3A_251 = vector.extract_strided_slice %convert_element_type3A {offsets = [4], sizes = [1], strides = [1]} : vector<16xf32> to vector<1xf32>
        %squeeze3A_252 = vector.extract %slice3A_251[0] : f32 from vector<1xf32>
        %add3A_253 = arith.constant 128 : i32
        %add3A_254 = arith.addi %mul3A_172, %add3A_253 : i32
        %get3A_255 = arith.index_cast %add3A_254 : i32 to index
        %get3A_256 = tpu.vector_load %arg6[%get3A_255] {strides = array<i32>} : memref<5632xf32, #tpu.memory_space<vmem>>, vector<16xf32>,
        %get3A_257 = vector.shape_cast %get3A_256 : vector<16xf32> to vector<16xf32>
        %add3A_258 = arith.constant 128 : i32
        %add3A_259 = arith.addi %mul3A_172, %add3A_258 : i32
        %add3A_260 = arith.constant 16 : i32
        %add3A_261 = arith.addi %add3A_259, %add3A_260 : i32
        %get3A_262 = arith.index_cast %add3A_261 : i32 to index
        %get3A_263 = tpu.vector_load %arg6[%get3A_262] {strides = array<i32>} : memref<5632xf32, #tpu.memory_space<vmem>>, vector<16xf32>,
        %get3A_264 = vector.shape_cast %get3A_263 : vector<16xf32> to vector<16xf32>
        %mul3A_265 = vector.broadcast %squeeze3A_252 : f32 to vector<16xf32>
        %mul3A_266 = arith.mulf %mul3A_265, %get3A_257 : vector<16xf32>
        %add3A_267 = arith.addf %add3A_247, %mul3A_266 : vector<16xf32>
        %mul3A_268 = vector.broadcast %squeeze3A_252 : f32 to vector<16xf32>
        %mul3A_269 = arith.mulf %mul3A_268, %get3A_264 : vector<16xf32>
        %add3A_270 = arith.addf %add3A_250, %mul3A_269 : vector<16xf32>
        %slice3A_271 = vector.extract_strided_slice %convert_element_type3A {offsets = [5], sizes = [1], strides = [1]} : vector<16xf32> to vector<1xf32>
        %squeeze3A_272 = vector.extract %slice3A_271[0] : f32 from vector<1xf32>
        %add3A_273 = arith.constant 160 : i32
        %add3A_274 = arith.addi %mul3A_172, %add3A_273 : i32
        %get3A_275 = arith.index_cast %add3A_274 : i32 to index
        %get3A_276 = tpu.vector_load %arg6[%get3A_275] {strides = array<i32>} : memref<5632xf32, #tpu.memory_space<vmem>>, vector<16xf32>,
        %get3A_277 = vector.shape_cast %get3A_276 : vector<16xf32> to vector<16xf32>
        %add3A_278 = arith.constant 160 : i32
        %add3A_279 = arith.addi %mul3A_172, %add3A_278 : i32
        %add3A_280 = arith.constant 16 : i32
        %add3A_281 = arith.addi %add3A_279, %add3A_280 : i32
        %get3A_282 = arith.index_cast %add3A_281 : i32 to index
        %get3A_283 = tpu.vector_load %arg6[%get3A_282] {strides = array<i32>} : memref<5632xf32, #tpu.memory_space<vmem>>, vector<16xf32>,
        %get3A_284 = vector.shape_cast %get3A_283 : vector<16xf32> to vector<16xf32>
        %mul3A_285 = vector.broadcast %squeeze3A_272 : f32 to vector<16xf32>
        %mul3A_286 = arith.mulf %mul3A_285, %get3A_277 : vector<16xf32>
        %add3A_287 = arith.addf %add3A_267, %mul3A_286 : vector<16xf32>
        %mul3A_288 = vector.broadcast %squeeze3A_272 : f32 to vector<16xf32>
        %mul3A_289 = arith.mulf %mul3A_288, %get3A_284 : vector<16xf32>
        %add3A_290 = arith.addf %add3A_270, %mul3A_289 : vector<16xf32>
        %slice3A_291 = vector.extract_strided_slice %convert_element_type3A {offsets = [6], sizes = [1], strides = [1]} : vector<16xf32> to vector<1xf32>
        %squeeze3A_292 = vector.extract %slice3A_291[0] : f32 from vector<1xf32>
        %add3A_293 = arith.constant 192 : i32
        %add3A_294 = arith.addi %mul3A_172, %add3A_293 : i32
        %get3A_295 = arith.index_cast %add3A_294 : i32 to index
        %get3A_296 = tpu.vector_load %arg6[%get3A_295] {strides = array<i32>} : memref<5632xf32, #tpu.memory_space<vmem>>, vector<16xf32>,
        %get3A_297 = vector.shape_cast %get3A_296 : vector<16xf32> to vector<16xf32>
        %add3A_298 = arith.constant 192 : i32
        %add3A_299 = arith.addi %mul3A_172, %add3A_298 : i32
        %add3A_300 = arith.constant 16 : i32
        %add3A_301 = arith.addi %add3A_299, %add3A_300 : i32
        %get3A_302 = arith.index_cast %add3A_301 : i32 to index
        %get3A_303 = tpu.vector_load %arg6[%get3A_302] {strides = array<i32>} : memref<5632xf32, #tpu.memory_space<vmem>>, vector<16xf32>,
        %get3A_304 = vector.shape_cast %get3A_303 : vector<16xf32> to vector<16xf32>
        %mul3A_305 = vector.broadcast %squeeze3A_292 : f32 to vector<16xf32>
        %mul3A_306 = arith.mulf %mul3A_305, %get3A_297 : vector<16xf32>
        %add3A_307 = arith.addf %add3A_287, %mul3A_306 : vector<16xf32>
        %mul3A_308 = vector.broadcast %squeeze3A_292 : f32 to vector<16xf32>
        %mul3A_309 = arith.mulf %mul3A_308, %get3A_304 : vector<16xf32>
        %add3A_310 = arith.addf %add3A_290, %mul3A_309 : vector<16xf32>
        %slice3A_311 = vector.extract_strided_slice %convert_element_type3A {offsets = [7], sizes = [1], strides = [1]} : vector<16xf32> to vector<1xf32>
        %squeeze3A_312 = vector.extract %slice3A_311[0] : f32 from vector<1xf32>
        %add3A_313 = arith.constant 224 : i32
        %add3A_314 = arith.addi %mul3A_172, %add3A_313 : i32
        %get3A_315 = arith.index_cast %add3A_314 : i32 to index
        %get3A_316 = tpu.vector_load %arg6[%get3A_315] {strides = array<i32>} : memref<5632xf32, #tpu.memory_space<vmem>>, vector<16xf32>,
        %get3A_317 = vector.shape_cast %get3A_316 : vector<16xf32> to vector<16xf32>
        %add3A_318 = arith.constant 224 : i32
        %add3A_319 = arith.addi %mul3A_172, %add3A_318 : i32
        %add3A_320 = arith.constant 16 : i32
        %add3A_321 = arith.addi %add3A_319, %add3A_320 : i32
        %get3A_322 = arith.index_cast %add3A_321 : i32 to index
        %get3A_323 = tpu.vector_load %arg6[%get3A_322] {strides = array<i32>} : memref<5632xf32, #tpu.memory_space<vmem>>, vector<16xf32>,
        %get3A_324 = vector.shape_cast %get3A_323 : vector<16xf32> to vector<16xf32>
        %mul3A_325 = vector.broadcast %squeeze3A_312 : f32 to vector<16xf32>
        %mul3A_326 = arith.mulf %mul3A_325, %get3A_317 : vector<16xf32>
        %add3A_327 = arith.addf %add3A_307, %mul3A_326 : vector<16xf32>
        %mul3A_328 = vector.broadcast %squeeze3A_312 : f32 to vector<16xf32>
        %mul3A_329 = arith.mulf %mul3A_328, %get3A_324 : vector<16xf32>
        %add3A_330 = arith.addf %add3A_310, %mul3A_329 : vector<16xf32>
        %slice3A_331 = vector.extract_strided_slice %convert_element_type3A {offsets = [8], sizes = [1], strides = [1]} : vector<16xf32> to vector<1xf32>
        %squeeze3A_332 = vector.extract %slice3A_331[0] : f32 from vector<1xf32>
        %add3A_333 = arith.constant 256 : i32
        %add3A_334 = arith.addi %mul3A_172, %add3A_333 : i32
        %get3A_335 = arith.index_cast %add3A_334 : i32 to index
        %get3A_336 = tpu.vector_load %arg6[%get3A_335] {strides = array<i32>} : memref<5632xf32, #tpu.memory_space<vmem>>, vector<16xf32>,
        %get3A_337 = vector.shape_cast %get3A_336 : vector<16xf32> to vector<16xf32>
        %add3A_338 = arith.constant 256 : i32
        %add3A_339 = arith.addi %mul3A_172, %add3A_338 : i32
        %add3A_340 = arith.constant 16 : i32
        %add3A_341 = arith.addi %add3A_339, %add3A_340 : i32
        %get3A_342 = arith.index_cast %add3A_341 : i32 to index
        %get3A_343 = tpu.vector_load %arg6[%get3A_342] {strides = array<i32>} : memref<5632xf32, #tpu.memory_space<vmem>>, vector<16xf32>,
        %get3A_344 = vector.shape_cast %get3A_343 : vector<16xf32> to vector<16xf32>
        %mul3A_345 = vector.broadcast %squeeze3A_332 : f32 to vector<16xf32>
        %mul3A_346 = arith.mulf %mul3A_345, %get3A_337 : vector<16xf32>
        %add3A_347 = arith.addf %add3A_327, %mul3A_346 : vector<16xf32>
        %mul3A_348 = vector.broadcast %squeeze3A_332 : f32 to vector<16xf32>
        %mul3A_349 = arith.mulf %mul3A_348, %get3A_344 : vector<16xf32>
        %add3A_350 = arith.addf %add3A_330, %mul3A_349 : vector<16xf32>
        %slice3A_351 = vector.extract_strided_slice %convert_element_type3A {offsets = [9], sizes = [1], strides = [1]} : vector<16xf32> to vector<1xf32>
        %squeeze3A_352 = vector.extract %slice3A_351[0] : f32 from vector<1xf32>
        %add3A_353 = arith.constant 288 : i32
        %add3A_354 = arith.addi %mul3A_172, %add3A_353 : i32
        %get3A_355 = arith.index_cast %add3A_354 : i32 to index
        %get3A_356 = tpu.vector_load %arg6[%get3A_355] {strides = array<i32>} : memref<5632xf32, #tpu.memory_space<vmem>>, vector<16xf32>,
        %get3A_357 = vector.shape_cast %get3A_356 : vector<16xf32> to vector<16xf32>
        %add3A_358 = arith.constant 288 : i32
        %add3A_359 = arith.addi %mul3A_172, %add3A_358 : i32
        %add3A_360 = arith.constant 16 : i32
        %add3A_361 = arith.addi %add3A_359, %add3A_360 : i32
        %get3A_362 = arith.index_cast %add3A_361 : i32 to index
        %get3A_363 = tpu.vector_load %arg6[%get3A_362] {strides = array<i32>} : memref<5632xf32, #tpu.memory_space<vmem>>, vector<16xf32>,
        %get3A_364 = vector.shape_cast %get3A_363 : vector<16xf32> to vector<16xf32>
        %mul3A_365 = vector.broadcast %squeeze3A_352 : f32 to vector<16xf32>
        %mul3A_366 = arith.mulf %mul3A_365, %get3A_357 : vector<16xf32>
        %add3A_367 = arith.addf %add3A_347, %mul3A_366 : vector<16xf32>
        %mul3A_368 = vector.broadcast %squeeze3A_352 : f32 to vector<16xf32>
        %mul3A_369 = arith.mulf %mul3A_368, %get3A_364 : vector<16xf32>
        %add3A_370 = arith.addf %add3A_350, %mul3A_369 : vector<16xf32>
        %slice3A_371 = vector.extract_strided_slice %convert_element_type3A {offsets = [10], sizes = [1], strides = [1]} : vector<16xf32> to vector<1xf32>
        %squeeze3A_372 = vector.extract %slice3A_371[0] : f32 from vector<1xf32>
        %add3A_373 = arith.constant 320 : i32
        %add3A_374 = arith.addi %mul3A_172, %add3A_373 : i32
        %get3A_375 = arith.index_cast %add3A_374 : i32 to index
        %get3A_376 = tpu.vector_load %arg6[%get3A_375] {strides = array<i32>} : memref<5632xf32, #tpu.memory_space<vmem>>, vector<16xf32>,
        %get3A_377 = vector.shape_cast %get3A_376 : vector<16xf32> to vector<16xf32>
        %add3A_378 = arith.constant 320 : i32
        %add3A_379 = arith.addi %mul3A_172, %add3A_378 : i32
        %add3A_380 = arith.constant 16 : i32
        %add3A_381 = arith.addi %add3A_379, %add3A_380 : i32
        %get3A_382 = arith.index_cast %add3A_381 : i32 to index
        %get3A_383 = tpu.vector_load %arg6[%get3A_382] {strides = array<i32>} : memref<5632xf32, #tpu.memory_space<vmem>>, vector<16xf32>,
        %get3A_384 = vector.shape_cast %get3A_383 : vector<16xf32> to vector<16xf32>
        %mul3A_385 = vector.broadcast %squeeze3A_372 : f32 to vector<16xf32>
        %mul3A_386 = arith.mulf %mul3A_385, %get3A_377 : vector<16xf32>
        %add3A_387 = arith.addf %add3A_367, %mul3A_386 : vector<16xf32>
        %mul3A_388 = vector.broadcast %squeeze3A_372 : f32 to vector<16xf32>
        %mul3A_389 = arith.mulf %mul3A_388, %get3A_384 : vector<16xf32>
        %add3A_390 = arith.addf %add3A_370, %mul3A_389 : vector<16xf32>
        %slice3A_391 = vector.extract_strided_slice %convert_element_type3A {offsets = [11], sizes = [1], strides = [1]} : vector<16xf32> to vector<1xf32>
        %squeeze3A_392 = vector.extract %slice3A_391[0] : f32 from vector<1xf32>
        %add3A_393 = arith.constant 352 : i32
        %add3A_394 = arith.addi %mul3A_172, %add3A_393 : i32
        %get3A_395 = arith.index_cast %add3A_394 : i32 to index
        %get3A_396 = tpu.vector_load %arg6[%get3A_395] {strides = array<i32>} : memref<5632xf32, #tpu.memory_space<vmem>>, vector<16xf32>,
        %get3A_397 = vector.shape_cast %get3A_396 : vector<16xf32> to vector<16xf32>
        %add3A_398 = arith.constant 352 : i32
        %add3A_399 = arith.addi %mul3A_172, %add3A_398 : i32
        %add3A_400 = arith.constant 16 : i32
        %add3A_401 = arith.addi %add3A_399, %add3A_400 : i32
        %get3A_402 = arith.index_cast %add3A_401 : i32 to index
        %get3A_403 = tpu.vector_load %arg6[%get3A_402] {strides = array<i32>} : memref<5632xf32, #tpu.memory_space<vmem>>, vector<16xf32>,
        %get3A_404 = vector.shape_cast %get3A_403 : vector<16xf32> to vector<16xf32>
        %mul3A_405 = vector.broadcast %squeeze3A_392 : f32 to vector<16xf32>
        %mul3A_406 = arith.mulf %mul3A_405, %get3A_397 : vector<16xf32>
        %add3A_407 = arith.addf %add3A_387, %mul3A_406 : vector<16xf32>
        %mul3A_408 = vector.broadcast %squeeze3A_392 : f32 to vector<16xf32>
        %mul3A_409 = arith.mulf %mul3A_408, %get3A_404 : vector<16xf32>
        %add3A_410 = arith.addf %add3A_390, %mul3A_409 : vector<16xf32>
        %slice3A_411 = vector.extract_strided_slice %convert_element_type3A {offsets = [12], sizes = [1], strides = [1]} : vector<16xf32> to vector<1xf32>
        %squeeze3A_412 = vector.extract %slice3A_411[0] : f32 from vector<1xf32>
        %add3A_413 = arith.constant 384 : i32
        %add3A_414 = arith.addi %mul3A_172, %add3A_413 : i32
        %get3A_415 = arith.index_cast %add3A_414 : i32 to index
        %get3A_416 = tpu.vector_load %arg6[%get3A_415] {strides = array<i32>} : memref<5632xf32, #tpu.memory_space<vmem>>, vector<16xf32>,
        %get3A_417 = vector.shape_cast %get3A_416 : vector<16xf32> to vector<16xf32>
        %add3A_418 = arith.constant 384 : i32
        %add3A_419 = arith.addi %mul3A_172, %add3A_418 : i32
        %add3A_420 = arith.constant 16 : i32
        %add3A_421 = arith.addi %add3A_419, %add3A_420 : i32
        %get3A_422 = arith.index_cast %add3A_421 : i32 to index
        %get3A_423 = tpu.vector_load %arg6[%get3A_422] {strides = array<i32>} : memref<5632xf32, #tpu.memory_space<vmem>>, vector<16xf32>,
        %get3A_424 = vector.shape_cast %get3A_423 : vector<16xf32> to vector<16xf32>
        %mul3A_425 = vector.broadcast %squeeze3A_412 : f32 to vector<16xf32>
        %mul3A_426 = arith.mulf %mul3A_425, %get3A_417 : vector<16xf32>
        %add3A_427 = arith.addf %add3A_407, %mul3A_426 : vector<16xf32>
        %mul3A_428 = vector.broadcast %squeeze3A_412 : f32 to vector<16xf32>
        %mul3A_429 = arith.mulf %mul3A_428, %get3A_424 : vector<16xf32>
        %add3A_430 = arith.addf %add3A_410, %mul3A_429 : vector<16xf32>
        %slice3A_431 = vector.extract_strided_slice %convert_element_type3A {offsets = [13], sizes = [1], strides = [1]} : vector<16xf32> to vector<1xf32>
        %squeeze3A_432 = vector.extract %slice3A_431[0] : f32 from vector<1xf32>
        %add3A_433 = arith.constant 416 : i32
        %add3A_434 = arith.addi %mul3A_172, %add3A_433 : i32
        %get3A_435 = arith.index_cast %add3A_434 : i32 to index
        %get3A_436 = tpu.vector_load %arg6[%get3A_435] {strides = array<i32>} : memref<5632xf32, #tpu.memory_space<vmem>>, vector<16xf32>,
        %get3A_437 = vector.shape_cast %get3A_436 : vector<16xf32> to vector<16xf32>
        %add3A_438 = arith.constant 416 : i32
        %add3A_439 = arith.addi %mul3A_172, %add3A_438 : i32
        %add3A_440 = arith.constant 16 : i32
        %add3A_441 = arith.addi %add3A_439, %add3A_440 : i32
        %get3A_442 = arith.index_cast %add3A_441 : i32 to index
        %get3A_443 = tpu.vector_load %arg6[%get3A_442] {strides = array<i32>} : memref<5632xf32, #tpu.memory_space<vmem>>, vector<16xf32>,
        %get3A_444 = vector.shape_cast %get3A_443 : vector<16xf32> to vector<16xf32>
        %mul3A_445 = vector.broadcast %squeeze3A_432 : f32 to vector<16xf32>
        %mul3A_446 = arith.mulf %mul3A_445, %get3A_437 : vector<16xf32>
        %add3A_447 = arith.addf %add3A_427, %mul3A_446 : vector<16xf32>
        %mul3A_448 = vector.broadcast %squeeze3A_432 : f32 to vector<16xf32>
        %mul3A_449 = arith.mulf %mul3A_448, %get3A_444 : vector<16xf32>
        %add3A_450 = arith.addf %add3A_430, %mul3A_449 : vector<16xf32>
        %slice3A_451 = vector.extract_strided_slice %convert_element_type3A {offsets = [14], sizes = [1], strides = [1]} : vector<16xf32> to vector<1xf32>
        %squeeze3A_452 = vector.extract %slice3A_451[0] : f32 from vector<1xf32>
        %add3A_453 = arith.constant 448 : i32
        %add3A_454 = arith.addi %mul3A_172, %add3A_453 : i32
        %get3A_455 = arith.index_cast %add3A_454 : i32 to index
        %get3A_456 = tpu.vector_load %arg6[%get3A_455] {strides = array<i32>} : memref<5632xf32, #tpu.memory_space<vmem>>, vector<16xf32>,
        %get3A_457 = vector.shape_cast %get3A_456 : vector<16xf32> to vector<16xf32>
        %add3A_458 = arith.constant 448 : i32
        %add3A_459 = arith.addi %mul3A_172, %add3A_458 : i32
        %add3A_460 = arith.constant 16 : i32
        %add3A_461 = arith.addi %add3A_459, %add3A_460 : i32
        %get3A_462 = arith.index_cast %add3A_461 : i32 to index
        %get3A_463 = tpu.vector_load %arg6[%get3A_462] {strides = array<i32>} : memref<5632xf32, #tpu.memory_space<vmem>>, vector<16xf32>,
        %get3A_464 = vector.shape_cast %get3A_463 : vector<16xf32> to vector<16xf32>
        %mul3A_465 = vector.broadcast %squeeze3A_452 : f32 to vector<16xf32>
        %mul3A_466 = arith.mulf %mul3A_465, %get3A_457 : vector<16xf32>
        %add3A_467 = arith.addf %add3A_447, %mul3A_466 : vector<16xf32>
        %mul3A_468 = vector.broadcast %squeeze3A_452 : f32 to vector<16xf32>
        %mul3A_469 = arith.mulf %mul3A_468, %get3A_464 : vector<16xf32>
        %add3A_470 = arith.addf %add3A_450, %mul3A_469 : vector<16xf32>
        %slice3A_471 = vector.extract_strided_slice %convert_element_type3A {offsets = [15], sizes = [1], strides = [1]} : vector<16xf32> to vector<1xf32>
        %squeeze3A_472 = vector.extract %slice3A_471[0] : f32 from vector<1xf32>
        %add3A_473 = arith.constant 480 : i32
        %add3A_474 = arith.addi %mul3A_172, %add3A_473 : i32
        %get3A_475 = arith.index_cast %add3A_474 : i32 to index
        %get3A_476 = tpu.vector_load %arg6[%get3A_475] {strides = array<i32>} : memref<5632xf32, #tpu.memory_space<vmem>>, vector<16xf32>,
        %get3A_477 = vector.shape_cast %get3A_476 : vector<16xf32> to vector<16xf32>
        %add3A_478 = arith.constant 480 : i32
        %add3A_479 = arith.addi %mul3A_172, %add3A_478 : i32
        %add3A_480 = arith.constant 16 : i32
        %add3A_481 = arith.addi %add3A_479, %add3A_480 : i32
        %get3A_482 = arith.index_cast %add3A_481 : i32 to index
        %get3A_483 = tpu.vector_load %arg6[%get3A_482] {strides = array<i32>} : memref<5632xf32, #tpu.memory_space<vmem>>, vector<16xf32>,
        %get3A_484 = vector.shape_cast %get3A_483 : vector<16xf32> to vector<16xf32>
        %mul3A_485 = vector.broadcast %squeeze3A_472 : f32 to vector<16xf32>
        %mul3A_486 = arith.mulf %mul3A_485, %get3A_477 : vector<16xf32>
        %add3A_487 = arith.addf %add3A_467, %mul3A_486 : vector<16xf32>
        %mul3A_488 = vector.broadcast %squeeze3A_472 : f32 to vector<16xf32>
        %mul3A_489 = arith.mulf %mul3A_488, %get3A_484 : vector<16xf32>
        %add3A_490 = arith.addf %add3A_470, %mul3A_489 : vector<16xf32>
        scf.yield %add3A_487, %add3A_490 : vector<16xf32>, vector<16xf32>
      }
      %scan3A_93 = arith.constant 11 : i32
      %swap3A_94 = arith.constant 128 : index
      %swap3A_95 = tpu.vector_load %arg7[%swap3A_94] {strides = array<i32>} : memref<256xf32, #tpu.memory_space<vmem>>, vector<16xf32>,
      %swap3A_96 = vector.shape_cast %swap3A_95 : vector<16xf32> to vector<16xf32>
      %swap3A_97 = vector.shape_cast %scan3A_92#0 : vector<16xf32> to vector<16xf32>
      tpu.vector_store %arg7[%swap3A_94], %swap3A_97 {strides = array<i32>} : memref<256xf32, #tpu.memory_space<vmem>>, vector<16xf32>,
      %swap3A_98 = arith.constant 144 : index
      %swap3A_99 = tpu.vector_load %arg7[%swap3A_98] {strides = array<i32>} : memref<256xf32, #tpu.memory_space<vmem>>, vector<16xf32>,
      %swap3A_100 = vector.shape_cast %swap3A_99 : vector<16xf32> to vector<16xf32>
      %swap3A_101 = vector.shape_cast %scan3A_92#1 : vector<16xf32> to vector<16xf32>
      tpu.vector_store %arg7[%swap3A_98], %swap3A_101 {strides = array<i32>} : memref<256xf32, #tpu.memory_space<vmem>>, vector<16xf32>,
      %broadcast_in_dim3A_102 = arith.constant 0.000000e+00 : f32
      %broadcast_in_dim3A_103 = vector.broadcast %broadcast_in_dim3A_102 : f32 to vector<16xf32>
      %broadcast_in_dim3A_104 = arith.constant 0.000000e+00 : f32
      %broadcast_in_dim3A_105 = vector.broadcast %broadcast_in_dim3A_104 : f32 to vector<16xf32>
      %scan3A_106 = arith.constant 0 : i32
      %scan3A_107 = arith.constant 11 : i32
      %scan3A_108 = arith.addi %scan3A_106, %scan3A_107 : i32
      %scan3A_109 = arith.constant 1 : i32
      %scan3A_110:2 = scf.for %scan3A_158 = %scan3A_106 to %scan3A_108 step %scan3A_109 iter_args(%scan3A_159 = %broadcast_in_dim3A_103, %scan3A_160 = %broadcast_in_dim3A_105) -> (vector<16xf32>, vector<16xf32>)  : i32 {
        %mul3A_161 = arith.constant 16 : i32
        %mul3A_162 = arith.muli %scan3A_158, %mul3A_161 : i32
        %add3A_163 = arith.constant 13113 : i32
        %add3A_164 = arith.addi %add3A_163, %mul3A_162 : i32
        %get3A = arith.index_cast %add3A_164 : i32 to index
        %get3A_165 = tpu.vector_load %arg5[%get3A] {strides = array<i32>} : memref<17736xi32, #tpu.memory_space<vmem>>, vector<16xi32>,
        %get3A_166 = vector.shape_cast %get3A_165 : vector<16xi32> to vector<16xi32>
        %convert_element_type3A = arith.sitofp %get3A_166 : vector<16xi32> to vector<16xf32>
        %mul3A_167 = arith.constant 16 : i32
        %mul3A_168 = arith.muli %scan3A_158, %mul3A_167 : i32
        %mul3A_169 = arith.constant 2 : i32
        %mul3A_170 = arith.muli %mul3A_168, %mul3A_169 : i32
        %mul3A_171 = arith.constant 16 : i32
        %mul3A_172 = arith.muli %mul3A_170, %mul3A_171 : i32
        %slice3A = vector.extract_strided_slice %convert_element_type3A {offsets = [0], sizes = [1], strides = [1]} : vector<16xf32> to vector<1xf32>
        %squeeze3A = vector.extract %slice3A[0] : f32 from vector<1xf32>
        %add3A_173 = arith.constant 0 : i32
        %add3A_174 = arith.addi %mul3A_172, %add3A_173 : i32
        %get3A_175 = arith.index_cast %add3A_174 : i32 to index
        %get3A_176 = tpu.vector_load %arg6[%get3A_175] {strides = array<i32>} : memref<5632xf32, #tpu.memory_space<vmem>>, vector<16xf32>,
        %get3A_177 = vector.shape_cast %get3A_176 : vector<16xf32> to vector<16xf32>
        %add3A_178 = arith.constant 0 : i32
        %add3A_179 = arith.addi %mul3A_172, %add3A_178 : i32
        %add3A_180 = arith.constant 16 : i32
        %add3A_181 = arith.addi %add3A_179, %add3A_180 : i32
        %get3A_182 = arith.index_cast %add3A_181 : i32 to index
        %get3A_183 = tpu.vector_load %arg6[%get3A_182] {strides = array<i32>} : memref<5632xf32, #tpu.memory_space<vmem>>, vector<16xf32>,
        %get3A_184 = vector.shape_cast %get3A_183 : vector<16xf32> to vector<16xf32>
        %mul3A_185 = vector.broadcast %squeeze3A : f32 to vector<16xf32>
        %mul3A_186 = arith.mulf %mul3A_185, %get3A_177 : vector<16xf32>
        %add3A_187 = arith.addf %scan3A_159, %mul3A_186 : vector<16xf32>
        %mul3A_188 = vector.broadcast %squeeze3A : f32 to vector<16xf32>
        %mul3A_189 = arith.mulf %mul3A_188, %get3A_184 : vector<16xf32>
        %add3A_190 = arith.addf %scan3A_160, %mul3A_189 : vector<16xf32>
        %slice3A_191 = vector.extract_strided_slice %convert_element_type3A {offsets = [1], sizes = [1], strides = [1]} : vector<16xf32> to vector<1xf32>
        %squeeze3A_192 = vector.extract %slice3A_191[0] : f32 from vector<1xf32>
        %add3A_193 = arith.constant 32 : i32
        %add3A_194 = arith.addi %mul3A_172, %add3A_193 : i32
        %get3A_195 = arith.index_cast %add3A_194 : i32 to index
        %get3A_196 = tpu.vector_load %arg6[%get3A_195] {strides = array<i32>} : memref<5632xf32, #tpu.memory_space<vmem>>, vector<16xf32>,
        %get3A_197 = vector.shape_cast %get3A_196 : vector<16xf32> to vector<16xf32>
        %add3A_198 = arith.constant 32 : i32
        %add3A_199 = arith.addi %mul3A_172, %add3A_198 : i32
        %add3A_200 = arith.constant 16 : i32
        %add3A_201 = arith.addi %add3A_199, %add3A_200 : i32
        %get3A_202 = arith.index_cast %add3A_201 : i32 to index
        %get3A_203 = tpu.vector_load %arg6[%get3A_202] {strides = array<i32>} : memref<5632xf32, #tpu.memory_space<vmem>>, vector<16xf32>,
        %get3A_204 = vector.shape_cast %get3A_203 : vector<16xf32> to vector<16xf32>
        %mul3A_205 = vector.broadcast %squeeze3A_192 : f32 to vector<16xf32>
        %mul3A_206 = arith.mulf %mul3A_205, %get3A_197 : vector<16xf32>
        %add3A_207 = arith.addf %add3A_187, %mul3A_206 : vector<16xf32>
        %mul3A_208 = vector.broadcast %squeeze3A_192 : f32 to vector<16xf32>
        %mul3A_209 = arith.mulf %mul3A_208, %get3A_204 : vector<16xf32>
        %add3A_210 = arith.addf %add3A_190, %mul3A_209 : vector<16xf32>
        %slice3A_211 = vector.extract_strided_slice %convert_element_type3A {offsets = [2], sizes = [1], strides = [1]} : vector<16xf32> to vector<1xf32>
        %squeeze3A_212 = vector.extract %slice3A_211[0] : f32 from vector<1xf32>
        %add3A_213 = arith.constant 64 : i32
        %add3A_214 = arith.addi %mul3A_172, %add3A_213 : i32
        %get3A_215 = arith.index_cast %add3A_214 : i32 to index
        %get3A_216 = tpu.vector_load %arg6[%get3A_215] {strides = array<i32>} : memref<5632xf32, #tpu.memory_space<vmem>>, vector<16xf32>,
        %get3A_217 = vector.shape_cast %get3A_216 : vector<16xf32> to vector<16xf32>
        %add3A_218 = arith.constant 64 : i32
        %add3A_219 = arith.addi %mul3A_172, %add3A_218 : i32
        %add3A_220 = arith.constant 16 : i32
        %add3A_221 = arith.addi %add3A_219, %add3A_220 : i32
        %get3A_222 = arith.index_cast %add3A_221 : i32 to index
        %get3A_223 = tpu.vector_load %arg6[%get3A_222] {strides = array<i32>} : memref<5632xf32, #tpu.memory_space<vmem>>, vector<16xf32>,
        %get3A_224 = vector.shape_cast %get3A_223 : vector<16xf32> to vector<16xf32>
        %mul3A_225 = vector.broadcast %squeeze3A_212 : f32 to vector<16xf32>
        %mul3A_226 = arith.mulf %mul3A_225, %get3A_217 : vector<16xf32>
        %add3A_227 = arith.addf %add3A_207, %mul3A_226 : vector<16xf32>
        %mul3A_228 = vector.broadcast %squeeze3A_212 : f32 to vector<16xf32>
        %mul3A_229 = arith.mulf %mul3A_228, %get3A_224 : vector<16xf32>
        %add3A_230 = arith.addf %add3A_210, %mul3A_229 : vector<16xf32>
        %slice3A_231 = vector.extract_strided_slice %convert_element_type3A {offsets = [3], sizes = [1], strides = [1]} : vector<16xf32> to vector<1xf32>
        %squeeze3A_232 = vector.extract %slice3A_231[0] : f32 from vector<1xf32>
        %add3A_233 = arith.constant 96 : i32
        %add3A_234 = arith.addi %mul3A_172, %add3A_233 : i32
        %get3A_235 = arith.index_cast %add3A_234 : i32 to index
        %get3A_236 = tpu.vector_load %arg6[%get3A_235] {strides = array<i32>} : memref<5632xf32, #tpu.memory_space<vmem>>, vector<16xf32>,
        %get3A_237 = vector.shape_cast %get3A_236 : vector<16xf32> to vector<16xf32>
        %add3A_238 = arith.constant 96 : i32
        %add3A_239 = arith.addi %mul3A_172, %add3A_238 : i32
        %add3A_240 = arith.constant 16 : i32
        %add3A_241 = arith.addi %add3A_239, %add3A_240 : i32
        %get3A_242 = arith.index_cast %add3A_241 : i32 to index
        %get3A_243 = tpu.vector_load %arg6[%get3A_242] {strides = array<i32>} : memref<5632xf32, #tpu.memory_space<vmem>>, vector<16xf32>,
        %get3A_244 = vector.shape_cast %get3A_243 : vector<16xf32> to vector<16xf32>
        %mul3A_245 = vector.broadcast %squeeze3A_232 : f32 to vector<16xf32>
        %mul3A_246 = arith.mulf %mul3A_245, %get3A_237 : vector<16xf32>
        %add3A_247 = arith.addf %add3A_227, %mul3A_246 : vector<16xf32>
        %mul3A_248 = vector.broadcast %squeeze3A_232 : f32 to vector<16xf32>
        %mul3A_249 = arith.mulf %mul3A_248, %get3A_244 : vector<16xf32>
        %add3A_250 = arith.addf %add3A_230, %mul3A_249 : vector<16xf32>
        %slice3A_251 = vector.extract_strided_slice %convert_element_type3A {offsets = [4], sizes = [1], strides = [1]} : vector<16xf32> to vector<1xf32>
        %squeeze3A_252 = vector.extract %slice3A_251[0] : f32 from vector<1xf32>
        %add3A_253 = arith.constant 128 : i32
        %add3A_254 = arith.addi %mul3A_172, %add3A_253 : i32
        %get3A_255 = arith.index_cast %add3A_254 : i32 to index
        %get3A_256 = tpu.vector_load %arg6[%get3A_255] {strides = array<i32>} : memref<5632xf32, #tpu.memory_space<vmem>>, vector<16xf32>,
        %get3A_257 = vector.shape_cast %get3A_256 : vector<16xf32> to vector<16xf32>
        %add3A_258 = arith.constant 128 : i32
        %add3A_259 = arith.addi %mul3A_172, %add3A_258 : i32
        %add3A_260 = arith.constant 16 : i32
        %add3A_261 = arith.addi %add3A_259, %add3A_260 : i32
        %get3A_262 = arith.index_cast %add3A_261 : i32 to index
        %get3A_263 = tpu.vector_load %arg6[%get3A_262] {strides = array<i32>} : memref<5632xf32, #tpu.memory_space<vmem>>, vector<16xf32>,
        %get3A_264 = vector.shape_cast %get3A_263 : vector<16xf32> to vector<16xf32>
        %mul3A_265 = vector.broadcast %squeeze3A_252 : f32 to vector<16xf32>
        %mul3A_266 = arith.mulf %mul3A_265, %get3A_257 : vector<16xf32>
        %add3A_267 = arith.addf %add3A_247, %mul3A_266 : vector<16xf32>
        %mul3A_268 = vector.broadcast %squeeze3A_252 : f32 to vector<16xf32>
        %mul3A_269 = arith.mulf %mul3A_268, %get3A_264 : vector<16xf32>
        %add3A_270 = arith.addf %add3A_250, %mul3A_269 : vector<16xf32>
        %slice3A_271 = vector.extract_strided_slice %convert_element_type3A {offsets = [5], sizes = [1], strides = [1]} : vector<16xf32> to vector<1xf32>
        %squeeze3A_272 = vector.extract %slice3A_271[0] : f32 from vector<1xf32>
        %add3A_273 = arith.constant 160 : i32
        %add3A_274 = arith.addi %mul3A_172, %add3A_273 : i32
        %get3A_275 = arith.index_cast %add3A_274 : i32 to index
        %get3A_276 = tpu.vector_load %arg6[%get3A_275] {strides = array<i32>} : memref<5632xf32, #tpu.memory_space<vmem>>, vector<16xf32>,
        %get3A_277 = vector.shape_cast %get3A_276 : vector<16xf32> to vector<16xf32>
        %add3A_278 = arith.constant 160 : i32
        %add3A_279 = arith.addi %mul3A_172, %add3A_278 : i32
        %add3A_280 = arith.constant 16 : i32
        %add3A_281 = arith.addi %add3A_279, %add3A_280 : i32
        %get3A_282 = arith.index_cast %add3A_281 : i32 to index
        %get3A_283 = tpu.vector_load %arg6[%get3A_282] {strides = array<i32>} : memref<5632xf32, #tpu.memory_space<vmem>>, vector<16xf32>,
        %get3A_284 = vector.shape_cast %get3A_283 : vector<16xf32> to vector<16xf32>
        %mul3A_285 = vector.broadcast %squeeze3A_272 : f32 to vector<16xf32>
        %mul3A_286 = arith.mulf %mul3A_285, %get3A_277 : vector<16xf32>
        %add3A_287 = arith.addf %add3A_267, %mul3A_286 : vector<16xf32>
        %mul3A_288 = vector.broadcast %squeeze3A_272 : f32 to vector<16xf32>
        %mul3A_289 = arith.mulf %mul3A_288, %get3A_284 : vector<16xf32>
        %add3A_290 = arith.addf %add3A_270, %mul3A_289 : vector<16xf32>
        %slice3A_291 = vector.extract_strided_slice %convert_element_type3A {offsets = [6], sizes = [1], strides = [1]} : vector<16xf32> to vector<1xf32>
        %squeeze3A_292 = vector.extract %slice3A_291[0] : f32 from vector<1xf32>
        %add3A_293 = arith.constant 192 : i32
        %add3A_294 = arith.addi %mul3A_172, %add3A_293 : i32
        %get3A_295 = arith.index_cast %add3A_294 : i32 to index
        %get3A_296 = tpu.vector_load %arg6[%get3A_295] {strides = array<i32>} : memref<5632xf32, #tpu.memory_space<vmem>>, vector<16xf32>,
        %get3A_297 = vector.shape_cast %get3A_296 : vector<16xf32> to vector<16xf32>
        %add3A_298 = arith.constant 192 : i32
        %add3A_299 = arith.addi %mul3A_172, %add3A_298 : i32
        %add3A_300 = arith.constant 16 : i32
        %add3A_301 = arith.addi %add3A_299, %add3A_300 : i32
        %get3A_302 = arith.index_cast %add3A_301 : i32 to index
        %get3A_303 = tpu.vector_load %arg6[%get3A_302] {strides = array<i32>} : memref<5632xf32, #tpu.memory_space<vmem>>, vector<16xf32>,
        %get3A_304 = vector.shape_cast %get3A_303 : vector<16xf32> to vector<16xf32>
        %mul3A_305 = vector.broadcast %squeeze3A_292 : f32 to vector<16xf32>
        %mul3A_306 = arith.mulf %mul3A_305, %get3A_297 : vector<16xf32>
        %add3A_307 = arith.addf %add3A_287, %mul3A_306 : vector<16xf32>
        %mul3A_308 = vector.broadcast %squeeze3A_292 : f32 to vector<16xf32>
        %mul3A_309 = arith.mulf %mul3A_308, %get3A_304 : vector<16xf32>
        %add3A_310 = arith.addf %add3A_290, %mul3A_309 : vector<16xf32>
        %slice3A_311 = vector.extract_strided_slice %convert_element_type3A {offsets = [7], sizes = [1], strides = [1]} : vector<16xf32> to vector<1xf32>
        %squeeze3A_312 = vector.extract %slice3A_311[0] : f32 from vector<1xf32>
        %add3A_313 = arith.constant 224 : i32
        %add3A_314 = arith.addi %mul3A_172, %add3A_313 : i32
        %get3A_315 = arith.index_cast %add3A_314 : i32 to index
        %get3A_316 = tpu.vector_load %arg6[%get3A_315] {strides = array<i32>} : memref<5632xf32, #tpu.memory_space<vmem>>, vector<16xf32>,
        %get3A_317 = vector.shape_cast %get3A_316 : vector<16xf32> to vector<16xf32>
        %add3A_318 = arith.constant 224 : i32
        %add3A_319 = arith.addi %mul3A_172, %add3A_318 : i32
        %add3A_320 = arith.constant 16 : i32
        %add3A_321 = arith.addi %add3A_319, %add3A_320 : i32
        %get3A_322 = arith.index_cast %add3A_321 : i32 to index
        %get3A_323 = tpu.vector_load %arg6[%get3A_322] {strides = array<i32>} : memref<5632xf32, #tpu.memory_space<vmem>>, vector<16xf32>,
        %get3A_324 = vector.shape_cast %get3A_323 : vector<16xf32> to vector<16xf32>
        %mul3A_325 = vector.broadcast %squeeze3A_312 : f32 to vector<16xf32>
        %mul3A_326 = arith.mulf %mul3A_325, %get3A_317 : vector<16xf32>
        %add3A_327 = arith.addf %add3A_307, %mul3A_326 : vector<16xf32>
        %mul3A_328 = vector.broadcast %squeeze3A_312 : f32 to vector<16xf32>
        %mul3A_329 = arith.mulf %mul3A_328, %get3A_324 : vector<16xf32>
        %add3A_330 = arith.addf %add3A_310, %mul3A_329 : vector<16xf32>
        %slice3A_331 = vector.extract_strided_slice %convert_element_type3A {offsets = [8], sizes = [1], strides = [1]} : vector<16xf32> to vector<1xf32>
        %squeeze3A_332 = vector.extract %slice3A_331[0] : f32 from vector<1xf32>
        %add3A_333 = arith.constant 256 : i32
        %add3A_334 = arith.addi %mul3A_172, %add3A_333 : i32
        %get3A_335 = arith.index_cast %add3A_334 : i32 to index
        %get3A_336 = tpu.vector_load %arg6[%get3A_335] {strides = array<i32>} : memref<5632xf32, #tpu.memory_space<vmem>>, vector<16xf32>,
        %get3A_337 = vector.shape_cast %get3A_336 : vector<16xf32> to vector<16xf32>
        %add3A_338 = arith.constant 256 : i32
        %add3A_339 = arith.addi %mul3A_172, %add3A_338 : i32
        %add3A_340 = arith.constant 16 : i32
        %add3A_341 = arith.addi %add3A_339, %add3A_340 : i32
        %get3A_342 = arith.index_cast %add3A_341 : i32 to index
        %get3A_343 = tpu.vector_load %arg6[%get3A_342] {strides = array<i32>} : memref<5632xf32, #tpu.memory_space<vmem>>, vector<16xf32>,
        %get3A_344 = vector.shape_cast %get3A_343 : vector<16xf32> to vector<16xf32>
        %mul3A_345 = vector.broadcast %squeeze3A_332 : f32 to vector<16xf32>
        %mul3A_346 = arith.mulf %mul3A_345, %get3A_337 : vector<16xf32>
        %add3A_347 = arith.addf %add3A_327, %mul3A_346 : vector<16xf32>
        %mul3A_348 = vector.broadcast %squeeze3A_332 : f32 to vector<16xf32>
        %mul3A_349 = arith.mulf %mul3A_348, %get3A_344 : vector<16xf32>
        %add3A_350 = arith.addf %add3A_330, %mul3A_349 : vector<16xf32>
        %slice3A_351 = vector.extract_strided_slice %convert_element_type3A {offsets = [9], sizes = [1], strides = [1]} : vector<16xf32> to vector<1xf32>
        %squeeze3A_352 = vector.extract %slice3A_351[0] : f32 from vector<1xf32>
        %add3A_353 = arith.constant 288 : i32
        %add3A_354 = arith.addi %mul3A_172, %add3A_353 : i32
        %get3A_355 = arith.index_cast %add3A_354 : i32 to index
        %get3A_356 = tpu.vector_load %arg6[%get3A_355] {strides = array<i32>} : memref<5632xf32, #tpu.memory_space<vmem>>, vector<16xf32>,
        %get3A_357 = vector.shape_cast %get3A_356 : vector<16xf32> to vector<16xf32>
        %add3A_358 = arith.constant 288 : i32
        %add3A_359 = arith.addi %mul3A_172, %add3A_358 : i32
        %add3A_360 = arith.constant 16 : i32
        %add3A_361 = arith.addi %add3A_359, %add3A_360 : i32
        %get3A_362 = arith.index_cast %add3A_361 : i32 to index
        %get3A_363 = tpu.vector_load %arg6[%get3A_362] {strides = array<i32>} : memref<5632xf32, #tpu.memory_space<vmem>>, vector<16xf32>,
        %get3A_364 = vector.shape_cast %get3A_363 : vector<16xf32> to vector<16xf32>
        %mul3A_365 = vector.broadcast %squeeze3A_352 : f32 to vector<16xf32>
        %mul3A_366 = arith.mulf %mul3A_365, %get3A_357 : vector<16xf32>
        %add3A_367 = arith.addf %add3A_347, %mul3A_366 : vector<16xf32>
        %mul3A_368 = vector.broadcast %squeeze3A_352 : f32 to vector<16xf32>
        %mul3A_369 = arith.mulf %mul3A_368, %get3A_364 : vector<16xf32>
        %add3A_370 = arith.addf %add3A_350, %mul3A_369 : vector<16xf32>
        %slice3A_371 = vector.extract_strided_slice %convert_element_type3A {offsets = [10], sizes = [1], strides = [1]} : vector<16xf32> to vector<1xf32>
        %squeeze3A_372 = vector.extract %slice3A_371[0] : f32 from vector<1xf32>
        %add3A_373 = arith.constant 320 : i32
        %add3A_374 = arith.addi %mul3A_172, %add3A_373 : i32
        %get3A_375 = arith.index_cast %add3A_374 : i32 to index
        %get3A_376 = tpu.vector_load %arg6[%get3A_375] {strides = array<i32>} : memref<5632xf32, #tpu.memory_space<vmem>>, vector<16xf32>,
        %get3A_377 = vector.shape_cast %get3A_376 : vector<16xf32> to vector<16xf32>
        %add3A_378 = arith.constant 320 : i32
        %add3A_379 = arith.addi %mul3A_172, %add3A_378 : i32
        %add3A_380 = arith.constant 16 : i32
        %add3A_381 = arith.addi %add3A_379, %add3A_380 : i32
        %get3A_382 = arith.index_cast %add3A_381 : i32 to index
        %get3A_383 = tpu.vector_load %arg6[%get3A_382] {strides = array<i32>} : memref<5632xf32, #tpu.memory_space<vmem>>, vector<16xf32>,
        %get3A_384 = vector.shape_cast %get3A_383 : vector<16xf32> to vector<16xf32>
        %mul3A_385 = vector.broadcast %squeeze3A_372 : f32 to vector<16xf32>
        %mul3A_386 = arith.mulf %mul3A_385, %get3A_377 : vector<16xf32>
        %add3A_387 = arith.addf %add3A_367, %mul3A_386 : vector<16xf32>
        %mul3A_388 = vector.broadcast %squeeze3A_372 : f32 to vector<16xf32>
        %mul3A_389 = arith.mulf %mul3A_388, %get3A_384 : vector<16xf32>
        %add3A_390 = arith.addf %add3A_370, %mul3A_389 : vector<16xf32>
        %slice3A_391 = vector.extract_strided_slice %convert_element_type3A {offsets = [11], sizes = [1], strides = [1]} : vector<16xf32> to vector<1xf32>
        %squeeze3A_392 = vector.extract %slice3A_391[0] : f32 from vector<1xf32>
        %add3A_393 = arith.constant 352 : i32
        %add3A_394 = arith.addi %mul3A_172, %add3A_393 : i32
        %get3A_395 = arith.index_cast %add3A_394 : i32 to index
        %get3A_396 = tpu.vector_load %arg6[%get3A_395] {strides = array<i32>} : memref<5632xf32, #tpu.memory_space<vmem>>, vector<16xf32>,
        %get3A_397 = vector.shape_cast %get3A_396 : vector<16xf32> to vector<16xf32>
        %add3A_398 = arith.constant 352 : i32
        %add3A_399 = arith.addi %mul3A_172, %add3A_398 : i32
        %add3A_400 = arith.constant 16 : i32
        %add3A_401 = arith.addi %add3A_399, %add3A_400 : i32
        %get3A_402 = arith.index_cast %add3A_401 : i32 to index
        %get3A_403 = tpu.vector_load %arg6[%get3A_402] {strides = array<i32>} : memref<5632xf32, #tpu.memory_space<vmem>>, vector<16xf32>,
        %get3A_404 = vector.shape_cast %get3A_403 : vector<16xf32> to vector<16xf32>
        %mul3A_405 = vector.broadcast %squeeze3A_392 : f32 to vector<16xf32>
        %mul3A_406 = arith.mulf %mul3A_405, %get3A_397 : vector<16xf32>
        %add3A_407 = arith.addf %add3A_387, %mul3A_406 : vector<16xf32>
        %mul3A_408 = vector.broadcast %squeeze3A_392 : f32 to vector<16xf32>
        %mul3A_409 = arith.mulf %mul3A_408, %get3A_404 : vector<16xf32>
        %add3A_410 = arith.addf %add3A_390, %mul3A_409 : vector<16xf32>
        %slice3A_411 = vector.extract_strided_slice %convert_element_type3A {offsets = [12], sizes = [1], strides = [1]} : vector<16xf32> to vector<1xf32>
        %squeeze3A_412 = vector.extract %slice3A_411[0] : f32 from vector<1xf32>
        %add3A_413 = arith.constant 384 : i32
        %add3A_414 = arith.addi %mul3A_172, %add3A_413 : i32
        %get3A_415 = arith.index_cast %add3A_414 : i32 to index
        %get3A_416 = tpu.vector_load %arg6[%get3A_415] {strides = array<i32>} : memref<5632xf32, #tpu.memory_space<vmem>>, vector<16xf32>,
        %get3A_417 = vector.shape_cast %get3A_416 : vector<16xf32> to vector<16xf32>
        %add3A_418 = arith.constant 384 : i32
        %add3A_419 = arith.addi %mul3A_172, %add3A_418 : i32
        %add3A_420 = arith.constant 16 : i32
        %add3A_421 = arith.addi %add3A_419, %add3A_420 : i32
        %get3A_422 = arith.index_cast %add3A_421 : i32 to index
        %get3A_423 = tpu.vector_load %arg6[%get3A_422] {strides = array<i32>} : memref<5632xf32, #tpu.memory_space<vmem>>, vector<16xf32>,
        %get3A_424 = vector.shape_cast %get3A_423 : vector<16xf32> to vector<16xf32>
        %mul3A_425 = vector.broadcast %squeeze3A_412 : f32 to vector<16xf32>
        %mul3A_426 = arith.mulf %mul3A_425, %get3A_417 : vector<16xf32>
        %add3A_427 = arith.addf %add3A_407, %mul3A_426 : vector<16xf32>
        %mul3A_428 = vector.broadcast %squeeze3A_412 : f32 to vector<16xf32>
        %mul3A_429 = arith.mulf %mul3A_428, %get3A_424 : vector<16xf32>
        %add3A_430 = arith.addf %add3A_410, %mul3A_429 : vector<16xf32>
        %slice3A_431 = vector.extract_strided_slice %convert_element_type3A {offsets = [13], sizes = [1], strides = [1]} : vector<16xf32> to vector<1xf32>
        %squeeze3A_432 = vector.extract %slice3A_431[0] : f32 from vector<1xf32>
        %add3A_433 = arith.constant 416 : i32
        %add3A_434 = arith.addi %mul3A_172, %add3A_433 : i32
        %get3A_435 = arith.index_cast %add3A_434 : i32 to index
        %get3A_436 = tpu.vector_load %arg6[%get3A_435] {strides = array<i32>} : memref<5632xf32, #tpu.memory_space<vmem>>, vector<16xf32>,
        %get3A_437 = vector.shape_cast %get3A_436 : vector<16xf32> to vector<16xf32>
        %add3A_438 = arith.constant 416 : i32
        %add3A_439 = arith.addi %mul3A_172, %add3A_438 : i32
        %add3A_440 = arith.constant 16 : i32
        %add3A_441 = arith.addi %add3A_439, %add3A_440 : i32
        %get3A_442 = arith.index_cast %add3A_441 : i32 to index
        %get3A_443 = tpu.vector_load %arg6[%get3A_442] {strides = array<i32>} : memref<5632xf32, #tpu.memory_space<vmem>>, vector<16xf32>,
        %get3A_444 = vector.shape_cast %get3A_443 : vector<16xf32> to vector<16xf32>
        %mul3A_445 = vector.broadcast %squeeze3A_432 : f32 to vector<16xf32>
        %mul3A_446 = arith.mulf %mul3A_445, %get3A_437 : vector<16xf32>
        %add3A_447 = arith.addf %add3A_427, %mul3A_446 : vector<16xf32>
        %mul3A_448 = vector.broadcast %squeeze3A_432 : f32 to vector<16xf32>
        %mul3A_449 = arith.mulf %mul3A_448, %get3A_444 : vector<16xf32>
        %add3A_450 = arith.addf %add3A_430, %mul3A_449 : vector<16xf32>
        %slice3A_451 = vector.extract_strided_slice %convert_element_type3A {offsets = [14], sizes = [1], strides = [1]} : vector<16xf32> to vector<1xf32>
        %squeeze3A_452 = vector.extract %slice3A_451[0] : f32 from vector<1xf32>
        %add3A_453 = arith.constant 448 : i32
        %add3A_454 = arith.addi %mul3A_172, %add3A_453 : i32
        %get3A_455 = arith.index_cast %add3A_454 : i32 to index
        %get3A_456 = tpu.vector_load %arg6[%get3A_455] {strides = array<i32>} : memref<5632xf32, #tpu.memory_space<vmem>>, vector<16xf32>,
        %get3A_457 = vector.shape_cast %get3A_456 : vector<16xf32> to vector<16xf32>
        %add3A_458 = arith.constant 448 : i32
        %add3A_459 = arith.addi %mul3A_172, %add3A_458 : i32
        %add3A_460 = arith.constant 16 : i32
        %add3A_461 = arith.addi %add3A_459, %add3A_460 : i32
        %get3A_462 = arith.index_cast %add3A_461 : i32 to index
        %get3A_463 = tpu.vector_load %arg6[%get3A_462] {strides = array<i32>} : memref<5632xf32, #tpu.memory_space<vmem>>, vector<16xf32>,
        %get3A_464 = vector.shape_cast %get3A_463 : vector<16xf32> to vector<16xf32>
        %mul3A_465 = vector.broadcast %squeeze3A_452 : f32 to vector<16xf32>
        %mul3A_466 = arith.mulf %mul3A_465, %get3A_457 : vector<16xf32>
        %add3A_467 = arith.addf %add3A_447, %mul3A_466 : vector<16xf32>
        %mul3A_468 = vector.broadcast %squeeze3A_452 : f32 to vector<16xf32>
        %mul3A_469 = arith.mulf %mul3A_468, %get3A_464 : vector<16xf32>
        %add3A_470 = arith.addf %add3A_450, %mul3A_469 : vector<16xf32>
        %slice3A_471 = vector.extract_strided_slice %convert_element_type3A {offsets = [15], sizes = [1], strides = [1]} : vector<16xf32> to vector<1xf32>
        %squeeze3A_472 = vector.extract %slice3A_471[0] : f32 from vector<1xf32>
        %add3A_473 = arith.constant 480 : i32
        %add3A_474 = arith.addi %mul3A_172, %add3A_473 : i32
        %get3A_475 = arith.index_cast %add3A_474 : i32 to index
        %get3A_476 = tpu.vector_load %arg6[%get3A_475] {strides = array<i32>} : memref<5632xf32, #tpu.memory_space<vmem>>, vector<16xf32>,
        %get3A_477 = vector.shape_cast %get3A_476 : vector<16xf32> to vector<16xf32>
        %add3A_478 = arith.constant 480 : i32
        %add3A_479 = arith.addi %mul3A_172, %add3A_478 : i32
        %add3A_480 = arith.constant 16 : i32
        %add3A_481 = arith.addi %add3A_479, %add3A_480 : i32
        %get3A_482 = arith.index_cast %add3A_481 : i32 to index
        %get3A_483 = tpu.vector_load %arg6[%get3A_482] {strides = array<i32>} : memref<5632xf32, #tpu.memory_space<vmem>>, vector<16xf32>,
        %get3A_484 = vector.shape_cast %get3A_483 : vector<16xf32> to vector<16xf32>
        %mul3A_485 = vector.broadcast %squeeze3A_472 : f32 to vector<16xf32>
        %mul3A_486 = arith.mulf %mul3A_485, %get3A_477 : vector<16xf32>
        %add3A_487 = arith.addf %add3A_467, %mul3A_486 : vector<16xf32>
        %mul3A_488 = vector.broadcast %squeeze3A_472 : f32 to vector<16xf32>
        %mul3A_489 = arith.mulf %mul3A_488, %get3A_484 : vector<16xf32>
        %add3A_490 = arith.addf %add3A_470, %mul3A_489 : vector<16xf32>
        scf.yield %add3A_487, %add3A_490 : vector<16xf32>, vector<16xf32>
      }
      %scan3A_111 = arith.constant 11 : i32
      %swap3A_112 = arith.constant 160 : index
      %swap3A_113 = tpu.vector_load %arg7[%swap3A_112] {strides = array<i32>} : memref<256xf32, #tpu.memory_space<vmem>>, vector<16xf32>,
      %swap3A_114 = vector.shape_cast %swap3A_113 : vector<16xf32> to vector<16xf32>
      %swap3A_115 = vector.shape_cast %scan3A_110#0 : vector<16xf32> to vector<16xf32>
      tpu.vector_store %arg7[%swap3A_112], %swap3A_115 {strides = array<i32>} : memref<256xf32, #tpu.memory_space<vmem>>, vector<16xf32>,
      %swap3A_116 = arith.constant 176 : index
      %swap3A_117 = tpu.vector_load %arg7[%swap3A_116] {strides = array<i32>} : memref<256xf32, #tpu.memory_space<vmem>>, vector<16xf32>,
      %swap3A_118 = vector.shape_cast %swap3A_117 : vector<16xf32> to vector<16xf32>
      %swap3A_119 = vector.shape_cast %scan3A_110#1 : vector<16xf32> to vector<16xf32>
      tpu.vector_store %arg7[%swap3A_116], %swap3A_119 {strides = array<i32>} : memref<256xf32, #tpu.memory_space<vmem>>, vector<16xf32>,
      %broadcast_in_dim3A_120 = arith.constant 0.000000e+00 : f32
      %broadcast_in_dim3A_121 = vector.broadcast %broadcast_in_dim3A_120 : f32 to vector<16xf32>
      %broadcast_in_dim3A_122 = arith.constant 0.000000e+00 : f32
      %broadcast_in_dim3A_123 = vector.broadcast %broadcast_in_dim3A_122 : f32 to vector<16xf32>
      %scan3A_124 = arith.constant 0 : i32
      %scan3A_125 = arith.constant 11 : i32
      %scan3A_126 = arith.addi %scan3A_124, %scan3A_125 : i32
      %scan3A_127 = arith.constant 1 : i32
      %scan3A_128:2 = scf.for %scan3A_158 = %scan3A_124 to %scan3A_126 step %scan3A_127 iter_args(%scan3A_159 = %broadcast_in_dim3A_121, %scan3A_160 = %broadcast_in_dim3A_123) -> (vector<16xf32>, vector<16xf32>)  : i32 {
        %mul3A_161 = arith.constant 16 : i32
        %mul3A_162 = arith.muli %scan3A_158, %mul3A_161 : i32
        %add3A_163 = arith.constant 15326 : i32
        %add3A_164 = arith.addi %add3A_163, %mul3A_162 : i32
        %get3A = arith.index_cast %add3A_164 : i32 to index
        %get3A_165 = tpu.vector_load %arg5[%get3A] {strides = array<i32>} : memref<17736xi32, #tpu.memory_space<vmem>>, vector<16xi32>,
        %get3A_166 = vector.shape_cast %get3A_165 : vector<16xi32> to vector<16xi32>
        %convert_element_type3A = arith.sitofp %get3A_166 : vector<16xi32> to vector<16xf32>
        %mul3A_167 = arith.constant 16 : i32
        %mul3A_168 = arith.muli %scan3A_158, %mul3A_167 : i32
        %mul3A_169 = arith.constant 2 : i32
        %mul3A_170 = arith.muli %mul3A_168, %mul3A_169 : i32
        %mul3A_171 = arith.constant 16 : i32
        %mul3A_172 = arith.muli %mul3A_170, %mul3A_171 : i32
        %slice3A = vector.extract_strided_slice %convert_element_type3A {offsets = [0], sizes = [1], strides = [1]} : vector<16xf32> to vector<1xf32>
        %squeeze3A = vector.extract %slice3A[0] : f32 from vector<1xf32>
        %add3A_173 = arith.constant 0 : i32
        %add3A_174 = arith.addi %mul3A_172, %add3A_173 : i32
        %get3A_175 = arith.index_cast %add3A_174 : i32 to index
        %get3A_176 = tpu.vector_load %arg6[%get3A_175] {strides = array<i32>} : memref<5632xf32, #tpu.memory_space<vmem>>, vector<16xf32>,
        %get3A_177 = vector.shape_cast %get3A_176 : vector<16xf32> to vector<16xf32>
        %add3A_178 = arith.constant 0 : i32
        %add3A_179 = arith.addi %mul3A_172, %add3A_178 : i32
        %add3A_180 = arith.constant 16 : i32
        %add3A_181 = arith.addi %add3A_179, %add3A_180 : i32
        %get3A_182 = arith.index_cast %add3A_181 : i32 to index
        %get3A_183 = tpu.vector_load %arg6[%get3A_182] {strides = array<i32>} : memref<5632xf32, #tpu.memory_space<vmem>>, vector<16xf32>,
        %get3A_184 = vector.shape_cast %get3A_183 : vector<16xf32> to vector<16xf32>
        %mul3A_185 = vector.broadcast %squeeze3A : f32 to vector<16xf32>
        %mul3A_186 = arith.mulf %mul3A_185, %get3A_177 : vector<16xf32>
        %add3A_187 = arith.addf %scan3A_159, %mul3A_186 : vector<16xf32>
        %mul3A_188 = vector.broadcast %squeeze3A : f32 to vector<16xf32>
        %mul3A_189 = arith.mulf %mul3A_188, %get3A_184 : vector<16xf32>
        %add3A_190 = arith.addf %scan3A_160, %mul3A_189 : vector<16xf32>
        %slice3A_191 = vector.extract_strided_slice %convert_element_type3A {offsets = [1], sizes = [1], strides = [1]} : vector<16xf32> to vector<1xf32>
        %squeeze3A_192 = vector.extract %slice3A_191[0] : f32 from vector<1xf32>
        %add3A_193 = arith.constant 32 : i32
        %add3A_194 = arith.addi %mul3A_172, %add3A_193 : i32
        %get3A_195 = arith.index_cast %add3A_194 : i32 to index
        %get3A_196 = tpu.vector_load %arg6[%get3A_195] {strides = array<i32>} : memref<5632xf32, #tpu.memory_space<vmem>>, vector<16xf32>,
        %get3A_197 = vector.shape_cast %get3A_196 : vector<16xf32> to vector<16xf32>
        %add3A_198 = arith.constant 32 : i32
        %add3A_199 = arith.addi %mul3A_172, %add3A_198 : i32
        %add3A_200 = arith.constant 16 : i32
        %add3A_201 = arith.addi %add3A_199, %add3A_200 : i32
        %get3A_202 = arith.index_cast %add3A_201 : i32 to index
        %get3A_203 = tpu.vector_load %arg6[%get3A_202] {strides = array<i32>} : memref<5632xf32, #tpu.memory_space<vmem>>, vector<16xf32>,
        %get3A_204 = vector.shape_cast %get3A_203 : vector<16xf32> to vector<16xf32>
        %mul3A_205 = vector.broadcast %squeeze3A_192 : f32 to vector<16xf32>
        %mul3A_206 = arith.mulf %mul3A_205, %get3A_197 : vector<16xf32>
        %add3A_207 = arith.addf %add3A_187, %mul3A_206 : vector<16xf32>
        %mul3A_208 = vector.broadcast %squeeze3A_192 : f32 to vector<16xf32>
        %mul3A_209 = arith.mulf %mul3A_208, %get3A_204 : vector<16xf32>
        %add3A_210 = arith.addf %add3A_190, %mul3A_209 : vector<16xf32>
        %slice3A_211 = vector.extract_strided_slice %convert_element_type3A {offsets = [2], sizes = [1], strides = [1]} : vector<16xf32> to vector<1xf32>
        %squeeze3A_212 = vector.extract %slice3A_211[0] : f32 from vector<1xf32>
        %add3A_213 = arith.constant 64 : i32
        %add3A_214 = arith.addi %mul3A_172, %add3A_213 : i32
        %get3A_215 = arith.index_cast %add3A_214 : i32 to index
        %get3A_216 = tpu.vector_load %arg6[%get3A_215] {strides = array<i32>} : memref<5632xf32, #tpu.memory_space<vmem>>, vector<16xf32>,
        %get3A_217 = vector.shape_cast %get3A_216 : vector<16xf32> to vector<16xf32>
        %add3A_218 = arith.constant 64 : i32
        %add3A_219 = arith.addi %mul3A_172, %add3A_218 : i32
        %add3A_220 = arith.constant 16 : i32
        %add3A_221 = arith.addi %add3A_219, %add3A_220 : i32
        %get3A_222 = arith.index_cast %add3A_221 : i32 to index
        %get3A_223 = tpu.vector_load %arg6[%get3A_222] {strides = array<i32>} : memref<5632xf32, #tpu.memory_space<vmem>>, vector<16xf32>,
        %get3A_224 = vector.shape_cast %get3A_223 : vector<16xf32> to vector<16xf32>
        %mul3A_225 = vector.broadcast %squeeze3A_212 : f32 to vector<16xf32>
        %mul3A_226 = arith.mulf %mul3A_225, %get3A_217 : vector<16xf32>
        %add3A_227 = arith.addf %add3A_207, %mul3A_226 : vector<16xf32>
        %mul3A_228 = vector.broadcast %squeeze3A_212 : f32 to vector<16xf32>
        %mul3A_229 = arith.mulf %mul3A_228, %get3A_224 : vector<16xf32>
        %add3A_230 = arith.addf %add3A_210, %mul3A_229 : vector<16xf32>
        %slice3A_231 = vector.extract_strided_slice %convert_element_type3A {offsets = [3], sizes = [1], strides = [1]} : vector<16xf32> to vector<1xf32>
        %squeeze3A_232 = vector.extract %slice3A_231[0] : f32 from vector<1xf32>
        %add3A_233 = arith.constant 96 : i32
        %add3A_234 = arith.addi %mul3A_172, %add3A_233 : i32
        %get3A_235 = arith.index_cast %add3A_234 : i32 to index
        %get3A_236 = tpu.vector_load %arg6[%get3A_235] {strides = array<i32>} : memref<5632xf32, #tpu.memory_space<vmem>>, vector<16xf32>,
        %get3A_237 = vector.shape_cast %get3A_236 : vector<16xf32> to vector<16xf32>
        %add3A_238 = arith.constant 96 : i32
        %add3A_239 = arith.addi %mul3A_172, %add3A_238 : i32
        %add3A_240 = arith.constant 16 : i32
        %add3A_241 = arith.addi %add3A_239, %add3A_240 : i32
        %get3A_242 = arith.index_cast %add3A_241 : i32 to index
        %get3A_243 = tpu.vector_load %arg6[%get3A_242] {strides = array<i32>} : memref<5632xf32, #tpu.memory_space<vmem>>, vector<16xf32>,
        %get3A_244 = vector.shape_cast %get3A_243 : vector<16xf32> to vector<16xf32>
        %mul3A_245 = vector.broadcast %squeeze3A_232 : f32 to vector<16xf32>
        %mul3A_246 = arith.mulf %mul3A_245, %get3A_237 : vector<16xf32>
        %add3A_247 = arith.addf %add3A_227, %mul3A_246 : vector<16xf32>
        %mul3A_248 = vector.broadcast %squeeze3A_232 : f32 to vector<16xf32>
        %mul3A_249 = arith.mulf %mul3A_248, %get3A_244 : vector<16xf32>
        %add3A_250 = arith.addf %add3A_230, %mul3A_249 : vector<16xf32>
        %slice3A_251 = vector.extract_strided_slice %convert_element_type3A {offsets = [4], sizes = [1], strides = [1]} : vector<16xf32> to vector<1xf32>
        %squeeze3A_252 = vector.extract %slice3A_251[0] : f32 from vector<1xf32>
        %add3A_253 = arith.constant 128 : i32
        %add3A_254 = arith.addi %mul3A_172, %add3A_253 : i32
        %get3A_255 = arith.index_cast %add3A_254 : i32 to index
        %get3A_256 = tpu.vector_load %arg6[%get3A_255] {strides = array<i32>} : memref<5632xf32, #tpu.memory_space<vmem>>, vector<16xf32>,
        %get3A_257 = vector.shape_cast %get3A_256 : vector<16xf32> to vector<16xf32>
        %add3A_258 = arith.constant 128 : i32
        %add3A_259 = arith.addi %mul3A_172, %add3A_258 : i32
        %add3A_260 = arith.constant 16 : i32
        %add3A_261 = arith.addi %add3A_259, %add3A_260 : i32
        %get3A_262 = arith.index_cast %add3A_261 : i32 to index
        %get3A_263 = tpu.vector_load %arg6[%get3A_262] {strides = array<i32>} : memref<5632xf32, #tpu.memory_space<vmem>>, vector<16xf32>,
        %get3A_264 = vector.shape_cast %get3A_263 : vector<16xf32> to vector<16xf32>
        %mul3A_265 = vector.broadcast %squeeze3A_252 : f32 to vector<16xf32>
        %mul3A_266 = arith.mulf %mul3A_265, %get3A_257 : vector<16xf32>
        %add3A_267 = arith.addf %add3A_247, %mul3A_266 : vector<16xf32>
        %mul3A_268 = vector.broadcast %squeeze3A_252 : f32 to vector<16xf32>
        %mul3A_269 = arith.mulf %mul3A_268, %get3A_264 : vector<16xf32>
        %add3A_270 = arith.addf %add3A_250, %mul3A_269 : vector<16xf32>
        %slice3A_271 = vector.extract_strided_slice %convert_element_type3A {offsets = [5], sizes = [1], strides = [1]} : vector<16xf32> to vector<1xf32>
        %squeeze3A_272 = vector.extract %slice3A_271[0] : f32 from vector<1xf32>
        %add3A_273 = arith.constant 160 : i32
        %add3A_274 = arith.addi %mul3A_172, %add3A_273 : i32
        %get3A_275 = arith.index_cast %add3A_274 : i32 to index
        %get3A_276 = tpu.vector_load %arg6[%get3A_275] {strides = array<i32>} : memref<5632xf32, #tpu.memory_space<vmem>>, vector<16xf32>,
        %get3A_277 = vector.shape_cast %get3A_276 : vector<16xf32> to vector<16xf32>
        %add3A_278 = arith.constant 160 : i32
        %add3A_279 = arith.addi %mul3A_172, %add3A_278 : i32
        %add3A_280 = arith.constant 16 : i32
        %add3A_281 = arith.addi %add3A_279, %add3A_280 : i32
        %get3A_282 = arith.index_cast %add3A_281 : i32 to index
        %get3A_283 = tpu.vector_load %arg6[%get3A_282] {strides = array<i32>} : memref<5632xf32, #tpu.memory_space<vmem>>, vector<16xf32>,
        %get3A_284 = vector.shape_cast %get3A_283 : vector<16xf32> to vector<16xf32>
        %mul3A_285 = vector.broadcast %squeeze3A_272 : f32 to vector<16xf32>
        %mul3A_286 = arith.mulf %mul3A_285, %get3A_277 : vector<16xf32>
        %add3A_287 = arith.addf %add3A_267, %mul3A_286 : vector<16xf32>
        %mul3A_288 = vector.broadcast %squeeze3A_272 : f32 to vector<16xf32>
        %mul3A_289 = arith.mulf %mul3A_288, %get3A_284 : vector<16xf32>
        %add3A_290 = arith.addf %add3A_270, %mul3A_289 : vector<16xf32>
        %slice3A_291 = vector.extract_strided_slice %convert_element_type3A {offsets = [6], sizes = [1], strides = [1]} : vector<16xf32> to vector<1xf32>
        %squeeze3A_292 = vector.extract %slice3A_291[0] : f32 from vector<1xf32>
        %add3A_293 = arith.constant 192 : i32
        %add3A_294 = arith.addi %mul3A_172, %add3A_293 : i32
        %get3A_295 = arith.index_cast %add3A_294 : i32 to index
        %get3A_296 = tpu.vector_load %arg6[%get3A_295] {strides = array<i32>} : memref<5632xf32, #tpu.memory_space<vmem>>, vector<16xf32>,
        %get3A_297 = vector.shape_cast %get3A_296 : vector<16xf32> to vector<16xf32>
        %add3A_298 = arith.constant 192 : i32
        %add3A_299 = arith.addi %mul3A_172, %add3A_298 : i32
        %add3A_300 = arith.constant 16 : i32
        %add3A_301 = arith.addi %add3A_299, %add3A_300 : i32
        %get3A_302 = arith.index_cast %add3A_301 : i32 to index
        %get3A_303 = tpu.vector_load %arg6[%get3A_302] {strides = array<i32>} : memref<5632xf32, #tpu.memory_space<vmem>>, vector<16xf32>,
        %get3A_304 = vector.shape_cast %get3A_303 : vector<16xf32> to vector<16xf32>
        %mul3A_305 = vector.broadcast %squeeze3A_292 : f32 to vector<16xf32>
        %mul3A_306 = arith.mulf %mul3A_305, %get3A_297 : vector<16xf32>
        %add3A_307 = arith.addf %add3A_287, %mul3A_306 : vector<16xf32>
        %mul3A_308 = vector.broadcast %squeeze3A_292 : f32 to vector<16xf32>
        %mul3A_309 = arith.mulf %mul3A_308, %get3A_304 : vector<16xf32>
        %add3A_310 = arith.addf %add3A_290, %mul3A_309 : vector<16xf32>
        %slice3A_311 = vector.extract_strided_slice %convert_element_type3A {offsets = [7], sizes = [1], strides = [1]} : vector<16xf32> to vector<1xf32>
        %squeeze3A_312 = vector.extract %slice3A_311[0] : f32 from vector<1xf32>
        %add3A_313 = arith.constant 224 : i32
        %add3A_314 = arith.addi %mul3A_172, %add3A_313 : i32
        %get3A_315 = arith.index_cast %add3A_314 : i32 to index
        %get3A_316 = tpu.vector_load %arg6[%get3A_315] {strides = array<i32>} : memref<5632xf32, #tpu.memory_space<vmem>>, vector<16xf32>,
        %get3A_317 = vector.shape_cast %get3A_316 : vector<16xf32> to vector<16xf32>
        %add3A_318 = arith.constant 224 : i32
        %add3A_319 = arith.addi %mul3A_172, %add3A_318 : i32
        %add3A_320 = arith.constant 16 : i32
        %add3A_321 = arith.addi %add3A_319, %add3A_320 : i32
        %get3A_322 = arith.index_cast %add3A_321 : i32 to index
        %get3A_323 = tpu.vector_load %arg6[%get3A_322] {strides = array<i32>} : memref<5632xf32, #tpu.memory_space<vmem>>, vector<16xf32>,
        %get3A_324 = vector.shape_cast %get3A_323 : vector<16xf32> to vector<16xf32>
        %mul3A_325 = vector.broadcast %squeeze3A_312 : f32 to vector<16xf32>
        %mul3A_326 = arith.mulf %mul3A_325, %get3A_317 : vector<16xf32>
        %add3A_327 = arith.addf %add3A_307, %mul3A_326 : vector<16xf32>
        %mul3A_328 = vector.broadcast %squeeze3A_312 : f32 to vector<16xf32>
        %mul3A_329 = arith.mulf %mul3A_328, %get3A_324 : vector<16xf32>
        %add3A_330 = arith.addf %add3A_310, %mul3A_329 : vector<16xf32>
        %slice3A_331 = vector.extract_strided_slice %convert_element_type3A {offsets = [8], sizes = [1], strides = [1]} : vector<16xf32> to vector<1xf32>
        %squeeze3A_332 = vector.extract %slice3A_331[0] : f32 from vector<1xf32>
        %add3A_333 = arith.constant 256 : i32
        %add3A_334 = arith.addi %mul3A_172, %add3A_333 : i32
        %get3A_335 = arith.index_cast %add3A_334 : i32 to index
        %get3A_336 = tpu.vector_load %arg6[%get3A_335] {strides = array<i32>} : memref<5632xf32, #tpu.memory_space<vmem>>, vector<16xf32>,
        %get3A_337 = vector.shape_cast %get3A_336 : vector<16xf32> to vector<16xf32>
        %add3A_338 = arith.constant 256 : i32
        %add3A_339 = arith.addi %mul3A_172, %add3A_338 : i32
        %add3A_340 = arith.constant 16 : i32
        %add3A_341 = arith.addi %add3A_339, %add3A_340 : i32
        %get3A_342 = arith.index_cast %add3A_341 : i32 to index
        %get3A_343 = tpu.vector_load %arg6[%get3A_342] {strides = array<i32>} : memref<5632xf32, #tpu.memory_space<vmem>>, vector<16xf32>,
        %get3A_344 = vector.shape_cast %get3A_343 : vector<16xf32> to vector<16xf32>
        %mul3A_345 = vector.broadcast %squeeze3A_332 : f32 to vector<16xf32>
        %mul3A_346 = arith.mulf %mul3A_345, %get3A_337 : vector<16xf32>
        %add3A_347 = arith.addf %add3A_327, %mul3A_346 : vector<16xf32>
        %mul3A_348 = vector.broadcast %squeeze3A_332 : f32 to vector<16xf32>
        %mul3A_349 = arith.mulf %mul3A_348, %get3A_344 : vector<16xf32>
        %add3A_350 = arith.addf %add3A_330, %mul3A_349 : vector<16xf32>
        %slice3A_351 = vector.extract_strided_slice %convert_element_type3A {offsets = [9], sizes = [1], strides = [1]} : vector<16xf32> to vector<1xf32>
        %squeeze3A_352 = vector.extract %slice3A_351[0] : f32 from vector<1xf32>
        %add3A_353 = arith.constant 288 : i32
        %add3A_354 = arith.addi %mul3A_172, %add3A_353 : i32
        %get3A_355 = arith.index_cast %add3A_354 : i32 to index
        %get3A_356 = tpu.vector_load %arg6[%get3A_355] {strides = array<i32>} : memref<5632xf32, #tpu.memory_space<vmem>>, vector<16xf32>,
        %get3A_357 = vector.shape_cast %get3A_356 : vector<16xf32> to vector<16xf32>
        %add3A_358 = arith.constant 288 : i32
        %add3A_359 = arith.addi %mul3A_172, %add3A_358 : i32
        %add3A_360 = arith.constant 16 : i32
        %add3A_361 = arith.addi %add3A_359, %add3A_360 : i32
        %get3A_362 = arith.index_cast %add3A_361 : i32 to index
        %get3A_363 = tpu.vector_load %arg6[%get3A_362] {strides = array<i32>} : memref<5632xf32, #tpu.memory_space<vmem>>, vector<16xf32>,
        %get3A_364 = vector.shape_cast %get3A_363 : vector<16xf32> to vector<16xf32>
        %mul3A_365 = vector.broadcast %squeeze3A_352 : f32 to vector<16xf32>
        %mul3A_366 = arith.mulf %mul3A_365, %get3A_357 : vector<16xf32>
        %add3A_367 = arith.addf %add3A_347, %mul3A_366 : vector<16xf32>
        %mul3A_368 = vector.broadcast %squeeze3A_352 : f32 to vector<16xf32>
        %mul3A_369 = arith.mulf %mul3A_368, %get3A_364 : vector<16xf32>
        %add3A_370 = arith.addf %add3A_350, %mul3A_369 : vector<16xf32>
        %slice3A_371 = vector.extract_strided_slice %convert_element_type3A {offsets = [10], sizes = [1], strides = [1]} : vector<16xf32> to vector<1xf32>
        %squeeze3A_372 = vector.extract %slice3A_371[0] : f32 from vector<1xf32>
        %add3A_373 = arith.constant 320 : i32
        %add3A_374 = arith.addi %mul3A_172, %add3A_373 : i32
        %get3A_375 = arith.index_cast %add3A_374 : i32 to index
        %get3A_376 = tpu.vector_load %arg6[%get3A_375] {strides = array<i32>} : memref<5632xf32, #tpu.memory_space<vmem>>, vector<16xf32>,
        %get3A_377 = vector.shape_cast %get3A_376 : vector<16xf32> to vector<16xf32>
        %add3A_378 = arith.constant 320 : i32
        %add3A_379 = arith.addi %mul3A_172, %add3A_378 : i32
        %add3A_380 = arith.constant 16 : i32
        %add3A_381 = arith.addi %add3A_379, %add3A_380 : i32
        %get3A_382 = arith.index_cast %add3A_381 : i32 to index
        %get3A_383 = tpu.vector_load %arg6[%get3A_382] {strides = array<i32>} : memref<5632xf32, #tpu.memory_space<vmem>>, vector<16xf32>,
        %get3A_384 = vector.shape_cast %get3A_383 : vector<16xf32> to vector<16xf32>
        %mul3A_385 = vector.broadcast %squeeze3A_372 : f32 to vector<16xf32>
        %mul3A_386 = arith.mulf %mul3A_385, %get3A_377 : vector<16xf32>
        %add3A_387 = arith.addf %add3A_367, %mul3A_386 : vector<16xf32>
        %mul3A_388 = vector.broadcast %squeeze3A_372 : f32 to vector<16xf32>
        %mul3A_389 = arith.mulf %mul3A_388, %get3A_384 : vector<16xf32>
        %add3A_390 = arith.addf %add3A_370, %mul3A_389 : vector<16xf32>
        %slice3A_391 = vector.extract_strided_slice %convert_element_type3A {offsets = [11], sizes = [1], strides = [1]} : vector<16xf32> to vector<1xf32>
        %squeeze3A_392 = vector.extract %slice3A_391[0] : f32 from vector<1xf32>
        %add3A_393 = arith.constant 352 : i32
        %add3A_394 = arith.addi %mul3A_172, %add3A_393 : i32
        %get3A_395 = arith.index_cast %add3A_394 : i32 to index
        %get3A_396 = tpu.vector_load %arg6[%get3A_395] {strides = array<i32>} : memref<5632xf32, #tpu.memory_space<vmem>>, vector<16xf32>,
        %get3A_397 = vector.shape_cast %get3A_396 : vector<16xf32> to vector<16xf32>
        %add3A_398 = arith.constant 352 : i32
        %add3A_399 = arith.addi %mul3A_172, %add3A_398 : i32
        %add3A_400 = arith.constant 16 : i32
        %add3A_401 = arith.addi %add3A_399, %add3A_400 : i32
        %get3A_402 = arith.index_cast %add3A_401 : i32 to index
        %get3A_403 = tpu.vector_load %arg6[%get3A_402] {strides = array<i32>} : memref<5632xf32, #tpu.memory_space<vmem>>, vector<16xf32>,
        %get3A_404 = vector.shape_cast %get3A_403 : vector<16xf32> to vector<16xf32>
        %mul3A_405 = vector.broadcast %squeeze3A_392 : f32 to vector<16xf32>
        %mul3A_406 = arith.mulf %mul3A_405, %get3A_397 : vector<16xf32>
        %add3A_407 = arith.addf %add3A_387, %mul3A_406 : vector<16xf32>
        %mul3A_408 = vector.broadcast %squeeze3A_392 : f32 to vector<16xf32>
        %mul3A_409 = arith.mulf %mul3A_408, %get3A_404 : vector<16xf32>
        %add3A_410 = arith.addf %add3A_390, %mul3A_409 : vector<16xf32>
        %slice3A_411 = vector.extract_strided_slice %convert_element_type3A {offsets = [12], sizes = [1], strides = [1]} : vector<16xf32> to vector<1xf32>
        %squeeze3A_412 = vector.extract %slice3A_411[0] : f32 from vector<1xf32>
        %add3A_413 = arith.constant 384 : i32
        %add3A_414 = arith.addi %mul3A_172, %add3A_413 : i32
        %get3A_415 = arith.index_cast %add3A_414 : i32 to index
        %get3A_416 = tpu.vector_load %arg6[%get3A_415] {strides = array<i32>} : memref<5632xf32, #tpu.memory_space<vmem>>, vector<16xf32>,
        %get3A_417 = vector.shape_cast %get3A_416 : vector<16xf32> to vector<16xf32>
        %add3A_418 = arith.constant 384 : i32
        %add3A_419 = arith.addi %mul3A_172, %add3A_418 : i32
        %add3A_420 = arith.constant 16 : i32
        %add3A_421 = arith.addi %add3A_419, %add3A_420 : i32
        %get3A_422 = arith.index_cast %add3A_421 : i32 to index
        %get3A_423 = tpu.vector_load %arg6[%get3A_422] {strides = array<i32>} : memref<5632xf32, #tpu.memory_space<vmem>>, vector<16xf32>,
        %get3A_424 = vector.shape_cast %get3A_423 : vector<16xf32> to vector<16xf32>
        %mul3A_425 = vector.broadcast %squeeze3A_412 : f32 to vector<16xf32>
        %mul3A_426 = arith.mulf %mul3A_425, %get3A_417 : vector<16xf32>
        %add3A_427 = arith.addf %add3A_407, %mul3A_426 : vector<16xf32>
        %mul3A_428 = vector.broadcast %squeeze3A_412 : f32 to vector<16xf32>
        %mul3A_429 = arith.mulf %mul3A_428, %get3A_424 : vector<16xf32>
        %add3A_430 = arith.addf %add3A_410, %mul3A_429 : vector<16xf32>
        %slice3A_431 = vector.extract_strided_slice %convert_element_type3A {offsets = [13], sizes = [1], strides = [1]} : vector<16xf32> to vector<1xf32>
        %squeeze3A_432 = vector.extract %slice3A_431[0] : f32 from vector<1xf32>
        %add3A_433 = arith.constant 416 : i32
        %add3A_434 = arith.addi %mul3A_172, %add3A_433 : i32
        %get3A_435 = arith.index_cast %add3A_434 : i32 to index
        %get3A_436 = tpu.vector_load %arg6[%get3A_435] {strides = array<i32>} : memref<5632xf32, #tpu.memory_space<vmem>>, vector<16xf32>,
        %get3A_437 = vector.shape_cast %get3A_436 : vector<16xf32> to vector<16xf32>
        %add3A_438 = arith.constant 416 : i32
        %add3A_439 = arith.addi %mul3A_172, %add3A_438 : i32
        %add3A_440 = arith.constant 16 : i32
        %add3A_441 = arith.addi %add3A_439, %add3A_440 : i32
        %get3A_442 = arith.index_cast %add3A_441 : i32 to index
        %get3A_443 = tpu.vector_load %arg6[%get3A_442] {strides = array<i32>} : memref<5632xf32, #tpu.memory_space<vmem>>, vector<16xf32>,
        %get3A_444 = vector.shape_cast %get3A_443 : vector<16xf32> to vector<16xf32>
        %mul3A_445 = vector.broadcast %squeeze3A_432 : f32 to vector<16xf32>
        %mul3A_446 = arith.mulf %mul3A_445, %get3A_437 : vector<16xf32>
        %add3A_447 = arith.addf %add3A_427, %mul3A_446 : vector<16xf32>
        %mul3A_448 = vector.broadcast %squeeze3A_432 : f32 to vector<16xf32>
        %mul3A_449 = arith.mulf %mul3A_448, %get3A_444 : vector<16xf32>
        %add3A_450 = arith.addf %add3A_430, %mul3A_449 : vector<16xf32>
        %slice3A_451 = vector.extract_strided_slice %convert_element_type3A {offsets = [14], sizes = [1], strides = [1]} : vector<16xf32> to vector<1xf32>
        %squeeze3A_452 = vector.extract %slice3A_451[0] : f32 from vector<1xf32>
        %add3A_453 = arith.constant 448 : i32
        %add3A_454 = arith.addi %mul3A_172, %add3A_453 : i32
        %get3A_455 = arith.index_cast %add3A_454 : i32 to index
        %get3A_456 = tpu.vector_load %arg6[%get3A_455] {strides = array<i32>} : memref<5632xf32, #tpu.memory_space<vmem>>, vector<16xf32>,
        %get3A_457 = vector.shape_cast %get3A_456 : vector<16xf32> to vector<16xf32>
        %add3A_458 = arith.constant 448 : i32
        %add3A_459 = arith.addi %mul3A_172, %add3A_458 : i32
        %add3A_460 = arith.constant 16 : i32
        %add3A_461 = arith.addi %add3A_459, %add3A_460 : i32
        %get3A_462 = arith.index_cast %add3A_461 : i32 to index
        %get3A_463 = tpu.vector_load %arg6[%get3A_462] {strides = array<i32>} : memref<5632xf32, #tpu.memory_space<vmem>>, vector<16xf32>,
        %get3A_464 = vector.shape_cast %get3A_463 : vector<16xf32> to vector<16xf32>
        %mul3A_465 = vector.broadcast %squeeze3A_452 : f32 to vector<16xf32>
        %mul3A_466 = arith.mulf %mul3A_465, %get3A_457 : vector<16xf32>
        %add3A_467 = arith.addf %add3A_447, %mul3A_466 : vector<16xf32>
        %mul3A_468 = vector.broadcast %squeeze3A_452 : f32 to vector<16xf32>
        %mul3A_469 = arith.mulf %mul3A_468, %get3A_464 : vector<16xf32>
        %add3A_470 = arith.addf %add3A_450, %mul3A_469 : vector<16xf32>
        %slice3A_471 = vector.extract_strided_slice %convert_element_type3A {offsets = [15], sizes = [1], strides = [1]} : vector<16xf32> to vector<1xf32>
        %squeeze3A_472 = vector.extract %slice3A_471[0] : f32 from vector<1xf32>
        %add3A_473 = arith.constant 480 : i32
        %add3A_474 = arith.addi %mul3A_172, %add3A_473 : i32
        %get3A_475 = arith.index_cast %add3A_474 : i32 to index
        %get3A_476 = tpu.vector_load %arg6[%get3A_475] {strides = array<i32>} : memref<5632xf32, #tpu.memory_space<vmem>>, vector<16xf32>,
        %get3A_477 = vector.shape_cast %get3A_476 : vector<16xf32> to vector<16xf32>
        %add3A_478 = arith.constant 480 : i32
        %add3A_479 = arith.addi %mul3A_172, %add3A_478 : i32
        %add3A_480 = arith.constant 16 : i32
        %add3A_481 = arith.addi %add3A_479, %add3A_480 : i32
        %get3A_482 = arith.index_cast %add3A_481 : i32 to index
        %get3A_483 = tpu.vector_load %arg6[%get3A_482] {strides = array<i32>} : memref<5632xf32, #tpu.memory_space<vmem>>, vector<16xf32>,
        %get3A_484 = vector.shape_cast %get3A_483 : vector<16xf32> to vector<16xf32>
        %mul3A_485 = vector.broadcast %squeeze3A_472 : f32 to vector<16xf32>
        %mul3A_486 = arith.mulf %mul3A_485, %get3A_477 : vector<16xf32>
        %add3A_487 = arith.addf %add3A_467, %mul3A_486 : vector<16xf32>
        %mul3A_488 = vector.broadcast %squeeze3A_472 : f32 to vector<16xf32>
        %mul3A_489 = arith.mulf %mul3A_488, %get3A_484 : vector<16xf32>
        %add3A_490 = arith.addf %add3A_470, %mul3A_489 : vector<16xf32>
        scf.yield %add3A_487, %add3A_490 : vector<16xf32>, vector<16xf32>
      }
      %scan3A_129 = arith.constant 11 : i32
      %swap3A_130 = arith.constant 192 : index
      %swap3A_131 = tpu.vector_load %arg7[%swap3A_130] {strides = array<i32>} : memref<256xf32, #tpu.memory_space<vmem>>, vector<16xf32>,
      %swap3A_132 = vector.shape_cast %swap3A_131 : vector<16xf32> to vector<16xf32>
      %swap3A_133 = vector.shape_cast %scan3A_128#0 : vector<16xf32> to vector<16xf32>
      tpu.vector_store %arg7[%swap3A_130], %swap3A_133 {strides = array<i32>} : memref<256xf32, #tpu.memory_space<vmem>>, vector<16xf32>,
      %swap3A_134 = arith.constant 208 : index
      %swap3A_135 = tpu.vector_load %arg7[%swap3A_134] {strides = array<i32>} : memref<256xf32, #tpu.memory_space<vmem>>, vector<16xf32>,
      %swap3A_136 = vector.shape_cast %swap3A_135 : vector<16xf32> to vector<16xf32>
      %swap3A_137 = vector.shape_cast %scan3A_128#1 : vector<16xf32> to vector<16xf32>
      tpu.vector_store %arg7[%swap3A_134], %swap3A_137 {strides = array<i32>} : memref<256xf32, #tpu.memory_space<vmem>>, vector<16xf32>,
      %broadcast_in_dim3A_138 = arith.constant 0.000000e+00 : f32
      %broadcast_in_dim3A_139 = vector.broadcast %broadcast_in_dim3A_138 : f32 to vector<16xf32>
      %broadcast_in_dim3A_140 = arith.constant 0.000000e+00 : f32
      %broadcast_in_dim3A_141 = vector.broadcast %broadcast_in_dim3A_140 : f32 to vector<16xf32>
      %scan3A_142 = arith.constant 0 : i32
      %scan3A_143 = arith.constant 11 : i32
      %scan3A_144 = arith.addi %scan3A_142, %scan3A_143 : i32
      %scan3A_145 = arith.constant 1 : i32
      %scan3A_146:2 = scf.for %scan3A_158 = %scan3A_142 to %scan3A_144 step %scan3A_145 iter_args(%scan3A_159 = %broadcast_in_dim3A_139, %scan3A_160 = %broadcast_in_dim3A_141) -> (vector<16xf32>, vector<16xf32>)  : i32 {
        %mul3A_161 = arith.constant 16 : i32
        %mul3A_162 = arith.muli %scan3A_158, %mul3A_161 : i32
        %add3A_163 = arith.constant 17539 : i32
        %add3A_164 = arith.addi %add3A_163, %mul3A_162 : i32
        %get3A = arith.index_cast %add3A_164 : i32 to index
        %get3A_165 = tpu.vector_load %arg5[%get3A] {strides = array<i32>} : memref<17736xi32, #tpu.memory_space<vmem>>, vector<16xi32>,
        %get3A_166 = vector.shape_cast %get3A_165 : vector<16xi32> to vector<16xi32>
        %convert_element_type3A = arith.sitofp %get3A_166 : vector<16xi32> to vector<16xf32>
        %mul3A_167 = arith.constant 16 : i32
        %mul3A_168 = arith.muli %scan3A_158, %mul3A_167 : i32
        %mul3A_169 = arith.constant 2 : i32
        %mul3A_170 = arith.muli %mul3A_168, %mul3A_169 : i32
        %mul3A_171 = arith.constant 16 : i32
        %mul3A_172 = arith.muli %mul3A_170, %mul3A_171 : i32
        %slice3A = vector.extract_strided_slice %convert_element_type3A {offsets = [0], sizes = [1], strides = [1]} : vector<16xf32> to vector<1xf32>
        %squeeze3A = vector.extract %slice3A[0] : f32 from vector<1xf32>
        %add3A_173 = arith.constant 0 : i32
        %add3A_174 = arith.addi %mul3A_172, %add3A_173 : i32
        %get3A_175 = arith.index_cast %add3A_174 : i32 to index
        %get3A_176 = tpu.vector_load %arg6[%get3A_175] {strides = array<i32>} : memref<5632xf32, #tpu.memory_space<vmem>>, vector<16xf32>,
        %get3A_177 = vector.shape_cast %get3A_176 : vector<16xf32> to vector<16xf32>
        %add3A_178 = arith.constant 0 : i32
        %add3A_179 = arith.addi %mul3A_172, %add3A_178 : i32
        %add3A_180 = arith.constant 16 : i32
        %add3A_181 = arith.addi %add3A_179, %add3A_180 : i32
        %get3A_182 = arith.index_cast %add3A_181 : i32 to index
        %get3A_183 = tpu.vector_load %arg6[%get3A_182] {strides = array<i32>} : memref<5632xf32, #tpu.memory_space<vmem>>, vector<16xf32>,
        %get3A_184 = vector.shape_cast %get3A_183 : vector<16xf32> to vector<16xf32>
        %mul3A_185 = vector.broadcast %squeeze3A : f32 to vector<16xf32>
        %mul3A_186 = arith.mulf %mul3A_185, %get3A_177 : vector<16xf32>
        %add3A_187 = arith.addf %scan3A_159, %mul3A_186 : vector<16xf32>
        %mul3A_188 = vector.broadcast %squeeze3A : f32 to vector<16xf32>
        %mul3A_189 = arith.mulf %mul3A_188, %get3A_184 : vector<16xf32>
        %add3A_190 = arith.addf %scan3A_160, %mul3A_189 : vector<16xf32>
        %slice3A_191 = vector.extract_strided_slice %convert_element_type3A {offsets = [1], sizes = [1], strides = [1]} : vector<16xf32> to vector<1xf32>
        %squeeze3A_192 = vector.extract %slice3A_191[0] : f32 from vector<1xf32>
        %add3A_193 = arith.constant 32 : i32
        %add3A_194 = arith.addi %mul3A_172, %add3A_193 : i32
        %get3A_195 = arith.index_cast %add3A_194 : i32 to index
        %get3A_196 = tpu.vector_load %arg6[%get3A_195] {strides = array<i32>} : memref<5632xf32, #tpu.memory_space<vmem>>, vector<16xf32>,
        %get3A_197 = vector.shape_cast %get3A_196 : vector<16xf32> to vector<16xf32>
        %add3A_198 = arith.constant 32 : i32
        %add3A_199 = arith.addi %mul3A_172, %add3A_198 : i32
        %add3A_200 = arith.constant 16 : i32
        %add3A_201 = arith.addi %add3A_199, %add3A_200 : i32
        %get3A_202 = arith.index_cast %add3A_201 : i32 to index
        %get3A_203 = tpu.vector_load %arg6[%get3A_202] {strides = array<i32>} : memref<5632xf32, #tpu.memory_space<vmem>>, vector<16xf32>,
        %get3A_204 = vector.shape_cast %get3A_203 : vector<16xf32> to vector<16xf32>
        %mul3A_205 = vector.broadcast %squeeze3A_192 : f32 to vector<16xf32>
        %mul3A_206 = arith.mulf %mul3A_205, %get3A_197 : vector<16xf32>
        %add3A_207 = arith.addf %add3A_187, %mul3A_206 : vector<16xf32>
        %mul3A_208 = vector.broadcast %squeeze3A_192 : f32 to vector<16xf32>
        %mul3A_209 = arith.mulf %mul3A_208, %get3A_204 : vector<16xf32>
        %add3A_210 = arith.addf %add3A_190, %mul3A_209 : vector<16xf32>
        %slice3A_211 = vector.extract_strided_slice %convert_element_type3A {offsets = [2], sizes = [1], strides = [1]} : vector<16xf32> to vector<1xf32>
        %squeeze3A_212 = vector.extract %slice3A_211[0] : f32 from vector<1xf32>
        %add3A_213 = arith.constant 64 : i32
        %add3A_214 = arith.addi %mul3A_172, %add3A_213 : i32
        %get3A_215 = arith.index_cast %add3A_214 : i32 to index
        %get3A_216 = tpu.vector_load %arg6[%get3A_215] {strides = array<i32>} : memref<5632xf32, #tpu.memory_space<vmem>>, vector<16xf32>,
        %get3A_217 = vector.shape_cast %get3A_216 : vector<16xf32> to vector<16xf32>
        %add3A_218 = arith.constant 64 : i32
        %add3A_219 = arith.addi %mul3A_172, %add3A_218 : i32
        %add3A_220 = arith.constant 16 : i32
        %add3A_221 = arith.addi %add3A_219, %add3A_220 : i32
        %get3A_222 = arith.index_cast %add3A_221 : i32 to index
        %get3A_223 = tpu.vector_load %arg6[%get3A_222] {strides = array<i32>} : memref<5632xf32, #tpu.memory_space<vmem>>, vector<16xf32>,
        %get3A_224 = vector.shape_cast %get3A_223 : vector<16xf32> to vector<16xf32>
        %mul3A_225 = vector.broadcast %squeeze3A_212 : f32 to vector<16xf32>
        %mul3A_226 = arith.mulf %mul3A_225, %get3A_217 : vector<16xf32>
        %add3A_227 = arith.addf %add3A_207, %mul3A_226 : vector<16xf32>
        %mul3A_228 = vector.broadcast %squeeze3A_212 : f32 to vector<16xf32>
        %mul3A_229 = arith.mulf %mul3A_228, %get3A_224 : vector<16xf32>
        %add3A_230 = arith.addf %add3A_210, %mul3A_229 : vector<16xf32>
        %slice3A_231 = vector.extract_strided_slice %convert_element_type3A {offsets = [3], sizes = [1], strides = [1]} : vector<16xf32> to vector<1xf32>
        %squeeze3A_232 = vector.extract %slice3A_231[0] : f32 from vector<1xf32>
        %add3A_233 = arith.constant 96 : i32
        %add3A_234 = arith.addi %mul3A_172, %add3A_233 : i32
        %get3A_235 = arith.index_cast %add3A_234 : i32 to index
        %get3A_236 = tpu.vector_load %arg6[%get3A_235] {strides = array<i32>} : memref<5632xf32, #tpu.memory_space<vmem>>, vector<16xf32>,
        %get3A_237 = vector.shape_cast %get3A_236 : vector<16xf32> to vector<16xf32>
        %add3A_238 = arith.constant 96 : i32
        %add3A_239 = arith.addi %mul3A_172, %add3A_238 : i32
        %add3A_240 = arith.constant 16 : i32
        %add3A_241 = arith.addi %add3A_239, %add3A_240 : i32
        %get3A_242 = arith.index_cast %add3A_241 : i32 to index
        %get3A_243 = tpu.vector_load %arg6[%get3A_242] {strides = array<i32>} : memref<5632xf32, #tpu.memory_space<vmem>>, vector<16xf32>,
        %get3A_244 = vector.shape_cast %get3A_243 : vector<16xf32> to vector<16xf32>
        %mul3A_245 = vector.broadcast %squeeze3A_232 : f32 to vector<16xf32>
        %mul3A_246 = arith.mulf %mul3A_245, %get3A_237 : vector<16xf32>
        %add3A_247 = arith.addf %add3A_227, %mul3A_246 : vector<16xf32>
        %mul3A_248 = vector.broadcast %squeeze3A_232 : f32 to vector<16xf32>
        %mul3A_249 = arith.mulf %mul3A_248, %get3A_244 : vector<16xf32>
        %add3A_250 = arith.addf %add3A_230, %mul3A_249 : vector<16xf32>
        %slice3A_251 = vector.extract_strided_slice %convert_element_type3A {offsets = [4], sizes = [1], strides = [1]} : vector<16xf32> to vector<1xf32>
        %squeeze3A_252 = vector.extract %slice3A_251[0] : f32 from vector<1xf32>
        %add3A_253 = arith.constant 128 : i32
        %add3A_254 = arith.addi %mul3A_172, %add3A_253 : i32
        %get3A_255 = arith.index_cast %add3A_254 : i32 to index
        %get3A_256 = tpu.vector_load %arg6[%get3A_255] {strides = array<i32>} : memref<5632xf32, #tpu.memory_space<vmem>>, vector<16xf32>,
        %get3A_257 = vector.shape_cast %get3A_256 : vector<16xf32> to vector<16xf32>
        %add3A_258 = arith.constant 128 : i32
        %add3A_259 = arith.addi %mul3A_172, %add3A_258 : i32
        %add3A_260 = arith.constant 16 : i32
        %add3A_261 = arith.addi %add3A_259, %add3A_260 : i32
        %get3A_262 = arith.index_cast %add3A_261 : i32 to index
        %get3A_263 = tpu.vector_load %arg6[%get3A_262] {strides = array<i32>} : memref<5632xf32, #tpu.memory_space<vmem>>, vector<16xf32>,
        %get3A_264 = vector.shape_cast %get3A_263 : vector<16xf32> to vector<16xf32>
        %mul3A_265 = vector.broadcast %squeeze3A_252 : f32 to vector<16xf32>
        %mul3A_266 = arith.mulf %mul3A_265, %get3A_257 : vector<16xf32>
        %add3A_267 = arith.addf %add3A_247, %mul3A_266 : vector<16xf32>
        %mul3A_268 = vector.broadcast %squeeze3A_252 : f32 to vector<16xf32>
        %mul3A_269 = arith.mulf %mul3A_268, %get3A_264 : vector<16xf32>
        %add3A_270 = arith.addf %add3A_250, %mul3A_269 : vector<16xf32>
        %slice3A_271 = vector.extract_strided_slice %convert_element_type3A {offsets = [5], sizes = [1], strides = [1]} : vector<16xf32> to vector<1xf32>
        %squeeze3A_272 = vector.extract %slice3A_271[0] : f32 from vector<1xf32>
        %add3A_273 = arith.constant 160 : i32
        %add3A_274 = arith.addi %mul3A_172, %add3A_273 : i32
        %get3A_275 = arith.index_cast %add3A_274 : i32 to index
        %get3A_276 = tpu.vector_load %arg6[%get3A_275] {strides = array<i32>} : memref<5632xf32, #tpu.memory_space<vmem>>, vector<16xf32>,
        %get3A_277 = vector.shape_cast %get3A_276 : vector<16xf32> to vector<16xf32>
        %add3A_278 = arith.constant 160 : i32
        %add3A_279 = arith.addi %mul3A_172, %add3A_278 : i32
        %add3A_280 = arith.constant 16 : i32
        %add3A_281 = arith.addi %add3A_279, %add3A_280 : i32
        %get3A_282 = arith.index_cast %add3A_281 : i32 to index
        %get3A_283 = tpu.vector_load %arg6[%get3A_282] {strides = array<i32>} : memref<5632xf32, #tpu.memory_space<vmem>>, vector<16xf32>,
        %get3A_284 = vector.shape_cast %get3A_283 : vector<16xf32> to vector<16xf32>
        %mul3A_285 = vector.broadcast %squeeze3A_272 : f32 to vector<16xf32>
        %mul3A_286 = arith.mulf %mul3A_285, %get3A_277 : vector<16xf32>
        %add3A_287 = arith.addf %add3A_267, %mul3A_286 : vector<16xf32>
        %mul3A_288 = vector.broadcast %squeeze3A_272 : f32 to vector<16xf32>
        %mul3A_289 = arith.mulf %mul3A_288, %get3A_284 : vector<16xf32>
        %add3A_290 = arith.addf %add3A_270, %mul3A_289 : vector<16xf32>
        %slice3A_291 = vector.extract_strided_slice %convert_element_type3A {offsets = [6], sizes = [1], strides = [1]} : vector<16xf32> to vector<1xf32>
        %squeeze3A_292 = vector.extract %slice3A_291[0] : f32 from vector<1xf32>
        %add3A_293 = arith.constant 192 : i32
        %add3A_294 = arith.addi %mul3A_172, %add3A_293 : i32
        %get3A_295 = arith.index_cast %add3A_294 : i32 to index
        %get3A_296 = tpu.vector_load %arg6[%get3A_295] {strides = array<i32>} : memref<5632xf32, #tpu.memory_space<vmem>>, vector<16xf32>,
        %get3A_297 = vector.shape_cast %get3A_296 : vector<16xf32> to vector<16xf32>
        %add3A_298 = arith.constant 192 : i32
        %add3A_299 = arith.addi %mul3A_172, %add3A_298 : i32
        %add3A_300 = arith.constant 16 : i32
        %add3A_301 = arith.addi %add3A_299, %add3A_300 : i32
        %get3A_302 = arith.index_cast %add3A_301 : i32 to index
        %get3A_303 = tpu.vector_load %arg6[%get3A_302] {strides = array<i32>} : memref<5632xf32, #tpu.memory_space<vmem>>, vector<16xf32>,
        %get3A_304 = vector.shape_cast %get3A_303 : vector<16xf32> to vector<16xf32>
        %mul3A_305 = vector.broadcast %squeeze3A_292 : f32 to vector<16xf32>
        %mul3A_306 = arith.mulf %mul3A_305, %get3A_297 : vector<16xf32>
        %add3A_307 = arith.addf %add3A_287, %mul3A_306 : vector<16xf32>
        %mul3A_308 = vector.broadcast %squeeze3A_292 : f32 to vector<16xf32>
        %mul3A_309 = arith.mulf %mul3A_308, %get3A_304 : vector<16xf32>
        %add3A_310 = arith.addf %add3A_290, %mul3A_309 : vector<16xf32>
        %slice3A_311 = vector.extract_strided_slice %convert_element_type3A {offsets = [7], sizes = [1], strides = [1]} : vector<16xf32> to vector<1xf32>
        %squeeze3A_312 = vector.extract %slice3A_311[0] : f32 from vector<1xf32>
        %add3A_313 = arith.constant 224 : i32
        %add3A_314 = arith.addi %mul3A_172, %add3A_313 : i32
        %get3A_315 = arith.index_cast %add3A_314 : i32 to index
        %get3A_316 = tpu.vector_load %arg6[%get3A_315] {strides = array<i32>} : memref<5632xf32, #tpu.memory_space<vmem>>, vector<16xf32>,
        %get3A_317 = vector.shape_cast %get3A_316 : vector<16xf32> to vector<16xf32>
        %add3A_318 = arith.constant 224 : i32
        %add3A_319 = arith.addi %mul3A_172, %add3A_318 : i32
        %add3A_320 = arith.constant 16 : i32
        %add3A_321 = arith.addi %add3A_319, %add3A_320 : i32
        %get3A_322 = arith.index_cast %add3A_321 : i32 to index
        %get3A_323 = tpu.vector_load %arg6[%get3A_322] {strides = array<i32>} : memref<5632xf32, #tpu.memory_space<vmem>>, vector<16xf32>,
        %get3A_324 = vector.shape_cast %get3A_323 : vector<16xf32> to vector<16xf32>
        %mul3A_325 = vector.broadcast %squeeze3A_312 : f32 to vector<16xf32>
        %mul3A_326 = arith.mulf %mul3A_325, %get3A_317 : vector<16xf32>
        %add3A_327 = arith.addf %add3A_307, %mul3A_326 : vector<16xf32>
        %mul3A_328 = vector.broadcast %squeeze3A_312 : f32 to vector<16xf32>
        %mul3A_329 = arith.mulf %mul3A_328, %get3A_324 : vector<16xf32>
        %add3A_330 = arith.addf %add3A_310, %mul3A_329 : vector<16xf32>
        %slice3A_331 = vector.extract_strided_slice %convert_element_type3A {offsets = [8], sizes = [1], strides = [1]} : vector<16xf32> to vector<1xf32>
        %squeeze3A_332 = vector.extract %slice3A_331[0] : f32 from vector<1xf32>
        %add3A_333 = arith.constant 256 : i32
        %add3A_334 = arith.addi %mul3A_172, %add3A_333 : i32
        %get3A_335 = arith.index_cast %add3A_334 : i32 to index
        %get3A_336 = tpu.vector_load %arg6[%get3A_335] {strides = array<i32>} : memref<5632xf32, #tpu.memory_space<vmem>>, vector<16xf32>,
        %get3A_337 = vector.shape_cast %get3A_336 : vector<16xf32> to vector<16xf32>
        %add3A_338 = arith.constant 256 : i32
        %add3A_339 = arith.addi %mul3A_172, %add3A_338 : i32
        %add3A_340 = arith.constant 16 : i32
        %add3A_341 = arith.addi %add3A_339, %add3A_340 : i32
        %get3A_342 = arith.index_cast %add3A_341 : i32 to index
        %get3A_343 = tpu.vector_load %arg6[%get3A_342] {strides = array<i32>} : memref<5632xf32, #tpu.memory_space<vmem>>, vector<16xf32>,
        %get3A_344 = vector.shape_cast %get3A_343 : vector<16xf32> to vector<16xf32>
        %mul3A_345 = vector.broadcast %squeeze3A_332 : f32 to vector<16xf32>
        %mul3A_346 = arith.mulf %mul3A_345, %get3A_337 : vector<16xf32>
        %add3A_347 = arith.addf %add3A_327, %mul3A_346 : vector<16xf32>
        %mul3A_348 = vector.broadcast %squeeze3A_332 : f32 to vector<16xf32>
        %mul3A_349 = arith.mulf %mul3A_348, %get3A_344 : vector<16xf32>
        %add3A_350 = arith.addf %add3A_330, %mul3A_349 : vector<16xf32>
        %slice3A_351 = vector.extract_strided_slice %convert_element_type3A {offsets = [9], sizes = [1], strides = [1]} : vector<16xf32> to vector<1xf32>
        %squeeze3A_352 = vector.extract %slice3A_351[0] : f32 from vector<1xf32>
        %add3A_353 = arith.constant 288 : i32
        %add3A_354 = arith.addi %mul3A_172, %add3A_353 : i32
        %get3A_355 = arith.index_cast %add3A_354 : i32 to index
        %get3A_356 = tpu.vector_load %arg6[%get3A_355] {strides = array<i32>} : memref<5632xf32, #tpu.memory_space<vmem>>, vector<16xf32>,
        %get3A_357 = vector.shape_cast %get3A_356 : vector<16xf32> to vector<16xf32>
        %add3A_358 = arith.constant 288 : i32
        %add3A_359 = arith.addi %mul3A_172, %add3A_358 : i32
        %add3A_360 = arith.constant 16 : i32
        %add3A_361 = arith.addi %add3A_359, %add3A_360 : i32
        %get3A_362 = arith.index_cast %add3A_361 : i32 to index
        %get3A_363 = tpu.vector_load %arg6[%get3A_362] {strides = array<i32>} : memref<5632xf32, #tpu.memory_space<vmem>>, vector<16xf32>,
        %get3A_364 = vector.shape_cast %get3A_363 : vector<16xf32> to vector<16xf32>
        %mul3A_365 = vector.broadcast %squeeze3A_352 : f32 to vector<16xf32>
        %mul3A_366 = arith.mulf %mul3A_365, %get3A_357 : vector<16xf32>
        %add3A_367 = arith.addf %add3A_347, %mul3A_366 : vector<16xf32>
        %mul3A_368 = vector.broadcast %squeeze3A_352 : f32 to vector<16xf32>
        %mul3A_369 = arith.mulf %mul3A_368, %get3A_364 : vector<16xf32>
        %add3A_370 = arith.addf %add3A_350, %mul3A_369 : vector<16xf32>
        %slice3A_371 = vector.extract_strided_slice %convert_element_type3A {offsets = [10], sizes = [1], strides = [1]} : vector<16xf32> to vector<1xf32>
        %squeeze3A_372 = vector.extract %slice3A_371[0] : f32 from vector<1xf32>
        %add3A_373 = arith.constant 320 : i32
        %add3A_374 = arith.addi %mul3A_172, %add3A_373 : i32
        %get3A_375 = arith.index_cast %add3A_374 : i32 to index
        %get3A_376 = tpu.vector_load %arg6[%get3A_375] {strides = array<i32>} : memref<5632xf32, #tpu.memory_space<vmem>>, vector<16xf32>,
        %get3A_377 = vector.shape_cast %get3A_376 : vector<16xf32> to vector<16xf32>
        %add3A_378 = arith.constant 320 : i32
        %add3A_379 = arith.addi %mul3A_172, %add3A_378 : i32
        %add3A_380 = arith.constant 16 : i32
        %add3A_381 = arith.addi %add3A_379, %add3A_380 : i32
        %get3A_382 = arith.index_cast %add3A_381 : i32 to index
        %get3A_383 = tpu.vector_load %arg6[%get3A_382] {strides = array<i32>} : memref<5632xf32, #tpu.memory_space<vmem>>, vector<16xf32>,
        %get3A_384 = vector.shape_cast %get3A_383 : vector<16xf32> to vector<16xf32>
        %mul3A_385 = vector.broadcast %squeeze3A_372 : f32 to vector<16xf32>
        %mul3A_386 = arith.mulf %mul3A_385, %get3A_377 : vector<16xf32>
        %add3A_387 = arith.addf %add3A_367, %mul3A_386 : vector<16xf32>
        %mul3A_388 = vector.broadcast %squeeze3A_372 : f32 to vector<16xf32>
        %mul3A_389 = arith.mulf %mul3A_388, %get3A_384 : vector<16xf32>
        %add3A_390 = arith.addf %add3A_370, %mul3A_389 : vector<16xf32>
        %slice3A_391 = vector.extract_strided_slice %convert_element_type3A {offsets = [11], sizes = [1], strides = [1]} : vector<16xf32> to vector<1xf32>
        %squeeze3A_392 = vector.extract %slice3A_391[0] : f32 from vector<1xf32>
        %add3A_393 = arith.constant 352 : i32
        %add3A_394 = arith.addi %mul3A_172, %add3A_393 : i32
        %get3A_395 = arith.index_cast %add3A_394 : i32 to index
        %get3A_396 = tpu.vector_load %arg6[%get3A_395] {strides = array<i32>} : memref<5632xf32, #tpu.memory_space<vmem>>, vector<16xf32>,
        %get3A_397 = vector.shape_cast %get3A_396 : vector<16xf32> to vector<16xf32>
        %add3A_398 = arith.constant 352 : i32
        %add3A_399 = arith.addi %mul3A_172, %add3A_398 : i32
        %add3A_400 = arith.constant 16 : i32
        %add3A_401 = arith.addi %add3A_399, %add3A_400 : i32
        %get3A_402 = arith.index_cast %add3A_401 : i32 to index
        %get3A_403 = tpu.vector_load %arg6[%get3A_402] {strides = array<i32>} : memref<5632xf32, #tpu.memory_space<vmem>>, vector<16xf32>,
        %get3A_404 = vector.shape_cast %get3A_403 : vector<16xf32> to vector<16xf32>
        %mul3A_405 = vector.broadcast %squeeze3A_392 : f32 to vector<16xf32>
        %mul3A_406 = arith.mulf %mul3A_405, %get3A_397 : vector<16xf32>
        %add3A_407 = arith.addf %add3A_387, %mul3A_406 : vector<16xf32>
        %mul3A_408 = vector.broadcast %squeeze3A_392 : f32 to vector<16xf32>
        %mul3A_409 = arith.mulf %mul3A_408, %get3A_404 : vector<16xf32>
        %add3A_410 = arith.addf %add3A_390, %mul3A_409 : vector<16xf32>
        %slice3A_411 = vector.extract_strided_slice %convert_element_type3A {offsets = [12], sizes = [1], strides = [1]} : vector<16xf32> to vector<1xf32>
        %squeeze3A_412 = vector.extract %slice3A_411[0] : f32 from vector<1xf32>
        %add3A_413 = arith.constant 384 : i32
        %add3A_414 = arith.addi %mul3A_172, %add3A_413 : i32
        %get3A_415 = arith.index_cast %add3A_414 : i32 to index
        %get3A_416 = tpu.vector_load %arg6[%get3A_415] {strides = array<i32>} : memref<5632xf32, #tpu.memory_space<vmem>>, vector<16xf32>,
        %get3A_417 = vector.shape_cast %get3A_416 : vector<16xf32> to vector<16xf32>
        %add3A_418 = arith.constant 384 : i32
        %add3A_419 = arith.addi %mul3A_172, %add3A_418 : i32
        %add3A_420 = arith.constant 16 : i32
        %add3A_421 = arith.addi %add3A_419, %add3A_420 : i32
        %get3A_422 = arith.index_cast %add3A_421 : i32 to index
        %get3A_423 = tpu.vector_load %arg6[%get3A_422] {strides = array<i32>} : memref<5632xf32, #tpu.memory_space<vmem>>, vector<16xf32>,
        %get3A_424 = vector.shape_cast %get3A_423 : vector<16xf32> to vector<16xf32>
        %mul3A_425 = vector.broadcast %squeeze3A_412 : f32 to vector<16xf32>
        %mul3A_426 = arith.mulf %mul3A_425, %get3A_417 : vector<16xf32>
        %add3A_427 = arith.addf %add3A_407, %mul3A_426 : vector<16xf32>
        %mul3A_428 = vector.broadcast %squeeze3A_412 : f32 to vector<16xf32>
        %mul3A_429 = arith.mulf %mul3A_428, %get3A_424 : vector<16xf32>
        %add3A_430 = arith.addf %add3A_410, %mul3A_429 : vector<16xf32>
        %slice3A_431 = vector.extract_strided_slice %convert_element_type3A {offsets = [13], sizes = [1], strides = [1]} : vector<16xf32> to vector<1xf32>
        %squeeze3A_432 = vector.extract %slice3A_431[0] : f32 from vector<1xf32>
        %add3A_433 = arith.constant 416 : i32
        %add3A_434 = arith.addi %mul3A_172, %add3A_433 : i32
        %get3A_435 = arith.index_cast %add3A_434 : i32 to index
        %get3A_436 = tpu.vector_load %arg6[%get3A_435] {strides = array<i32>} : memref<5632xf32, #tpu.memory_space<vmem>>, vector<16xf32>,
        %get3A_437 = vector.shape_cast %get3A_436 : vector<16xf32> to vector<16xf32>
        %add3A_438 = arith.constant 416 : i32
        %add3A_439 = arith.addi %mul3A_172, %add3A_438 : i32
        %add3A_440 = arith.constant 16 : i32
        %add3A_441 = arith.addi %add3A_439, %add3A_440 : i32
        %get3A_442 = arith.index_cast %add3A_441 : i32 to index
        %get3A_443 = tpu.vector_load %arg6[%get3A_442] {strides = array<i32>} : memref<5632xf32, #tpu.memory_space<vmem>>, vector<16xf32>,
        %get3A_444 = vector.shape_cast %get3A_443 : vector<16xf32> to vector<16xf32>
        %mul3A_445 = vector.broadcast %squeeze3A_432 : f32 to vector<16xf32>
        %mul3A_446 = arith.mulf %mul3A_445, %get3A_437 : vector<16xf32>
        %add3A_447 = arith.addf %add3A_427, %mul3A_446 : vector<16xf32>
        %mul3A_448 = vector.broadcast %squeeze3A_432 : f32 to vector<16xf32>
        %mul3A_449 = arith.mulf %mul3A_448, %get3A_444 : vector<16xf32>
        %add3A_450 = arith.addf %add3A_430, %mul3A_449 : vector<16xf32>
        %slice3A_451 = vector.extract_strided_slice %convert_element_type3A {offsets = [14], sizes = [1], strides = [1]} : vector<16xf32> to vector<1xf32>
        %squeeze3A_452 = vector.extract %slice3A_451[0] : f32 from vector<1xf32>
        %add3A_453 = arith.constant 448 : i32
        %add3A_454 = arith.addi %mul3A_172, %add3A_453 : i32
        %get3A_455 = arith.index_cast %add3A_454 : i32 to index
        %get3A_456 = tpu.vector_load %arg6[%get3A_455] {strides = array<i32>} : memref<5632xf32, #tpu.memory_space<vmem>>, vector<16xf32>,
        %get3A_457 = vector.shape_cast %get3A_456 : vector<16xf32> to vector<16xf32>
        %add3A_458 = arith.constant 448 : i32
        %add3A_459 = arith.addi %mul3A_172, %add3A_458 : i32
        %add3A_460 = arith.constant 16 : i32
        %add3A_461 = arith.addi %add3A_459, %add3A_460 : i32
        %get3A_462 = arith.index_cast %add3A_461 : i32 to index
        %get3A_463 = tpu.vector_load %arg6[%get3A_462] {strides = array<i32>} : memref<5632xf32, #tpu.memory_space<vmem>>, vector<16xf32>,
        %get3A_464 = vector.shape_cast %get3A_463 : vector<16xf32> to vector<16xf32>
        %mul3A_465 = vector.broadcast %squeeze3A_452 : f32 to vector<16xf32>
        %mul3A_466 = arith.mulf %mul3A_465, %get3A_457 : vector<16xf32>
        %add3A_467 = arith.addf %add3A_447, %mul3A_466 : vector<16xf32>
        %mul3A_468 = vector.broadcast %squeeze3A_452 : f32 to vector<16xf32>
        %mul3A_469 = arith.mulf %mul3A_468, %get3A_464 : vector<16xf32>
        %add3A_470 = arith.addf %add3A_450, %mul3A_469 : vector<16xf32>
        %slice3A_471 = vector.extract_strided_slice %convert_element_type3A {offsets = [15], sizes = [1], strides = [1]} : vector<16xf32> to vector<1xf32>
        %squeeze3A_472 = vector.extract %slice3A_471[0] : f32 from vector<1xf32>
        %add3A_473 = arith.constant 480 : i32
        %add3A_474 = arith.addi %mul3A_172, %add3A_473 : i32
        %get3A_475 = arith.index_cast %add3A_474 : i32 to index
        %get3A_476 = tpu.vector_load %arg6[%get3A_475] {strides = array<i32>} : memref<5632xf32, #tpu.memory_space<vmem>>, vector<16xf32>,
        %get3A_477 = vector.shape_cast %get3A_476 : vector<16xf32> to vector<16xf32>
        %add3A_478 = arith.constant 480 : i32
        %add3A_479 = arith.addi %mul3A_172, %add3A_478 : i32
        %add3A_480 = arith.constant 16 : i32
        %add3A_481 = arith.addi %add3A_479, %add3A_480 : i32
        %get3A_482 = arith.index_cast %add3A_481 : i32 to index
        %get3A_483 = tpu.vector_load %arg6[%get3A_482] {strides = array<i32>} : memref<5632xf32, #tpu.memory_space<vmem>>, vector<16xf32>,
        %get3A_484 = vector.shape_cast %get3A_483 : vector<16xf32> to vector<16xf32>
        %mul3A_485 = vector.broadcast %squeeze3A_472 : f32 to vector<16xf32>
        %mul3A_486 = arith.mulf %mul3A_485, %get3A_477 : vector<16xf32>
        %add3A_487 = arith.addf %add3A_467, %mul3A_486 : vector<16xf32>
        %mul3A_488 = vector.broadcast %squeeze3A_472 : f32 to vector<16xf32>
        %mul3A_489 = arith.mulf %mul3A_488, %get3A_484 : vector<16xf32>
        %add3A_490 = arith.addf %add3A_470, %mul3A_489 : vector<16xf32>
        scf.yield %add3A_487, %add3A_490 : vector<16xf32>, vector<16xf32>
      }
      %scan3A_147 = arith.constant 11 : i32
      %swap3A_148 = arith.constant 224 : index
      %swap3A_149 = tpu.vector_load %arg7[%swap3A_148] {strides = array<i32>} : memref<256xf32, #tpu.memory_space<vmem>>, vector<16xf32>,
      %swap3A_150 = vector.shape_cast %swap3A_149 : vector<16xf32> to vector<16xf32>
      %swap3A_151 = vector.shape_cast %scan3A_146#0 : vector<16xf32> to vector<16xf32>
      tpu.vector_store %arg7[%swap3A_148], %swap3A_151 {strides = array<i32>} : memref<256xf32, #tpu.memory_space<vmem>>, vector<16xf32>,
      %swap3A_152 = arith.constant 240 : index
      %swap3A_153 = tpu.vector_load %arg7[%swap3A_152] {strides = array<i32>} : memref<256xf32, #tpu.memory_space<vmem>>, vector<16xf32>,
      %swap3A_154 = vector.shape_cast %swap3A_153 : vector<16xf32> to vector<16xf32>
      %swap3A_155 = vector.shape_cast %scan3A_146#1 : vector<16xf32> to vector<16xf32>
      tpu.vector_store %arg7[%swap3A_152], %swap3A_155 {strides = array<i32>} : memref<256xf32, #tpu.memory_space<vmem>>, vector<16xf32>,
      %mul3A_156 = arith.constant 32 : i32
      %mul3A_157 = arith.muli %add3A_11, %mul3A_156 : i32
      "tpu.region"() ({
        %run_scoped3A = tpu.sem_alloc : memref<!tpu.dma_semaphore, #tpu.memory_space<semaphore_mem>>
        %dma_start3A = tpu.memref_slice %arg4[%mul3A_157] : memref<524288xf32, #tpu.memory_space<hbm>> -> memref<256xf32, #tpu.memory_space<hbm>>
        %dma_start3A_158 = tpu.memref_slice %arg4[%mul3A_157] : memref<524288xf32, #tpu.memory_space<hbm>> -> memref<256xf32, #tpu.memory_space<hbm>>
        tpu.enqueue_dma source(%arg7 : memref<256xf32, #tpu.memory_space<vmem>>) target(%dma_start3A_158 : memref<256xf32, #tpu.memory_space<hbm>>) target_semaphore(%run_scoped3A : memref<!tpu.dma_semaphore, #tpu.memory_space<semaphore_mem>>)
        %dma_wait3A = tpu.memref_slice %arg4[%mul3A_157] : memref<524288xf32, #tpu.memory_space<hbm>> -> memref<256xf32, #tpu.memory_space<hbm>>
        %dma_wait3A_159 = tpu.memref_slice %arg4[%mul3A_157] : memref<524288xf32, #tpu.memory_space<hbm>> -> memref<256xf32, #tpu.memory_space<hbm>>
        tpu.wait_dma2 semaphore(%run_scoped3A : memref<!tpu.dma_semaphore, #tpu.memory_space<semaphore_mem>>) src(%arg7 : memref<256xf32, #tpu.memory_space<vmem>>) dst(%dma_wait3A_159 : memref<256xf32, #tpu.memory_space<hbm>>)
        tpu.yield
      }) : () -> ()
    }
    %scan3A_5 = arith.constant 64 : i32
    return
  }
}

module attributes {stable_mosaic.version = 14 : i64} {
  func.func @_tc_main(%arg0: i32, %arg1: memref<1024x2048xi32, #tpu.memory_space<vmem>>, %arg2: memref<2048x64xf32, #tpu.memory_space<vmem>>, %arg3: memref<6x32xf32, #tpu.memory_space<vmem>>, %arg4: memref<81x32xf32, #tpu.memory_space<vmem>>, %arg5: memref<1024x128xf32, #tpu.memory_space<vmem>>) attributes {dimension_semantics = [#tpu.dimension_semantics<arbitrary>], iteration_bounds = array<i64: 16>, scalar_prefetch = 0 : i64, scratch_operands = 0 : i64, tpu.core_type = #tpu.core_type<tc>, window_params = [{transform_indices = @transform_0, window_bounds = array<i64: 1024, 2048>}, {pipeline_mode = #tpu.pipeline_mode<synchronous>, transform_indices = @transform_1, window_bounds = array<i64: 2048, 64>}, {pipeline_mode = #tpu.pipeline_mode<synchronous>, transform_indices = @transform_2, window_bounds = array<i64: 6, 32>}, {pipeline_mode = #tpu.pipeline_mode<synchronous>, transform_indices = @transform_3, window_bounds = array<i64: 81, 32>}, {transform_indices = @transform_4, window_bounds = array<i64: 1024, 128>}]} {
    %get3A = arith.constant 0 : index
    %get3A_0 = arith.constant 0 : index
    %get3A_1 = vector.load %arg1[%get3A, %get3A_0] : memref<1024x2048xi32, #tpu.memory_space<vmem>>, vector<1024x2048xi32>
    %convert_element_type3A = arith.sitofp %get3A_1 : vector<1024x2048xi32> to vector<1024x2048xf32>
    %get3A_2 = arith.constant 0 : index
    %get3A_3 = arith.constant 0 : index
    %get3A_4 = vector.load %arg2[%get3A_2, %get3A_3] : memref<2048x64xf32, #tpu.memory_space<vmem>>, vector<2048x64xf32>
    %dot_general3A = arith.constant dense<0.000000e+00> : vector<1024x64xf32>
    %dot_general3A_5 = tpu.matmul %convert_element_type3A, %get3A_4, %dot_general3A {dimension_numbers = #tpu.dot_dimension_numbers<[1], [0], [0], [1], [0, 0, 1, 1], [], []>, transpose_lhs_hint = false} : vector<1024x2048xf32>, vector<2048x64xf32>, vector<1024x64xf32> -> vector<1024x64xf32>
    %slice3A = vector.extract_strided_slice %dot_general3A_5 {offsets = [0, 0], sizes = [1024, 32], strides = [1, 1]} : vector<1024x64xf32> to vector<1024x32xf32>
    %logistic3A = arith.negf %slice3A : vector<1024x32xf32>
    %logistic3A_6 = math.exp %logistic3A : vector<1024x32xf32>
    %logistic3A_7 = arith.constant 1.000000e+00 : f32
    %logistic3A_8 = vector.broadcast %logistic3A_7 : f32 to vector<1024x32xf32>
    %logistic3A_9 = arith.addf %logistic3A_8, %logistic3A_6 : vector<1024x32xf32>
    %logistic3A_10 = arith.divf %logistic3A_8, %logistic3A_9 : vector<1024x32xf32>
    %slice3A_11 = vector.extract_strided_slice %dot_general3A_5 {offsets = [0, 32], sizes = [1024, 32], strides = [1, 1]} : vector<1024x64xf32> to vector<1024x32xf32>
    %get3A_12 = arith.constant 0 : index
    %get3A_13 = arith.constant 0 : index
    %get3A_14 = vector.load %arg1[%get3A_12, %get3A_13] : memref<1024x2048xi32, #tpu.memory_space<vmem>>, vector<1024x1xi32>
    %get3A_15 = arith.constant 0 : index
    %get3A_16 = arith.constant 1 : index
    %get3A_17 = vector.load %arg1[%get3A_15, %get3A_16] : memref<1024x2048xi32, #tpu.memory_space<vmem>>, vector<1024x1xi32>
    %iota3A = tpu.iota {dimensions = array<i32: 1>} : vector<1x6xi32>
    %eq3A = vector.broadcast %get3A_14 : vector<1024x1xi32> to vector<1024x6xi32>
    %eq3A_18 = vector.broadcast %iota3A : vector<1x6xi32> to vector<1024x6xi32>
    %eq3A_19 = arith.cmpi eq, %eq3A, %eq3A_18 : vector<1024x6xi32>
    %convert_element_type3A_20 = arith.extui %eq3A_19 : vector<1024x6xi1> to vector<1024x6xi32>
    %convert_element_type3A_21 = arith.sitofp %convert_element_type3A_20 : vector<1024x6xi32> to vector<1024x6xf32>
    %iota3A_22 = tpu.iota {dimensions = array<i32: 1>} : vector<1x81xi32>
    %eq3A_23 = vector.broadcast %get3A_17 : vector<1024x1xi32> to vector<1024x81xi32>
    %eq3A_24 = vector.broadcast %iota3A_22 : vector<1x81xi32> to vector<1024x81xi32>
    %eq3A_25 = arith.cmpi eq, %eq3A_23, %eq3A_24 : vector<1024x81xi32>
    %convert_element_type3A_26 = arith.extui %eq3A_25 : vector<1024x81xi1> to vector<1024x81xi32>
    %convert_element_type3A_27 = arith.sitofp %convert_element_type3A_26 : vector<1024x81xi32> to vector<1024x81xf32>
    %get3A_28 = arith.constant 0 : index
    %get3A_29 = arith.constant 0 : index
    %get3A_30 = vector.load %arg3[%get3A_28, %get3A_29] : memref<6x32xf32, #tpu.memory_space<vmem>>, vector<6x32xf32>
    %dot_general3A_31 = arith.constant dense<0.000000e+00> : vector<1024x32xf32>
    %dot_general3A_32 = tpu.matmul %convert_element_type3A_21, %get3A_30, %dot_general3A_31 {dimension_numbers = #tpu.dot_dimension_numbers<[1], [0], [0], [1], [0, 0, 1, 1], [], []>, transpose_lhs_hint = false} : vector<1024x6xf32>, vector<6x32xf32>, vector<1024x32xf32> -> vector<1024x32xf32>
    %get3A_33 = arith.constant 0 : index
    %get3A_34 = arith.constant 0 : index
    %get3A_35 = vector.load %arg4[%get3A_33, %get3A_34] : memref<81x32xf32, #tpu.memory_space<vmem>>, vector<81x32xf32>
    %dot_general3A_36 = arith.constant dense<0.000000e+00> : vector<1024x32xf32>
    %dot_general3A_37 = tpu.matmul %convert_element_type3A_27, %get3A_35, %dot_general3A_36 {dimension_numbers = #tpu.dot_dimension_numbers<[1], [0], [0], [1], [0, 0, 1, 1], [], []>, transpose_lhs_hint = false} : vector<1024x81xf32>, vector<81x32xf32>, vector<1024x32xf32> -> vector<1024x32xf32>
    %concatenate3A = tpu.concatenate %dot_general3A_32, %dot_general3A_37, %logistic3A_10, %slice3A_11 in 1 : vector<1024x32xf32>, vector<1024x32xf32>, vector<1024x32xf32>, vector<1024x32xf32> -> vector<1024x128xf32>
    %swap3A = arith.constant 0 : index
    %swap3A_38 = arith.constant 0 : index
    %swap3A_39 = vector.load %arg5[%swap3A, %swap3A_38] : memref<1024x128xf32, #tpu.memory_space<vmem>>, vector<1024x128xf32>
    tpu.vector_store %arg5[%swap3A, %swap3A_38], %concatenate3A {strides = array<i32>} : memref<1024x128xf32, #tpu.memory_space<vmem>>, vector<1024x128xf32>,
    return
  }
  func.func @transform_0(%arg0: i32) -> (i32, i32) {
    %c0_i32 = arith.constant 0 : i32
    %c0_i32_0 = arith.constant 0 : i32
    return %arg0, %c0_i32 : i32, i32
  }
  func.func @transform_1(%arg0: i32) -> (i32, i32) {
    %c0_i32 = arith.constant 0 : i32
    %c0_i32_0 = arith.constant 0 : i32
    %c0_i32_1 = arith.constant 0 : i32
    return %c0_i32, %c0_i32_0 : i32, i32
  }
  func.func @transform_2(%arg0: i32) -> (i32, i32) {
    %c0_i32 = arith.constant 0 : i32
    %c0_i32_0 = arith.constant 0 : i32
    %c0_i32_1 = arith.constant 0 : i32
    return %c0_i32, %c0_i32_0 : i32, i32
  }
  func.func @transform_3(%arg0: i32) -> (i32, i32) {
    %c0_i32 = arith.constant 0 : i32
    %c0_i32_0 = arith.constant 0 : i32
    %c0_i32_1 = arith.constant 0 : i32
    return %c0_i32, %c0_i32_0 : i32, i32
  }
  func.func @transform_4(%arg0: i32) -> (i32, i32) {
    %c0_i32 = arith.constant 0 : i32
    %c0_i32_0 = arith.constant 0 : i32
    return %arg0, %c0_i32 : i32, i32
  }
}

module attributes {stable_mosaic.version = 14 : i64} {
  func.func @_merge(%arg0: i32, %arg1: memref<1024x128xf32, #tpu.memory_space<vmem>>, %arg2: memref<1024x32xf32, #tpu.memory_space<vmem>>, %arg3: memref<1024x128xf32, #tpu.memory_space<vmem>>) attributes {dimension_semantics = [#tpu.dimension_semantics<arbitrary>], iteration_bounds = array<i64: 16>, scalar_prefetch = 0 : i64, scratch_operands = 0 : i64, tpu.core_type = #tpu.core_type<tc>, window_params = [{transform_indices = @transform_0, window_bounds = array<i64: 1024, 128>}, {transform_indices = @transform_1, window_bounds = array<i64: 1024, 32>}, {transform_indices = @transform_2, window_bounds = array<i64: 1024, 128>}]} {
    %get3A = arith.constant 0 : index
    %get3A_0 = arith.constant 0 : index
    %get3A_1 = vector.load %arg1[%get3A, %get3A_0] : memref<1024x128xf32, #tpu.memory_space<vmem>>, vector<1024x128xf32>
    %slice3A = vector.extract_strided_slice %get3A_1 {offsets = [0, 96], sizes = [1024, 32], strides = [1, 1]} : vector<1024x128xf32> to vector<1024x32xf32>
    %get3A_2 = arith.constant 0 : index
    %get3A_3 = arith.constant 0 : index
    %get3A_4 = vector.load %arg2[%get3A_2, %get3A_3] : memref<1024x32xf32, #tpu.memory_space<vmem>>, vector<1024x32xf32>
    %add3A = arith.addf %slice3A, %get3A_4 : vector<1024x32xf32>
    %logistic3A = arith.negf %add3A : vector<1024x32xf32>
    %logistic3A_5 = math.exp %logistic3A : vector<1024x32xf32>
    %logistic3A_6 = arith.constant 1.000000e+00 : f32
    %logistic3A_7 = vector.broadcast %logistic3A_6 : f32 to vector<1024x32xf32>
    %logistic3A_8 = arith.addf %logistic3A_7, %logistic3A_5 : vector<1024x32xf32>
    %logistic3A_9 = arith.divf %logistic3A_7, %logistic3A_8 : vector<1024x32xf32>
    %slice3A_10 = vector.extract_strided_slice %get3A_1 {offsets = [0, 0], sizes = [1024, 96], strides = [1, 1]} : vector<1024x128xf32> to vector<1024x96xf32>
    %concatenate3A = tpu.concatenate %slice3A_10, %logistic3A_9 in 1 : vector<1024x96xf32>, vector<1024x32xf32> -> vector<1024x128xf32>
    %swap3A = arith.constant 0 : index
    %swap3A_11 = arith.constant 0 : index
    %swap3A_12 = vector.load %arg3[%swap3A, %swap3A_11] : memref<1024x128xf32, #tpu.memory_space<vmem>>, vector<1024x128xf32>
    tpu.vector_store %arg3[%swap3A, %swap3A_11], %concatenate3A {strides = array<i32>} : memref<1024x128xf32, #tpu.memory_space<vmem>>, vector<1024x128xf32>,
    return
  }
  func.func @transform_0(%arg0: i32) -> (i32, i32) {
    %c0_i32 = arith.constant 0 : i32
    %c0_i32_0 = arith.constant 0 : i32
    return %arg0, %c0_i32 : i32, i32
  }
  func.func @transform_1(%arg0: i32) -> (i32, i32) {
    %c0_i32 = arith.constant 0 : i32
    %c0_i32_0 = arith.constant 0 : i32
    return %arg0, %c0_i32 : i32, i32
  }
  func.func @transform_2(%arg0: i32) -> (i32, i32) {
    %c0_i32 = arith.constant 0 : i32
    %c0_i32_0 = arith.constant 0 : i32
    return %arg0, %c0_i32 : i32, i32
  }
}

</mosaic_0001>

<sc_bundles>
// kernel: kernel.5.cloned.1.call-start
scs
__scs_entry_jumppad:
0x0: {  	(pc) =	sbr.rel $0x88, $3  }
0x1: {  	(tag) =	ssettag $0x0;
	lr =	simm.s32 $0x1  }
0x2: {  	[smem:$0x3F9C] =	sst lr;
	_ =	strace $0xD0000000  }
0x3: {  	_ = 	snop  }
0x4: {  	_ = 	snop  }
0x5: {  	_ = 	snop  }
0x6: {  	_ = 	snop  }
0x7: {  	_ = 	snop  }
__scs_overlays_trampoline_lowered:
0x8: {  	[smem:$0x3FAB] =	sst s0  }
0x9: {  	[smem:$0x3FAC] =	sst s1  }
0xa: {  	[smem:$0x3FAD] =	sst s2  }
0xb: {  	[smem:$0x3FAE] =	sst s3  }
0xc: {  	[smem:$0x3FAF] =	sst s4  }
0xd: {  	[smem:$0x3FB0] =	sst s5  }
0xe: {  	[smem:$0x3FB1] =	sst s6  }
0xf: {  	[smem:$0x3FB2] =	sst s7  }
0x10: {  	[smem:$0x3FB3] =	sst s8  }
0x11: {  	[smem:$0x3FB4] =	sst s9;
	s0 =	simm.s32 @!p0 $0x0  }
0x12: {  	s1 =	sld [smem:$0x3F9A];
	s0 =	simm.s32 @p0 $0x1  }
0x13: {  	[smem:$0x3FB5] =	sst s0;
	s0 =	simm.s32 @!p1 $0x0  }
0x14: {  	s2 =	sld [smem:$0x3F99];
	s0 =	simm.s32 @p1 $0x1  }
0x15: {  	[smem:$0x3FB6] =	sst s0;
	s0 =	simm.s32 @!p2 $0x0  }
0x16: {  	s3 =	sld [smem:$0x3FDB];
	s0 =	simm.s32 @p2 $0x1  }
0x17: {  	s4 =	simm.s32 $0x1BF5;
	[smem:$0x3FB8] =	sst s0  }
0x18: {  	s0 =	sld [smem:$0x3F9B];
	_ =	swait.ge [sflag:s4], $0x0  }
0x19: {  	s7 =	sld [smem:$0x3F9C]  }
0x1a: {  	s8 =	sadd.s32 $0xFFFFE003, lr  }
0x1b: {  	s9 =	sadd.s32 $0xFFFFFEF7, lr;
	s5 =	simm.s32 $0xFFFFFFFF;
	p2 =	slt.u32 s8, $0xFFFFF086  }
0x1c: {  	p1 =	slt.u32 s9, $0xF7A;
	s5 =	simm.s32 @!p2 $0x0  }
0x1d: {  	s5 =	simm.s32 @p1 $0x1;
	p0 =	seq.s32 s7, s2  }
0x1e: {  	s7 =	smul.u32 @!p0 $0xF7A, s2;
	p2 =	seq.s32 @!p0 s5, $0x0  }
0x1f: {  	s9 =	smul.u32 $0xF7A, s1;
	s8 =	simm.s32 @!p0 $0x1BF5;
	p2 =	por !p2, p0  }
0x20: {  	[sflag:s8] =	ssyncset.s32 @!p0 $0xFFFFF086;
	s6 =	sadd.s32 @!p0 s3, s7;
	s7 =	simm.s32 @!p0 $0x108  }
0x21: {  	s3 =	sadd.s32 s3, s9;
	s6 =	sadd.s32 @!p0 $0x88, s6;
	s7 =	simm.s32 @p2 $0x1082  }
0x22: {  	[simem:s7], [sflag:s8] =	dma.local @!p0 [hbm:s6], $0xF7A  }
0x23: {  	s9 =	sor.u32 $0xD0000000, s2;
	s6 =	simm.s32 $0x108;
	_ =	swait.ge @!p0 [sflag:s8], $0x0  }
0x24: {  	s3 =	sadd.s32 $0x88, s3;
	s6 =	simm.s32 @!p1 $0x1082;
	[sflag:s4] =	ssyncset.s32 $0xFFFFF086  }
0x25: {  	[simem:s6], [sflag:s4] =	dma.local [hbm:s3], $0xF7A  }
0x26: {  	[smem:$0x3F9C] =	sst s1;
	(tag) =	ssettag s2;
	_ =	strace s9  }
0x27: {  	s1 =	sld [smem:$0x3FAC]  }
0x28: {  	s2 =	sld [smem:$0x3FAD]  }
0x29: {  	s4 =	sld [smem:$0x3FAF]  }
0x2a: {  	p0 =	seq.s32 s5, $0x0;
	s5 =	sld [smem:$0x3FB0]  }
0x2b: {  	s6 =	sld [smem:$0x3FB1]  }
0x2c: {  	s7 =	sld [smem:$0x3FB2]  }
0x2d: {  	s3 =	simm.s32 $0x108;
	s8 =	sld [smem:$0x3FB3]  }
0x2e: {  	s3 =	simm.s32 @!p0 $0x1082;
	s9 =	sld [smem:$0x3FB4]  }
0x2f: {  	lr =	sadd.s32 s0, s3;
	s0 =	sld [smem:$0x3FAB]  }
0x30: {  	s3 =	sld [smem:$0x3FAE]  }
0x31: {  	[smem:$0x3FB7] =	sst s10  }
0x32: {  	s10 =	sld [smem:$0x3FB5];
	_ =	sdelay $0x3  }
0x33: {  	p0 =	seq.s32 s10, $0x1;
	s10 =	sld [smem:$0x3FB7];
	_ =	sdelay $0x3  }
0x34: {  	[smem:$0x3FB7] =	sst s10  }
0x35: {  	s10 =	sld [smem:$0x3FB6];
	_ =	sdelay $0x3  }
0x36: {  	p1 =	seq.s32 s10, $0x1;
	s10 =	sld [smem:$0x3FB7];
	_ =	sdelay $0x3  }
0x37: {  	[smem:$0x3FB7] =	sst s10  }
0x38: {  	s10 =	sld [smem:$0x3FB8]  }
0x39: {  	_ = 	snop;
	(pc) =	sbr.ind lr, $3  }
0x3a: {  	_ = 	snop  }
0x3b: {  	_ = 	snop  }
0x3c: {  	p2 =	seq.s32 s10, $0x1;
	s10 =	sld [smem:$0x3FB7]  }
0x3d: {  	_ =	shalt  }
0x3e: {  	_ =	shalt  }
0x3f: {  	_ =	shalt  }
0x40: {  	_ =	shalt  }
0x41: {  	_ =	shalt  }
0x42: {  	_ =	shalt  }
0x43: {  	_ =	shalt  }
0x44: {  	_ =	shalt  }
0x45: {  	_ =	shalt  }
0x46: {  	_ =	shalt  }
0x47: {  	_ =	shalt  }
0x48: {  	_ =	shalt  }
0x49: {  	_ =	shalt  }
0x4a: {  	_ =	shalt  }
0x4b: {  	_ =	shalt  }
0x4c: {  	_ =	shalt  }
0x4d: {  	_ =	shalt  }
0x4e: {  	_ =	shalt  }
0x4f: {  	_ =	shalt  }
0x50: {  	_ =	shalt  }
0x51: {  	_ =	shalt  }
0x52: {  	_ =	shalt  }
0x53: {  	_ =	shalt  }
0x54: {  	_ =	shalt  }
0x55: {  	_ =	shalt  }
0x56: {  	_ =	shalt  }
0x57: {  	_ =	shalt  }
0x58: {  	_ =	shalt  }
0x59: {  	_ =	shalt  }
0x5a: {  	_ =	shalt  }
0x5b: {  	_ =	shalt  }
0x5c: {  	_ =	shalt  }
0x5d: {  	_ =	shalt  }
0x5e: {  	_ =	shalt  }
0x5f: {  	_ =	shalt  }
0x60: {  	_ =	shalt  }
0x61: {  	_ =	shalt  }
0x62: {  	_ =	shalt  }
0x63: {  	_ =	shalt  }
0x64: {  	_ =	shalt  }
0x65: {  	_ =	shalt  }
0x66: {  	_ =	shalt  }
0x67: {  	_ =	shalt  }
0x68: {  	_ =	shalt  }
0x69: {  	_ =	shalt  }
0x6a: {  	_ =	shalt  }
0x6b: {  	_ =	shalt  }
0x6c: {  	_ =	shalt  }
0x6d: {  	_ =	shalt  }
0x6e: {  	_ =	shalt  }
0x6f: {  	_ =	shalt  }
0x70: {  	_ =	shalt  }
0x71: {  	_ =	shalt  }
0x72: {  	_ =	shalt  }
0x73: {  	_ =	shalt  }
0x74: {  	_ =	shalt  }
0x75: {  	_ =	shalt  }
0x76: {  	_ =	shalt  }
0x77: {  	_ =	shalt  }
0x78: {  	_ =	shalt  }
0x79: {  	_ =	shalt  }
0x7a: {  	_ =	shalt  }
0x7b: {  	_ =	shalt  }
0x7c: {  	_ =	shalt  }
0x7d: {  	_ =	shalt  }
0x7e: {  	_ =	shalt  }
0x7f: {  	_ =	shalt  }
0x80: {  	_ =	shalt  }
0x81: {  	_ =	shalt  }
0x82: {  	_ =	shalt  }
0x83: {  	_ =	shalt  }
0x84: {  	_ =	shalt  }
0x85: {  	_ =	shalt  }
0x86: {  	_ =	shalt  }
0x87: {  	_ =	shalt  }
.Lfunc_end0:
.L_simem_size_0:
called_computation_lowered:
.L_overlay_start_0:
0x88: {  	s2 =	sld [smem:$0x3FD9]  }
0x89: {  	s3 =	sld [smem:$0x3FFE];
	_ =	sdelay $0x1  }
0x8a: {  	s1 =	srdreg.scid  }
0x8b: {  	s0 =	sand.u32 $0x1, s1  }
0x8c: {  	s16 =	sshll.u32 s0, $0xA;
	s2 =	sadd.s32 s3, s2  }
0x8d: {  	s2 =	sadd.s32 s2, s16  }
0x8e: {  	[smem:$0x3FC3] =	sst s2  }
0x8f: {  	_ = 	snop  }
0x90: {  	(tm) =	ssettm $0x1  }
0x91: {  	s17 =	sld [smem:$0x3FFB];
	_ =	sdelay $0x3  }
0x92: {  	_ =	strace s17  }
0x93: {  	s2 =	sld [smem:$0x3FFC];
	_ =	sdelay $0x3  }
0x94: {  	_ =	strace s2  }
0x95: {  	s2 =	sld [smem:$0x3FFD];
	_ =	sdelay $0x3  }
0x96: {  	_ =	strace s2  }
0x97: {  	_ =	strace $0x8FFFFFFF  }
0x98: {  	s18 =	sld [smem:$0x3FDB];
	_ =	sdelay $0x1  }
0x99: {  	s19 =	simm.s32 $_scs_section_size  }
0x9a: {  	s4 =	simm.s32 $_size__tile_overlayer_lowered;
	s5 =	simm.s32 $_tile_overlayer_lowered  }
0x9b: {  	s22 =	simm.s32 $0x1BFF;
	s21 =	sshll.u32 s5, $0x1;
	s2 =	sadd.s32 s19, s18  }
0x9c: {  	s6 =	simm.s32 $0x0;
	s20 =	sshll.u32 s4, $0x1;
	s4 =	sadd.s32 s21, s2  }
0x9d: {  	[timem:s6], [sflag:s22] =	dma.local [hbm:s4], s20  }
0x9e: {  	_ =	swait.ge [sflag:s22], s20  }
0x9f: {  	s3 =	ssub.s32 $0x0, s20;
	[sflag:s22] =	ssyncset.done $0x0  }
0xa0: {  	[sflag:s22] =	ssyncadd.s32 s3;
	_ =	sdelay $0x1  }
0xa1: {  	s23 =	simm.s32 $0x1B8B  }
0xa2: {  	_ =	swait.ge [sflag:s23], $0x1  }
0xa3: {  	[sflag:s23] =	ssyncset.done $0x0  }
0xa4: {  	s25 =	simm.s32 $0x1B8E;
	s24 =	sld [smem:$0x3FFE];
	[sflag:s23] =	ssyncadd.s32 $0xFFFFFFFF  }
0xa5: {  	s26 =	simm.s32 $execute0_lowered;
	[smem:$0x3FD2] =	sst s25  }
0xa6: {  	s4 =	sshll.u32 s26, $0x1;
	_ =	strace $0x80000046;
	[dreg:$0x1] =	wrdreg $0xFFFFFFFF  }
0xa7: {  	s28 =	simm.s32 $_size_execute0_lowered;
	s2 =	sadd.s32 s2, s4;
	[dreg:$0x0] =	wrdreg $0x0  }
0xa8: {  	s4 =	sshll.u32 s28, $0x1;
	[dreg:$0x2] =	wrdreg s2  }
0xa9: {  	[dreg:$0x3] =	wrdreg s4  }
0xaa: {  	[dreg:$0x4] =	wrdreg $0xC0  }
0xab: {  	_ =	task [dreg:s6], $0x5FFFF  }
0xac: {  	[dreg:$0x1] =	wrdreg $0xFFFFFFFF  }
0xad: {  	[dreg:$0x0] =	wrdreg $0x60  }
0xae: {  	[dreg:$0x2] =	wrdreg s24  }
0xaf: {  	[dreg:$0x3] =	wrdreg $0x9  }
0xb0: {  	_ =	task.clear_ibuf [dreg:s6], $0x4FFFF;
	_ =	strace $0x90000046  }
0xb1: {  	s29 =	simm.s32 $0x9;
	_ =	strace $0x80000048  }
0xb2: {  	_ =	swait.ge [sflag:s29], $0x1  }
0xb3: {  	[sflag:s29] =	ssyncadd.s32 $0xFFFFFFFF  }
0xb4: {  	_ =	strace $0x90000048  }
0xb5: {  	_ =	sfence  }
0xb6: {  	s30 =	sld [smem:$0x0];
	_ =	sdelay $0x2  }
0xb7: {  	s31 =	sshll.u32 s1, $0xD;
	s1 =	sshrl.u32 s1, $0x2  }
0xb8: {  	s3 =	sand.u32 $0x4000, s31;
	s1 =	sadd.s32 s1, s30  }
0xb9: {  	s0 =	sor.u32 s3, s0;
	s1 =	sshll.u32 s1, $0x11  }
0xba: {  	s0 =	sor.u32 s1, s0  }
0xbb: {  	s0 =	sadd.s32 $0x8F2B, s0  }
0xbc: {  	[sflag:s0] =	ssyncadd.remote.s32 $0x1  }
0xbd: {  	_ =	sfence.sel $0xFFFF  }
0xbe: {  	[dreg:$0x0] =	wrdreg $0xFFFFFFFF;
	(pc) =	sbr.abs _section_cstart, $3  }
0xbf: {  	[dreg:$0x1] =	wrdreg $0xFFFFFFFF  }
0xc0: {  	_ =	task.clear_ibuf [dreg:s6], $0x2FFFF;
	_ =	strace $0x9FFFFFFF  }
0xc1: {  	(tm) =	ssettm $0x7FFFFFFF  }
tec
execute0_lowered:
.L_overlay_start_1:
0x0: {  	(tag) =	ssettag $0x1  }
0x1: {  	s2 =	rddreg [dreg:$0x0]  }
0x2: {  	s0 =	rddreg [dreg:$0x1];
	s1 =	simm.s32 $0x0;
	s3 =	srdreg.scid  }
0x3: {  	s9 =	simm.s32 $0x1;
	s10 =	simm.s32 $0x5B80;
	s11 =	simm.s32 $0x0  }
0x4: {  	[smem:$0x7FF] =	sst s1;
	s6 =	sand.u32 $0x1, s3;
	s3 =	sadd.s32 $0x481000, s2  }
0x5: {  	s4 =	sadd.s32 $0x8D3800, s2;
	s5 =	sadd.s32 $0x8D3C00, s2;
	s7 =	ssub.s32 $0x2, s6  }
0x6: {  	s2 =	stileid.u32;
	_ =	strace $0x80000047;
	s8 =	sshrl.u32 s7, $0x1  }
0x7: {  	s31 =	sshll.u32 s2, $0xA;
	s6 =	sshll.u32 s6, $0x9;
	s7 =	ssub.s32 s7, s8  }
0x8: {  	s6 =	sor.u32 s6, s31;
	s8 =	simm.s32 $0x4580;
	s7 =	smax.u32 s7, $0x1  }
.LBB2_1:
0x9: {  	[tilespmem:s8], [sflag:$0x1] =	stream.linear.gather [hbm4b:s4+s1], $0x1600, $0x38;
	[tilespmem:$0x5C80] =	vst v63  }
0xa: {  	_ =	swait.ge [sflag:s9], $0x1600  }
0xb: {  	[sflag:s9] =	ssyncset.done $0x0  }
0xc: {  	s12 =	simm.s32 $0x0;
	[sflag:s9] =	ssyncadd.s32 $0xFFFFEA00  }
.LBB2_2:
0xd: {  	s13 =	sshll.u32 s12, $0x3  }
0xe: {  	s13 =	sadd.s32 s6, s13  }
0xf: {  	s14 =	smul.u32 $0x8A5, s13;
	_ =	sdelay $0x1  }
0x10: {  	s14 =	sshrl.u32 s14, $0x3  }
0x11: {  	s15 =	simm.s32 $0x0;
	s14 =	sadd.s32 s3, s14  }
0x12: {  	[tilespmem:s15], [sflag:$0x1] =	stream.linear.gather [hbm4b:s14+s15], $0x4528, $0x38;
	[tilespmem:$0x5C80] =	vst v63  }
0x13: {  	_ =	swait.ge [sflag:s9], $0x4528  }
0x14: {  	[sflag:s9] =	ssyncset.done $0x0  }
0x15: {  	s30 =	sand.u32 $0xF0, s15;
	[sflag:s9] =	ssyncadd.s32 $0xFFFFBAD8  }
0x16: {  	v1 =	vld [tilespmem:s30+$0x800]  }
0x17: {  	s14 =	simm.s32 $0x4680  }
0x18: {  	v0 =	vld [tilespmem:s14+$0xE0]  }
0x19: {  	v2 =	vld [tilespmem:s14+$0xFFFFFF00]  }
0x1a: {  	v3 =	vld [tilespmem:s14+$0xFFFFFF10]  }
0x1b: {  	v4 =	vld [tilespmem:s14+$0xFFFFFF20];
	v1 =	vcvt.s32.f32 v1  }
0x1c: {  	v5 =	vld [tilespmem:s14+$0xFFFFFF30]  }
0x1d: {  	v7 =	vld [tilespmem:s14+$0xFFFFFF40];
	v6 =	vbroadcast v1, $0x0  }
0x1e: {  	v8 =	vld [tilespmem:s14+$0xFFFFFF50];
	v9 =	vbroadcast v1, $0x1  }
0x1f: {  	v10 =	vld [tilespmem:s14+$0xFFFFFF60];
	v2 =	vmul.f32 v6, v2;
	v3 =	vmul.f32 v3, v6  }
0x20: {  	v11 =	vimm.f32 $0.0e+00;
	v12 =	vbroadcast v1, $0x2;
	v6 =	vld [tilespmem:s14+$0xFFFFFF70];
	v4 =	vmul.f32 v4, v9  }
0x21: {  	v13 =	vld [tilespmem:s14+$0xFFFFFF80];
	v5 =	vmul.f32 v5, v9;
	v2 =	vadd.f32 v2, v11;
	v3 =	vadd.f32 v3, v11  }
0x22: {  	v9 =	vld [tilespmem:s14+$0xFFFFFF90];
	v7 =	vmul.f32 v7, v12;
	v11 =	vbroadcast v1, $0x3  }
0x23: {  	v2 =	vadd.f32 v4, v2;
	v4 =	vld [tilespmem:s14+$0xFFFFFFA0];
	v3 =	vadd.f32 v5, v3;
	v5 =	vmul.f32 v8, v12  }
0x24: {  	v8 =	vld [tilespmem:s14+$0xFFFFFFB0];
	v10 =	vmul.f32 v10, v11;
	v12 =	vbroadcast v1, $0x4  }
0x25: {  	v2 =	vadd.f32 v7, v2;
	v7 =	vld [tilespmem:s14+$0xFFFFFFC0];
	v3 =	vadd.f32 v5, v3;
	v5 =	vmul.f32 v6, v11  }
0x26: {  	v6 =	vld [tilespmem:s14+$0xFFFFFFD0];
	v11 =	vmul.f32 v13, v12;
	v13 =	vbroadcast v1, $0x5  }
0x27: {  	v2 =	vadd.f32 v10, v2;
	v10 =	vld [tilespmem:s14+$0xFFFFFFE0];
	v3 =	vadd.f32 v5, v3;
	v5 =	vmul.f32 v9, v12  }
0x28: {  	v9 =	vld [tilespmem:s14+$0xFFFFFFF0];
	v12 =	vbroadcast v1, $0x6;
	v4 =	vmul.f32 v4, v13  }
0x29: {  	v2 =	vadd.f32 v11, v2;
	v11 =	vld [tilespmem:s14+$0x0];
	v3 =	vadd.f32 v5, v3;
	v5 =	vmul.f32 v8, v13  }
0x2a: {  	v8 =	vld [tilespmem:s14+$0x10];
	v13 =	vbroadcast v1, $0x7;
	v7 =	vmul.f32 v7, v12  }
0x2b: {  	v2 =	vadd.f32 v4, v2;
	v4 =	vld [tilespmem:s14+$0x20];
	v3 =	vadd.f32 v5, v3;
	v5 =	vmul.f32 v6, v12  }
0x2c: {  	v6 =	vld [tilespmem:s14+$0x30];
	v12 =	vbroadcast v1, $0x8;
	v10 =	vmul.f32 v10, v13  }
0x2d: {  	v2 =	vadd.f32 v7, v2;
	v7 =	vld [tilespmem:s14+$0x40];
	v3 =	vadd.f32 v5, v3;
	v5 =	vmul.f32 v9, v13  }
0x2e: {  	v9 =	vld [tilespmem:s14+$0x50];
	v13 =	vbroadcast v1, $0x9;
	v11 =	vmul.f32 v11, v12  }
0x2f: {  	v2 =	vadd.f32 v10, v2;
	v10 =	vld [tilespmem:s14+$0x60];
	v3 =	vadd.f32 v5, v3;
	v5 =	vmul.f32 v8, v12  }
0x30: {  	v8 =	vld [tilespmem:s14+$0x70];
	v12 =	vbroadcast v1, $0xA;
	v4 =	vmul.f32 v4, v13  }
0x31: {  	v14 =	vld [tilespmem:s14+$0x80];
	v11 =	vadd.f32 v11, v2;
	v3 =	vadd.f32 v5, v3;
	v5 =	vmul.f32 v6, v13  }
0x32: {  	v2 =	vld [tilespmem:s14+$0x90];
	v13 =	vbroadcast v1, $0xB;
	v6 =	vmul.f32 v7, v12  }
0x33: {  	v16 =	vmul.f32 v9, v12;
	v11 =	vadd.f32 v4, v11;
	v4 =	vld [tilespmem:s14+$0xA0];
	v15 =	vadd.f32 v5, v3  }
0x34: {  	v7 =	vbroadcast v1, $0xC;
	v3 =	vld [tilespmem:s14+$0xB0];
	v9 =	vmul.f32 v10, v13  }
0x35: {  	s31 =	simm.s32 $0x10;
	v5 =	vld [tilespmem:s14+$0xC0];
	v12 =	vmul.f32 v8, v13;
	v11 =	vadd.f32 v6, v11;
	v13 =	vadd.f32 v16, v15  }
0x36: {  	s16 =	sand.u32 $0xF0, s31;
	s15 =	simm.s32 $0x20;
	v10 =	vmul.f32 v14, v7;
	v8 =	vbroadcast v1, $0xD;
	v6 =	vld [tilespmem:s14+$0xD0]  }
.LBB2_3:
0x37: {  	p0 =	sne.s32 s15, $0xA0;
	v14 =	vld [tilespmem:s16+$0x800];
	v9 =	vadd.f32 v9, v11;
	v11 =	vadd.f32 v12, v13;
	v2 =	vmul.f32 v2, v7  }
0x38: {  	v7 =	vbroadcast v1, $0xE;
	v4 =	vmul.f32 v4, v8;
	v12 =	vld [tilespmem:s14+$0xF0];
	s14 =	sadd.s32 $0x200, s14  }
0x39: {  	v13 =	vld [tilespmem:s14+$0xE0];
	v9 =	vadd.f32 v10, v9;
	v2 =	vadd.f32 v2, v11;
	v3 =	vmul.f32 v3, v8  }
0x3a: {  	v10 =	vbroadcast v1, $0xF;
	v8 =	vld [tilespmem:s14+$0xFFFFFF00];
	v5 =	vmul.f32 v5, v7  }
0x3b: {  	v11 =	vld [tilespmem:s14+$0xFFFFFF10];
	v4 =	vadd.f32 v4, v9;
	v2 =	vadd.f32 v3, v2;
	v3 =	vmul.f32 v6, v7  }
0x3c: {  	v7 =	vmul.f32 v0, v10;
	v1 =	vcvt.s32.f32 v14;
	v6 =	vld [tilespmem:s14+$0xFFFFFF20]  }
0x3d: {  	v9 =	vld [tilespmem:s14+$0xFFFFFF30];
	v4 =	vadd.f32 v5, v4;
	v2 =	vadd.f32 v3, v2;
	v3 =	vmul.f32 v12, v10  }
0x3e: {  	v5 =	vbroadcast v1, $0x0;
	v10 =	vld [tilespmem:s14+$0xFFFFFF40];
	v0 =	vmov v13  }
0x3f: {  	v12 =	vbroadcast v1, $0x1;
	v13 =	vld [tilespmem:s14+$0xFFFFFF50];
	v4 =	vadd.f32 v7, v4;
	v2 =	vadd.f32 v3, v2  }
0x40: {  	v3 =	vmul.f32 v5, v8;
	v5 =	vmul.f32 v11, v5;
	v7 =	vld [tilespmem:s14+$0xFFFFFF60]  }
0x41: {  	v8 =	vbroadcast v1, $0x2;
	v6 =	vmul.f32 v6, v12;
	v11 =	vld [tilespmem:s14+$0xFFFFFF70]  }
0x42: {  	v3 =	vadd.f32 v3, v4;
	v2 =	vadd.f32 v5, v2;
	v4 =	vmul.f32 v9, v12;
	v5 =	vld [tilespmem:s14+$0xFFFFFF80]  }
0x43: {  	v9 =	vmul.f32 v10, v8;
	v10 =	vbroadcast v1, $0x3;
	v12 =	vld [tilespmem:s14+$0xFFFFFF90]  }
0x44: {  	v3 =	vadd.f32 v6, v3;
	v2 =	vadd.f32 v4, v2;
	v4 =	vmul.f32 v13, v8;
	v6 =	vld [tilespmem:s14+$0xFFFFFFA0]  }
0x45: {  	v8 =	vbroadcast v1, $0x4;
	v7 =	vmul.f32 v7, v10;
	v13 =	vld [tilespmem:s14+$0xFFFFFFB0]  }
0x46: {  	v3 =	vadd.f32 v9, v3;
	v2 =	vadd.f32 v4, v2;
	v4 =	vmul.f32 v11, v10;
	v9 =	vld [tilespmem:s14+$0xFFFFFFC0]  }
0x47: {  	v10 =	vbroadcast v1, $0x5;
	v5 =	vmul.f32 v5, v8;
	v11 =	vld [tilespmem:s14+$0xFFFFFFD0]  }
0x48: {  	v3 =	vadd.f32 v7, v3;
	v2 =	vadd.f32 v4, v2;
	v4 =	vmul.f32 v12, v8;
	v7 =	vld [tilespmem:s14+$0xFFFFFFE0]  }
0x49: {  	v8 =	vbroadcast v1, $0x6;
	v6 =	vmul.f32 v6, v10;
	v12 =	vld [tilespmem:s14+$0xFFFFFFF0]  }
0x4a: {  	v3 =	vadd.f32 v5, v3;
	v2 =	vadd.f32 v4, v2;
	v4 =	vmul.f32 v13, v10;
	v5 =	vld [tilespmem:s14+$0x0]  }
0x4b: {  	v10 =	vbroadcast v1, $0x7;
	v9 =	vmul.f32 v9, v8;
	v13 =	vld [tilespmem:s14+$0x10]  }
0x4c: {  	v3 =	vadd.f32 v6, v3;
	v2 =	vadd.f32 v4, v2;
	v4 =	vmul.f32 v11, v8;
	v6 =	vld [tilespmem:s14+$0x20]  }
0x4d: {  	v8 =	vbroadcast v1, $0x8;
	v7 =	vmul.f32 v7, v10;
	v11 =	vld [tilespmem:s14+$0x30]  }
0x4e: {  	v3 =	vadd.f32 v9, v3;
	v2 =	vadd.f32 v4, v2;
	v4 =	vmul.f32 v12, v10;
	v9 =	vld [tilespmem:s14+$0x40]  }
0x4f: {  	v10 =	vbroadcast v1, $0x9;
	v5 =	vmul.f32 v5, v8;
	v12 =	vld [tilespmem:s14+$0x50]  }
0x50: {  	v3 =	vadd.f32 v7, v3;
	v2 =	vadd.f32 v4, v2;
	v4 =	vmul.f32 v13, v8;
	v7 =	vld [tilespmem:s14+$0x60]  }
0x51: {  	v8 =	vbroadcast v1, $0xA;
	v6 =	vmul.f32 v6, v10;
	v14 =	vld [tilespmem:s14+$0x70]  }
0x52: {  	v3 =	vadd.f32 v5, v3;
	v4 =	vadd.f32 v4, v2;
	v5 =	vmul.f32 v11, v10;
	v10 =	vld [tilespmem:s14+$0x80]  }
.Ltmp0:
0x53: {  	v15 =	vbroadcast v1, $0xB;
	v11 =	vmul.f32 v9, v8;
	v2 =	vld [tilespmem:s14+$0x90];
	(pc) =	sbr.rel @p0 .LBB2_3-.Ltmp0, $4  }
0x54: {  	v6 =	vadd.f32 v6, v3;
	v5 =	vadd.f32 v5, v4;
	v8 =	vmul.f32 v12, v8;
	v4 =	vld [tilespmem:s14+$0xA0]  }
0x55: {  	v9 =	vmul.f32 v7, v15;
	v7 =	vbroadcast v1, $0xC;
	v3 =	vld [tilespmem:s14+$0xB0]  }
0x56: {  	v11 =	vadd.f32 v11, v6;
	v13 =	vadd.f32 v8, v5;
	v12 =	vmul.f32 v14, v15;
	v5 =	vld [tilespmem:s14+$0xC0]  }
0x57: {  	s16 =	sand.u32 $0xF0, s15;
	s15 =	sadd.s32 $0x10, s15;
	v8 =	vbroadcast v1, $0xD;
	v10 =	vmul.f32 v10, v7;
	v6 =	vld [tilespmem:s14+$0xD0]  }
0x58: {  	v14 =	vld [tilespmem:s16+$0x800]  }
0x59: {  	v9 =	vadd.f32 v9, v11  }
0x5a: {  	v11 =	vadd.f32 v12, v13;
	v2 =	vmul.f32 v2, v7  }
0x5b: {  	v7 =	vbroadcast v1, $0xE;
	v12 =	vld [tilespmem:s14+$0xF0];
	s30 =	sadd.s32 $0x200, s14;
	v4 =	vmul.f32 v4, v8;
	v9 =	vadd.f32 v10, v9  }
0x5c: {  	v1 =	vbroadcast v1, $0xF;
	v2 =	vadd.f32 v2, v11;
	v3 =	vmul.f32 v3, v8;
	v8 =	vld [tilespmem:s30+$0xFFFFFF00]  }
0x5d: {  	v10 =	vld [tilespmem:s30+$0xFFFFFF10];
	v5 =	vmul.f32 v5, v7;
	v4 =	vadd.f32 v4, v9;
	v9 =	vcvt.s32.f32 v14  }
0x5e: {  	v2 =	vadd.f32 v3, v2;
	v3 =	vmul.f32 v6, v7;
	v6 =	vld [tilespmem:s30+$0xFFFFFF20]  }
0x5f: {  	v0 =	vmul.f32 v0, v1;
	v7 =	vld [tilespmem:s30+$0xFFFFFF30];
	v4 =	vadd.f32 v5, v4;
	v5 =	vbroadcast v9, $0x0  }
0x60: {  	v1 =	vmul.f32 v12, v1;
	v2 =	vadd.f32 v3, v2;
	v3 =	vld [tilespmem:s30+$0xFFFFFF40]  }
0x61: {  	v12 =	vld [tilespmem:s30+$0xFFFFFF50];
	v11 =	vbroadcast v9, $0x1;
	v0 =	vadd.f32 v0, v4;
	v4 =	vmul.f32 v5, v8  }
0x62: {  	v1 =	vadd.f32 v1, v2;
	v2 =	vmul.f32 v10, v5;
	v5 =	vld [tilespmem:s30+$0xFFFFFF60]  }
0x63: {  	v6 =	vmul.f32 v6, v11;
	v8 =	vbroadcast v9, $0x2;
	v10 =	vld [tilespmem:s30+$0xFFFFFF70];
	v0 =	vadd.f32 v4, v0  }
0x64: {  	v1 =	vadd.f32 v2, v1;
	v2 =	vmul.f32 v7, v11;
	v4 =	vld [tilespmem:s30+$0xFFFFFF80]  }
0x65: {  	v3 =	vmul.f32 v3, v8;
	v7 =	vbroadcast v9, $0x3;
	v11 =	vld [tilespmem:s30+$0xFFFFFF90];
	v0 =	vadd.f32 v6, v0  }
0x66: {  	v1 =	vadd.f32 v2, v1;
	v2 =	vmul.f32 v12, v8;
	v6 =	vld [tilespmem:s30+$0xFFFFFFA0]  }
0x67: {  	v8 =	vbroadcast v9, $0x4;
	v12 =	vld [tilespmem:s30+$0xFFFFFFB0];
	v5 =	vmul.f32 v5, v7;
	v0 =	vadd.f32 v3, v0  }
0x68: {  	v1 =	vadd.f32 v2, v1;
	v2 =	vmul.f32 v10, v7;
	v3 =	vld [tilespmem:s30+$0xFFFFFFC0]  }
0x69: {  	v7 =	vbroadcast v9, $0x5;
	v10 =	vld [tilespmem:s30+$0xFFFFFFD0];
	v4 =	vmul.f32 v4, v8;
	v0 =	vadd.f32 v5, v0  }
0x6a: {  	v1 =	vadd.f32 v2, v1;
	v2 =	vmul.f32 v11, v8;
	v5 =	vld [tilespmem:s30+$0xFFFFFFE0]  }
0x6b: {  	v8 =	vbroadcast v9, $0x6;
	v11 =	vld [tilespmem:s30+$0xFFFFFFF0];
	v6 =	vmul.f32 v6, v7;
	v0 =	vadd.f32 v4, v0  }
0x6c: {  	v1 =	vadd.f32 v2, v1;
	v2 =	vmul.f32 v12, v7;
	v4 =	vld [tilespmem:s30+$0x0]  }
0x6d: {  	v7 =	vbroadcast v9, $0x7;
	v12 =	vld [tilespmem:s30+$0x10];
	v3 =	vmul.f32 v3, v8;
	v0 =	vadd.f32 v6, v0  }
0x6e: {  	v1 =	vadd.f32 v2, v1;
	v2 =	vmul.f32 v10, v8;
	v6 =	vld [tilespmem:s30+$0x20]  }
0x6f: {  	v8 =	vbroadcast v9, $0x8;
	v10 =	vld [tilespmem:s30+$0x30];
	v5 =	vmul.f32 v5, v7;
	v0 =	vadd.f32 v3, v0  }
0x70: {  	v1 =	vadd.f32 v2, v1;
	v2 =	vmul.f32 v11, v7;
	v3 =	vld [tilespmem:s30+$0x40]  }
0x71: {  	v7 =	vbroadcast v9, $0x9;
	v11 =	vld [tilespmem:s30+$0x50];
	v4 =	vmul.f32 v4, v8;
	v0 =	vadd.f32 v5, v0  }
0x72: {  	v1 =	vadd.f32 v2, v1;
	v2 =	vmul.f32 v12, v8;
	v5 =	vld [tilespmem:s30+$0x60]  }
0x73: {  	v8 =	vbroadcast v9, $0xA;
	v12 =	vld [tilespmem:s30+$0x70];
	v6 =	vmul.f32 v6, v7;
	v0 =	vadd.f32 v4, v0  }
0x74: {  	v1 =	vadd.f32 v2, v1;
	v2 =	vmul.f32 v10, v7;
	v4 =	vld [tilespmem:s30+$0x80]  }
0x75: {  	v7 =	vbroadcast v9, $0xB;
	v10 =	vld [tilespmem:s30+$0x90];
	v3 =	vmul.f32 v3, v8;
	v0 =	vadd.f32 v6, v0  }
0x76: {  	v1 =	vadd.f32 v2, v1;
	v2 =	vmul.f32 v11, v8;
	v6 =	vld [tilespmem:s30+$0xA0]  }
0x77: {  	v8 =	vbroadcast v9, $0xC;
	v11 =	vld [tilespmem:s30+$0xB0];
	v5 =	vmul.f32 v5, v7;
	v0 =	vadd.f32 v3, v0  }
0x78: {  	v1 =	vadd.f32 v2, v1;
	v2 =	vmul.f32 v12, v7;
	v3 =	vld [tilespmem:s30+$0xC0]  }
0x79: {  	v7 =	vbroadcast v9, $0xD;
	v12 =	vld [tilespmem:s30+$0xD0];
	v4 =	vmul.f32 v4, v8;
	v0 =	vadd.f32 v5, v0  }
0x7a: {  	v5 =	vld [tilespmem:s30+$0xE0];
	v1 =	vadd.f32 v2, v1;
	v2 =	vmul.f32 v10, v8  }
0x7b: {  	v8 =	vbroadcast v9, $0xE;
	v10 =	vld [tilespmem:s30+$0xF0];
	v6 =	vmul.f32 v6, v7;
	v0 =	vadd.f32 v4, v0  }
0x7c: {  	v1 =	vadd.f32 v2, v1;
	v2 =	vmul.f32 v11, v7  }
0x7d: {  	v4 =	vbroadcast v9, $0xF;
	v3 =	vmul.f32 v3, v8;
	v0 =	vadd.f32 v6, v0  }
0x7e: {  	v1 =	vadd.f32 v2, v1;
	v2 =	vmul.f32 v12, v8  }
0x7f: {  	v5 =	vmul.f32 v5, v4;
	v0 =	vadd.f32 v3, v0  }
0x80: {  	v1 =	vadd.f32 v2, v1;
	v2 =	vmul.f32 v10, v4  }
0x81: {  	v0 =	vadd.f32 v5, v0  }
0x82: {  	v1 =	vadd.f32 v2, v1  }
0x83: {  	[tilespmem:$0x5B80] =	vst v0  }
0x84: {  	s31 =	simm.s32 $0x0;
	[tilespmem:$0x5B90] =	vst v1  }
0x85: {  	v1 =	vld [tilespmem:s31+$0x10A5]  }
0x86: {  	s14 =	simm.s32 $0x4680  }
0x87: {  	v0 =	vld [tilespmem:s14+$0xE0]  }
0x88: {  	v2 =	vld [tilespmem:s14+$0xFFFFFF00]  }
0x89: {  	v3 =	vld [tilespmem:s14+$0xFFFFFF10]  }
0x8a: {  	v4 =	vld [tilespmem:s14+$0xFFFFFF20];
	v1 =	vcvt.s32.f32 v1  }
0x8b: {  	v5 =	vld [tilespmem:s14+$0xFFFFFF30]  }
0x8c: {  	v7 =	vld [tilespmem:s14+$0xFFFFFF40];
	v6 =	vbroadcast v1, $0x0  }
0x8d: {  	v8 =	vld [tilespmem:s14+$0xFFFFFF50];
	v9 =	vbroadcast v1, $0x1  }
0x8e: {  	v10 =	vld [tilespmem:s14+$0xFFFFFF60];
	v2 =	vmul.f32 v6, v2;
	v3 =	vmul.f32 v3, v6  }
0x8f: {  	v11 =	vimm.f32 $0.0e+00;
	v12 =	vbroadcast v1, $0x2;
	v6 =	vld [tilespmem:s14+$0xFFFFFF70];
	v4 =	vmul.f32 v4, v9  }
0x90: {  	v13 =	vld [tilespmem:s14+$0xFFFFFF80];
	v5 =	vmul.f32 v5, v9;
	v2 =	vadd.f32 v2, v11;
	v3 =	vadd.f32 v3, v11  }
0x91: {  	v9 =	vld [tilespmem:s14+$0xFFFFFF90];
	v7 =	vmul.f32 v7, v12;
	v11 =	vbroadcast v1, $0x3  }
0x92: {  	v2 =	vadd.f32 v4, v2;
	v4 =	vld [tilespmem:s14+$0xFFFFFFA0];
	v3 =	vadd.f32 v5, v3;
	v5 =	vmul.f32 v8, v12  }
0x93: {  	v8 =	vld [tilespmem:s14+$0xFFFFFFB0];
	v10 =	vmul.f32 v10, v11;
	v12 =	vbroadcast v1, $0x4  }
0x94: {  	v2 =	vadd.f32 v7, v2;
	v7 =	vld [tilespmem:s14+$0xFFFFFFC0];
	v3 =	vadd.f32 v5, v3;
	v5 =	vmul.f32 v6, v11  }
0x95: {  	v6 =	vld [tilespmem:s14+$0xFFFFFFD0];
	v11 =	vmul.f32 v13, v12;
	v13 =	vbroadcast v1, $0x5  }
0x96: {  	v2 =	vadd.f32 v10, v2;
	v10 =	vld [tilespmem:s14+$0xFFFFFFE0];
	v3 =	vadd.f32 v5, v3;
	v5 =	vmul.f32 v9, v12  }
0x97: {  	v9 =	vld [tilespmem:s14+$0xFFFFFFF0];
	v12 =	vbroadcast v1, $0x6;
	v4 =	vmul.f32 v4, v13  }
0x98: {  	v2 =	vadd.f32 v11, v2;
	v11 =	vld [tilespmem:s14+$0x0];
	v3 =	vadd.f32 v5, v3;
	v5 =	vmul.f32 v8, v13  }
0x99: {  	v8 =	vld [tilespmem:s14+$0x10];
	v13 =	vbroadcast v1, $0x7;
	v7 =	vmul.f32 v7, v12  }
0x9a: {  	v2 =	vadd.f32 v4, v2;
	v4 =	vld [tilespmem:s14+$0x20];
	v3 =	vadd.f32 v5, v3;
	v5 =	vmul.f32 v6, v12  }
0x9b: {  	v6 =	vld [tilespmem:s14+$0x30];
	v12 =	vbroadcast v1, $0x8;
	v10 =	vmul.f32 v10, v13  }
0x9c: {  	v2 =	vadd.f32 v7, v2;
	v7 =	vld [tilespmem:s14+$0x40];
	v3 =	vadd.f32 v5, v3;
	v5 =	vmul.f32 v9, v13  }
0x9d: {  	v9 =	vld [tilespmem:s14+$0x50];
	v13 =	vbroadcast v1, $0x9;
	v11 =	vmul.f32 v11, v12  }
0x9e: {  	v2 =	vadd.f32 v10, v2;
	v10 =	vld [tilespmem:s14+$0x60];
	v3 =	vadd.f32 v5, v3;
	v5 =	vmul.f32 v8, v12  }
0x9f: {  	v8 =	vld [tilespmem:s14+$0x70];
	v12 =	vbroadcast v1, $0xA;
	v4 =	vmul.f32 v4, v13  }
0xa0: {  	v14 =	vld [tilespmem:s14+$0x80];
	v11 =	vadd.f32 v11, v2;
	v3 =	vadd.f32 v5, v3;
	v5 =	vmul.f32 v6, v13  }
0xa1: {  	v15 =	vbroadcast v1, $0xB;
	v2 =	vld [tilespmem:s14+$0x90];
	v13 =	vmul.f32 v7, v12  }
0xa2: {  	v6 =	vld [tilespmem:s14+$0xA0];
	v16 =	vmul.f32 v9, v12;
	v4 =	vadd.f32 v4, v11;
	v5 =	vadd.f32 v5, v3  }
0xa3: {  	v7 =	vbroadcast v1, $0xC;
	v3 =	vld [tilespmem:s14+$0xB0];
	v9 =	vmul.f32 v10, v15  }
0xa4: {  	v12 =	vmul.f32 v8, v15;
	v11 =	vadd.f32 v13, v4;
	v4 =	vld [tilespmem:s14+$0xC0];
	v13 =	vadd.f32 v16, v5  }
0xa5: {  	s16 =	simm.s32 $0x10;
	s15 =	simm.s32 $0x80;
	v10 =	vmul.f32 v14, v7;
	v8 =	vbroadcast v1, $0xD;
	v5 =	vld [tilespmem:s14+$0xD0]  }
.LBB2_5:
0xa6: {  	p0 =	sne.s32 s15, $0x280;
	v14 =	vld [tilespmem:s16+$0x10A5];
	v9 =	vadd.f32 v9, v11;
	v11 =	vadd.f32 v12, v13;
	v2 =	vmul.f32 v2, v7  }
0xa7: {  	v7 =	vbroadcast v1, $0xE;
	v6 =	vmul.f32 v6, v8;
	v12 =	vld [tilespmem:s14+$0xF0];
	s14 =	sadd.s32 $0x200, s14  }
0xa8: {  	v13 =	vld [tilespmem:s14+$0xE0];
	v9 =	vadd.f32 v10, v9;
	v2 =	vadd.f32 v2, v11;
	v3 =	vmul.f32 v3, v8  }
0xa9: {  	v10 =	vbroadcast v1, $0xF;
	v8 =	vld [tilespmem:s14+$0xFFFFFF00];
	v4 =	vmul.f32 v4, v7  }
0xaa: {  	v11 =	vld [tilespmem:s14+$0xFFFFFF10];
	v6 =	vadd.f32 v6, v9;
	v2 =	vadd.f32 v3, v2;
	v3 =	vmul.f32 v5, v7  }
0xab: {  	v7 =	vmul.f32 v0, v10;
	v1 =	vcvt.s32.f32 v14;
	v5 =	vld [tilespmem:s14+$0xFFFFFF20]  }
0xac: {  	v9 =	vld [tilespmem:s14+$0xFFFFFF30];
	v4 =	vadd.f32 v4, v6;
	v2 =	vadd.f32 v3, v2;
	v3 =	vmul.f32 v12, v10  }
0xad: {  	v6 =	vbroadcast v1, $0x0;
	v10 =	vld [tilespmem:s14+$0xFFFFFF40];
	v0 =	vmov v13  }
0xae: {  	v12 =	vbroadcast v1, $0x1;
	v13 =	vld [tilespmem:s14+$0xFFFFFF50];
	v4 =	vadd.f32 v7, v4;
	v2 =	vadd.f32 v3, v2  }
0xaf: {  	v3 =	vmul.f32 v6, v8;
	v6 =	vmul.f32 v11, v6;
	v7 =	vld [tilespmem:s14+$0xFFFFFF60]  }
0xb0: {  	v8 =	vbroadcast v1, $0x2;
	v5 =	vmul.f32 v5, v12;
	v11 =	vld [tilespmem:s14+$0xFFFFFF70]  }
0xb1: {  	v3 =	vadd.f32 v3, v4;
	v2 =	vadd.f32 v6, v2;
	v4 =	vmul.f32 v9, v12;
	v6 =	vld [tilespmem:s14+$0xFFFFFF80]  }
0xb2: {  	v9 =	vmul.f32 v10, v8;
	v10 =	vbroadcast v1, $0x3;
	v12 =	vld [tilespmem:s14+$0xFFFFFF90]  }
0xb3: {  	v3 =	vadd.f32 v5, v3;
	v2 =	vadd.f32 v4, v2;
	v4 =	vmul.f32 v13, v8;
	v5 =	vld [tilespmem:s14+$0xFFFFFFA0]  }
0xb4: {  	v8 =	vbroadcast v1, $0x4;
	v7 =	vmul.f32 v7, v10;
	v13 =	vld [tilespmem:s14+$0xFFFFFFB0]  }
0xb5: {  	v3 =	vadd.f32 v9, v3;
	v2 =	vadd.f32 v4, v2;
	v4 =	vmul.f32 v11, v10;
	v9 =	vld [tilespmem:s14+$0xFFFFFFC0]  }
0xb6: {  	v10 =	vbroadcast v1, $0x5;
	v6 =	vmul.f32 v6, v8;
	v11 =	vld [tilespmem:s14+$0xFFFFFFD0]  }
0xb7: {  	v3 =	vadd.f32 v7, v3;
	v2 =	vadd.f32 v4, v2;
	v4 =	vmul.f32 v12, v8;
	v7 =	vld [tilespmem:s14+$0xFFFFFFE0]  }
0xb8: {  	v8 =	vbroadcast v1, $0x6;
	v5 =	vmul.f32 v5, v10;
	v12 =	vld [tilespmem:s14+$0xFFFFFFF0]  }
0xb9: {  	v3 =	vadd.f32 v6, v3;
	v2 =	vadd.f32 v4, v2;
	v4 =	vmul.f32 v13, v10;
	v6 =	vld [tilespmem:s14+$0x0]  }
0xba: {  	v10 =	vbroadcast v1, $0x7;
	v9 =	vmul.f32 v9, v8;
	v13 =	vld [tilespmem:s14+$0x10]  }
0xbb: {  	v3 =	vadd.f32 v5, v3;
	v2 =	vadd.f32 v4, v2;
	v4 =	vmul.f32 v11, v8;
	v5 =	vld [tilespmem:s14+$0x20]  }
0xbc: {  	v8 =	vbroadcast v1, $0x8;
	v7 =	vmul.f32 v7, v10;
	v11 =	vld [tilespmem:s14+$0x30]  }
0xbd: {  	v3 =	vadd.f32 v9, v3;
	v2 =	vadd.f32 v4, v2;
	v4 =	vmul.f32 v12, v10;
	v9 =	vld [tilespmem:s14+$0x40]  }
0xbe: {  	v10 =	vbroadcast v1, $0x9;
	v6 =	vmul.f32 v6, v8;
	v12 =	vld [tilespmem:s14+$0x50]  }
0xbf: {  	v3 =	vadd.f32 v7, v3;
	v2 =	vadd.f32 v4, v2;
	v4 =	vmul.f32 v13, v8;
	v7 =	vld [tilespmem:s14+$0x60]  }
0xc0: {  	v8 =	vbroadcast v1, $0xA;
	v5 =	vmul.f32 v5, v10;
	v14 =	vld [tilespmem:s14+$0x70]  }
0xc1: {  	v3 =	vadd.f32 v6, v3;
	v4 =	vadd.f32 v4, v2;
	v6 =	vmul.f32 v11, v10;
	v10 =	vld [tilespmem:s14+$0x80]  }
.Ltmp1:
0xc2: {  	v15 =	vbroadcast v1, $0xB;
	v11 =	vmul.f32 v9, v8;
	v2 =	vld [tilespmem:s14+$0x90];
	(pc) =	sbr.rel @p0 .LBB2_5-.Ltmp1, $4  }
0xc3: {  	v5 =	vadd.f32 v5, v3;
	v4 =	vadd.f32 v6, v4;
	v8 =	vmul.f32 v12, v8;
	v6 =	vld [tilespmem:s14+$0xA0]  }
0xc4: {  	v9 =	vmul.f32 v7, v15;
	v7 =	vbroadcast v1, $0xC;
	v3 =	vld [tilespmem:s14+$0xB0]  }
0xc5: {  	v11 =	vadd.f32 v11, v5;
	v13 =	vadd.f32 v8, v4;
	v12 =	vmul.f32 v14, v15;
	v4 =	vld [tilespmem:s14+$0xC0]  }
0xc6: {  	s16 =	sshra.s32 s15, $0x2;
	s15 =	sadd.s32 $0x40, s15;
	v8 =	vbroadcast v1, $0xD;
	v10 =	vmul.f32 v10, v7;
	v5 =	vld [tilespmem:s14+$0xD0]  }
0xc7: {  	v14 =	vld [tilespmem:s16+$0x10A5]  }
0xc8: {  	v9 =	vadd.f32 v9, v11  }
0xc9: {  	v11 =	vadd.f32 v12, v13;
	v2 =	vmul.f32 v2, v7  }
0xca: {  	v7 =	vbroadcast v1, $0xE;
	v12 =	vld [tilespmem:s14+$0xF0];
	s30 =	sadd.s32 $0x200, s14;
	v6 =	vmul.f32 v6, v8;
	v9 =	vadd.f32 v10, v9  }
0xcb: {  	v1 =	vbroadcast v1, $0xF;
	v2 =	vadd.f32 v2, v11;
	v3 =	vmul.f32 v3, v8;
	v8 =	vld [tilespmem:s30+$0xFFFFFF00]  }
0xcc: {  	v10 =	vld [tilespmem:s30+$0xFFFFFF10];
	v4 =	vmul.f32 v4, v7;
	v6 =	vadd.f32 v6, v9;
	v9 =	vcvt.s32.f32 v14  }
0xcd: {  	v2 =	vadd.f32 v3, v2;
	v3 =	vmul.f32 v5, v7;
	v5 =	vld [tilespmem:s30+$0xFFFFFF20]  }
0xce: {  	v0 =	vmul.f32 v0, v1;
	v7 =	vld [tilespmem:s30+$0xFFFFFF30];
	v4 =	vadd.f32 v4, v6;
	v6 =	vbroadcast v9, $0x0  }
0xcf: {  	v1 =	vmul.f32 v12, v1;
	v2 =	vadd.f32 v3, v2;
	v3 =	vld [tilespmem:s30+$0xFFFFFF40]  }
0xd0: {  	v12 =	vld [tilespmem:s30+$0xFFFFFF50];
	v11 =	vbroadcast v9, $0x1;
	v0 =	vadd.f32 v0, v4;
	v4 =	vmul.f32 v6, v8  }
0xd1: {  	v1 =	vadd.f32 v1, v2;
	v2 =	vmul.f32 v10, v6;
	v6 =	vld [tilespmem:s30+$0xFFFFFF60]  }
0xd2: {  	v5 =	vmul.f32 v5, v11;
	v8 =	vbroadcast v9, $0x2;
	v10 =	vld [tilespmem:s30+$0xFFFFFF70];
	v0 =	vadd.f32 v4, v0  }
0xd3: {  	v1 =	vadd.f32 v2, v1;
	v2 =	vmul.f32 v7, v11;
	v4 =	vld [tilespmem:s30+$0xFFFFFF80]  }
0xd4: {  	v3 =	vmul.f32 v3, v8;
	v7 =	vbroadcast v9, $0x3;
	v11 =	vld [tilespmem:s30+$0xFFFFFF90];
	v0 =	vadd.f32 v5, v0  }
0xd5: {  	v1 =	vadd.f32 v2, v1;
	v2 =	vmul.f32 v12, v8;
	v5 =	vld [tilespmem:s30+$0xFFFFFFA0]  }
0xd6: {  	v8 =	vbroadcast v9, $0x4;
	v12 =	vld [tilespmem:s30+$0xFFFFFFB0];
	v6 =	vmul.f32 v6, v7;
	v0 =	vadd.f32 v3, v0  }
0xd7: {  	v1 =	vadd.f32 v2, v1;
	v2 =	vmul.f32 v10, v7;
	v3 =	vld [tilespmem:s30+$0xFFFFFFC0]  }
0xd8: {  	v7 =	vbroadcast v9, $0x5;
	v10 =	vld [tilespmem:s30+$0xFFFFFFD0];
	v4 =	vmul.f32 v4, v8;
	v0 =	vadd.f32 v6, v0  }
0xd9: {  	v1 =	vadd.f32 v2, v1;
	v2 =	vmul.f32 v11, v8;
	v6 =	vld [tilespmem:s30+$0xFFFFFFE0]  }
0xda: {  	v8 =	vbroadcast v9, $0x6;
	v11 =	vld [tilespmem:s30+$0xFFFFFFF0];
	v5 =	vmul.f32 v5, v7;
	v0 =	vadd.f32 v4, v0  }
0xdb: {  	v1 =	vadd.f32 v2, v1;
	v2 =	vmul.f32 v12, v7;
	v4 =	vld [tilespmem:s30+$0x0]  }
0xdc: {  	v7 =	vbroadcast v9, $0x7;
	v12 =	vld [tilespmem:s30+$0x10];
	v3 =	vmul.f32 v3, v8;
	v0 =	vadd.f32 v5, v0  }
0xdd: {  	v1 =	vadd.f32 v2, v1;
	v2 =	vmul.f32 v10, v8;
	v5 =	vld [tilespmem:s30+$0x20]  }
0xde: {  	v8 =	vbroadcast v9, $0x8;
	v10 =	vld [tilespmem:s30+$0x30];
	v6 =	vmul.f32 v6, v7;
	v0 =	vadd.f32 v3, v0  }
0xdf: {  	v1 =	vadd.f32 v2, v1;
	v2 =	vmul.f32 v11, v7;
	v3 =	vld [tilespmem:s30+$0x40]  }
0xe0: {  	v7 =	vbroadcast v9, $0x9;
	v11 =	vld [tilespmem:s30+$0x50];
	v4 =	vmul.f32 v4, v8;
	v0 =	vadd.f32 v6, v0  }
0xe1: {  	v1 =	vadd.f32 v2, v1;
	v2 =	vmul.f32 v12, v8;
	v6 =	vld [tilespmem:s30+$0x60]  }
0xe2: {  	v8 =	vbroadcast v9, $0xA;
	v12 =	vld [tilespmem:s30+$0x70];
	v5 =	vmul.f32 v5, v7;
	v0 =	vadd.f32 v4, v0  }
0xe3: {  	v1 =	vadd.f32 v2, v1;
	v2 =	vmul.f32 v10, v7;
	v4 =	vld [tilespmem:s30+$0x80]  }
0xe4: {  	v7 =	vbroadcast v9, $0xB;
	v10 =	vld [tilespmem:s30+$0x90];
	v3 =	vmul.f32 v3, v8;
	v0 =	vadd.f32 v5, v0  }
0xe5: {  	v1 =	vadd.f32 v2, v1;
	v2 =	vmul.f32 v11, v8;
	v5 =	vld [tilespmem:s30+$0xA0]  }
0xe6: {  	v8 =	vbroadcast v9, $0xC;
	v11 =	vld [tilespmem:s30+$0xB0];
	v6 =	vmul.f32 v6, v7;
	v0 =	vadd.f32 v3, v0  }
0xe7: {  	v1 =	vadd.f32 v2, v1;
	v2 =	vmul.f32 v12, v7;
	v3 =	vld [tilespmem:s30+$0xC0]  }
0xe8: {  	v7 =	vbroadcast v9, $0xD;
	v12 =	vld [tilespmem:s30+$0xD0];
	v4 =	vmul.f32 v4, v8;
	v0 =	vadd.f32 v6, v0  }
0xe9: {  	v6 =	vld [tilespmem:s30+$0xE0];
	v1 =	vadd.f32 v2, v1;
	v2 =	vmul.f32 v10, v8  }
0xea: {  	v8 =	vbroadcast v9, $0xE;
	v10 =	vld [tilespmem:s30+$0xF0];
	v5 =	vmul.f32 v5, v7;
	v0 =	vadd.f32 v4, v0  }
0xeb: {  	v1 =	vadd.f32 v2, v1;
	v2 =	vmul.f32 v11, v7  }
0xec: {  	v4 =	vbroadcast v9, $0xF;
	v3 =	vmul.f32 v3, v8;
	v0 =	vadd.f32 v5, v0  }
0xed: {  	v1 =	vadd.f32 v2, v1;
	v2 =	vmul.f32 v12, v8  }
0xee: {  	v5 =	vmul.f32 v6, v4;
	v0 =	vadd.f32 v3, v0  }
0xef: {  	v1 =	vadd.f32 v2, v1;
	v2 =	vmul.f32 v10, v4  }
0xf0: {  	v0 =	vadd.f32 v5, v0  }
0xf1: {  	v1 =	vadd.f32 v2, v1  }
0xf2: {  	[tilespmem:$0x5BA0] =	vst v0  }
0xf3: {  	s31 =	simm.s32 $0x0;
	[tilespmem:$0x5BB0] =	vst v1  }
0xf4: {  	v1 =	vld [tilespmem:s31+$0x194A]  }
0xf5: {  	s14 =	simm.s32 $0x4680  }
0xf6: {  	v0 =	vld [tilespmem:s14+$0xE0]  }
0xf7: {  	v2 =	vld [tilespmem:s14+$0xFFFFFF00]  }
0xf8: {  	v3 =	vld [tilespmem:s14+$0xFFFFFF10]  }
0xf9: {  	v4 =	vld [tilespmem:s14+$0xFFFFFF20];
	v1 =	vcvt.s32.f32 v1  }
0xfa: {  	v5 =	vld [tilespmem:s14+$0xFFFFFF30]  }
0xfb: {  	v7 =	vld [tilespmem:s14+$0xFFFFFF40];
	v6 =	vbroadcast v1, $0x0  }
0xfc: {  	v8 =	vld [tilespmem:s14+$0xFFFFFF50];
	v9 =	vbroadcast v1, $0x1  }
0xfd: {  	v10 =	vld [tilespmem:s14+$0xFFFFFF60];
	v2 =	vmul.f32 v6, v2;
	v3 =	vmul.f32 v3, v6  }
0xfe: {  	v11 =	vimm.f32 $0.0e+00;
	v12 =	vbroadcast v1, $0x2;
	v6 =	vld [tilespmem:s14+$0xFFFFFF70];
	v4 =	vmul.f32 v4, v9  }
0xff: {  	v13 =	vld [tilespmem:s14+$0xFFFFFF80];
	v5 =	vmul.f32 v5, v9;
	v2 =	vadd.f32 v2, v11;
	v3 =	vadd.f32 v3, v11  }
0x100: {  	v9 =	vld [tilespmem:s14+$0xFFFFFF90];
	v7 =	vmul.f32 v7, v12;
	v11 =	vbroadcast v1, $0x3  }
0x101: {  	v2 =	vadd.f32 v4, v2;
	v4 =	vld [tilespmem:s14+$0xFFFFFFA0];
	v3 =	vadd.f32 v5, v3;
	v5 =	vmul.f32 v8, v12  }
0x102: {  	v8 =	vld [tilespmem:s14+$0xFFFFFFB0];
	v10 =	vmul.f32 v10, v11;
	v12 =	vbroadcast v1, $0x4  }
0x103: {  	v2 =	vadd.f32 v7, v2;
	v7 =	vld [tilespmem:s14+$0xFFFFFFC0];
	v3 =	vadd.f32 v5, v3;
	v5 =	vmul.f32 v6, v11  }
0x104: {  	v6 =	vld [tilespmem:s14+$0xFFFFFFD0];
	v11 =	vmul.f32 v13, v12;
	v13 =	vbroadcast v1, $0x5  }
0x105: {  	v2 =	vadd.f32 v10, v2;
	v10 =	vld [tilespmem:s14+$0xFFFFFFE0];
	v3 =	vadd.f32 v5, v3;
	v5 =	vmul.f32 v9, v12  }
0x106: {  	v9 =	vld [tilespmem:s14+$0xFFFFFFF0];
	v12 =	vbroadcast v1, $0x6;
	v4 =	vmul.f32 v4, v13  }
0x107: {  	v2 =	vadd.f32 v11, v2;
	v11 =	vld [tilespmem:s14+$0x0];
	v3 =	vadd.f32 v5, v3;
	v5 =	vmul.f32 v8, v13  }
0x108: {  	v8 =	vld [tilespmem:s14+$0x10];
	v13 =	vbroadcast v1, $0x7;
	v7 =	vmul.f32 v7, v12  }
0x109: {  	v2 =	vadd.f32 v4, v2;
	v4 =	vld [tilespmem:s14+$0x20];
	v3 =	vadd.f32 v5, v3;
	v5 =	vmul.f32 v6, v12  }
0x10a: {  	v6 =	vld [tilespmem:s14+$0x30];
	v12 =	vbroadcast v1, $0x8;
	v10 =	vmul.f32 v10, v13  }
0x10b: {  	v2 =	vadd.f32 v7, v2;
	v7 =	vld [tilespmem:s14+$0x40];
	v3 =	vadd.f32 v5, v3;
	v5 =	vmul.f32 v9, v13  }
0x10c: {  	v9 =	vld [tilespmem:s14+$0x50];
	v13 =	vbroadcast v1, $0x9;
	v11 =	vmul.f32 v11, v12  }
0x10d: {  	v2 =	vadd.f32 v10, v2;
	v10 =	vld [tilespmem:s14+$0x60];
	v3 =	vadd.f32 v5, v3;
	v5 =	vmul.f32 v8, v12  }
0x10e: {  	v8 =	vld [tilespmem:s14+$0x70];
	v12 =	vbroadcast v1, $0xA;
	v4 =	vmul.f32 v4, v13  }
0x10f: {  	v14 =	vld [tilespmem:s14+$0x80];
	v11 =	vadd.f32 v11, v2;
	v3 =	vadd.f32 v5, v3;
	v5 =	vmul.f32 v6, v13  }
0x110: {  	v15 =	vbroadcast v1, $0xB;
	v2 =	vld [tilespmem:s14+$0x90];
	v13 =	vmul.f32 v7, v12  }
0x111: {  	v6 =	vld [tilespmem:s14+$0xA0];
	v16 =	vmul.f32 v9, v12;
	v4 =	vadd.f32 v4, v11;
	v5 =	vadd.f32 v5, v3  }
0x112: {  	v7 =	vbroadcast v1, $0xC;
	v3 =	vld [tilespmem:s14+$0xB0];
	v9 =	vmul.f32 v10, v15  }
0x113: {  	v12 =	vmul.f32 v8, v15;
	v11 =	vadd.f32 v13, v4;
	v4 =	vld [tilespmem:s14+$0xC0];
	v13 =	vadd.f32 v16, v5  }
0x114: {  	s16 =	simm.s32 $0x10;
	s15 =	simm.s32 $0x80;
	v10 =	vmul.f32 v14, v7;
	v8 =	vbroadcast v1, $0xD;
	v5 =	vld [tilespmem:s14+$0xD0]  }
.LBB2_7:
0x115: {  	p0 =	sne.s32 s15, $0x280;
	v14 =	vld [tilespmem:s16+$0x194A];
	v9 =	vadd.f32 v9, v11;
	v11 =	vadd.f32 v12, v13;
	v2 =	vmul.f32 v2, v7  }
0x116: {  	v7 =	vbroadcast v1, $0xE;
	v6 =	vmul.f32 v6, v8;
	v12 =	vld [tilespmem:s14+$0xF0];
	s14 =	sadd.s32 $0x200, s14  }
0x117: {  	v13 =	vld [tilespmem:s14+$0xE0];
	v9 =	vadd.f32 v10, v9;
	v2 =	vadd.f32 v2, v11;
	v3 =	vmul.f32 v3, v8  }
0x118: {  	v10 =	vbroadcast v1, $0xF;
	v8 =	vld [tilespmem:s14+$0xFFFFFF00];
	v4 =	vmul.f32 v4, v7  }
0x119: {  	v11 =	vld [tilespmem:s14+$0xFFFFFF10];
	v6 =	vadd.f32 v6, v9;
	v2 =	vadd.f32 v3, v2;
	v3 =	vmul.f32 v5, v7  }
0x11a: {  	v7 =	vmul.f32 v0, v10;
	v1 =	vcvt.s32.f32 v14;
	v5 =	vld [tilespmem:s14+$0xFFFFFF20]  }
0x11b: {  	v9 =	vld [tilespmem:s14+$0xFFFFFF30];
	v4 =	vadd.f32 v4, v6;
	v2 =	vadd.f32 v3, v2;
	v3 =	vmul.f32 v12, v10  }
0x11c: {  	v6 =	vbroadcast v1, $0x0;
	v10 =	vld [tilespmem:s14+$0xFFFFFF40];
	v0 =	vmov v13  }
0x11d: {  	v12 =	vbroadcast v1, $0x1;
	v13 =	vld [tilespmem:s14+$0xFFFFFF50];
	v4 =	vadd.f32 v7, v4;
	v2 =	vadd.f32 v3, v2  }
0x11e: {  	v3 =	vmul.f32 v6, v8;
	v6 =	vmul.f32 v11, v6;
	v7 =	vld [tilespmem:s14+$0xFFFFFF60]  }
0x11f: {  	v8 =	vbroadcast v1, $0x2;
	v5 =	vmul.f32 v5, v12;
	v11 =	vld [tilespmem:s14+$0xFFFFFF70]  }
0x120: {  	v3 =	vadd.f32 v3, v4;
	v2 =	vadd.f32 v6, v2;
	v4 =	vmul.f32 v9, v12;
	v6 =	vld [tilespmem:s14+$0xFFFFFF80]  }
0x121: {  	v9 =	vmul.f32 v10, v8;
	v10 =	vbroadcast v1, $0x3;
	v12 =	vld [tilespmem:s14+$0xFFFFFF90]  }
0x122: {  	v3 =	vadd.f32 v5, v3;
	v2 =	vadd.f32 v4, v2;
	v4 =	vmul.f32 v13, v8;
	v5 =	vld [tilespmem:s14+$0xFFFFFFA0]  }
0x123: {  	v8 =	vbroadcast v1, $0x4;
	v7 =	vmul.f32 v7, v10;
	v13 =	vld [tilespmem:s14+$0xFFFFFFB0]  }
0x124: {  	v3 =	vadd.f32 v9, v3;
	v2 =	vadd.f32 v4, v2;
	v4 =	vmul.f32 v11, v10;
	v9 =	vld [tilespmem:s14+$0xFFFFFFC0]  }
0x125: {  	v10 =	vbroadcast v1, $0x5;
	v6 =	vmul.f32 v6, v8;
	v11 =	vld [tilespmem:s14+$0xFFFFFFD0]  }
0x126: {  	v3 =	vadd.f32 v7, v3;
	v2 =	vadd.f32 v4, v2;
	v4 =	vmul.f32 v12, v8;
	v7 =	vld [tilespmem:s14+$0xFFFFFFE0]  }
0x127: {  	v8 =	vbroadcast v1, $0x6;
	v5 =	vmul.f32 v5, v10;
	v12 =	vld [tilespmem:s14+$0xFFFFFFF0]  }
0x128: {  	v3 =	vadd.f32 v6, v3;
	v2 =	vadd.f32 v4, v2;
	v4 =	vmul.f32 v13, v10;
	v6 =	vld [tilespmem:s14+$0x0]  }
0x129: {  	v10 =	vbroadcast v1, $0x7;
	v9 =	vmul.f32 v9, v8;
	v13 =	vld [tilespmem:s14+$0x10]  }
0x12a: {  	v3 =	vadd.f32 v5, v3;
	v2 =	vadd.f32 v4, v2;
	v4 =	vmul.f32 v11, v8;
	v5 =	vld [tilespmem:s14+$0x20]  }
0x12b: {  	v8 =	vbroadcast v1, $0x8;
	v7 =	vmul.f32 v7, v10;
	v11 =	vld [tilespmem:s14+$0x30]  }
0x12c: {  	v3 =	vadd.f32 v9, v3;
	v2 =	vadd.f32 v4, v2;
	v4 =	vmul.f32 v12, v10;
	v9 =	vld [tilespmem:s14+$0x40]  }
0x12d: {  	v10 =	vbroadcast v1, $0x9;
	v6 =	vmul.f32 v6, v8;
	v12 =	vld [tilespmem:s14+$0x50]  }
0x12e: {  	v3 =	vadd.f32 v7, v3;
	v2 =	vadd.f32 v4, v2;
	v4 =	vmul.f32 v13, v8;
	v7 =	vld [tilespmem:s14+$0x60]  }
0x12f: {  	v8 =	vbroadcast v1, $0xA;
	v5 =	vmul.f32 v5, v10;
	v14 =	vld [tilespmem:s14+$0x70]  }
0x130: {  	v3 =	vadd.f32 v6, v3;
	v4 =	vadd.f32 v4, v2;
	v6 =	vmul.f32 v11, v10;
	v10 =	vld [tilespmem:s14+$0x80]  }
.Ltmp2:
0x131: {  	v15 =	vbroadcast v1, $0xB;
	v11 =	vmul.f32 v9, v8;
	v2 =	vld [tilespmem:s14+$0x90];
	(pc) =	sbr.rel @p0 .LBB2_7-.Ltmp2, $4  }
0x132: {  	v5 =	vadd.f32 v5, v3;
	v4 =	vadd.f32 v6, v4;
	v8 =	vmul.f32 v12, v8;
	v6 =	vld [tilespmem:s14+$0xA0]  }
0x133: {  	v9 =	vmul.f32 v7, v15;
	v7 =	vbroadcast v1, $0xC;
	v3 =	vld [tilespmem:s14+$0xB0]  }
0x134: {  	v11 =	vadd.f32 v11, v5;
	v13 =	vadd.f32 v8, v4;
	v12 =	vmul.f32 v14, v15;
	v4 =	vld [tilespmem:s14+$0xC0]  }
0x135: {  	s16 =	sshra.s32 s15, $0x2;
	s15 =	sadd.s32 $0x40, s15;
	v8 =	vbroadcast v1, $0xD;
	v10 =	vmul.f32 v10, v7;
	v5 =	vld [tilespmem:s14+$0xD0]  }
0x136: {  	v14 =	vld [tilespmem:s16+$0x194A]  }
0x137: {  	v9 =	vadd.f32 v9, v11  }
0x138: {  	v11 =	vadd.f32 v12, v13;
	v2 =	vmul.f32 v2, v7  }
0x139: {  	v7 =	vbroadcast v1, $0xE;
	v12 =	vld [tilespmem:s14+$0xF0];
	s30 =	sadd.s32 $0x200, s14;
	v6 =	vmul.f32 v6, v8;
	v9 =	vadd.f32 v10, v9  }
0x13a: {  	v1 =	vbroadcast v1, $0xF;
	v2 =	vadd.f32 v2, v11;
	v3 =	vmul.f32 v3, v8;
	v8 =	vld [tilespmem:s30+$0xFFFFFF00]  }
0x13b: {  	v10 =	vld [tilespmem:s30+$0xFFFFFF10];
	v4 =	vmul.f32 v4, v7;
	v6 =	vadd.f32 v6, v9;
	v9 =	vcvt.s32.f32 v14  }
0x13c: {  	v2 =	vadd.f32 v3, v2;
	v3 =	vmul.f32 v5, v7;
	v5 =	vld [tilespmem:s30+$0xFFFFFF20]  }
0x13d: {  	v0 =	vmul.f32 v0, v1;
	v7 =	vld [tilespmem:s30+$0xFFFFFF30];
	v4 =	vadd.f32 v4, v6;
	v6 =	vbroadcast v9, $0x0  }
0x13e: {  	v1 =	vmul.f32 v12, v1;
	v2 =	vadd.f32 v3, v2;
	v3 =	vld [tilespmem:s30+$0xFFFFFF40]  }
0x13f: {  	v12 =	vld [tilespmem:s30+$0xFFFFFF50];
	v11 =	vbroadcast v9, $0x1;
	v0 =	vadd.f32 v0, v4;
	v4 =	vmul.f32 v6, v8  }
0x140: {  	v1 =	vadd.f32 v1, v2;
	v2 =	vmul.f32 v10, v6;
	v6 =	vld [tilespmem:s30+$0xFFFFFF60]  }
0x141: {  	v5 =	vmul.f32 v5, v11;
	v8 =	vbroadcast v9, $0x2;
	v10 =	vld [tilespmem:s30+$0xFFFFFF70];
	v0 =	vadd.f32 v4, v0  }
0x142: {  	v1 =	vadd.f32 v2, v1;
	v2 =	vmul.f32 v7, v11;
	v4 =	vld [tilespmem:s30+$0xFFFFFF80]  }
0x143: {  	v3 =	vmul.f32 v3, v8;
	v7 =	vbroadcast v9, $0x3;
	v11 =	vld [tilespmem:s30+$0xFFFFFF90];
	v0 =	vadd.f32 v5, v0  }
0x144: {  	v1 =	vadd.f32 v2, v1;
	v2 =	vmul.f32 v12, v8;
	v5 =	vld [tilespmem:s30+$0xFFFFFFA0]  }
0x145: {  	v8 =	vbroadcast v9, $0x4;
	v12 =	vld [tilespmem:s30+$0xFFFFFFB0];
	v6 =	vmul.f32 v6, v7;
	v0 =	vadd.f32 v3, v0  }
0x146: {  	v1 =	vadd.f32 v2, v1;
	v2 =	vmul.f32 v10, v7;
	v3 =	vld [tilespmem:s30+$0xFFFFFFC0]  }
0x147: {  	v7 =	vbroadcast v9, $0x5;
	v10 =	vld [tilespmem:s30+$0xFFFFFFD0];
	v4 =	vmul.f32 v4, v8;
	v0 =	vadd.f32 v6, v0  }
0x148: {  	v1 =	vadd.f32 v2, v1;
	v2 =	vmul.f32 v11, v8;
	v6 =	vld [tilespmem:s30+$0xFFFFFFE0]  }
0x149: {  	v8 =	vbroadcast v9, $0x6;
	v11 =	vld [tilespmem:s30+$0xFFFFFFF0];
	v5 =	vmul.f32 v5, v7;
	v0 =	vadd.f32 v4, v0  }
0x14a: {  	v1 =	vadd.f32 v2, v1;
	v2 =	vmul.f32 v12, v7;
	v4 =	vld [tilespmem:s30+$0x0]  }
0x14b: {  	v7 =	vbroadcast v9, $0x7;
	v12 =	vld [tilespmem:s30+$0x10];
	v3 =	vmul.f32 v3, v8;
	v0 =	vadd.f32 v5, v0  }
0x14c: {  	v1 =	vadd.f32 v2, v1;
	v2 =	vmul.f32 v10, v8;
	v5 =	vld [tilespmem:s30+$0x20]  }
0x14d: {  	v8 =	vbroadcast v9, $0x8;
	v10 =	vld [tilespmem:s30+$0x30];
	v6 =	vmul.f32 v6, v7;
	v0 =	vadd.f32 v3, v0  }
0x14e: {  	v1 =	vadd.f32 v2, v1;
	v2 =	vmul.f32 v11, v7;
	v3 =	vld [tilespmem:s30+$0x40]  }
0x14f: {  	v7 =	vbroadcast v9, $0x9;
	v11 =	vld [tilespmem:s30+$0x50];
	v4 =	vmul.f32 v4, v8;
	v0 =	vadd.f32 v6, v0  }
0x150: {  	v1 =	vadd.f32 v2, v1;
	v2 =	vmul.f32 v12, v8;
	v6 =	vld [tilespmem:s30+$0x60]  }
0x151: {  	v8 =	vbroadcast v9, $0xA;
	v12 =	vld [tilespmem:s30+$0x70];
	v5 =	vmul.f32 v5, v7;
	v0 =	vadd.f32 v4, v0  }
0x152: {  	v1 =	vadd.f32 v2, v1;
	v2 =	vmul.f32 v10, v7;
	v4 =	vld [tilespmem:s30+$0x80]  }
0x153: {  	v7 =	vbroadcast v9, $0xB;
	v10 =	vld [tilespmem:s30+$0x90];
	v3 =	vmul.f32 v3, v8;
	v0 =	vadd.f32 v5, v0  }
0x154: {  	v1 =	vadd.f32 v2, v1;
	v2 =	vmul.f32 v11, v8;
	v5 =	vld [tilespmem:s30+$0xA0]  }
0x155: {  	v8 =	vbroadcast v9, $0xC;
	v11 =	vld [tilespmem:s30+$0xB0];
	v6 =	vmul.f32 v6, v7;
	v0 =	vadd.f32 v3, v0  }
0x156: {  	v1 =	vadd.f32 v2, v1;
	v2 =	vmul.f32 v12, v7;
	v3 =	vld [tilespmem:s30+$0xC0]  }
0x157: {  	v7 =	vbroadcast v9, $0xD;
	v12 =	vld [tilespmem:s30+$0xD0];
	v4 =	vmul.f32 v4, v8;
	v0 =	vadd.f32 v6, v0  }
0x158: {  	v6 =	vld [tilespmem:s30+$0xE0];
	v1 =	vadd.f32 v2, v1;
	v2 =	vmul.f32 v10, v8  }
0x159: {  	v8 =	vbroadcast v9, $0xE;
	v10 =	vld [tilespmem:s30+$0xF0];
	v5 =	vmul.f32 v5, v7;
	v0 =	vadd.f32 v4, v0  }
0x15a: {  	v1 =	vadd.f32 v2, v1;
	v2 =	vmul.f32 v11, v7  }
0x15b: {  	v4 =	vbroadcast v9, $0xF;
	v3 =	vmul.f32 v3, v8;
	v0 =	vadd.f32 v5, v0  }
0x15c: {  	v1 =	vadd.f32 v2, v1;
	v2 =	vmul.f32 v12, v8  }
0x15d: {  	v5 =	vmul.f32 v6, v4;
	v0 =	vadd.f32 v3, v0  }
0x15e: {  	v1 =	vadd.f32 v2, v1;
	v2 =	vmul.f32 v10, v4  }
0x15f: {  	v0 =	vadd.f32 v5, v0  }
0x160: {  	v1 =	vadd.f32 v2, v1  }
0x161: {  	[tilespmem:$0x5BC0] =	vst v0  }
0x162: {  	s31 =	simm.s32 $0x0;
	[tilespmem:$0x5BD0] =	vst v1  }
0x163: {  	v1 =	vld [tilespmem:s31+$0x21EF]  }
0x164: {  	s14 =	simm.s32 $0x4680  }
0x165: {  	v0 =	vld [tilespmem:s14+$0xE0]  }
0x166: {  	v2 =	vld [tilespmem:s14+$0xFFFFFF00]  }
0x167: {  	v3 =	vld [tilespmem:s14+$0xFFFFFF10]  }
0x168: {  	v4 =	vld [tilespmem:s14+$0xFFFFFF20];
	v1 =	vcvt.s32.f32 v1  }
0x169: {  	v5 =	vld [tilespmem:s14+$0xFFFFFF30]  }
0x16a: {  	v7 =	vld [tilespmem:s14+$0xFFFFFF40];
	v6 =	vbroadcast v1, $0x0  }
0x16b: {  	v8 =	vld [tilespmem:s14+$0xFFFFFF50];
	v9 =	vbroadcast v1, $0x1  }
0x16c: {  	v10 =	vld [tilespmem:s14+$0xFFFFFF60];
	v2 =	vmul.f32 v6, v2;
	v3 =	vmul.f32 v3, v6  }
0x16d: {  	v11 =	vimm.f32 $0.0e+00;
	v12 =	vbroadcast v1, $0x2;
	v6 =	vld [tilespmem:s14+$0xFFFFFF70];
	v4 =	vmul.f32 v4, v9  }
0x16e: {  	v13 =	vld [tilespmem:s14+$0xFFFFFF80];
	v5 =	vmul.f32 v5, v9;
	v2 =	vadd.f32 v2, v11;
	v3 =	vadd.f32 v3, v11  }
0x16f: {  	v9 =	vld [tilespmem:s14+$0xFFFFFF90];
	v7 =	vmul.f32 v7, v12;
	v11 =	vbroadcast v1, $0x3  }
0x170: {  	v2 =	vadd.f32 v4, v2;
	v4 =	vld [tilespmem:s14+$0xFFFFFFA0];
	v3 =	vadd.f32 v5, v3;
	v5 =	vmul.f32 v8, v12  }
0x171: {  	v8 =	vld [tilespmem:s14+$0xFFFFFFB0];
	v10 =	vmul.f32 v10, v11;
	v12 =	vbroadcast v1, $0x4  }
0x172: {  	v2 =	vadd.f32 v7, v2;
	v7 =	vld [tilespmem:s14+$0xFFFFFFC0];
	v3 =	vadd.f32 v5, v3;
	v5 =	vmul.f32 v6, v11  }
0x173: {  	v6 =	vld [tilespmem:s14+$0xFFFFFFD0];
	v11 =	vmul.f32 v13, v12;
	v13 =	vbroadcast v1, $0x5  }
0x174: {  	v2 =	vadd.f32 v10, v2;
	v10 =	vld [tilespmem:s14+$0xFFFFFFE0];
	v3 =	vadd.f32 v5, v3;
	v5 =	vmul.f32 v9, v12  }
0x175: {  	v9 =	vld [tilespmem:s14+$0xFFFFFFF0];
	v12 =	vbroadcast v1, $0x6;
	v4 =	vmul.f32 v4, v13  }
0x176: {  	v2 =	vadd.f32 v11, v2;
	v11 =	vld [tilespmem:s14+$0x0];
	v3 =	vadd.f32 v5, v3;
	v5 =	vmul.f32 v8, v13  }
0x177: {  	v8 =	vld [tilespmem:s14+$0x10];
	v13 =	vbroadcast v1, $0x7;
	v7 =	vmul.f32 v7, v12  }
0x178: {  	v2 =	vadd.f32 v4, v2;
	v4 =	vld [tilespmem:s14+$0x20];
	v3 =	vadd.f32 v5, v3;
	v5 =	vmul.f32 v6, v12  }
0x179: {  	v6 =	vld [tilespmem:s14+$0x30];
	v12 =	vbroadcast v1, $0x8;
	v10 =	vmul.f32 v10, v13  }
0x17a: {  	v2 =	vadd.f32 v7, v2;
	v7 =	vld [tilespmem:s14+$0x40];
	v3 =	vadd.f32 v5, v3;
	v5 =	vmul.f32 v9, v13  }
0x17b: {  	v9 =	vld [tilespmem:s14+$0x50];
	v13 =	vbroadcast v1, $0x9;
	v11 =	vmul.f32 v11, v12  }
0x17c: {  	v2 =	vadd.f32 v10, v2;
	v10 =	vld [tilespmem:s14+$0x60];
	v3 =	vadd.f32 v5, v3;
	v5 =	vmul.f32 v8, v12  }
0x17d: {  	v8 =	vld [tilespmem:s14+$0x70];
	v12 =	vbroadcast v1, $0xA;
	v4 =	vmul.f32 v4, v13  }
0x17e: {  	v14 =	vld [tilespmem:s14+$0x80];
	v11 =	vadd.f32 v11, v2;
	v3 =	vadd.f32 v5, v3;
	v5 =	vmul.f32 v6, v13  }
0x17f: {  	v15 =	vbroadcast v1, $0xB;
	v2 =	vld [tilespmem:s14+$0x90];
	v13 =	vmul.f32 v7, v12  }
0x180: {  	v6 =	vld [tilespmem:s14+$0xA0];
	v16 =	vmul.f32 v9, v12;
	v4 =	vadd.f32 v4, v11;
	v5 =	vadd.f32 v5, v3  }
0x181: {  	v7 =	vbroadcast v1, $0xC;
	v3 =	vld [tilespmem:s14+$0xB0];
	v9 =	vmul.f32 v10, v15  }
0x182: {  	v12 =	vmul.f32 v8, v15;
	v11 =	vadd.f32 v13, v4;
	v4 =	vld [tilespmem:s14+$0xC0];
	v13 =	vadd.f32 v16, v5  }
0x183: {  	s16 =	simm.s32 $0x10;
	s15 =	simm.s32 $0x80;
	v10 =	vmul.f32 v14, v7;
	v8 =	vbroadcast v1, $0xD;
	v5 =	vld [tilespmem:s14+$0xD0]  }
.LBB2_9:
0x184: {  	p0 =	sne.s32 s15, $0x280;
	v14 =	vld [tilespmem:s16+$0x21EF];
	v9 =	vadd.f32 v9, v11;
	v11 =	vadd.f32 v12, v13;
	v2 =	vmul.f32 v2, v7  }
0x185: {  	v7 =	vbroadcast v1, $0xE;
	v6 =	vmul.f32 v6, v8;
	v12 =	vld [tilespmem:s14+$0xF0];
	s14 =	sadd.s32 $0x200, s14  }
0x186: {  	v13 =	vld [tilespmem:s14+$0xE0];
	v9 =	vadd.f32 v10, v9;
	v2 =	vadd.f32 v2, v11;
	v3 =	vmul.f32 v3, v8  }
0x187: {  	v10 =	vbroadcast v1, $0xF;
	v8 =	vld [tilespmem:s14+$0xFFFFFF00];
	v4 =	vmul.f32 v4, v7  }
0x188: {  	v11 =	vld [tilespmem:s14+$0xFFFFFF10];
	v6 =	vadd.f32 v6, v9;
	v2 =	vadd.f32 v3, v2;
	v3 =	vmul.f32 v5, v7  }
0x189: {  	v7 =	vmul.f32 v0, v10;
	v1 =	vcvt.s32.f32 v14;
	v5 =	vld [tilespmem:s14+$0xFFFFFF20]  }
0x18a: {  	v9 =	vld [tilespmem:s14+$0xFFFFFF30];
	v4 =	vadd.f32 v4, v6;
	v2 =	vadd.f32 v3, v2;
	v3 =	vmul.f32 v12, v10  }
0x18b: {  	v6 =	vbroadcast v1, $0x0;
	v10 =	vld [tilespmem:s14+$0xFFFFFF40];
	v0 =	vmov v13  }
0x18c: {  	v12 =	vbroadcast v1, $0x1;
	v13 =	vld [tilespmem:s14+$0xFFFFFF50];
	v4 =	vadd.f32 v7, v4;
	v2 =	vadd.f32 v3, v2  }
0x18d: {  	v3 =	vmul.f32 v6, v8;
	v6 =	vmul.f32 v11, v6;
	v7 =	vld [tilespmem:s14+$0xFFFFFF60]  }
0x18e: {  	v8 =	vbroadcast v1, $0x2;
	v5 =	vmul.f32 v5, v12;
	v11 =	vld [tilespmem:s14+$0xFFFFFF70]  }
0x18f: {  	v3 =	vadd.f32 v3, v4;
	v2 =	vadd.f32 v6, v2;
	v4 =	vmul.f32 v9, v12;
	v6 =	vld [tilespmem:s14+$0xFFFFFF80]  }
0x190: {  	v9 =	vmul.f32 v10, v8;
	v10 =	vbroadcast v1, $0x3;
	v12 =	vld [tilespmem:s14+$0xFFFFFF90]  }
0x191: {  	v3 =	vadd.f32 v5, v3;
	v2 =	vadd.f32 v4, v2;
	v4 =	vmul.f32 v13, v8;
	v5 =	vld [tilespmem:s14+$0xFFFFFFA0]  }
0x192: {  	v8 =	vbroadcast v1, $0x4;
	v7 =	vmul.f32 v7, v10;
	v13 =	vld [tilespmem:s14+$0xFFFFFFB0]  }
0x193: {  	v3 =	vadd.f32 v9, v3;
	v2 =	vadd.f32 v4, v2;
	v4 =	vmul.f32 v11, v10;
	v9 =	vld [tilespmem:s14+$0xFFFFFFC0]  }
0x194: {  	v10 =	vbroadcast v1, $0x5;
	v6 =	vmul.f32 v6, v8;
	v11 =	vld [tilespmem:s14+$0xFFFFFFD0]  }
0x195: {  	v3 =	vadd.f32 v7, v3;
	v2 =	vadd.f32 v4, v2;
	v4 =	vmul.f32 v12, v8;
	v7 =	vld [tilespmem:s14+$0xFFFFFFE0]  }
0x196: {  	v8 =	vbroadcast v1, $0x6;
	v5 =	vmul.f32 v5, v10;
	v12 =	vld [tilespmem:s14+$0xFFFFFFF0]  }
0x197: {  	v3 =	vadd.f32 v6, v3;
	v2 =	vadd.f32 v4, v2;
	v4 =	vmul.f32 v13, v10;
	v6 =	vld [tilespmem:s14+$0x0]  }
0x198: {  	v10 =	vbroadcast v1, $0x7;
	v9 =	vmul.f32 v9, v8;
	v13 =	vld [tilespmem:s14+$0x10]  }
0x199: {  	v3 =	vadd.f32 v5, v3;
	v2 =	vadd.f32 v4, v2;
	v4 =	vmul.f32 v11, v8;
	v5 =	vld [tilespmem:s14+$0x20]  }
0x19a: {  	v8 =	vbroadcast v1, $0x8;
	v7 =	vmul.f32 v7, v10;
	v11 =	vld [tilespmem:s14+$0x30]  }
0x19b: {  	v3 =	vadd.f32 v9, v3;
	v2 =	vadd.f32 v4, v2;
	v4 =	vmul.f32 v12, v10;
	v9 =	vld [tilespmem:s14+$0x40]  }
0x19c: {  	v10 =	vbroadcast v1, $0x9;
	v6 =	vmul.f32 v6, v8;
	v12 =	vld [tilespmem:s14+$0x50]  }
0x19d: {  	v3 =	vadd.f32 v7, v3;
	v2 =	vadd.f32 v4, v2;
	v4 =	vmul.f32 v13, v8;
	v7 =	vld [tilespmem:s14+$0x60]  }
0x19e: {  	v8 =	vbroadcast v1, $0xA;
	v5 =	vmul.f32 v5, v10;
	v14 =	vld [tilespmem:s14+$0x70]  }
0x19f: {  	v3 =	vadd.f32 v6, v3;
	v4 =	vadd.f32 v4, v2;
	v6 =	vmul.f32 v11, v10;
	v10 =	vld [tilespmem:s14+$0x80]  }
.Ltmp3:
0x1a0: {  	v15 =	vbroadcast v1, $0xB;
	v11 =	vmul.f32 v9, v8;
	v2 =	vld [tilespmem:s14+$0x90];
	(pc) =	sbr.rel @p0 .LBB2_9-.Ltmp3, $4  }
0x1a1: {  	v5 =	vadd.f32 v5, v3;
	v4 =	vadd.f32 v6, v4;
	v8 =	vmul.f32 v12, v8;
	v6 =	vld [tilespmem:s14+$0xA0]  }
0x1a2: {  	v9 =	vmul.f32 v7, v15;
	v7 =	vbroadcast v1, $0xC;
	v3 =	vld [tilespmem:s14+$0xB0]  }
0x1a3: {  	v11 =	vadd.f32 v11, v5;
	v13 =	vadd.f32 v8, v4;
	v12 =	vmul.f32 v14, v15;
	v4 =	vld [tilespmem:s14+$0xC0]  }
0x1a4: {  	s16 =	sshra.s32 s15, $0x2;
	s15 =	sadd.s32 $0x40, s15;
	v8 =	vbroadcast v1, $0xD;
	v10 =	vmul.f32 v10, v7;
	v5 =	vld [tilespmem:s14+$0xD0]  }
0x1a5: {  	v14 =	vld [tilespmem:s16+$0x21EF]  }
0x1a6: {  	v9 =	vadd.f32 v9, v11  }
0x1a7: {  	v11 =	vadd.f32 v12, v13;
	v2 =	vmul.f32 v2, v7  }
0x1a8: {  	v7 =	vbroadcast v1, $0xE;
	v12 =	vld [tilespmem:s14+$0xF0];
	s30 =	sadd.s32 $0x200, s14;
	v6 =	vmul.f32 v6, v8;
	v9 =	vadd.f32 v10, v9  }
0x1a9: {  	v1 =	vbroadcast v1, $0xF;
	v2 =	vadd.f32 v2, v11;
	v3 =	vmul.f32 v3, v8;
	v8 =	vld [tilespmem:s30+$0xFFFFFF00]  }
0x1aa: {  	v10 =	vld [tilespmem:s30+$0xFFFFFF10];
	v4 =	vmul.f32 v4, v7;
	v6 =	vadd.f32 v6, v9;
	v9 =	vcvt.s32.f32 v14  }
0x1ab: {  	v2 =	vadd.f32 v3, v2;
	v3 =	vmul.f32 v5, v7;
	v5 =	vld [tilespmem:s30+$0xFFFFFF20]  }
0x1ac: {  	v0 =	vmul.f32 v0, v1;
	v7 =	vld [tilespmem:s30+$0xFFFFFF30];
	v4 =	vadd.f32 v4, v6;
	v6 =	vbroadcast v9, $0x0  }
0x1ad: {  	v1 =	vmul.f32 v12, v1;
	v2 =	vadd.f32 v3, v2;
	v3 =	vld [tilespmem:s30+$0xFFFFFF40]  }
0x1ae: {  	v12 =	vld [tilespmem:s30+$0xFFFFFF50];
	v11 =	vbroadcast v9, $0x1;
	v0 =	vadd.f32 v0, v4;
	v4 =	vmul.f32 v6, v8  }
0x1af: {  	v1 =	vadd.f32 v1, v2;
	v2 =	vmul.f32 v10, v6;
	v6 =	vld [tilespmem:s30+$0xFFFFFF60]  }
0x1b0: {  	v5 =	vmul.f32 v5, v11;
	v8 =	vbroadcast v9, $0x2;
	v10 =	vld [tilespmem:s30+$0xFFFFFF70];
	v0 =	vadd.f32 v4, v0  }
0x1b1: {  	v1 =	vadd.f32 v2, v1;
	v2 =	vmul.f32 v7, v11;
	v4 =	vld [tilespmem:s30+$0xFFFFFF80]  }
0x1b2: {  	v3 =	vmul.f32 v3, v8;
	v7 =	vbroadcast v9, $0x3;
	v11 =	vld [tilespmem:s30+$0xFFFFFF90];
	v0 =	vadd.f32 v5, v0  }
0x1b3: {  	v1 =	vadd.f32 v2, v1;
	v2 =	vmul.f32 v12, v8;
	v5 =	vld [tilespmem:s30+$0xFFFFFFA0]  }
0x1b4: {  	v8 =	vbroadcast v9, $0x4;
	v12 =	vld [tilespmem:s30+$0xFFFFFFB0];
	v6 =	vmul.f32 v6, v7;
	v0 =	vadd.f32 v3, v0  }
0x1b5: {  	v1 =	vadd.f32 v2, v1;
	v2 =	vmul.f32 v10, v7;
	v3 =	vld [tilespmem:s30+$0xFFFFFFC0]  }
0x1b6: {  	v7 =	vbroadcast v9, $0x5;
	v10 =	vld [tilespmem:s30+$0xFFFFFFD0];
	v4 =	vmul.f32 v4, v8;
	v0 =	vadd.f32 v6, v0  }
0x1b7: {  	v1 =	vadd.f32 v2, v1;
	v2 =	vmul.f32 v11, v8;
	v6 =	vld [tilespmem:s30+$0xFFFFFFE0]  }
0x1b8: {  	v8 =	vbroadcast v9, $0x6;
	v11 =	vld [tilespmem:s30+$0xFFFFFFF0];
	v5 =	vmul.f32 v5, v7;
	v0 =	vadd.f32 v4, v0  }
0x1b9: {  	v1 =	vadd.f32 v2, v1;
	v2 =	vmul.f32 v12, v7;
	v4 =	vld [tilespmem:s30+$0x0]  }
0x1ba: {  	v7 =	vbroadcast v9, $0x7;
	v12 =	vld [tilespmem:s30+$0x10];
	v3 =	vmul.f32 v3, v8;
	v0 =	vadd.f32 v5, v0  }
0x1bb: {  	v1 =	vadd.f32 v2, v1;
	v2 =	vmul.f32 v10, v8;
	v5 =	vld [tilespmem:s30+$0x20]  }
0x1bc: {  	v8 =	vbroadcast v9, $0x8;
	v10 =	vld [tilespmem:s30+$0x30];
	v6 =	vmul.f32 v6, v7;
	v0 =	vadd.f32 v3, v0  }
0x1bd: {  	v1 =	vadd.f32 v2, v1;
	v2 =	vmul.f32 v11, v7;
	v3 =	vld [tilespmem:s30+$0x40]  }
0x1be: {  	v7 =	vbroadcast v9, $0x9;
	v11 =	vld [tilespmem:s30+$0x50];
	v4 =	vmul.f32 v4, v8;
	v0 =	vadd.f32 v6, v0  }
0x1bf: {  	v1 =	vadd.f32 v2, v1;
	v2 =	vmul.f32 v12, v8;
	v6 =	vld [tilespmem:s30+$0x60]  }
0x1c0: {  	v8 =	vbroadcast v9, $0xA;
	v12 =	vld [tilespmem:s30+$0x70];
	v5 =	vmul.f32 v5, v7;
	v0 =	vadd.f32 v4, v0  }
0x1c1: {  	v1 =	vadd.f32 v2, v1;
	v2 =	vmul.f32 v10, v7;
	v4 =	vld [tilespmem:s30+$0x80]  }
0x1c2: {  	v7 =	vbroadcast v9, $0xB;
	v10 =	vld [tilespmem:s30+$0x90];
	v3 =	vmul.f32 v3, v8;
	v0 =	vadd.f32 v5, v0  }
0x1c3: {  	v1 =	vadd.f32 v2, v1;
	v2 =	vmul.f32 v11, v8;
	v5 =	vld [tilespmem:s30+$0xA0]  }
0x1c4: {  	v8 =	vbroadcast v9, $0xC;
	v11 =	vld [tilespmem:s30+$0xB0];
	v6 =	vmul.f32 v6, v7;
	v0 =	vadd.f32 v3, v0  }
0x1c5: {  	v1 =	vadd.f32 v2, v1;
	v2 =	vmul.f32 v12, v7;
	v3 =	vld [tilespmem:s30+$0xC0]  }
0x1c6: {  	v7 =	vbroadcast v9, $0xD;
	v12 =	vld [tilespmem:s30+$0xD0];
	v4 =	vmul.f32 v4, v8;
	v0 =	vadd.f32 v6, v0  }
0x1c7: {  	v6 =	vld [tilespmem:s30+$0xE0];
	v1 =	vadd.f32 v2, v1;
	v2 =	vmul.f32 v10, v8  }
0x1c8: {  	v8 =	vbroadcast v9, $0xE;
	v10 =	vld [tilespmem:s30+$0xF0];
	v5 =	vmul.f32 v5, v7;
	v0 =	vadd.f32 v4, v0  }
0x1c9: {  	v1 =	vadd.f32 v2, v1;
	v2 =	vmul.f32 v11, v7  }
0x1ca: {  	v4 =	vbroadcast v9, $0xF;
	v3 =	vmul.f32 v3, v8;
	v0 =	vadd.f32 v5, v0  }
0x1cb: {  	v1 =	vadd.f32 v2, v1;
	v2 =	vmul.f32 v12, v8  }
0x1cc: {  	v5 =	vmul.f32 v6, v4;
	v0 =	vadd.f32 v3, v0  }
0x1cd: {  	v1 =	vadd.f32 v2, v1;
	v2 =	vmul.f32 v10, v4  }
0x1ce: {  	v0 =	vadd.f32 v5, v0  }
0x1cf: {  	v1 =	vadd.f32 v2, v1  }
0x1d0: {  	[tilespmem:$0x5BE0] =	vst v0  }
0x1d1: {  	s31 =	simm.s32 $0x0;
	[tilespmem:$0x5BF0] =	vst v1  }
0x1d2: {  	v1 =	vld [tilespmem:s31+$0x2A94]  }
0x1d3: {  	s14 =	simm.s32 $0x4680  }
0x1d4: {  	v0 =	vld [tilespmem:s14+$0xE0]  }
0x1d5: {  	v2 =	vld [tilespmem:s14+$0xFFFFFF00]  }
0x1d6: {  	v3 =	vld [tilespmem:s14+$0xFFFFFF10]  }
0x1d7: {  	v4 =	vld [tilespmem:s14+$0xFFFFFF20];
	v1 =	vcvt.s32.f32 v1  }
0x1d8: {  	v5 =	vld [tilespmem:s14+$0xFFFFFF30]  }
0x1d9: {  	v7 =	vld [tilespmem:s14+$0xFFFFFF40];
	v6 =	vbroadcast v1, $0x0  }
0x1da: {  	v8 =	vld [tilespmem:s14+$0xFFFFFF50];
	v9 =	vbroadcast v1, $0x1  }
0x1db: {  	v10 =	vld [tilespmem:s14+$0xFFFFFF60];
	v2 =	vmul.f32 v6, v2;
	v3 =	vmul.f32 v3, v6  }
0x1dc: {  	v11 =	vimm.f32 $0.0e+00;
	v12 =	vbroadcast v1, $0x2;
	v6 =	vld [tilespmem:s14+$0xFFFFFF70];
	v4 =	vmul.f32 v4, v9  }
0x1dd: {  	v13 =	vld [tilespmem:s14+$0xFFFFFF80];
	v5 =	vmul.f32 v5, v9;
	v2 =	vadd.f32 v2, v11;
	v3 =	vadd.f32 v3, v11  }
0x1de: {  	v9 =	vld [tilespmem:s14+$0xFFFFFF90];
	v7 =	vmul.f32 v7, v12;
	v11 =	vbroadcast v1, $0x3  }
0x1df: {  	v2 =	vadd.f32 v4, v2;
	v4 =	vld [tilespmem:s14+$0xFFFFFFA0];
	v3 =	vadd.f32 v5, v3;
	v5 =	vmul.f32 v8, v12  }
0x1e0: {  	v8 =	vld [tilespmem:s14+$0xFFFFFFB0];
	v10 =	vmul.f32 v10, v11;
	v12 =	vbroadcast v1, $0x4  }
0x1e1: {  	v2 =	vadd.f32 v7, v2;
	v7 =	vld [tilespmem:s14+$0xFFFFFFC0];
	v3 =	vadd.f32 v5, v3;
	v5 =	vmul.f32 v6, v11  }
0x1e2: {  	v6 =	vld [tilespmem:s14+$0xFFFFFFD0];
	v11 =	vmul.f32 v13, v12;
	v13 =	vbroadcast v1, $0x5  }
0x1e3: {  	v2 =	vadd.f32 v10, v2;
	v10 =	vld [tilespmem:s14+$0xFFFFFFE0];
	v3 =	vadd.f32 v5, v3;
	v5 =	vmul.f32 v9, v12  }
0x1e4: {  	v9 =	vld [tilespmem:s14+$0xFFFFFFF0];
	v12 =	vbroadcast v1, $0x6;
	v4 =	vmul.f32 v4, v13  }
0x1e5: {  	v2 =	vadd.f32 v11, v2;
	v11 =	vld [tilespmem:s14+$0x0];
	v3 =	vadd.f32 v5, v3;
	v5 =	vmul.f32 v8, v13  }
0x1e6: {  	v8 =	vld [tilespmem:s14+$0x10];
	v13 =	vbroadcast v1, $0x7;
	v7 =	vmul.f32 v7, v12  }
0x1e7: {  	v2 =	vadd.f32 v4, v2;
	v4 =	vld [tilespmem:s14+$0x20];
	v3 =	vadd.f32 v5, v3;
	v5 =	vmul.f32 v6, v12  }
0x1e8: {  	v6 =	vld [tilespmem:s14+$0x30];
	v12 =	vbroadcast v1, $0x8;
	v10 =	vmul.f32 v10, v13  }
0x1e9: {  	v2 =	vadd.f32 v7, v2;
	v7 =	vld [tilespmem:s14+$0x40];
	v3 =	vadd.f32 v5, v3;
	v5 =	vmul.f32 v9, v13  }
0x1ea: {  	v9 =	vld [tilespmem:s14+$0x50];
	v13 =	vbroadcast v1, $0x9;
	v11 =	vmul.f32 v11, v12  }
0x1eb: {  	v2 =	vadd.f32 v10, v2;
	v10 =	vld [tilespmem:s14+$0x60];
	v3 =	vadd.f32 v5, v3;
	v5 =	vmul.f32 v8, v12  }
0x1ec: {  	v8 =	vld [tilespmem:s14+$0x70];
	v12 =	vbroadcast v1, $0xA;
	v4 =	vmul.f32 v4, v13  }
0x1ed: {  	v14 =	vld [tilespmem:s14+$0x80];
	v11 =	vadd.f32 v11, v2;
	v3 =	vadd.f32 v5, v3;
	v5 =	vmul.f32 v6, v13  }
0x1ee: {  	v15 =	vbroadcast v1, $0xB;
	v2 =	vld [tilespmem:s14+$0x90];
	v13 =	vmul.f32 v7, v12  }
0x1ef: {  	v6 =	vld [tilespmem:s14+$0xA0];
	v16 =	vmul.f32 v9, v12;
	v4 =	vadd.f32 v4, v11;
	v5 =	vadd.f32 v5, v3  }
0x1f0: {  	v7 =	vbroadcast v1, $0xC;
	v3 =	vld [tilespmem:s14+$0xB0];
	v9 =	vmul.f32 v10, v15  }
0x1f1: {  	v12 =	vmul.f32 v8, v15;
	v11 =	vadd.f32 v13, v4;
	v4 =	vld [tilespmem:s14+$0xC0];
	v13 =	vadd.f32 v16, v5  }
0x1f2: {  	s16 =	simm.s32 $0x10;
	s15 =	simm.s32 $0x80;
	v10 =	vmul.f32 v14, v7;
	v8 =	vbroadcast v1, $0xD;
	v5 =	vld [tilespmem:s14+$0xD0]  }
.LBB2_11:
0x1f3: {  	p0 =	sne.s32 s15, $0x280;
	v14 =	vld [tilespmem:s16+$0x2A94];
	v9 =	vadd.f32 v9, v11;
	v11 =	vadd.f32 v12, v13;
	v2 =	vmul.f32 v2, v7  }
0x1f4: {  	v7 =	vbroadcast v1, $0xE;
	v6 =	vmul.f32 v6, v8;
	v12 =	vld [tilespmem:s14+$0xF0];
	s14 =	sadd.s32 $0x200, s14  }
0x1f5: {  	v13 =	vld [tilespmem:s14+$0xE0];
	v9 =	vadd.f32 v10, v9;
	v2 =	vadd.f32 v2, v11;
	v3 =	vmul.f32 v3, v8  }
0x1f6: {  	v10 =	vbroadcast v1, $0xF;
	v8 =	vld [tilespmem:s14+$0xFFFFFF00];
	v4 =	vmul.f32 v4, v7  }
0x1f7: {  	v11 =	vld [tilespmem:s14+$0xFFFFFF10];
	v6 =	vadd.f32 v6, v9;
	v2 =	vadd.f32 v3, v2;
	v3 =	vmul.f32 v5, v7  }
0x1f8: {  	v7 =	vmul.f32 v0, v10;
	v1 =	vcvt.s32.f32 v14;
	v5 =	vld [tilespmem:s14+$0xFFFFFF20]  }
0x1f9: {  	v9 =	vld [tilespmem:s14+$0xFFFFFF30];
	v4 =	vadd.f32 v4, v6;
	v2 =	vadd.f32 v3, v2;
	v3 =	vmul.f32 v12, v10  }
0x1fa: {  	v6 =	vbroadcast v1, $0x0;
	v10 =	vld [tilespmem:s14+$0xFFFFFF40];
	v0 =	vmov v13  }
0x1fb: {  	v12 =	vbroadcast v1, $0x1;
	v13 =	vld [tilespmem:s14+$0xFFFFFF50];
	v4 =	vadd.f32 v7, v4;
	v2 =	vadd.f32 v3, v2  }
0x1fc: {  	v3 =	vmul.f32 v6, v8;
	v6 =	vmul.f32 v11, v6;
	v7 =	vld [tilespmem:s14+$0xFFFFFF60]  }
0x1fd: {  	v8 =	vbroadcast v1, $0x2;
	v5 =	vmul.f32 v5, v12;
	v11 =	vld [tilespmem:s14+$0xFFFFFF70]  }
0x1fe: {  	v3 =	vadd.f32 v3, v4;
	v2 =	vadd.f32 v6, v2;
	v4 =	vmul.f32 v9, v12;
	v6 =	vld [tilespmem:s14+$0xFFFFFF80]  }
0x1ff: {  	v9 =	vmul.f32 v10, v8;
	v10 =	vbroadcast v1, $0x3;
	v12 =	vld [tilespmem:s14+$0xFFFFFF90]  }
0x200: {  	v3 =	vadd.f32 v5, v3;
	v2 =	vadd.f32 v4, v2;
	v4 =	vmul.f32 v13, v8;
	v5 =	vld [tilespmem:s14+$0xFFFFFFA0]  }
0x201: {  	v8 =	vbroadcast v1, $0x4;
	v7 =	vmul.f32 v7, v10;
	v13 =	vld [tilespmem:s14+$0xFFFFFFB0]  }
0x202: {  	v3 =	vadd.f32 v9, v3;
	v2 =	vadd.f32 v4, v2;
	v4 =	vmul.f32 v11, v10;
	v9 =	vld [tilespmem:s14+$0xFFFFFFC0]  }
0x203: {  	v10 =	vbroadcast v1, $0x5;
	v6 =	vmul.f32 v6, v8;
	v11 =	vld [tilespmem:s14+$0xFFFFFFD0]  }
0x204: {  	v3 =	vadd.f32 v7, v3;
	v2 =	vadd.f32 v4, v2;
	v4 =	vmul.f32 v12, v8;
	v7 =	vld [tilespmem:s14+$0xFFFFFFE0]  }
0x205: {  	v8 =	vbroadcast v1, $0x6;
	v5 =	vmul.f32 v5, v10;
	v12 =	vld [tilespmem:s14+$0xFFFFFFF0]  }
0x206: {  	v3 =	vadd.f32 v6, v3;
	v2 =	vadd.f32 v4, v2;
	v4 =	vmul.f32 v13, v10;
	v6 =	vld [tilespmem:s14+$0x0]  }
0x207: {  	v10 =	vbroadcast v1, $0x7;
	v9 =	vmul.f32 v9, v8;
	v13 =	vld [tilespmem:s14+$0x10]  }
0x208: {  	v3 =	vadd.f32 v5, v3;
	v2 =	vadd.f32 v4, v2;
	v4 =	vmul.f32 v11, v8;
	v5 =	vld [tilespmem:s14+$0x20]  }
0x209: {  	v8 =	vbroadcast v1, $0x8;
	v7 =	vmul.f32 v7, v10;
	v11 =	vld [tilespmem:s14+$0x30]  }
0x20a: {  	v3 =	vadd.f32 v9, v3;
	v2 =	vadd.f32 v4, v2;
	v4 =	vmul.f32 v12, v10;
	v9 =	vld [tilespmem:s14+$0x40]  }
0x20b: {  	v10 =	vbroadcast v1, $0x9;
	v6 =	vmul.f32 v6, v8;
	v12 =	vld [tilespmem:s14+$0x50]  }
0x20c: {  	v3 =	vadd.f32 v7, v3;
	v2 =	vadd.f32 v4, v2;
	v4 =	vmul.f32 v13, v8;
	v7 =	vld [tilespmem:s14+$0x60]  }
0x20d: {  	v8 =	vbroadcast v1, $0xA;
	v5 =	vmul.f32 v5, v10;
	v14 =	vld [tilespmem:s14+$0x70]  }
0x20e: {  	v3 =	vadd.f32 v6, v3;
	v4 =	vadd.f32 v4, v2;
	v6 =	vmul.f32 v11, v10;
	v10 =	vld [tilespmem:s14+$0x80]  }
.Ltmp4:
0x20f: {  	v15 =	vbroadcast v1, $0xB;
	v11 =	vmul.f32 v9, v8;
	v2 =	vld [tilespmem:s14+$0x90];
	(pc) =	sbr.rel @p0 .LBB2_11-.Ltmp4, $4  }
0x210: {  	v5 =	vadd.f32 v5, v3;
	v4 =	vadd.f32 v6, v4;
	v8 =	vmul.f32 v12, v8;
	v6 =	vld [tilespmem:s14+$0xA0]  }
0x211: {  	v9 =	vmul.f32 v7, v15;
	v7 =	vbroadcast v1, $0xC;
	v3 =	vld [tilespmem:s14+$0xB0]  }
0x212: {  	v11 =	vadd.f32 v11, v5;
	v13 =	vadd.f32 v8, v4;
	v12 =	vmul.f32 v14, v15;
	v4 =	vld [tilespmem:s14+$0xC0]  }
0x213: {  	s16 =	sshra.s32 s15, $0x2;
	s15 =	sadd.s32 $0x40, s15;
	v8 =	vbroadcast v1, $0xD;
	v10 =	vmul.f32 v10, v7;
	v5 =	vld [tilespmem:s14+$0xD0]  }
0x214: {  	v14 =	vld [tilespmem:s16+$0x2A94]  }
0x215: {  	v9 =	vadd.f32 v9, v11  }
0x216: {  	v11 =	vadd.f32 v12, v13;
	v2 =	vmul.f32 v2, v7  }
0x217: {  	v7 =	vbroadcast v1, $0xE;
	v12 =	vld [tilespmem:s14+$0xF0];
	s30 =	sadd.s32 $0x200, s14;
	v6 =	vmul.f32 v6, v8;
	v9 =	vadd.f32 v10, v9  }
0x218: {  	v1 =	vbroadcast v1, $0xF;
	v2 =	vadd.f32 v2, v11;
	v3 =	vmul.f32 v3, v8;
	v8 =	vld [tilespmem:s30+$0xFFFFFF00]  }
0x219: {  	v10 =	vld [tilespmem:s30+$0xFFFFFF10];
	v4 =	vmul.f32 v4, v7;
	v6 =	vadd.f32 v6, v9;
	v9 =	vcvt.s32.f32 v14  }
0x21a: {  	v2 =	vadd.f32 v3, v2;
	v3 =	vmul.f32 v5, v7;
	v5 =	vld [tilespmem:s30+$0xFFFFFF20]  }
0x21b: {  	v0 =	vmul.f32 v0, v1;
	v7 =	vld [tilespmem:s30+$0xFFFFFF30];
	v4 =	vadd.f32 v4, v6;
	v6 =	vbroadcast v9, $0x0  }
0x21c: {  	v1 =	vmul.f32 v12, v1;
	v2 =	vadd.f32 v3, v2;
	v3 =	vld [tilespmem:s30+$0xFFFFFF40]  }
0x21d: {  	v12 =	vld [tilespmem:s30+$0xFFFFFF50];
	v11 =	vbroadcast v9, $0x1;
	v0 =	vadd.f32 v0, v4;
	v4 =	vmul.f32 v6, v8  }
0x21e: {  	v1 =	vadd.f32 v1, v2;
	v2 =	vmul.f32 v10, v6;
	v6 =	vld [tilespmem:s30+$0xFFFFFF60]  }
0x21f: {  	v5 =	vmul.f32 v5, v11;
	v8 =	vbroadcast v9, $0x2;
	v10 =	vld [tilespmem:s30+$0xFFFFFF70];
	v0 =	vadd.f32 v4, v0  }
0x220: {  	v1 =	vadd.f32 v2, v1;
	v2 =	vmul.f32 v7, v11;
	v4 =	vld [tilespmem:s30+$0xFFFFFF80]  }
0x221: {  	v3 =	vmul.f32 v3, v8;
	v7 =	vbroadcast v9, $0x3;
	v11 =	vld [tilespmem:s30+$0xFFFFFF90];
	v0 =	vadd.f32 v5, v0  }
0x222: {  	v1 =	vadd.f32 v2, v1;
	v2 =	vmul.f32 v12, v8;
	v5 =	vld [tilespmem:s30+$0xFFFFFFA0]  }
0x223: {  	v8 =	vbroadcast v9, $0x4;
	v12 =	vld [tilespmem:s30+$0xFFFFFFB0];
	v6 =	vmul.f32 v6, v7;
	v0 =	vadd.f32 v3, v0  }
0x224: {  	v1 =	vadd.f32 v2, v1;
	v2 =	vmul.f32 v10, v7;
	v3 =	vld [tilespmem:s30+$0xFFFFFFC0]  }
0x225: {  	v7 =	vbroadcast v9, $0x5;
	v10 =	vld [tilespmem:s30+$0xFFFFFFD0];
	v4 =	vmul.f32 v4, v8;
	v0 =	vadd.f32 v6, v0  }
0x226: {  	v1 =	vadd.f32 v2, v1;
	v2 =	vmul.f32 v11, v8;
	v6 =	vld [tilespmem:s30+$0xFFFFFFE0]  }
0x227: {  	v8 =	vbroadcast v9, $0x6;
	v11 =	vld [tilespmem:s30+$0xFFFFFFF0];
	v5 =	vmul.f32 v5, v7;
	v0 =	vadd.f32 v4, v0  }
0x228: {  	v1 =	vadd.f32 v2, v1;
	v2 =	vmul.f32 v12, v7;
	v4 =	vld [tilespmem:s30+$0x0]  }
0x229: {  	v7 =	vbroadcast v9, $0x7;
	v12 =	vld [tilespmem:s30+$0x10];
	v3 =	vmul.f32 v3, v8;
	v0 =	vadd.f32 v5, v0  }
0x22a: {  	v1 =	vadd.f32 v2, v1;
	v2 =	vmul.f32 v10, v8;
	v5 =	vld [tilespmem:s30+$0x20]  }
0x22b: {  	v8 =	vbroadcast v9, $0x8;
	v10 =	vld [tilespmem:s30+$0x30];
	v6 =	vmul.f32 v6, v7;
	v0 =	vadd.f32 v3, v0  }
0x22c: {  	v1 =	vadd.f32 v2, v1;
	v2 =	vmul.f32 v11, v7;
	v3 =	vld [tilespmem:s30+$0x40]  }
0x22d: {  	v7 =	vbroadcast v9, $0x9;
	v11 =	vld [tilespmem:s30+$0x50];
	v4 =	vmul.f32 v4, v8;
	v0 =	vadd.f32 v6, v0  }
0x22e: {  	v1 =	vadd.f32 v2, v1;
	v2 =	vmul.f32 v12, v8;
	v6 =	vld [tilespmem:s30+$0x60]  }
0x22f: {  	v8 =	vbroadcast v9, $0xA;
	v12 =	vld [tilespmem:s30+$0x70];
	v5 =	vmul.f32 v5, v7;
	v0 =	vadd.f32 v4, v0  }
0x230: {  	v1 =	vadd.f32 v2, v1;
	v2 =	vmul.f32 v10, v7;
	v4 =	vld [tilespmem:s30+$0x80]  }
0x231: {  	v7 =	vbroadcast v9, $0xB;
	v10 =	vld [tilespmem:s30+$0x90];
	v3 =	vmul.f32 v3, v8;
	v0 =	vadd.f32 v5, v0  }
0x232: {  	v1 =	vadd.f32 v2, v1;
	v2 =	vmul.f32 v11, v8;
	v5 =	vld [tilespmem:s30+$0xA0]  }
0x233: {  	v8 =	vbroadcast v9, $0xC;
	v11 =	vld [tilespmem:s30+$0xB0];
	v6 =	vmul.f32 v6, v7;
	v0 =	vadd.f32 v3, v0  }
0x234: {  	v1 =	vadd.f32 v2, v1;
	v2 =	vmul.f32 v12, v7;
	v3 =	vld [tilespmem:s30+$0xC0]  }
0x235: {  	v7 =	vbroadcast v9, $0xD;
	v12 =	vld [tilespmem:s30+$0xD0];
	v4 =	vmul.f32 v4, v8;
	v0 =	vadd.f32 v6, v0  }
0x236: {  	v6 =	vld [tilespmem:s30+$0xE0];
	v1 =	vadd.f32 v2, v1;
	v2 =	vmul.f32 v10, v8  }
0x237: {  	v8 =	vbroadcast v9, $0xE;
	v10 =	vld [tilespmem:s30+$0xF0];
	v5 =	vmul.f32 v5, v7;
	v0 =	vadd.f32 v4, v0  }
0x238: {  	v1 =	vadd.f32 v2, v1;
	v2 =	vmul.f32 v11, v7  }
0x239: {  	v4 =	vbroadcast v9, $0xF;
	v3 =	vmul.f32 v3, v8;
	v0 =	vadd.f32 v5, v0  }
0x23a: {  	v1 =	vadd.f32 v2, v1;
	v2 =	vmul.f32 v12, v8  }
0x23b: {  	v5 =	vmul.f32 v6, v4;
	v0 =	vadd.f32 v3, v0  }
0x23c: {  	v1 =	vadd.f32 v2, v1;
	v2 =	vmul.f32 v10, v4  }
0x23d: {  	v0 =	vadd.f32 v5, v0  }
0x23e: {  	v1 =	vadd.f32 v2, v1  }
0x23f: {  	[tilespmem:$0x5C00] =	vst v0  }
0x240: {  	s31 =	simm.s32 $0x0;
	[tilespmem:$0x5C10] =	vst v1  }
0x241: {  	v1 =	vld [tilespmem:s31+$0x3339]  }
0x242: {  	s14 =	simm.s32 $0x4680  }
0x243: {  	v0 =	vld [tilespmem:s14+$0xE0]  }
0x244: {  	v2 =	vld [tilespmem:s14+$0xFFFFFF00]  }
0x245: {  	v3 =	vld [tilespmem:s14+$0xFFFFFF10]  }
0x246: {  	v4 =	vld [tilespmem:s14+$0xFFFFFF20];
	v1 =	vcvt.s32.f32 v1  }
0x247: {  	v5 =	vld [tilespmem:s14+$0xFFFFFF30]  }
0x248: {  	v7 =	vld [tilespmem:s14+$0xFFFFFF40];
	v6 =	vbroadcast v1, $0x0  }
0x249: {  	v8 =	vld [tilespmem:s14+$0xFFFFFF50];
	v9 =	vbroadcast v1, $0x1  }
0x24a: {  	v10 =	vld [tilespmem:s14+$0xFFFFFF60];
	v2 =	vmul.f32 v6, v2;
	v3 =	vmul.f32 v3, v6  }
0x24b: {  	v11 =	vimm.f32 $0.0e+00;
	v12 =	vbroadcast v1, $0x2;
	v6 =	vld [tilespmem:s14+$0xFFFFFF70];
	v4 =	vmul.f32 v4, v9  }
0x24c: {  	v13 =	vld [tilespmem:s14+$0xFFFFFF80];
	v5 =	vmul.f32 v5, v9;
	v2 =	vadd.f32 v2, v11;
	v3 =	vadd.f32 v3, v11  }
0x24d: {  	v9 =	vld [tilespmem:s14+$0xFFFFFF90];
	v7 =	vmul.f32 v7, v12;
	v11 =	vbroadcast v1, $0x3  }
0x24e: {  	v2 =	vadd.f32 v4, v2;
	v4 =	vld [tilespmem:s14+$0xFFFFFFA0];
	v3 =	vadd.f32 v5, v3;
	v5 =	vmul.f32 v8, v12  }
0x24f: {  	v8 =	vld [tilespmem:s14+$0xFFFFFFB0];
	v10 =	vmul.f32 v10, v11;
	v12 =	vbroadcast v1, $0x4  }
0x250: {  	v2 =	vadd.f32 v7, v2;
	v7 =	vld [tilespmem:s14+$0xFFFFFFC0];
	v3 =	vadd.f32 v5, v3;
	v5 =	vmul.f32 v6, v11  }
0x251: {  	v6 =	vld [tilespmem:s14+$0xFFFFFFD0];
	v11 =	vmul.f32 v13, v12;
	v13 =	vbroadcast v1, $0x5  }
0x252: {  	v2 =	vadd.f32 v10, v2;
	v10 =	vld [tilespmem:s14+$0xFFFFFFE0];
	v3 =	vadd.f32 v5, v3;
	v5 =	vmul.f32 v9, v12  }
0x253: {  	v9 =	vld [tilespmem:s14+$0xFFFFFFF0];
	v12 =	vbroadcast v1, $0x6;
	v4 =	vmul.f32 v4, v13  }
0x254: {  	v2 =	vadd.f32 v11, v2;
	v11 =	vld [tilespmem:s14+$0x0];
	v3 =	vadd.f32 v5, v3;
	v5 =	vmul.f32 v8, v13  }
0x255: {  	v8 =	vld [tilespmem:s14+$0x10];
	v13 =	vbroadcast v1, $0x7;
	v7 =	vmul.f32 v7, v12  }
0x256: {  	v2 =	vadd.f32 v4, v2;
	v4 =	vld [tilespmem:s14+$0x20];
	v3 =	vadd.f32 v5, v3;
	v5 =	vmul.f32 v6, v12  }
0x257: {  	v6 =	vld [tilespmem:s14+$0x30];
	v12 =	vbroadcast v1, $0x8;
	v10 =	vmul.f32 v10, v13  }
0x258: {  	v2 =	vadd.f32 v7, v2;
	v7 =	vld [tilespmem:s14+$0x40];
	v3 =	vadd.f32 v5, v3;
	v5 =	vmul.f32 v9, v13  }
0x259: {  	v9 =	vld [tilespmem:s14+$0x50];
	v13 =	vbroadcast v1, $0x9;
	v11 =	vmul.f32 v11, v12  }
0x25a: {  	v2 =	vadd.f32 v10, v2;
	v10 =	vld [tilespmem:s14+$0x60];
	v3 =	vadd.f32 v5, v3;
	v5 =	vmul.f32 v8, v12  }
0x25b: {  	v8 =	vld [tilespmem:s14+$0x70];
	v12 =	vbroadcast v1, $0xA;
	v4 =	vmul.f32 v4, v13  }
0x25c: {  	v14 =	vld [tilespmem:s14+$0x80];
	v11 =	vadd.f32 v11, v2;
	v3 =	vadd.f32 v5, v3;
	v5 =	vmul.f32 v6, v13  }
0x25d: {  	v15 =	vbroadcast v1, $0xB;
	v2 =	vld [tilespmem:s14+$0x90];
	v13 =	vmul.f32 v7, v12  }
0x25e: {  	v6 =	vld [tilespmem:s14+$0xA0];
	v16 =	vmul.f32 v9, v12;
	v4 =	vadd.f32 v4, v11;
	v5 =	vadd.f32 v5, v3  }
0x25f: {  	v7 =	vbroadcast v1, $0xC;
	v3 =	vld [tilespmem:s14+$0xB0];
	v9 =	vmul.f32 v10, v15  }
0x260: {  	v12 =	vmul.f32 v8, v15;
	v11 =	vadd.f32 v13, v4;
	v4 =	vld [tilespmem:s14+$0xC0];
	v13 =	vadd.f32 v16, v5  }
0x261: {  	s16 =	simm.s32 $0x10;
	s15 =	simm.s32 $0x80;
	v10 =	vmul.f32 v14, v7;
	v8 =	vbroadcast v1, $0xD;
	v5 =	vld [tilespmem:s14+$0xD0]  }
.LBB2_13:
0x262: {  	p0 =	sne.s32 s15, $0x280;
	v14 =	vld [tilespmem:s16+$0x3339];
	v9 =	vadd.f32 v9, v11;
	v11 =	vadd.f32 v12, v13;
	v2 =	vmul.f32 v2, v7  }
0x263: {  	v7 =	vbroadcast v1, $0xE;
	v6 =	vmul.f32 v6, v8;
	v12 =	vld [tilespmem:s14+$0xF0];
	s14 =	sadd.s32 $0x200, s14  }
0x264: {  	v13 =	vld [tilespmem:s14+$0xE0];
	v9 =	vadd.f32 v10, v9;
	v2 =	vadd.f32 v2, v11;
	v3 =	vmul.f32 v3, v8  }
0x265: {  	v10 =	vbroadcast v1, $0xF;
	v8 =	vld [tilespmem:s14+$0xFFFFFF00];
	v4 =	vmul.f32 v4, v7  }
0x266: {  	v11 =	vld [tilespmem:s14+$0xFFFFFF10];
	v6 =	vadd.f32 v6, v9;
	v2 =	vadd.f32 v3, v2;
	v3 =	vmul.f32 v5, v7  }
0x267: {  	v7 =	vmul.f32 v0, v10;
	v1 =	vcvt.s32.f32 v14;
	v5 =	vld [tilespmem:s14+$0xFFFFFF20]  }
0x268: {  	v9 =	vld [tilespmem:s14+$0xFFFFFF30];
	v4 =	vadd.f32 v4, v6;
	v2 =	vadd.f32 v3, v2;
	v3 =	vmul.f32 v12, v10  }
0x269: {  	v6 =	vbroadcast v1, $0x0;
	v10 =	vld [tilespmem:s14+$0xFFFFFF40];
	v0 =	vmov v13  }
0x26a: {  	v12 =	vbroadcast v1, $0x1;
	v13 =	vld [tilespmem:s14+$0xFFFFFF50];
	v4 =	vadd.f32 v7, v4;
	v2 =	vadd.f32 v3, v2  }
0x26b: {  	v3 =	vmul.f32 v6, v8;
	v6 =	vmul.f32 v11, v6;
	v7 =	vld [tilespmem:s14+$0xFFFFFF60]  }
0x26c: {  	v8 =	vbroadcast v1, $0x2;
	v5 =	vmul.f32 v5, v12;
	v11 =	vld [tilespmem:s14+$0xFFFFFF70]  }
0x26d: {  	v3 =	vadd.f32 v3, v4;
	v2 =	vadd.f32 v6, v2;
	v4 =	vmul.f32 v9, v12;
	v6 =	vld [tilespmem:s14+$0xFFFFFF80]  }
0x26e: {  	v9 =	vmul.f32 v10, v8;
	v10 =	vbroadcast v1, $0x3;
	v12 =	vld [tilespmem:s14+$0xFFFFFF90]  }
0x26f: {  	v3 =	vadd.f32 v5, v3;
	v2 =	vadd.f32 v4, v2;
	v4 =	vmul.f32 v13, v8;
	v5 =	vld [tilespmem:s14+$0xFFFFFFA0]  }
0x270: {  	v8 =	vbroadcast v1, $0x4;
	v7 =	vmul.f32 v7, v10;
	v13 =	vld [tilespmem:s14+$0xFFFFFFB0]  }
0x271: {  	v3 =	vadd.f32 v9, v3;
	v2 =	vadd.f32 v4, v2;
	v4 =	vmul.f32 v11, v10;
	v9 =	vld [tilespmem:s14+$0xFFFFFFC0]  }
0x272: {  	v10 =	vbroadcast v1, $0x5;
	v6 =	vmul.f32 v6, v8;
	v11 =	vld [tilespmem:s14+$0xFFFFFFD0]  }
0x273: {  	v3 =	vadd.f32 v7, v3;
	v2 =	vadd.f32 v4, v2;
	v4 =	vmul.f32 v12, v8;
	v7 =	vld [tilespmem:s14+$0xFFFFFFE0]  }
0x274: {  	v8 =	vbroadcast v1, $0x6;
	v5 =	vmul.f32 v5, v10;
	v12 =	vld [tilespmem:s14+$0xFFFFFFF0]  }
0x275: {  	v3 =	vadd.f32 v6, v3;
	v2 =	vadd.f32 v4, v2;
	v4 =	vmul.f32 v13, v10;
	v6 =	vld [tilespmem:s14+$0x0]  }
0x276: {  	v10 =	vbroadcast v1, $0x7;
	v9 =	vmul.f32 v9, v8;
	v13 =	vld [tilespmem:s14+$0x10]  }
0x277: {  	v3 =	vadd.f32 v5, v3;
	v2 =	vadd.f32 v4, v2;
	v4 =	vmul.f32 v11, v8;
	v5 =	vld [tilespmem:s14+$0x20]  }
0x278: {  	v8 =	vbroadcast v1, $0x8;
	v7 =	vmul.f32 v7, v10;
	v11 =	vld [tilespmem:s14+$0x30]  }
0x279: {  	v3 =	vadd.f32 v9, v3;
	v2 =	vadd.f32 v4, v2;
	v4 =	vmul.f32 v12, v10;
	v9 =	vld [tilespmem:s14+$0x40]  }
0x27a: {  	v10 =	vbroadcast v1, $0x9;
	v6 =	vmul.f32 v6, v8;
	v12 =	vld [tilespmem:s14+$0x50]  }
0x27b: {  	v3 =	vadd.f32 v7, v3;
	v2 =	vadd.f32 v4, v2;
	v4 =	vmul.f32 v13, v8;
	v7 =	vld [tilespmem:s14+$0x60]  }
0x27c: {  	v8 =	vbroadcast v1, $0xA;
	v5 =	vmul.f32 v5, v10;
	v14 =	vld [tilespmem:s14+$0x70]  }
0x27d: {  	v3 =	vadd.f32 v6, v3;
	v4 =	vadd.f32 v4, v2;
	v6 =	vmul.f32 v11, v10;
	v10 =	vld [tilespmem:s14+$0x80]  }
.Ltmp5:
0x27e: {  	v15 =	vbroadcast v1, $0xB;
	v11 =	vmul.f32 v9, v8;
	v2 =	vld [tilespmem:s14+$0x90];
	(pc) =	sbr.rel @p0 .LBB2_13-.Ltmp5, $4  }
0x27f: {  	v5 =	vadd.f32 v5, v3;
	v4 =	vadd.f32 v6, v4;
	v8 =	vmul.f32 v12, v8;
	v6 =	vld [tilespmem:s14+$0xA0]  }
0x280: {  	v9 =	vmul.f32 v7, v15;
	v7 =	vbroadcast v1, $0xC;
	v3 =	vld [tilespmem:s14+$0xB0]  }
0x281: {  	v11 =	vadd.f32 v11, v5;
	v13 =	vadd.f32 v8, v4;
	v12 =	vmul.f32 v14, v15;
	v4 =	vld [tilespmem:s14+$0xC0]  }
0x282: {  	s16 =	sshra.s32 s15, $0x2;
	s15 =	sadd.s32 $0x40, s15;
	v8 =	vbroadcast v1, $0xD;
	v10 =	vmul.f32 v10, v7;
	v5 =	vld [tilespmem:s14+$0xD0]  }
0x283: {  	v14 =	vld [tilespmem:s16+$0x3339]  }
0x284: {  	v9 =	vadd.f32 v9, v11  }
0x285: {  	v11 =	vadd.f32 v12, v13;
	v2 =	vmul.f32 v2, v7  }
0x286: {  	v7 =	vbroadcast v1, $0xE;
	v12 =	vld [tilespmem:s14+$0xF0];
	s30 =	sadd.s32 $0x200, s14;
	v6 =	vmul.f32 v6, v8;
	v9 =	vadd.f32 v10, v9  }
0x287: {  	v1 =	vbroadcast v1, $0xF;
	v2 =	vadd.f32 v2, v11;
	v3 =	vmul.f32 v3, v8;
	v8 =	vld [tilespmem:s30+$0xFFFFFF00]  }
0x288: {  	v10 =	vld [tilespmem:s30+$0xFFFFFF10];
	v4 =	vmul.f32 v4, v7;
	v6 =	vadd.f32 v6, v9;
	v9 =	vcvt.s32.f32 v14  }
0x289: {  	v2 =	vadd.f32 v3, v2;
	v3 =	vmul.f32 v5, v7;
	v5 =	vld [tilespmem:s30+$0xFFFFFF20]  }
0x28a: {  	v0 =	vmul.f32 v0, v1;
	v7 =	vld [tilespmem:s30+$0xFFFFFF30];
	v4 =	vadd.f32 v4, v6;
	v6 =	vbroadcast v9, $0x0  }
0x28b: {  	v1 =	vmul.f32 v12, v1;
	v2 =	vadd.f32 v3, v2;
	v3 =	vld [tilespmem:s30+$0xFFFFFF40]  }
0x28c: {  	v12 =	vld [tilespmem:s30+$0xFFFFFF50];
	v11 =	vbroadcast v9, $0x1;
	v0 =	vadd.f32 v0, v4;
	v4 =	vmul.f32 v6, v8  }
0x28d: {  	v1 =	vadd.f32 v1, v2;
	v2 =	vmul.f32 v10, v6;
	v6 =	vld [tilespmem:s30+$0xFFFFFF60]  }
0x28e: {  	v5 =	vmul.f32 v5, v11;
	v8 =	vbroadcast v9, $0x2;
	v10 =	vld [tilespmem:s30+$0xFFFFFF70];
	v0 =	vadd.f32 v4, v0  }
0x28f: {  	v1 =	vadd.f32 v2, v1;
	v2 =	vmul.f32 v7, v11;
	v4 =	vld [tilespmem:s30+$0xFFFFFF80]  }
0x290: {  	v3 =	vmul.f32 v3, v8;
	v7 =	vbroadcast v9, $0x3;
	v11 =	vld [tilespmem:s30+$0xFFFFFF90];
	v0 =	vadd.f32 v5, v0  }
0x291: {  	v1 =	vadd.f32 v2, v1;
	v2 =	vmul.f32 v12, v8;
	v5 =	vld [tilespmem:s30+$0xFFFFFFA0]  }
0x292: {  	v8 =	vbroadcast v9, $0x4;
	v12 =	vld [tilespmem:s30+$0xFFFFFFB0];
	v6 =	vmul.f32 v6, v7;
	v0 =	vadd.f32 v3, v0  }
0x293: {  	v1 =	vadd.f32 v2, v1;
	v2 =	vmul.f32 v10, v7;
	v3 =	vld [tilespmem:s30+$0xFFFFFFC0]  }
0x294: {  	v7 =	vbroadcast v9, $0x5;
	v10 =	vld [tilespmem:s30+$0xFFFFFFD0];
	v4 =	vmul.f32 v4, v8;
	v0 =	vadd.f32 v6, v0  }
0x295: {  	v1 =	vadd.f32 v2, v1;
	v2 =	vmul.f32 v11, v8;
	v6 =	vld [tilespmem:s30+$0xFFFFFFE0]  }
0x296: {  	v8 =	vbroadcast v9, $0x6;
	v11 =	vld [tilespmem:s30+$0xFFFFFFF0];
	v5 =	vmul.f32 v5, v7;
	v0 =	vadd.f32 v4, v0  }
0x297: {  	v1 =	vadd.f32 v2, v1;
	v2 =	vmul.f32 v12, v7;
	v4 =	vld [tilespmem:s30+$0x0]  }
0x298: {  	v7 =	vbroadcast v9, $0x7;
	v12 =	vld [tilespmem:s30+$0x10];
	v3 =	vmul.f32 v3, v8;
	v0 =	vadd.f32 v5, v0  }
0x299: {  	v1 =	vadd.f32 v2, v1;
	v2 =	vmul.f32 v10, v8;
	v5 =	vld [tilespmem:s30+$0x20]  }
0x29a: {  	v8 =	vbroadcast v9, $0x8;
	v10 =	vld [tilespmem:s30+$0x30];
	v6 =	vmul.f32 v6, v7;
	v0 =	vadd.f32 v3, v0  }
0x29b: {  	v1 =	vadd.f32 v2, v1;
	v2 =	vmul.f32 v11, v7;
	v3 =	vld [tilespmem:s30+$0x40]  }
0x29c: {  	v7 =	vbroadcast v9, $0x9;
	v11 =	vld [tilespmem:s30+$0x50];
	v4 =	vmul.f32 v4, v8;
	v0 =	vadd.f32 v6, v0  }
0x29d: {  	v1 =	vadd.f32 v2, v1;
	v2 =	vmul.f32 v12, v8;
	v6 =	vld [tilespmem:s30+$0x60]  }
0x29e: {  	v8 =	vbroadcast v9, $0xA;
	v12 =	vld [tilespmem:s30+$0x70];
	v5 =	vmul.f32 v5, v7;
	v0 =	vadd.f32 v4, v0  }
0x29f: {  	v1 =	vadd.f32 v2, v1;
	v2 =	vmul.f32 v10, v7;
	v4 =	vld [tilespmem:s30+$0x80]  }
0x2a0: {  	v7 =	vbroadcast v9, $0xB;
	v10 =	vld [tilespmem:s30+$0x90];
	v3 =	vmul.f32 v3, v8;
	v0 =	vadd.f32 v5, v0  }
0x2a1: {  	v1 =	vadd.f32 v2, v1;
	v2 =	vmul.f32 v11, v8;
	v5 =	vld [tilespmem:s30+$0xA0]  }
0x2a2: {  	v8 =	vbroadcast v9, $0xC;
	v11 =	vld [tilespmem:s30+$0xB0];
	v6 =	vmul.f32 v6, v7;
	v0 =	vadd.f32 v3, v0  }
0x2a3: {  	v1 =	vadd.f32 v2, v1;
	v2 =	vmul.f32 v12, v7;
	v3 =	vld [tilespmem:s30+$0xC0]  }
0x2a4: {  	v7 =	vbroadcast v9, $0xD;
	v12 =	vld [tilespmem:s30+$0xD0];
	v4 =	vmul.f32 v4, v8;
	v0 =	vadd.f32 v6, v0  }
0x2a5: {  	v6 =	vld [tilespmem:s30+$0xE0];
	v1 =	vadd.f32 v2, v1;
	v2 =	vmul.f32 v10, v8  }
0x2a6: {  	v8 =	vbroadcast v9, $0xE;
	v10 =	vld [tilespmem:s30+$0xF0];
	v5 =	vmul.f32 v5, v7;
	v0 =	vadd.f32 v4, v0  }
0x2a7: {  	v1 =	vadd.f32 v2, v1;
	v2 =	vmul.f32 v11, v7  }
0x2a8: {  	v4 =	vbroadcast v9, $0xF;
	v3 =	vmul.f32 v3, v8;
	v0 =	vadd.f32 v5, v0  }
0x2a9: {  	v1 =	vadd.f32 v2, v1;
	v2 =	vmul.f32 v12, v8  }
0x2aa: {  	v5 =	vmul.f32 v6, v4;
	v0 =	vadd.f32 v3, v0  }
0x2ab: {  	v1 =	vadd.f32 v2, v1;
	v2 =	vmul.f32 v10, v4  }
0x2ac: {  	v0 =	vadd.f32 v5, v0  }
0x2ad: {  	v1 =	vadd.f32 v2, v1  }
0x2ae: {  	[tilespmem:$0x5C20] =	vst v0  }
0x2af: {  	s31 =	simm.s32 $0x0;
	[tilespmem:$0x5C30] =	vst v1  }
0x2b0: {  	v1 =	vld [tilespmem:s31+$0x3BDE]  }
0x2b1: {  	s14 =	simm.s32 $0x4680  }
0x2b2: {  	v0 =	vld [tilespmem:s14+$0xE0]  }
0x2b3: {  	v2 =	vld [tilespmem:s14+$0xFFFFFF00]  }
0x2b4: {  	v3 =	vld [tilespmem:s14+$0xFFFFFF10]  }
0x2b5: {  	v4 =	vld [tilespmem:s14+$0xFFFFFF20];
	v1 =	vcvt.s32.f32 v1  }
0x2b6: {  	v5 =	vld [tilespmem:s14+$0xFFFFFF30]  }
0x2b7: {  	v7 =	vld [tilespmem:s14+$0xFFFFFF40];
	v6 =	vbroadcast v1, $0x0  }
0x2b8: {  	v8 =	vld [tilespmem:s14+$0xFFFFFF50];
	v9 =	vbroadcast v1, $0x1  }
0x2b9: {  	v10 =	vld [tilespmem:s14+$0xFFFFFF60];
	v2 =	vmul.f32 v6, v2;
	v3 =	vmul.f32 v3, v6  }
0x2ba: {  	v11 =	vimm.f32 $0.0e+00;
	v12 =	vbroadcast v1, $0x2;
	v6 =	vld [tilespmem:s14+$0xFFFFFF70];
	v4 =	vmul.f32 v4, v9  }
0x2bb: {  	v13 =	vld [tilespmem:s14+$0xFFFFFF80];
	v5 =	vmul.f32 v5, v9;
	v2 =	vadd.f32 v2, v11;
	v3 =	vadd.f32 v3, v11  }
0x2bc: {  	v9 =	vld [tilespmem:s14+$0xFFFFFF90];
	v7 =	vmul.f32 v7, v12;
	v11 =	vbroadcast v1, $0x3  }
0x2bd: {  	v2 =	vadd.f32 v4, v2;
	v4 =	vld [tilespmem:s14+$0xFFFFFFA0];
	v3 =	vadd.f32 v5, v3;
	v5 =	vmul.f32 v8, v12  }
0x2be: {  	v8 =	vld [tilespmem:s14+$0xFFFFFFB0];
	v10 =	vmul.f32 v10, v11;
	v12 =	vbroadcast v1, $0x4  }
0x2bf: {  	v2 =	vadd.f32 v7, v2;
	v7 =	vld [tilespmem:s14+$0xFFFFFFC0];
	v3 =	vadd.f32 v5, v3;
	v5 =	vmul.f32 v6, v11  }
0x2c0: {  	v6 =	vld [tilespmem:s14+$0xFFFFFFD0];
	v11 =	vmul.f32 v13, v12;
	v13 =	vbroadcast v1, $0x5  }
0x2c1: {  	v2 =	vadd.f32 v10, v2;
	v10 =	vld [tilespmem:s14+$0xFFFFFFE0];
	v3 =	vadd.f32 v5, v3;
	v5 =	vmul.f32 v9, v12  }
0x2c2: {  	v9 =	vld [tilespmem:s14+$0xFFFFFFF0];
	v12 =	vbroadcast v1, $0x6;
	v4 =	vmul.f32 v4, v13  }
0x2c3: {  	v2 =	vadd.f32 v11, v2;
	v11 =	vld [tilespmem:s14+$0x0];
	v3 =	vadd.f32 v5, v3;
	v5 =	vmul.f32 v8, v13  }
0x2c4: {  	v8 =	vld [tilespmem:s14+$0x10];
	v13 =	vbroadcast v1, $0x7;
	v7 =	vmul.f32 v7, v12  }
0x2c5: {  	v2 =	vadd.f32 v4, v2;
	v4 =	vld [tilespmem:s14+$0x20];
	v3 =	vadd.f32 v5, v3;
	v5 =	vmul.f32 v6, v12  }
0x2c6: {  	v6 =	vld [tilespmem:s14+$0x30];
	v12 =	vbroadcast v1, $0x8;
	v10 =	vmul.f32 v10, v13  }
0x2c7: {  	v2 =	vadd.f32 v7, v2;
	v7 =	vld [tilespmem:s14+$0x40];
	v3 =	vadd.f32 v5, v3;
	v5 =	vmul.f32 v9, v13  }
0x2c8: {  	v9 =	vld [tilespmem:s14+$0x50];
	v13 =	vbroadcast v1, $0x9;
	v11 =	vmul.f32 v11, v12  }
0x2c9: {  	v2 =	vadd.f32 v10, v2;
	v10 =	vld [tilespmem:s14+$0x60];
	v3 =	vadd.f32 v5, v3;
	v5 =	vmul.f32 v8, v12  }
0x2ca: {  	v8 =	vld [tilespmem:s14+$0x70];
	v12 =	vbroadcast v1, $0xA;
	v4 =	vmul.f32 v4, v13  }
0x2cb: {  	v14 =	vld [tilespmem:s14+$0x80];
	v11 =	vadd.f32 v11, v2;
	v3 =	vadd.f32 v5, v3;
	v5 =	vmul.f32 v6, v13  }
0x2cc: {  	v15 =	vbroadcast v1, $0xB;
	v2 =	vld [tilespmem:s14+$0x90];
	v13 =	vmul.f32 v7, v12  }
0x2cd: {  	v6 =	vld [tilespmem:s14+$0xA0];
	v16 =	vmul.f32 v9, v12;
	v4 =	vadd.f32 v4, v11;
	v5 =	vadd.f32 v5, v3  }
0x2ce: {  	v7 =	vbroadcast v1, $0xC;
	v3 =	vld [tilespmem:s14+$0xB0];
	v9 =	vmul.f32 v10, v15  }
0x2cf: {  	v12 =	vmul.f32 v8, v15;
	v11 =	vadd.f32 v13, v4;
	v4 =	vld [tilespmem:s14+$0xC0];
	v13 =	vadd.f32 v16, v5  }
0x2d0: {  	s16 =	simm.s32 $0x10;
	s15 =	simm.s32 $0x80;
	v10 =	vmul.f32 v14, v7;
	v8 =	vbroadcast v1, $0xD;
	v5 =	vld [tilespmem:s14+$0xD0]  }
.LBB2_15:
0x2d1: {  	p0 =	sne.s32 s15, $0x280;
	v14 =	vld [tilespmem:s16+$0x3BDE];
	v9 =	vadd.f32 v9, v11;
	v11 =	vadd.f32 v12, v13;
	v2 =	vmul.f32 v2, v7  }
0x2d2: {  	v7 =	vbroadcast v1, $0xE;
	v6 =	vmul.f32 v6, v8;
	v12 =	vld [tilespmem:s14+$0xF0];
	s14 =	sadd.s32 $0x200, s14  }
0x2d3: {  	v13 =	vld [tilespmem:s14+$0xE0];
	v9 =	vadd.f32 v10, v9;
	v2 =	vadd.f32 v2, v11;
	v3 =	vmul.f32 v3, v8  }
0x2d4: {  	v10 =	vbroadcast v1, $0xF;
	v8 =	vld [tilespmem:s14+$0xFFFFFF00];
	v4 =	vmul.f32 v4, v7  }
0x2d5: {  	v11 =	vld [tilespmem:s14+$0xFFFFFF10];
	v6 =	vadd.f32 v6, v9;
	v2 =	vadd.f32 v3, v2;
	v3 =	vmul.f32 v5, v7  }
0x2d6: {  	v7 =	vmul.f32 v0, v10;
	v1 =	vcvt.s32.f32 v14;
	v5 =	vld [tilespmem:s14+$0xFFFFFF20]  }
0x2d7: {  	v9 =	vld [tilespmem:s14+$0xFFFFFF30];
	v4 =	vadd.f32 v4, v6;
	v2 =	vadd.f32 v3, v2;
	v3 =	vmul.f32 v12, v10  }
0x2d8: {  	v6 =	vbroadcast v1, $0x0;
	v10 =	vld [tilespmem:s14+$0xFFFFFF40];
	v0 =	vmov v13  }
0x2d9: {  	v12 =	vbroadcast v1, $0x1;
	v13 =	vld [tilespmem:s14+$0xFFFFFF50];
	v4 =	vadd.f32 v7, v4;
	v2 =	vadd.f32 v3, v2  }
0x2da: {  	v3 =	vmul.f32 v6, v8;
	v6 =	vmul.f32 v11, v6;
	v7 =	vld [tilespmem:s14+$0xFFFFFF60]  }
0x2db: {  	v8 =	vbroadcast v1, $0x2;
	v5 =	vmul.f32 v5, v12;
	v11 =	vld [tilespmem:s14+$0xFFFFFF70]  }
0x2dc: {  	v3 =	vadd.f32 v3, v4;
	v2 =	vadd.f32 v6, v2;
	v4 =	vmul.f32 v9, v12;
	v6 =	vld [tilespmem:s14+$0xFFFFFF80]  }
0x2dd: {  	v9 =	vmul.f32 v10, v8;
	v10 =	vbroadcast v1, $0x3;
	v12 =	vld [tilespmem:s14+$0xFFFFFF90]  }
0x2de: {  	v3 =	vadd.f32 v5, v3;
	v2 =	vadd.f32 v4, v2;
	v4 =	vmul.f32 v13, v8;
	v5 =	vld [tilespmem:s14+$0xFFFFFFA0]  }
0x2df: {  	v8 =	vbroadcast v1, $0x4;
	v7 =	vmul.f32 v7, v10;
	v13 =	vld [tilespmem:s14+$0xFFFFFFB0]  }
0x2e0: {  	v3 =	vadd.f32 v9, v3;
	v2 =	vadd.f32 v4, v2;
	v4 =	vmul.f32 v11, v10;
	v9 =	vld [tilespmem:s14+$0xFFFFFFC0]  }
0x2e1: {  	v10 =	vbroadcast v1, $0x5;
	v6 =	vmul.f32 v6, v8;
	v11 =	vld [tilespmem:s14+$0xFFFFFFD0]  }
0x2e2: {  	v3 =	vadd.f32 v7, v3;
	v2 =	vadd.f32 v4, v2;
	v4 =	vmul.f32 v12, v8;
	v7 =	vld [tilespmem:s14+$0xFFFFFFE0]  }
0x2e3: {  	v8 =	vbroadcast v1, $0x6;
	v5 =	vmul.f32 v5, v10;
	v12 =	vld [tilespmem:s14+$0xFFFFFFF0]  }
0x2e4: {  	v3 =	vadd.f32 v6, v3;
	v2 =	vadd.f32 v4, v2;
	v4 =	vmul.f32 v13, v10;
	v6 =	vld [tilespmem:s14+$0x0]  }
0x2e5: {  	v10 =	vbroadcast v1, $0x7;
	v9 =	vmul.f32 v9, v8;
	v13 =	vld [tilespmem:s14+$0x10]  }
0x2e6: {  	v3 =	vadd.f32 v5, v3;
	v2 =	vadd.f32 v4, v2;
	v4 =	vmul.f32 v11, v8;
	v5 =	vld [tilespmem:s14+$0x20]  }
0x2e7: {  	v8 =	vbroadcast v1, $0x8;
	v7 =	vmul.f32 v7, v10;
	v11 =	vld [tilespmem:s14+$0x30]  }
0x2e8: {  	v3 =	vadd.f32 v9, v3;
	v2 =	vadd.f32 v4, v2;
	v4 =	vmul.f32 v12, v10;
	v9 =	vld [tilespmem:s14+$0x40]  }
0x2e9: {  	v10 =	vbroadcast v1, $0x9;
	v6 =	vmul.f32 v6, v8;
	v12 =	vld [tilespmem:s14+$0x50]  }
0x2ea: {  	v3 =	vadd.f32 v7, v3;
	v2 =	vadd.f32 v4, v2;
	v4 =	vmul.f32 v13, v8;
	v7 =	vld [tilespmem:s14+$0x60]  }
0x2eb: {  	v8 =	vbroadcast v1, $0xA;
	v5 =	vmul.f32 v5, v10;
	v14 =	vld [tilespmem:s14+$0x70]  }
0x2ec: {  	v3 =	vadd.f32 v6, v3;
	v4 =	vadd.f32 v4, v2;
	v6 =	vmul.f32 v11, v10;
	v10 =	vld [tilespmem:s14+$0x80]  }
.Ltmp6:
0x2ed: {  	v15 =	vbroadcast v1, $0xB;
	v11 =	vmul.f32 v9, v8;
	v2 =	vld [tilespmem:s14+$0x90];
	(pc) =	sbr.rel @p0 .LBB2_15-.Ltmp6, $4  }
0x2ee: {  	v5 =	vadd.f32 v5, v3;
	v4 =	vadd.f32 v6, v4;
	v8 =	vmul.f32 v12, v8;
	v6 =	vld [tilespmem:s14+$0xA0]  }
0x2ef: {  	v9 =	vmul.f32 v7, v15;
	v7 =	vbroadcast v1, $0xC;
	v3 =	vld [tilespmem:s14+$0xB0]  }
0x2f0: {  	v11 =	vadd.f32 v11, v5;
	v13 =	vadd.f32 v8, v4;
	v12 =	vmul.f32 v14, v15;
	v4 =	vld [tilespmem:s14+$0xC0]  }
0x2f1: {  	s16 =	sshra.s32 s15, $0x2;
	s15 =	sadd.s32 $0x40, s15;
	v8 =	vbroadcast v1, $0xD;
	v10 =	vmul.f32 v10, v7;
	v5 =	vld [tilespmem:s14+$0xD0]  }
0x2f2: {  	v14 =	vld [tilespmem:s16+$0x3BDE]  }
0x2f3: {  	v9 =	vadd.f32 v9, v11  }
0x2f4: {  	v11 =	vadd.f32 v12, v13;
	v2 =	vmul.f32 v2, v7  }
0x2f5: {  	v7 =	vbroadcast v1, $0xE;
	v12 =	vld [tilespmem:s14+$0xF0];
	s30 =	sadd.s32 $0x200, s14;
	v6 =	vmul.f32 v6, v8;
	v9 =	vadd.f32 v10, v9  }
0x2f6: {  	v1 =	vbroadcast v1, $0xF;
	v2 =	vadd.f32 v2, v11;
	v3 =	vmul.f32 v3, v8;
	v8 =	vld [tilespmem:s30+$0xFFFFFF00]  }
0x2f7: {  	v10 =	vld [tilespmem:s30+$0xFFFFFF10];
	v4 =	vmul.f32 v4, v7;
	v6 =	vadd.f32 v6, v9;
	v9 =	vcvt.s32.f32 v14  }
0x2f8: {  	v2 =	vadd.f32 v3, v2;
	v3 =	vmul.f32 v5, v7;
	v5 =	vld [tilespmem:s30+$0xFFFFFF20]  }
0x2f9: {  	v0 =	vmul.f32 v0, v1;
	v7 =	vld [tilespmem:s30+$0xFFFFFF30];
	v4 =	vadd.f32 v4, v6;
	v6 =	vbroadcast v9, $0x0  }
0x2fa: {  	v1 =	vmul.f32 v12, v1;
	v2 =	vadd.f32 v3, v2;
	v3 =	vld [tilespmem:s30+$0xFFFFFF40]  }
0x2fb: {  	v12 =	vld [tilespmem:s30+$0xFFFFFF50];
	v11 =	vbroadcast v9, $0x1;
	v0 =	vadd.f32 v0, v4;
	v4 =	vmul.f32 v6, v8  }
0x2fc: {  	v1 =	vadd.f32 v1, v2;
	v2 =	vmul.f32 v10, v6;
	v6 =	vld [tilespmem:s30+$0xFFFFFF60]  }
0x2fd: {  	v5 =	vmul.f32 v5, v11;
	v8 =	vbroadcast v9, $0x2;
	v10 =	vld [tilespmem:s30+$0xFFFFFF70];
	v0 =	vadd.f32 v4, v0  }
0x2fe: {  	v1 =	vadd.f32 v2, v1;
	v2 =	vmul.f32 v7, v11;
	v4 =	vld [tilespmem:s30+$0xFFFFFF80]  }
0x2ff: {  	v3 =	vmul.f32 v3, v8;
	v7 =	vbroadcast v9, $0x3;
	v11 =	vld [tilespmem:s30+$0xFFFFFF90];
	v0 =	vadd.f32 v5, v0  }
0x300: {  	v1 =	vadd.f32 v2, v1;
	v2 =	vmul.f32 v12, v8;
	v5 =	vld [tilespmem:s30+$0xFFFFFFA0]  }
0x301: {  	v8 =	vbroadcast v9, $0x4;
	v12 =	vld [tilespmem:s30+$0xFFFFFFB0];
	v6 =	vmul.f32 v6, v7;
	v0 =	vadd.f32 v3, v0  }
0x302: {  	v1 =	vadd.f32 v2, v1;
	v2 =	vmul.f32 v10, v7;
	v3 =	vld [tilespmem:s30+$0xFFFFFFC0]  }
0x303: {  	v7 =	vbroadcast v9, $0x5;
	v10 =	vld [tilespmem:s30+$0xFFFFFFD0];
	v4 =	vmul.f32 v4, v8;
	v0 =	vadd.f32 v6, v0  }
0x304: {  	v1 =	vadd.f32 v2, v1;
	v2 =	vmul.f32 v11, v8;
	v6 =	vld [tilespmem:s30+$0xFFFFFFE0]  }
0x305: {  	v8 =	vbroadcast v9, $0x6;
	v11 =	vld [tilespmem:s30+$0xFFFFFFF0];
	v5 =	vmul.f32 v5, v7;
	v0 =	vadd.f32 v4, v0  }
0x306: {  	v1 =	vadd.f32 v2, v1;
	v2 =	vmul.f32 v12, v7;
	v4 =	vld [tilespmem:s30+$0x0]  }
0x307: {  	v7 =	vbroadcast v9, $0x7;
	v12 =	vld [tilespmem:s30+$0x10];
	v3 =	vmul.f32 v3, v8;
	v0 =	vadd.f32 v5, v0  }
0x308: {  	v1 =	vadd.f32 v2, v1;
	v2 =	vmul.f32 v10, v8;
	v5 =	vld [tilespmem:s30+$0x20]  }
0x309: {  	v8 =	vbroadcast v9, $0x8;
	v10 =	vld [tilespmem:s30+$0x30];
	v6 =	vmul.f32 v6, v7;
	v0 =	vadd.f32 v3, v0  }
0x30a: {  	v1 =	vadd.f32 v2, v1;
	v2 =	vmul.f32 v11, v7;
	v3 =	vld [tilespmem:s30+$0x40]  }
0x30b: {  	v7 =	vbroadcast v9, $0x9;
	v11 =	vld [tilespmem:s30+$0x50];
	v4 =	vmul.f32 v4, v8;
	v0 =	vadd.f32 v6, v0  }
0x30c: {  	v1 =	vadd.f32 v2, v1;
	v2 =	vmul.f32 v12, v8;
	v6 =	vld [tilespmem:s30+$0x60]  }
0x30d: {  	v8 =	vbroadcast v9, $0xA;
	v12 =	vld [tilespmem:s30+$0x70];
	v5 =	vmul.f32 v5, v7;
	v0 =	vadd.f32 v4, v0  }
0x30e: {  	v1 =	vadd.f32 v2, v1;
	v2 =	vmul.f32 v10, v7;
	v4 =	vld [tilespmem:s30+$0x80]  }
0x30f: {  	v7 =	vbroadcast v9, $0xB;
	v10 =	vld [tilespmem:s30+$0x90];
	v3 =	vmul.f32 v3, v8;
	v0 =	vadd.f32 v5, v0  }
0x310: {  	v1 =	vadd.f32 v2, v1;
	v2 =	vmul.f32 v11, v8;
	v5 =	vld [tilespmem:s30+$0xA0]  }
0x311: {  	v8 =	vbroadcast v9, $0xC;
	v11 =	vld [tilespmem:s30+$0xB0];
	v6 =	vmul.f32 v6, v7;
	v0 =	vadd.f32 v3, v0  }
0x312: {  	v1 =	vadd.f32 v2, v1;
	v2 =	vmul.f32 v12, v7;
	v3 =	vld [tilespmem:s30+$0xC0]  }
0x313: {  	v7 =	vbroadcast v9, $0xD;
	v12 =	vld [tilespmem:s30+$0xD0];
	v4 =	vmul.f32 v4, v8;
	v0 =	vadd.f32 v6, v0  }
0x314: {  	v6 =	vld [tilespmem:s30+$0xE0];
	v1 =	vadd.f32 v2, v1;
	v2 =	vmul.f32 v10, v8  }
0x315: {  	v8 =	vbroadcast v9, $0xE;
	v10 =	vld [tilespmem:s30+$0xF0];
	v5 =	vmul.f32 v5, v7;
	v0 =	vadd.f32 v4, v0  }
0x316: {  	v1 =	vadd.f32 v2, v1;
	v2 =	vmul.f32 v11, v7  }
0x317: {  	v4 =	vbroadcast v9, $0xF;
	v3 =	vmul.f32 v3, v8;
	v0 =	vadd.f32 v5, v0  }
0x318: {  	v1 =	vadd.f32 v2, v1;
	v2 =	vmul.f32 v12, v8  }
0x319: {  	v5 =	vmul.f32 v6, v4;
	v0 =	vadd.f32 v3, v0  }
0x31a: {  	v1 =	vadd.f32 v2, v1;
	v2 =	vmul.f32 v10, v4  }
0x31b: {  	v0 =	vadd.f32 v5, v0  }
0x31c: {  	v1 =	vadd.f32 v2, v1  }
0x31d: {  	[tilespmem:$0x5C40] =	vst v0  }
0x31e: {  	s31 =	simm.s32 $0x0;
	[tilespmem:$0x5C50] =	vst v1  }
0x31f: {  	v1 =	vld [tilespmem:s31+$0x4483]  }
0x320: {  	s14 =	simm.s32 $0x4680  }
0x321: {  	v0 =	vld [tilespmem:s14+$0xE0]  }
0x322: {  	v2 =	vld [tilespmem:s14+$0xFFFFFF00]  }
0x323: {  	v3 =	vld [tilespmem:s14+$0xFFFFFF10]  }
0x324: {  	v4 =	vld [tilespmem:s14+$0xFFFFFF20];
	v1 =	vcvt.s32.f32 v1  }
0x325: {  	v5 =	vld [tilespmem:s14+$0xFFFFFF30]  }
0x326: {  	v7 =	vld [tilespmem:s14+$0xFFFFFF40];
	v6 =	vbroadcast v1, $0x0  }
0x327: {  	v8 =	vld [tilespmem:s14+$0xFFFFFF50];
	v9 =	vbroadcast v1, $0x1  }
0x328: {  	v10 =	vld [tilespmem:s14+$0xFFFFFF60];
	v2 =	vmul.f32 v6, v2;
	v3 =	vmul.f32 v3, v6  }
0x329: {  	v11 =	vimm.f32 $0.0e+00;
	v12 =	vbroadcast v1, $0x2;
	v6 =	vld [tilespmem:s14+$0xFFFFFF70];
	v4 =	vmul.f32 v4, v9  }
0x32a: {  	v13 =	vld [tilespmem:s14+$0xFFFFFF80];
	v5 =	vmul.f32 v5, v9;
	v2 =	vadd.f32 v2, v11;
	v3 =	vadd.f32 v3, v11  }
0x32b: {  	v9 =	vld [tilespmem:s14+$0xFFFFFF90];
	v7 =	vmul.f32 v7, v12;
	v11 =	vbroadcast v1, $0x3  }
0x32c: {  	v2 =	vadd.f32 v4, v2;
	v4 =	vld [tilespmem:s14+$0xFFFFFFA0];
	v3 =	vadd.f32 v5, v3;
	v5 =	vmul.f32 v8, v12  }
0x32d: {  	v8 =	vld [tilespmem:s14+$0xFFFFFFB0];
	v10 =	vmul.f32 v10, v11;
	v12 =	vbroadcast v1, $0x4  }
0x32e: {  	v2 =	vadd.f32 v7, v2;
	v7 =	vld [tilespmem:s14+$0xFFFFFFC0];
	v3 =	vadd.f32 v5, v3;
	v5 =	vmul.f32 v6, v11  }
0x32f: {  	v6 =	vld [tilespmem:s14+$0xFFFFFFD0];
	v11 =	vmul.f32 v13, v12;
	v13 =	vbroadcast v1, $0x5  }
0x330: {  	v2 =	vadd.f32 v10, v2;
	v10 =	vld [tilespmem:s14+$0xFFFFFFE0];
	v3 =	vadd.f32 v5, v3;
	v5 =	vmul.f32 v9, v12  }
0x331: {  	v9 =	vld [tilespmem:s14+$0xFFFFFFF0];
	v12 =	vbroadcast v1, $0x6;
	v4 =	vmul.f32 v4, v13  }
0x332: {  	v2 =	vadd.f32 v11, v2;
	v11 =	vld [tilespmem:s14+$0x0];
	v3 =	vadd.f32 v5, v3;
	v5 =	vmul.f32 v8, v13  }
0x333: {  	v8 =	vld [tilespmem:s14+$0x10];
	v13 =	vbroadcast v1, $0x7;
	v7 =	vmul.f32 v7, v12  }
0x334: {  	v2 =	vadd.f32 v4, v2;
	v4 =	vld [tilespmem:s14+$0x20];
	v3 =	vadd.f32 v5, v3;
	v5 =	vmul.f32 v6, v12  }
0x335: {  	v6 =	vld [tilespmem:s14+$0x30];
	v12 =	vbroadcast v1, $0x8;
	v10 =	vmul.f32 v10, v13  }
0x336: {  	v2 =	vadd.f32 v7, v2;
	v7 =	vld [tilespmem:s14+$0x40];
	v3 =	vadd.f32 v5, v3;
	v5 =	vmul.f32 v9, v13  }
0x337: {  	v9 =	vld [tilespmem:s14+$0x50];
	v13 =	vbroadcast v1, $0x9;
	v11 =	vmul.f32 v11, v12  }
0x338: {  	v2 =	vadd.f32 v10, v2;
	v10 =	vld [tilespmem:s14+$0x60];
	v3 =	vadd.f32 v5, v3;
	v5 =	vmul.f32 v8, v12  }
0x339: {  	v8 =	vld [tilespmem:s14+$0x70];
	v12 =	vbroadcast v1, $0xA;
	v4 =	vmul.f32 v4, v13  }
0x33a: {  	v14 =	vld [tilespmem:s14+$0x80];
	v11 =	vadd.f32 v11, v2;
	v3 =	vadd.f32 v5, v3;
	v5 =	vmul.f32 v6, v13  }
0x33b: {  	v15 =	vbroadcast v1, $0xB;
	v2 =	vld [tilespmem:s14+$0x90];
	v13 =	vmul.f32 v7, v12  }
0x33c: {  	v6 =	vld [tilespmem:s14+$0xA0];
	v16 =	vmul.f32 v9, v12;
	v4 =	vadd.f32 v4, v11;
	v5 =	vadd.f32 v5, v3  }
0x33d: {  	v7 =	vbroadcast v1, $0xC;
	v3 =	vld [tilespmem:s14+$0xB0];
	v9 =	vmul.f32 v10, v15  }
0x33e: {  	v12 =	vmul.f32 v8, v15;
	v11 =	vadd.f32 v13, v4;
	v4 =	vld [tilespmem:s14+$0xC0];
	v13 =	vadd.f32 v16, v5  }
0x33f: {  	s16 =	simm.s32 $0x10;
	s15 =	simm.s32 $0x80;
	v10 =	vmul.f32 v14, v7;
	v8 =	vbroadcast v1, $0xD;
	v5 =	vld [tilespmem:s14+$0xD0]  }
.LBB2_17:
0x340: {  	p0 =	sne.s32 s15, $0x280;
	v14 =	vld [tilespmem:s16+$0x4483];
	v9 =	vadd.f32 v9, v11;
	v11 =	vadd.f32 v12, v13;
	v2 =	vmul.f32 v2, v7  }
0x341: {  	v7 =	vbroadcast v1, $0xE;
	v6 =	vmul.f32 v6, v8;
	v12 =	vld [tilespmem:s14+$0xF0];
	s14 =	sadd.s32 $0x200, s14  }
0x342: {  	v13 =	vld [tilespmem:s14+$0xE0];
	v9 =	vadd.f32 v10, v9;
	v2 =	vadd.f32 v2, v11;
	v3 =	vmul.f32 v3, v8  }
0x343: {  	v10 =	vbroadcast v1, $0xF;
	v8 =	vld [tilespmem:s14+$0xFFFFFF00];
	v4 =	vmul.f32 v4, v7  }
0x344: {  	v11 =	vld [tilespmem:s14+$0xFFFFFF10];
	v6 =	vadd.f32 v6, v9;
	v2 =	vadd.f32 v3, v2;
	v3 =	vmul.f32 v5, v7  }
0x345: {  	v7 =	vmul.f32 v0, v10;
	v1 =	vcvt.s32.f32 v14;
	v5 =	vld [tilespmem:s14+$0xFFFFFF20]  }
0x346: {  	v9 =	vld [tilespmem:s14+$0xFFFFFF30];
	v4 =	vadd.f32 v4, v6;
	v2 =	vadd.f32 v3, v2;
	v3 =	vmul.f32 v12, v10  }
0x347: {  	v6 =	vbroadcast v1, $0x0;
	v10 =	vld [tilespmem:s14+$0xFFFFFF40];
	v0 =	vmov v13  }
0x348: {  	v12 =	vbroadcast v1, $0x1;
	v13 =	vld [tilespmem:s14+$0xFFFFFF50];
	v4 =	vadd.f32 v7, v4;
	v2 =	vadd.f32 v3, v2  }
0x349: {  	v3 =	vmul.f32 v6, v8;
	v6 =	vmul.f32 v11, v6;
	v7 =	vld [tilespmem:s14+$0xFFFFFF60]  }
0x34a: {  	v8 =	vbroadcast v1, $0x2;
	v5 =	vmul.f32 v5, v12;
	v11 =	vld [tilespmem:s14+$0xFFFFFF70]  }
0x34b: {  	v3 =	vadd.f32 v3, v4;
	v2 =	vadd.f32 v6, v2;
	v4 =	vmul.f32 v9, v12;
	v6 =	vld [tilespmem:s14+$0xFFFFFF80]  }
0x34c: {  	v9 =	vmul.f32 v10, v8;
	v10 =	vbroadcast v1, $0x3;
	v12 =	vld [tilespmem:s14+$0xFFFFFF90]  }
0x34d: {  	v3 =	vadd.f32 v5, v3;
	v2 =	vadd.f32 v4, v2;
	v4 =	vmul.f32 v13, v8;
	v5 =	vld [tilespmem:s14+$0xFFFFFFA0]  }
0x34e: {  	v8 =	vbroadcast v1, $0x4;
	v7 =	vmul.f32 v7, v10;
	v13 =	vld [tilespmem:s14+$0xFFFFFFB0]  }
0x34f: {  	v3 =	vadd.f32 v9, v3;
	v2 =	vadd.f32 v4, v2;
	v4 =	vmul.f32 v11, v10;
	v9 =	vld [tilespmem:s14+$0xFFFFFFC0]  }
0x350: {  	v10 =	vbroadcast v1, $0x5;
	v6 =	vmul.f32 v6, v8;
	v11 =	vld [tilespmem:s14+$0xFFFFFFD0]  }
0x351: {  	v3 =	vadd.f32 v7, v3;
	v2 =	vadd.f32 v4, v2;
	v4 =	vmul.f32 v12, v8;
	v7 =	vld [tilespmem:s14+$0xFFFFFFE0]  }
0x352: {  	v8 =	vbroadcast v1, $0x6;
	v5 =	vmul.f32 v5, v10;
	v12 =	vld [tilespmem:s14+$0xFFFFFFF0]  }
0x353: {  	v3 =	vadd.f32 v6, v3;
	v2 =	vadd.f32 v4, v2;
	v4 =	vmul.f32 v13, v10;
	v6 =	vld [tilespmem:s14+$0x0]  }
0x354: {  	v10 =	vbroadcast v1, $0x7;
	v9 =	vmul.f32 v9, v8;
	v13 =	vld [tilespmem:s14+$0x10]  }
0x355: {  	v3 =	vadd.f32 v5, v3;
	v2 =	vadd.f32 v4, v2;
	v4 =	vmul.f32 v11, v8;
	v5 =	vld [tilespmem:s14+$0x20]  }
0x356: {  	v8 =	vbroadcast v1, $0x8;
	v7 =	vmul.f32 v7, v10;
	v11 =	vld [tilespmem:s14+$0x30]  }
0x357: {  	v3 =	vadd.f32 v9, v3;
	v2 =	vadd.f32 v4, v2;
	v4 =	vmul.f32 v12, v10;
	v9 =	vld [tilespmem:s14+$0x40]  }
0x358: {  	v10 =	vbroadcast v1, $0x9;
	v6 =	vmul.f32 v6, v8;
	v12 =	vld [tilespmem:s14+$0x50]  }
0x359: {  	v3 =	vadd.f32 v7, v3;
	v2 =	vadd.f32 v4, v2;
	v4 =	vmul.f32 v13, v8;
	v7 =	vld [tilespmem:s14+$0x60]  }
0x35a: {  	v8 =	vbroadcast v1, $0xA;
	v5 =	vmul.f32 v5, v10;
	v14 =	vld [tilespmem:s14+$0x70]  }
0x35b: {  	v3 =	vadd.f32 v6, v3;
	v4 =	vadd.f32 v4, v2;
	v6 =	vmul.f32 v11, v10;
	v10 =	vld [tilespmem:s14+$0x80]  }
.Ltmp7:
0x35c: {  	v15 =	vbroadcast v1, $0xB;
	v11 =	vmul.f32 v9, v8;
	v2 =	vld [tilespmem:s14+$0x90];
	(pc) =	sbr.rel @p0 .LBB2_17-.Ltmp7, $4  }
0x35d: {  	v5 =	vadd.f32 v5, v3;
	v4 =	vadd.f32 v6, v4;
	v8 =	vmul.f32 v12, v8;
	v6 =	vld [tilespmem:s14+$0xA0]  }
0x35e: {  	v9 =	vmul.f32 v7, v15;
	v7 =	vbroadcast v1, $0xC;
	v3 =	vld [tilespmem:s14+$0xB0]  }
0x35f: {  	v11 =	vadd.f32 v11, v5;
	v13 =	vadd.f32 v8, v4;
	v12 =	vmul.f32 v14, v15;
	v4 =	vld [tilespmem:s14+$0xC0]  }
0x360: {  	s16 =	sshra.s32 s15, $0x2;
	s15 =	sadd.s32 $0x40, s15;
	v8 =	vbroadcast v1, $0xD;
	v10 =	vmul.f32 v10, v7;
	v5 =	vld [tilespmem:s14+$0xD0]  }
0x361: {  	v14 =	vld [tilespmem:s16+$0x4483]  }
0x362: {  	v9 =	vadd.f32 v9, v11  }
0x363: {  	v41 =	vadd.f32 v12, v13;
	v2 =	vmul.f32 v2, v7  }
0x364: {  	v42 =	vbroadcast v1, $0xE;
	v43 =	vld [tilespmem:s14+$0xF0];
	s31 =	sadd.s32 $0x200, s14;
	v6 =	vmul.f32 v6, v8;
	v9 =	vadd.f32 v10, v9  }
0x365: {  	v45 =	vbroadcast v1, $0xF;
	v44 =	vld [tilespmem:s31+$0xFFFFFF00];
	v2 =	vadd.f32 v2, v41;
	v3 =	vmul.f32 v3, v8  }
0x366: {  	v46 =	vld [tilespmem:s31+$0xFFFFFF10];
	v4 =	vmul.f32 v4, v42;
	v6 =	vadd.f32 v6, v9;
	v9 =	vcvt.s32.f32 v14  }
0x367: {  	v48 =	vld [tilespmem:s31+$0xFFFFFF20];
	v2 =	vadd.f32 v3, v2;
	v47 =	vmul.f32 v5, v42  }
0x368: {  	v49 =	vld [tilespmem:s31+$0xFFFFFF30];
	v0 =	vmul.f32 v0, v45;
	v4 =	vadd.f32 v4, v6;
	v50 =	vbroadcast v9, $0x0  }
0x369: {  	v51 =	vld [tilespmem:s31+$0xFFFFFF40];
	v1 =	vmul.f32 v43, v45;
	v2 =	vadd.f32 v47, v2  }
0x36a: {  	v53 =	vld [tilespmem:s31+$0xFFFFFF50];
	v52 =	vbroadcast v9, $0x1;
	v0 =	vadd.f32 v0, v4;
	v54 =	vmul.f32 v50, v44  }
0x36b: {  	v56 =	vld [tilespmem:s31+$0xFFFFFF60];
	v1 =	vadd.f32 v1, v2;
	v55 =	vmul.f32 v46, v50  }
0x36c: {  	v58 =	vld [tilespmem:s31+$0xFFFFFF70];
	v57 =	vbroadcast v9, $0x2;
	v5 =	vmul.f32 v48, v52;
	v0 =	vadd.f32 v54, v0  }
0x36d: {  	v60 =	vld [tilespmem:s31+$0xFFFFFF80];
	v59 =	vmul.f32 v49, v52;
	v1 =	vadd.f32 v55, v1  }
0x36e: {  	v62 =	vld [tilespmem:s31+$0xFFFFFF90];
	v61 =	vbroadcast v9, $0x3;
	v3 =	vmul.f32 v51, v57;
	v0 =	vadd.f32 v5, v0  }
0x36f: {  	v16 =	vld [tilespmem:s31+$0xFFFFFFA0];
	v63 =	vmul.f32 v53, v57;
	v1 =	vadd.f32 v59, v1  }
0x370: {  	v18 =	vld [tilespmem:s31+$0xFFFFFFB0];
	v17 =	vbroadcast v9, $0x4;
	v6 =	vmul.f32 v56, v61;
	v0 =	vadd.f32 v3, v0  }
0x371: {  	v20 =	vld [tilespmem:s31+$0xFFFFFFC0];
	v19 =	vmul.f32 v58, v61;
	v1 =	vadd.f32 v63, v1  }
0x372: {  	v22 =	vld [tilespmem:s31+$0xFFFFFFD0];
	v21 =	vbroadcast v9, $0x5;
	v4 =	vmul.f32 v60, v17;
	v0 =	vadd.f32 v6, v0  }
0x373: {  	v24 =	vld [tilespmem:s31+$0xFFFFFFE0];
	v23 =	vmul.f32 v62, v17;
	v1 =	vadd.f32 v19, v1  }
0x374: {  	v26 =	vld [tilespmem:s31+$0xFFFFFFF0];
	v25 =	vbroadcast v9, $0x6;
	v5 =	vmul.f32 v16, v21;
	v0 =	vadd.f32 v4, v0  }
0x375: {  	v28 =	vld [tilespmem:s31+$0x0];
	v27 =	vmul.f32 v18, v21;
	v1 =	vadd.f32 v23, v1  }
0x376: {  	v30 =	vld [tilespmem:s31+$0x10];
	v29 =	vbroadcast v9, $0x7;
	v3 =	vmul.f32 v20, v25;
	v0 =	vadd.f32 v5, v0  }
0x377: {  	v32 =	vld [tilespmem:s31+$0x20];
	v31 =	vmul.f32 v22, v25;
	v1 =	vadd.f32 v27, v1  }
0x378: {  	v34 =	vld [tilespmem:s31+$0x30];
	v33 =	vbroadcast v9, $0x8;
	v6 =	vmul.f32 v24, v29;
	v0 =	vadd.f32 v3, v0  }
0x379: {  	v36 =	vld [tilespmem:s31+$0x40];
	v35 =	vmul.f32 v26, v29;
	v1 =	vadd.f32 v31, v1  }
0x37a: {  	v38 =	vld [tilespmem:s31+$0x50];
	v37 =	vbroadcast v9, $0x9;
	v4 =	vmul.f32 v28, v33;
	v0 =	vadd.f32 v6, v0  }
0x37b: {  	v40 =	vld [tilespmem:s31+$0x60];
	v39 =	vmul.f32 v30, v33;
	v1 =	vadd.f32 v35, v1  }
0x37c: {  	v42 =	vld [tilespmem:s31+$0x70];
	v41 =	vbroadcast v9, $0xA;
	v5 =	vmul.f32 v32, v37;
	v0 =	vadd.f32 v4, v0  }
0x37d: {  	v43 =	vmul.f32 v34, v37;
	v44 =	vld [tilespmem:s31+$0x80];
	v1 =	vadd.f32 v39, v1  }
0x37e: {  	v45 =	vbroadcast v9, $0xB;
	v46 =	vld [tilespmem:s31+$0x90];
	v3 =	vmul.f32 v36, v41;
	v0 =	vadd.f32 v5, v0  }
0x37f: {  	v47 =	vmul.f32 v38, v41;
	v48 =	vld [tilespmem:s31+$0xA0];
	v1 =	vadd.f32 v43, v1  }
0x380: {  	v49 =	vbroadcast v9, $0xC;
	v50 =	vld [tilespmem:s31+$0xB0];
	v6 =	vmul.f32 v40, v45;
	v0 =	vadd.f32 v3, v0  }
0x381: {  	v51 =	vmul.f32 v42, v45;
	v52 =	vld [tilespmem:s31+$0xC0];
	v1 =	vadd.f32 v47, v1  }
0x382: {  	v53 =	vbroadcast v9, $0xD;
	v54 =	vld [tilespmem:s31+$0xD0];
	v4 =	vmul.f32 v44, v49;
	v0 =	vadd.f32 v6, v0  }
0x383: {  	v55 =	vld [tilespmem:s31+$0xE0];
	v56 =	vmul.f32 v46, v49;
	v1 =	vadd.f32 v51, v1  }
0x384: {  	v57 =	vbroadcast v9, $0xE;
	v58 =	vld [tilespmem:s31+$0xF0];
	v5 =	vmul.f32 v48, v53;
	v0 =	vadd.f32 v4, v0  }
0x385: {  	v59 =	vmul.f32 v50, v53;
	v1 =	vadd.f32 v56, v1  }
0x386: {  	v60 =	vbroadcast v9, $0xF;
	v3 =	vmul.f32 v52, v57;
	v0 =	vadd.f32 v5, v0  }
0x387: {  	v61 =	vmul.f32 v54, v57;
	v1 =	vadd.f32 v59, v1  }
0x388: {  	v62 =	vmul.f32 v55, v60;
	v0 =	vadd.f32 v3, v0  }
0x389: {  	v63 =	vmul.f32 v58, v60;
	v1 =	vadd.f32 v61, v1  }
0x38a: {  	v0 =	vadd.f32 v62, v0  }
0x38b: {  	s12 =	sadd.s32 $0x1, s12;
	v1 =	vadd.f32 v63, v1  }
0x38c: {  	s13 =	sshll.u32 s13, $0x2;
	p0 =	sne.s32 s12, $0x40;
	[tilespmem:$0x5C60] =	vst v0  }
.Ltmp8:
0x38d: {  	s13 =	sadd.s32 s5, s13;
	[tilespmem:$0x5C70] =	vst v1;
	(pc) =	sbr.rel @p0 .LBB2_2-.Ltmp8, $4  }
0x38e: {  	[hbm4b:s13+s1] =	stream.linear.scatter [tilespmem:s10], [sflag:$0x1], $0x100, $0x38;
	[tilespmem:$0x5C80] =	vst v63  }
0x38f: {  	_ =	swait.ge [sflag:s9], $0x100  }
0x390: {  	[sflag:s9] =	ssyncset.done $0x0  }
0x391: {  	[sflag:s9] =	ssyncadd.s32 $0xFFFFFF00  }
0x392: {  	s11 =	sadd.s32 $0x1, s11  }
0x393: {  	p0 =	sne.s32 s11, s7  }
.Ltmp9:
0x394: {  	_ = 	snop;
	(pc) =	sbr.rel @p0 .LBB2_1-.Ltmp9, $1  }
0x395: {  	_ =	sdelay $0x3  }
0x396: {  	_ =	sfence.sel $0x180000  }
0x397: {  	[bflag:$0x0] =	sbarrier.arrive $0xFFFF  }
0x398: {  	p0 =	sne.s32 s2, $0x0;
	_ =	strace $0x90000047  }
0x399: {  	s0 =	sadd.s32 @!p0 $0x100000, s0;
	[bflag:$0x2] =	sbarrier.arrive $0xFFFF  }
0x39a: {  	[sflag:s0] =	ssyncadd.tile.s32 @!p0 $0x1;
	_ =	shalt  }
.Lfunc_end2:
_tile_overlayer_lowered:
.L_overlay_start_2:
0x39b: {  	(tag) =	ssettag $0x2  }
0x39c: {  	s0 =	rddreg [dreg:$0x0];
	s2 =	stileid.u32  }
0x39d: {  	s1 =	rddreg [dreg:$0x1];
	p0 =	sne.s32 s2, $0x0  }
0x39e: {  	s3 =	rddreg [dreg:$0x2];
	[bflag:$0x3] =	sbarrier.arrive $0xFFFF;
	s2 =	simm.s32 @!p0 $0x1C01  }
0x39f: {  	[timem:s3], [sflag:s2] =	dma.local @!p0 [hbm:s0], s1  }
0x3a0: {  	s0 =	simm.s32 @!p0 $0x1  }
0x3a1: {  	_ =	swait.ge @!p0 [sflag:s0], s1  }
0x3a2: {  	s1 =	ssub.s32 @!p0 $0x0, s1;
	[sflag:s0] =	ssyncset.done @!p0 $0x0  }
0x3a3: {  	[sflag:s0] =	ssyncadd.s32 @!p0 s1  }
0x3a4: {  	[bflag:$0x3] =	sbarrier.arrive $0xFFFF  }
0x3a5: {  	_ =	shalt  }

</sc_bundles>
